<compile_context>
chip_gen: v7x
topology: tpu7x:2x2x1
jax: 0.10.2.dev20260603
libtpu: 0.0.44.dev20260713+nightly
codegen_flags: <defaults>
</compile_context>

<pallas_src>
import functools

import jax
import jax.numpy as jnp
from jax import lax
from jax.experimental import pallas as pl
from jax.experimental.pallas import tpu as pltpu
from jax.experimental.pallas import tpu_sc as plsc

B = 4096
F = 26
NUM_ROWS_PER_FIELD = 100000
NW = 32
BPW = B // NW
NPW = BPW * F
LANES = 16
CPW = BPW // LANES


def _make_kernel():
    mesh = plsc.VectorSubcoreMesh(core_axis_name="c", subcore_axis_name="s")

    @functools.partial(
        pl.kernel,
        out_type=jax.ShapeDtypeStruct((B,), jnp.float32),
        mesh=mesh,
        scratch_types=[
            pltpu.VMEM((NPW,), jnp.int32),
            pltpu.VMEM((NPW,), jnp.float32),
            pltpu.VMEM((LANES,), jnp.float32),
            pltpu.VMEM((BPW,), jnp.float32),
            pltpu.SemaphoreType.DMA,
            pltpu.SemaphoreType.DMA,
        ],
    )
    def k(xt_hbm, table_hbm, bias_hbm, out_hbm,
          idx_v, vals_v, bias_v, out_v, sem, bsem):
        wid = lax.axis_index("s") * 2 + lax.axis_index("c")
        base = wid * NPW

        bias_cp = pltpu.async_copy(bias_hbm, bias_v, bsem)
        pltpu.sync_copy(xt_hbm.at[pl.ds(base, NPW)], idx_v)

        for f in range(F):
            off = jnp.int32(f * NUM_ROWS_PER_FIELD)
            for c in range(CPW):
                sl = pl.ds(f * BPW + c * LANES, LANES)
                idx_v[sl] = idx_v[sl] + off

        pltpu.async_copy(table_hbm.at[idx_v], vals_v, sem).wait()
        bias_cp.wait()

        bias16 = bias_v[...]
        accs = [bias16] * CPW
        for f in range(F):
            for c in range(CPW):
                accs[c] = accs[c] + vals_v[pl.ds(f * BPW + c * LANES, LANES)]
        for c in range(CPW):
            out_v[pl.ds(c * LANES, LANES)] = accs[c]

        pltpu.sync_copy(out_v, out_hbm.at[pl.ds(wid * BPW, BPW)])

    return k


_sc_kernel = _make_kernel()


def kernel(x, table, bias):
    xt = x.T.reshape(F, NW, BPW).transpose(1, 0, 2).reshape(-1)
    tablef = table.reshape(-1)
    bias16 = jnp.broadcast_to(bias.astype(jnp.float32), (LANES,))
    out = _sc_kernel(xt, tablef, bias16)
    return out.reshape(B, 1)

# --- scband reference (transcript-rebuilt; emitter-appended) ---
"""Pipeline reference for scband-logistic-regression-75273596829814 (READ-ONLY COPY).

The authoritative reference and input builder live on the scoring server;
editing this copy changes nothing except your own understanding.
"""

import jax, jax.numpy as jnp
import numpy as np

FIELD_DIMS = [100000] * 26
OFFSETS = np.array((0, *np.cumsum(FIELD_DIMS)[:-1]), dtype=np.int64)
SUM_DIMS = int(np.sum(FIELD_DIMS))


def setup_inputs(seed: int = 0) -> dict:
    key = jax.random.key(seed)
    k1, k2 = jax.random.split(key)
    x = jax.random.randint(k1, (4096, 26), 0, 100000, dtype=jnp.int32)
    # nn.Embedding(sum(field_dims), 1) weight, default init N(0,1)
    table = jax.random.normal(k2, (SUM_DIMS, 1), dtype=jnp.float32)
    # bias initialized to zeros in FeaturesLinear
    bias = jnp.zeros((1,), dtype=jnp.float32)
    return {"x": x, "table": table, "bias": bias}


def reference(x, table, bias):
    # FeaturesLinear.forward: x = x + offsets; sum(emb(x), dim=1) + bias
    idx = x + jnp.asarray(OFFSETS, dtype=x.dtype)[None, :]          # [B, F]
    emb = jnp.take(table, idx, axis=0)                               # [B, F, 1] gather
    pred_y = jnp.sum(emb, axis=1) + bias                             # [B, 1]
    return pred_y

if __name__ == "__main__":
    import jax
    _d = setup_inputs()
    print(jax.jit(kernel)(*tuple(_d.values())))

</pallas_src>

<mosaic_0001>
#map = affine_map<(d0, d1) -> (0)>
module attributes {stable_mosaic.version = 14 : i64} {
  func.func @k(%arg0: i32, %arg1: i32, %arg2: memref<106496xi32, #tpu.memory_space<hbm>>, %arg3: memref<2600000xf32, #tpu.memory_space<hbm>>, %arg4: memref<16xf32, #tpu.memory_space<hbm>>, %arg5: memref<4096xf32, #tpu.memory_space<hbm>>, %arg6: memref<3328xi32, #tpu.memory_space<vmem>>, %arg7: memref<3328xf32, #tpu.memory_space<vmem>>, %arg8: memref<16xf32, #tpu.memory_space<vmem>>, %arg9: memref<128xf32, #tpu.memory_space<vmem>>, %arg10: memref<!tpu.dma_semaphore, #tpu.memory_space<semaphore_mem>>, %arg11: memref<!tpu.dma_semaphore, #tpu.memory_space<semaphore_mem>>) attributes {dimension_semantics = [#tpu.dimension_semantics<core_parallel>, #tpu.dimension_semantics<subcore_parallel>], iteration_bounds = array<i64: 2, 16>, scalar_prefetch = 0 : i64, scratch_operands = 6 : i64, tpu.core_type = #tpu.core_type<sc_vector_subcore>, window_params = [{transform_indices = #map}, {transform_indices = #map}, {transform_indices = #map}, {transform_indices = #map}]} {
    %mul3A = arith.constant 2 : i32
    %mul3A_0 = arith.muli %arg1, %mul3A : i32
    %add3A = arith.addi %mul3A_0, %arg0 : i32
    %mul3A_1 = arith.constant 3328 : i32
    %mul3A_2 = arith.muli %add3A, %mul3A_1 : i32
    tpu.enqueue_dma source(%arg4 : memref<16xf32, #tpu.memory_space<hbm>>) target(%arg8 : memref<16xf32, #tpu.memory_space<vmem>>) target_semaphore(%arg11 : memref<!tpu.dma_semaphore, #tpu.memory_space<semaphore_mem>>)
    "tpu.region"() ({
      %run_scoped3A = tpu.sem_alloc : memref<!tpu.dma_semaphore, #tpu.memory_space<semaphore_mem>>
      %dma_start3A_2952 = tpu.memref_slice %arg2[%mul3A_2] : memref<106496xi32, #tpu.memory_space<hbm>> -> memref<3328xi32, #tpu.memory_space<hbm>>
      %dma_start3A_2953 = tpu.memref_slice %arg2[%mul3A_2] : memref<106496xi32, #tpu.memory_space<hbm>> -> memref<3328xi32, #tpu.memory_space<hbm>>
      tpu.enqueue_dma source(%dma_start3A_2953 : memref<3328xi32, #tpu.memory_space<hbm>>) target(%arg6 : memref<3328xi32, #tpu.memory_space<vmem>>) target_semaphore(%run_scoped3A : memref<!tpu.dma_semaphore, #tpu.memory_space<semaphore_mem>>)
      %dma_wait3A_2954 = tpu.memref_slice %arg2[%mul3A_2] : memref<106496xi32, #tpu.memory_space<hbm>> -> memref<3328xi32, #tpu.memory_space<hbm>>
      %dma_wait3A_2955 = tpu.memref_slice %arg2[%mul3A_2] : memref<106496xi32, #tpu.memory_space<hbm>> -> memref<3328xi32, #tpu.memory_space<hbm>>
      tpu.wait_dma2 semaphore(%run_scoped3A : memref<!tpu.dma_semaphore, #tpu.memory_space<semaphore_mem>>) src(%dma_wait3A_2955 : memref<3328xi32, #tpu.memory_space<hbm>>) dst(%arg6 : memref<3328xi32, #tpu.memory_space<vmem>>)
      tpu.yield
    }) : () -> ()
    %get3A = arith.constant 0 : index
    %get3A_3 = tpu.vector_load %arg6[%get3A] {strides = array<i32>} : memref<3328xi32, #tpu.memory_space<vmem>>, vector<16xi32>,
    %get3A_4 = vector.shape_cast %get3A_3 : vector<16xi32> to vector<16xi32>
    %add3A_5 = arith.constant 0 : i32
    %add3A_6 = vector.broadcast %add3A_5 : i32 to vector<16xi32>
    %add3A_7 = arith.addi %get3A_4, %add3A_6 : vector<16xi32>
    %swap3A = arith.constant 0 : index
    %swap3A_8 = tpu.vector_load %arg6[%swap3A] {strides = array<i32>} : memref<3328xi32, #tpu.memory_space<vmem>>, vector<16xi32>,
    %swap3A_9 = vector.shape_cast %swap3A_8 : vector<16xi32> to vector<16xi32>
    %swap3A_10 = vector.shape_cast %add3A_7 : vector<16xi32> to vector<16xi32>
    tpu.vector_store %arg6[%swap3A], %swap3A_10 {strides = array<i32>} : memref<3328xi32, #tpu.memory_space<vmem>>, vector<16xi32>,
    %get3A_11 = arith.constant 16 : index
    %get3A_12 = tpu.vector_load %arg6[%get3A_11] {strides = array<i32>} : memref<3328xi32, #tpu.memory_space<vmem>>, vector<16xi32>,
    %get3A_13 = vector.shape_cast %get3A_12 : vector<16xi32> to vector<16xi32>
    %add3A_14 = arith.constant 0 : i32
    %add3A_15 = vector.broadcast %add3A_14 : i32 to vector<16xi32>
    %add3A_16 = arith.addi %get3A_13, %add3A_15 : vector<16xi32>
    %swap3A_17 = arith.constant 16 : index
    %swap3A_18 = tpu.vector_load %arg6[%swap3A_17] {strides = array<i32>} : memref<3328xi32, #tpu.memory_space<vmem>>, vector<16xi32>,
    %swap3A_19 = vector.shape_cast %swap3A_18 : vector<16xi32> to vector<16xi32>
    %swap3A_20 = vector.shape_cast %add3A_16 : vector<16xi32> to vector<16xi32>
    tpu.vector_store %arg6[%swap3A_17], %swap3A_20 {strides = array<i32>} : memref<3328xi32, #tpu.memory_space<vmem>>, vector<16xi32>,
    %get3A_21 = arith.constant 32 : index
    %get3A_22 = tpu.vector_load %arg6[%get3A_21] {strides = array<i32>} : memref<3328xi32, #tpu.memory_space<vmem>>, vector<16xi32>,
    %get3A_23 = vector.shape_cast %get3A_22 : vector<16xi32> to vector<16xi32>
    %add3A_24 = arith.constant 0 : i32
    %add3A_25 = vector.broadcast %add3A_24 : i32 to vector<16xi32>
    %add3A_26 = arith.addi %get3A_23, %add3A_25 : vector<16xi32>
    %swap3A_27 = arith.constant 32 : index
    %swap3A_28 = tpu.vector_load %arg6[%swap3A_27] {strides = array<i32>} : memref<3328xi32, #tpu.memory_space<vmem>>, vector<16xi32>,
    %swap3A_29 = vector.shape_cast %swap3A_28 : vector<16xi32> to vector<16xi32>
    %swap3A_30 = vector.shape_cast %add3A_26 : vector<16xi32> to vector<16xi32>
    tpu.vector_store %arg6[%swap3A_27], %swap3A_30 {strides = array<i32>} : memref<3328xi32, #tpu.memory_space<vmem>>, vector<16xi32>,
    %get3A_31 = arith.constant 48 : index
    %get3A_32 = tpu.vector_load %arg6[%get3A_31] {strides = array<i32>} : memref<3328xi32, #tpu.memory_space<vmem>>, vector<16xi32>,
    %get3A_33 = vector.shape_cast %get3A_32 : vector<16xi32> to vector<16xi32>
    %add3A_34 = arith.constant 0 : i32
    %add3A_35 = vector.broadcast %add3A_34 : i32 to vector<16xi32>
    %add3A_36 = arith.addi %get3A_33, %add3A_35 : vector<16xi32>
    %swap3A_37 = arith.constant 48 : index
    %swap3A_38 = tpu.vector_load %arg6[%swap3A_37] {strides = array<i32>} : memref<3328xi32, #tpu.memory_space<vmem>>, vector<16xi32>,
    %swap3A_39 = vector.shape_cast %swap3A_38 : vector<16xi32> to vector<16xi32>
    %swap3A_40 = vector.shape_cast %add3A_36 : vector<16xi32> to vector<16xi32>
    tpu.vector_store %arg6[%swap3A_37], %swap3A_40 {strides = array<i32>} : memref<3328xi32, #tpu.memory_space<vmem>>, vector<16xi32>,
    %get3A_41 = arith.constant 64 : index
    %get3A_42 = tpu.vector_load %arg6[%get3A_41] {strides = array<i32>} : memref<3328xi32, #tpu.memory_space<vmem>>, vector<16xi32>,
    %get3A_43 = vector.shape_cast %get3A_42 : vector<16xi32> to vector<16xi32>
    %add3A_44 = arith.constant 0 : i32
    %add3A_45 = vector.broadcast %add3A_44 : i32 to vector<16xi32>
    %add3A_46 = arith.addi %get3A_43, %add3A_45 : vector<16xi32>
    %swap3A_47 = arith.constant 64 : index
    %swap3A_48 = tpu.vector_load %arg6[%swap3A_47] {strides = array<i32>} : memref<3328xi32, #tpu.memory_space<vmem>>, vector<16xi32>,
    %swap3A_49 = vector.shape_cast %swap3A_48 : vector<16xi32> to vector<16xi32>
    %swap3A_50 = vector.shape_cast %add3A_46 : vector<16xi32> to vector<16xi32>
    tpu.vector_store %arg6[%swap3A_47], %swap3A_50 {strides = array<i32>} : memref<3328xi32, #tpu.memory_space<vmem>>, vector<16xi32>,
    %get3A_51 = arith.constant 80 : index
    %get3A_52 = tpu.vector_load %arg6[%get3A_51] {strides = array<i32>} : memref<3328xi32, #tpu.memory_space<vmem>>, vector<16xi32>,
    %get3A_53 = vector.shape_cast %get3A_52 : vector<16xi32> to vector<16xi32>
    %add3A_54 = arith.constant 0 : i32
    %add3A_55 = vector.broadcast %add3A_54 : i32 to vector<16xi32>
    %add3A_56 = arith.addi %get3A_53, %add3A_55 : vector<16xi32>
    %swap3A_57 = arith.constant 80 : index
    %swap3A_58 = tpu.vector_load %arg6[%swap3A_57] {strides = array<i32>} : memref<3328xi32, #tpu.memory_space<vmem>>, vector<16xi32>,
    %swap3A_59 = vector.shape_cast %swap3A_58 : vector<16xi32> to vector<16xi32>
    %swap3A_60 = vector.shape_cast %add3A_56 : vector<16xi32> to vector<16xi32>
    tpu.vector_store %arg6[%swap3A_57], %swap3A_60 {strides = array<i32>} : memref<3328xi32, #tpu.memory_space<vmem>>, vector<16xi32>,
    %get3A_61 = arith.constant 96 : index
    %get3A_62 = tpu.vector_load %arg6[%get3A_61] {strides = array<i32>} : memref<3328xi32, #tpu.memory_space<vmem>>, vector<16xi32>,
    %get3A_63 = vector.shape_cast %get3A_62 : vector<16xi32> to vector<16xi32>
    %add3A_64 = arith.constant 0 : i32
    %add3A_65 = vector.broadcast %add3A_64 : i32 to vector<16xi32>
    %add3A_66 = arith.addi %get3A_63, %add3A_65 : vector<16xi32>
    %swap3A_67 = arith.constant 96 : index
    %swap3A_68 = tpu.vector_load %arg6[%swap3A_67] {strides = array<i32>} : memref<3328xi32, #tpu.memory_space<vmem>>, vector<16xi32>,
    %swap3A_69 = vector.shape_cast %swap3A_68 : vector<16xi32> to vector<16xi32>
    %swap3A_70 = vector.shape_cast %add3A_66 : vector<16xi32> to vector<16xi32>
    tpu.vector_store %arg6[%swap3A_67], %swap3A_70 {strides = array<i32>} : memref<3328xi32, #tpu.memory_space<vmem>>, vector<16xi32>,
    %get3A_71 = arith.constant 112 : index
    %get3A_72 = tpu.vector_load %arg6[%get3A_71] {strides = array<i32>} : memref<3328xi32, #tpu.memory_space<vmem>>, vector<16xi32>,
    %get3A_73 = vector.shape_cast %get3A_72 : vector<16xi32> to vector<16xi32>
    %add3A_74 = arith.constant 0 : i32
    %add3A_75 = vector.broadcast %add3A_74 : i32 to vector<16xi32>
    %add3A_76 = arith.addi %get3A_73, %add3A_75 : vector<16xi32>
    %swap3A_77 = arith.constant 112 : index
    %swap3A_78 = tpu.vector_load %arg6[%swap3A_77] {strides = array<i32>} : memref<3328xi32, #tpu.memory_space<vmem>>, vector<16xi32>,
    %swap3A_79 = vector.shape_cast %swap3A_78 : vector<16xi32> to vector<16xi32>
    %swap3A_80 = vector.shape_cast %add3A_76 : vector<16xi32> to vector<16xi32>
    tpu.vector_store %arg6[%swap3A_77], %swap3A_80 {strides = array<i32>} : memref<3328xi32, #tpu.memory_space<vmem>>, vector<16xi32>,
    %get3A_81 = arith.constant 128 : index
    %get3A_82 = tpu.vector_load %arg6[%get3A_81] {strides = array<i32>} : memref<3328xi32, #tpu.memory_space<vmem>>, vector<16xi32>,
    %get3A_83 = vector.shape_cast %get3A_82 : vector<16xi32> to vector<16xi32>
    %add3A_84 = arith.constant 100000 : i32
    %add3A_85 = vector.broadcast %add3A_84 : i32 to vector<16xi32>
    %add3A_86 = arith.addi %get3A_83, %add3A_85 : vector<16xi32>
    %swap3A_87 = arith.constant 128 : index
    %swap3A_88 = tpu.vector_load %arg6[%swap3A_87] {strides = array<i32>} : memref<3328xi32, #tpu.memory_space<vmem>>, vector<16xi32>,
    %swap3A_89 = vector.shape_cast %swap3A_88 : vector<16xi32> to vector<16xi32>
    %swap3A_90 = vector.shape_cast %add3A_86 : vector<16xi32> to vector<16xi32>
    tpu.vector_store %arg6[%swap3A_87], %swap3A_90 {strides = array<i32>} : memref<3328xi32, #tpu.memory_space<vmem>>, vector<16xi32>,
    %get3A_91 = arith.constant 144 : index
    %get3A_92 = tpu.vector_load %arg6[%get3A_91] {strides = array<i32>} : memref<3328xi32, #tpu.memory_space<vmem>>, vector<16xi32>,
    %get3A_93 = vector.shape_cast %get3A_92 : vector<16xi32> to vector<16xi32>
    %add3A_94 = arith.constant 100000 : i32
    %add3A_95 = vector.broadcast %add3A_94 : i32 to vector<16xi32>
    %add3A_96 = arith.addi %get3A_93, %add3A_95 : vector<16xi32>
    %swap3A_97 = arith.constant 144 : index
    %swap3A_98 = tpu.vector_load %arg6[%swap3A_97] {strides = array<i32>} : memref<3328xi32, #tpu.memory_space<vmem>>, vector<16xi32>,
    %swap3A_99 = vector.shape_cast %swap3A_98 : vector<16xi32> to vector<16xi32>
    %swap3A_100 = vector.shape_cast %add3A_96 : vector<16xi32> to vector<16xi32>
    tpu.vector_store %arg6[%swap3A_97], %swap3A_100 {strides = array<i32>} : memref<3328xi32, #tpu.memory_space<vmem>>, vector<16xi32>,
    %get3A_101 = arith.constant 160 : index
    %get3A_102 = tpu.vector_load %arg6[%get3A_101] {strides = array<i32>} : memref<3328xi32, #tpu.memory_space<vmem>>, vector<16xi32>,
    %get3A_103 = vector.shape_cast %get3A_102 : vector<16xi32> to vector<16xi32>
    %add3A_104 = arith.constant 100000 : i32
    %add3A_105 = vector.broadcast %add3A_104 : i32 to vector<16xi32>
    %add3A_106 = arith.addi %get3A_103, %add3A_105 : vector<16xi32>
    %swap3A_107 = arith.constant 160 : index
    %swap3A_108 = tpu.vector_load %arg6[%swap3A_107] {strides = array<i32>} : memref<3328xi32, #tpu.memory_space<vmem>>, vector<16xi32>,
    %swap3A_109 = vector.shape_cast %swap3A_108 : vector<16xi32> to vector<16xi32>
    %swap3A_110 = vector.shape_cast %add3A_106 : vector<16xi32> to vector<16xi32>
    tpu.vector_store %arg6[%swap3A_107], %swap3A_110 {strides = array<i32>} : memref<3328xi32, #tpu.memory_space<vmem>>, vector<16xi32>,
    %get3A_111 = arith.constant 176 : index
    %get3A_112 = tpu.vector_load %arg6[%get3A_111] {strides = array<i32>} : memref<3328xi32, #tpu.memory_space<vmem>>, vector<16xi32>,
    %get3A_113 = vector.shape_cast %get3A_112 : vector<16xi32> to vector<16xi32>
    %add3A_114 = arith.constant 100000 : i32
    %add3A_115 = vector.broadcast %add3A_114 : i32 to vector<16xi32>
    %add3A_116 = arith.addi %get3A_113, %add3A_115 : vector<16xi32>
    %swap3A_117 = arith.constant 176 : index
    %swap3A_118 = tpu.vector_load %arg6[%swap3A_117] {strides = array<i32>} : memref<3328xi32, #tpu.memory_space<vmem>>, vector<16xi32>,
    %swap3A_119 = vector.shape_cast %swap3A_118 : vector<16xi32> to vector<16xi32>
    %swap3A_120 = vector.shape_cast %add3A_116 : vector<16xi32> to vector<16xi32>
    tpu.vector_store %arg6[%swap3A_117], %swap3A_120 {strides = array<i32>} : memref<3328xi32, #tpu.memory_space<vmem>>, vector<16xi32>,
    %get3A_121 = arith.constant 192 : index
    %get3A_122 = tpu.vector_load %arg6[%get3A_121] {strides = array<i32>} : memref<3328xi32, #tpu.memory_space<vmem>>, vector<16xi32>,
    %get3A_123 = vector.shape_cast %get3A_122 : vector<16xi32> to vector<16xi32>
    %add3A_124 = arith.constant 100000 : i32
    %add3A_125 = vector.broadcast %add3A_124 : i32 to vector<16xi32>
    %add3A_126 = arith.addi %get3A_123, %add3A_125 : vector<16xi32>
    %swap3A_127 = arith.constant 192 : index
    %swap3A_128 = tpu.vector_load %arg6[%swap3A_127] {strides = array<i32>} : memref<3328xi32, #tpu.memory_space<vmem>>, vector<16xi32>,
    %swap3A_129 = vector.shape_cast %swap3A_128 : vector<16xi32> to vector<16xi32>
    %swap3A_130 = vector.shape_cast %add3A_126 : vector<16xi32> to vector<16xi32>
    tpu.vector_store %arg6[%swap3A_127], %swap3A_130 {strides = array<i32>} : memref<3328xi32, #tpu.memory_space<vmem>>, vector<16xi32>,
    %get3A_131 = arith.constant 208 : index
    %get3A_132 = tpu.vector_load %arg6[%get3A_131] {strides = array<i32>} : memref<3328xi32, #tpu.memory_space<vmem>>, vector<16xi32>,
    %get3A_133 = vector.shape_cast %get3A_132 : vector<16xi32> to vector<16xi32>
    %add3A_134 = arith.constant 100000 : i32
    %add3A_135 = vector.broadcast %add3A_134 : i32 to vector<16xi32>
    %add3A_136 = arith.addi %get3A_133, %add3A_135 : vector<16xi32>
    %swap3A_137 = arith.constant 208 : index
    %swap3A_138 = tpu.vector_load %arg6[%swap3A_137] {strides = array<i32>} : memref<3328xi32, #tpu.memory_space<vmem>>, vector<16xi32>,
    %swap3A_139 = vector.shape_cast %swap3A_138 : vector<16xi32> to vector<16xi32>
    %swap3A_140 = vector.shape_cast %add3A_136 : vector<16xi32> to vector<16xi32>
    tpu.vector_store %arg6[%swap3A_137], %swap3A_140 {strides = array<i32>} : memref<3328xi32, #tpu.memory_space<vmem>>, vector<16xi32>,
    %get3A_141 = arith.constant 224 : index
    %get3A_142 = tpu.vector_load %arg6[%get3A_141] {strides = array<i32>} : memref<3328xi32, #tpu.memory_space<vmem>>, vector<16xi32>,
    %get3A_143 = vector.shape_cast %get3A_142 : vector<16xi32> to vector<16xi32>
    %add3A_144 = arith.constant 100000 : i32
    %add3A_145 = vector.broadcast %add3A_144 : i32 to vector<16xi32>
    %add3A_146 = arith.addi %get3A_143, %add3A_145 : vector<16xi32>
    %swap3A_147 = arith.constant 224 : index
    %swap3A_148 = tpu.vector_load %arg6[%swap3A_147] {strides = array<i32>} : memref<3328xi32, #tpu.memory_space<vmem>>, vector<16xi32>,
    %swap3A_149 = vector.shape_cast %swap3A_148 : vector<16xi32> to vector<16xi32>
    %swap3A_150 = vector.shape_cast %add3A_146 : vector<16xi32> to vector<16xi32>
    tpu.vector_store %arg6[%swap3A_147], %swap3A_150 {strides = array<i32>} : memref<3328xi32, #tpu.memory_space<vmem>>, vector<16xi32>,
    %get3A_151 = arith.constant 240 : index
    %get3A_152 = tpu.vector_load %arg6[%get3A_151] {strides = array<i32>} : memref<3328xi32, #tpu.memory_space<vmem>>, vector<16xi32>,
    %get3A_153 = vector.shape_cast %get3A_152 : vector<16xi32> to vector<16xi32>
    %add3A_154 = arith.constant 100000 : i32
    %add3A_155 = vector.broadcast %add3A_154 : i32 to vector<16xi32>
    %add3A_156 = arith.addi %get3A_153, %add3A_155 : vector<16xi32>
    %swap3A_157 = arith.constant 240 : index
    %swap3A_158 = tpu.vector_load %arg6[%swap3A_157] {strides = array<i32>} : memref<3328xi32, #tpu.memory_space<vmem>>, vector<16xi32>,
    %swap3A_159 = vector.shape_cast %swap3A_158 : vector<16xi32> to vector<16xi32>
    %swap3A_160 = vector.shape_cast %add3A_156 : vector<16xi32> to vector<16xi32>
    tpu.vector_store %arg6[%swap3A_157], %swap3A_160 {strides = array<i32>} : memref<3328xi32, #tpu.memory_space<vmem>>, vector<16xi32>,
    %get3A_161 = arith.constant 256 : index
    %get3A_162 = tpu.vector_load %arg6[%get3A_161] {strides = array<i32>} : memref<3328xi32, #tpu.memory_space<vmem>>, vector<16xi32>,
    %get3A_163 = vector.shape_cast %get3A_162 : vector<16xi32> to vector<16xi32>
    %add3A_164 = arith.constant 200000 : i32
    %add3A_165 = vector.broadcast %add3A_164 : i32 to vector<16xi32>
    %add3A_166 = arith.addi %get3A_163, %add3A_165 : vector<16xi32>
    %swap3A_167 = arith.constant 256 : index
    %swap3A_168 = tpu.vector_load %arg6[%swap3A_167] {strides = array<i32>} : memref<3328xi32, #tpu.memory_space<vmem>>, vector<16xi32>,
    %swap3A_169 = vector.shape_cast %swap3A_168 : vector<16xi32> to vector<16xi32>
    %swap3A_170 = vector.shape_cast %add3A_166 : vector<16xi32> to vector<16xi32>
    tpu.vector_store %arg6[%swap3A_167], %swap3A_170 {strides = array<i32>} : memref<3328xi32, #tpu.memory_space<vmem>>, vector<16xi32>,
    %get3A_171 = arith.constant 272 : index
    %get3A_172 = tpu.vector_load %arg6[%get3A_171] {strides = array<i32>} : memref<3328xi32, #tpu.memory_space<vmem>>, vector<16xi32>,
    %get3A_173 = vector.shape_cast %get3A_172 : vector<16xi32> to vector<16xi32>
    %add3A_174 = arith.constant 200000 : i32
    %add3A_175 = vector.broadcast %add3A_174 : i32 to vector<16xi32>
    %add3A_176 = arith.addi %get3A_173, %add3A_175 : vector<16xi32>
    %swap3A_177 = arith.constant 272 : index
    %swap3A_178 = tpu.vector_load %arg6[%swap3A_177] {strides = array<i32>} : memref<3328xi32, #tpu.memory_space<vmem>>, vector<16xi32>,
    %swap3A_179 = vector.shape_cast %swap3A_178 : vector<16xi32> to vector<16xi32>
    %swap3A_180 = vector.shape_cast %add3A_176 : vector<16xi32> to vector<16xi32>
    tpu.vector_store %arg6[%swap3A_177], %swap3A_180 {strides = array<i32>} : memref<3328xi32, #tpu.memory_space<vmem>>, vector<16xi32>,
    %get3A_181 = arith.constant 288 : index
    %get3A_182 = tpu.vector_load %arg6[%get3A_181] {strides = array<i32>} : memref<3328xi32, #tpu.memory_space<vmem>>, vector<16xi32>,
    %get3A_183 = vector.shape_cast %get3A_182 : vector<16xi32> to vector<16xi32>
    %add3A_184 = arith.constant 200000 : i32
    %add3A_185 = vector.broadcast %add3A_184 : i32 to vector<16xi32>
    %add3A_186 = arith.addi %get3A_183, %add3A_185 : vector<16xi32>
    %swap3A_187 = arith.constant 288 : index
    %swap3A_188 = tpu.vector_load %arg6[%swap3A_187] {strides = array<i32>} : memref<3328xi32, #tpu.memory_space<vmem>>, vector<16xi32>,
    %swap3A_189 = vector.shape_cast %swap3A_188 : vector<16xi32> to vector<16xi32>
    %swap3A_190 = vector.shape_cast %add3A_186 : vector<16xi32> to vector<16xi32>
    tpu.vector_store %arg6[%swap3A_187], %swap3A_190 {strides = array<i32>} : memref<3328xi32, #tpu.memory_space<vmem>>, vector<16xi32>,
    %get3A_191 = arith.constant 304 : index
    %get3A_192 = tpu.vector_load %arg6[%get3A_191] {strides = array<i32>} : memref<3328xi32, #tpu.memory_space<vmem>>, vector<16xi32>,
    %get3A_193 = vector.shape_cast %get3A_192 : vector<16xi32> to vector<16xi32>
    %add3A_194 = arith.constant 200000 : i32
    %add3A_195 = vector.broadcast %add3A_194 : i32 to vector<16xi32>
    %add3A_196 = arith.addi %get3A_193, %add3A_195 : vector<16xi32>
    %swap3A_197 = arith.constant 304 : index
    %swap3A_198 = tpu.vector_load %arg6[%swap3A_197] {strides = array<i32>} : memref<3328xi32, #tpu.memory_space<vmem>>, vector<16xi32>,
    %swap3A_199 = vector.shape_cast %swap3A_198 : vector<16xi32> to vector<16xi32>
    %swap3A_200 = vector.shape_cast %add3A_196 : vector<16xi32> to vector<16xi32>
    tpu.vector_store %arg6[%swap3A_197], %swap3A_200 {strides = array<i32>} : memref<3328xi32, #tpu.memory_space<vmem>>, vector<16xi32>,
    %get3A_201 = arith.constant 320 : index
    %get3A_202 = tpu.vector_load %arg6[%get3A_201] {strides = array<i32>} : memref<3328xi32, #tpu.memory_space<vmem>>, vector<16xi32>,
    %get3A_203 = vector.shape_cast %get3A_202 : vector<16xi32> to vector<16xi32>
    %add3A_204 = arith.constant 200000 : i32
    %add3A_205 = vector.broadcast %add3A_204 : i32 to vector<16xi32>
    %add3A_206 = arith.addi %get3A_203, %add3A_205 : vector<16xi32>
    %swap3A_207 = arith.constant 320 : index
    %swap3A_208 = tpu.vector_load %arg6[%swap3A_207] {strides = array<i32>} : memref<3328xi32, #tpu.memory_space<vmem>>, vector<16xi32>,
    %swap3A_209 = vector.shape_cast %swap3A_208 : vector<16xi32> to vector<16xi32>
    %swap3A_210 = vector.shape_cast %add3A_206 : vector<16xi32> to vector<16xi32>
    tpu.vector_store %arg6[%swap3A_207], %swap3A_210 {strides = array<i32>} : memref<3328xi32, #tpu.memory_space<vmem>>, vector<16xi32>,
    %get3A_211 = arith.constant 336 : index
    %get3A_212 = tpu.vector_load %arg6[%get3A_211] {strides = array<i32>} : memref<3328xi32, #tpu.memory_space<vmem>>, vector<16xi32>,
    %get3A_213 = vector.shape_cast %get3A_212 : vector<16xi32> to vector<16xi32>
    %add3A_214 = arith.constant 200000 : i32
    %add3A_215 = vector.broadcast %add3A_214 : i32 to vector<16xi32>
    %add3A_216 = arith.addi %get3A_213, %add3A_215 : vector<16xi32>
    %swap3A_217 = arith.constant 336 : index
    %swap3A_218 = tpu.vector_load %arg6[%swap3A_217] {strides = array<i32>} : memref<3328xi32, #tpu.memory_space<vmem>>, vector<16xi32>,
    %swap3A_219 = vector.shape_cast %swap3A_218 : vector<16xi32> to vector<16xi32>
    %swap3A_220 = vector.shape_cast %add3A_216 : vector<16xi32> to vector<16xi32>
    tpu.vector_store %arg6[%swap3A_217], %swap3A_220 {strides = array<i32>} : memref<3328xi32, #tpu.memory_space<vmem>>, vector<16xi32>,
    %get3A_221 = arith.constant 352 : index
    %get3A_222 = tpu.vector_load %arg6[%get3A_221] {strides = array<i32>} : memref<3328xi32, #tpu.memory_space<vmem>>, vector<16xi32>,
    %get3A_223 = vector.shape_cast %get3A_222 : vector<16xi32> to vector<16xi32>
    %add3A_224 = arith.constant 200000 : i32
    %add3A_225 = vector.broadcast %add3A_224 : i32 to vector<16xi32>
    %add3A_226 = arith.addi %get3A_223, %add3A_225 : vector<16xi32>
    %swap3A_227 = arith.constant 352 : index
    %swap3A_228 = tpu.vector_load %arg6[%swap3A_227] {strides = array<i32>} : memref<3328xi32, #tpu.memory_space<vmem>>, vector<16xi32>,
    %swap3A_229 = vector.shape_cast %swap3A_228 : vector<16xi32> to vector<16xi32>
    %swap3A_230 = vector.shape_cast %add3A_226 : vector<16xi32> to vector<16xi32>
    tpu.vector_store %arg6[%swap3A_227], %swap3A_230 {strides = array<i32>} : memref<3328xi32, #tpu.memory_space<vmem>>, vector<16xi32>,
    %get3A_231 = arith.constant 368 : index
    %get3A_232 = tpu.vector_load %arg6[%get3A_231] {strides = array<i32>} : memref<3328xi32, #tpu.memory_space<vmem>>, vector<16xi32>,
    %get3A_233 = vector.shape_cast %get3A_232 : vector<16xi32> to vector<16xi32>
    %add3A_234 = arith.constant 200000 : i32
    %add3A_235 = vector.broadcast %add3A_234 : i32 to vector<16xi32>
    %add3A_236 = arith.addi %get3A_233, %add3A_235 : vector<16xi32>
    %swap3A_237 = arith.constant 368 : index
    %swap3A_238 = tpu.vector_load %arg6[%swap3A_237] {strides = array<i32>} : memref<3328xi32, #tpu.memory_space<vmem>>, vector<16xi32>,
    %swap3A_239 = vector.shape_cast %swap3A_238 : vector<16xi32> to vector<16xi32>
    %swap3A_240 = vector.shape_cast %add3A_236 : vector<16xi32> to vector<16xi32>
    tpu.vector_store %arg6[%swap3A_237], %swap3A_240 {strides = array<i32>} : memref<3328xi32, #tpu.memory_space<vmem>>, vector<16xi32>,
    %get3A_241 = arith.constant 384 : index
    %get3A_242 = tpu.vector_load %arg6[%get3A_241] {strides = array<i32>} : memref<3328xi32, #tpu.memory_space<vmem>>, vector<16xi32>,
    %get3A_243 = vector.shape_cast %get3A_242 : vector<16xi32> to vector<16xi32>
    %add3A_244 = arith.constant 300000 : i32
    %add3A_245 = vector.broadcast %add3A_244 : i32 to vector<16xi32>
    %add3A_246 = arith.addi %get3A_243, %add3A_245 : vector<16xi32>
    %swap3A_247 = arith.constant 384 : index
    %swap3A_248 = tpu.vector_load %arg6[%swap3A_247] {strides = array<i32>} : memref<3328xi32, #tpu.memory_space<vmem>>, vector<16xi32>,
    %swap3A_249 = vector.shape_cast %swap3A_248 : vector<16xi32> to vector<16xi32>
    %swap3A_250 = vector.shape_cast %add3A_246 : vector<16xi32> to vector<16xi32>
    tpu.vector_store %arg6[%swap3A_247], %swap3A_250 {strides = array<i32>} : memref<3328xi32, #tpu.memory_space<vmem>>, vector<16xi32>,
    %get3A_251 = arith.constant 400 : index
    %get3A_252 = tpu.vector_load %arg6[%get3A_251] {strides = array<i32>} : memref<3328xi32, #tpu.memory_space<vmem>>, vector<16xi32>,
    %get3A_253 = vector.shape_cast %get3A_252 : vector<16xi32> to vector<16xi32>
    %add3A_254 = arith.constant 300000 : i32
    %add3A_255 = vector.broadcast %add3A_254 : i32 to vector<16xi32>
    %add3A_256 = arith.addi %get3A_253, %add3A_255 : vector<16xi32>
    %swap3A_257 = arith.constant 400 : index
    %swap3A_258 = tpu.vector_load %arg6[%swap3A_257] {strides = array<i32>} : memref<3328xi32, #tpu.memory_space<vmem>>, vector<16xi32>,
    %swap3A_259 = vector.shape_cast %swap3A_258 : vector<16xi32> to vector<16xi32>
    %swap3A_260 = vector.shape_cast %add3A_256 : vector<16xi32> to vector<16xi32>
    tpu.vector_store %arg6[%swap3A_257], %swap3A_260 {strides = array<i32>} : memref<3328xi32, #tpu.memory_space<vmem>>, vector<16xi32>,
    %get3A_261 = arith.constant 416 : index
    %get3A_262 = tpu.vector_load %arg6[%get3A_261] {strides = array<i32>} : memref<3328xi32, #tpu.memory_space<vmem>>, vector<16xi32>,
    %get3A_263 = vector.shape_cast %get3A_262 : vector<16xi32> to vector<16xi32>
    %add3A_264 = arith.constant 300000 : i32
    %add3A_265 = vector.broadcast %add3A_264 : i32 to vector<16xi32>
    %add3A_266 = arith.addi %get3A_263, %add3A_265 : vector<16xi32>
    %swap3A_267 = arith.constant 416 : index
    %swap3A_268 = tpu.vector_load %arg6[%swap3A_267] {strides = array<i32>} : memref<3328xi32, #tpu.memory_space<vmem>>, vector<16xi32>,
    %swap3A_269 = vector.shape_cast %swap3A_268 : vector<16xi32> to vector<16xi32>
    %swap3A_270 = vector.shape_cast %add3A_266 : vector<16xi32> to vector<16xi32>
    tpu.vector_store %arg6[%swap3A_267], %swap3A_270 {strides = array<i32>} : memref<3328xi32, #tpu.memory_space<vmem>>, vector<16xi32>,
    %get3A_271 = arith.constant 432 : index
    %get3A_272 = tpu.vector_load %arg6[%get3A_271] {strides = array<i32>} : memref<3328xi32, #tpu.memory_space<vmem>>, vector<16xi32>,
    %get3A_273 = vector.shape_cast %get3A_272 : vector<16xi32> to vector<16xi32>
    %add3A_274 = arith.constant 300000 : i32
    %add3A_275 = vector.broadcast %add3A_274 : i32 to vector<16xi32>
    %add3A_276 = arith.addi %get3A_273, %add3A_275 : vector<16xi32>
    %swap3A_277 = arith.constant 432 : index
    %swap3A_278 = tpu.vector_load %arg6[%swap3A_277] {strides = array<i32>} : memref<3328xi32, #tpu.memory_space<vmem>>, vector<16xi32>,
    %swap3A_279 = vector.shape_cast %swap3A_278 : vector<16xi32> to vector<16xi32>
    %swap3A_280 = vector.shape_cast %add3A_276 : vector<16xi32> to vector<16xi32>
    tpu.vector_store %arg6[%swap3A_277], %swap3A_280 {strides = array<i32>} : memref<3328xi32, #tpu.memory_space<vmem>>, vector<16xi32>,
    %get3A_281 = arith.constant 448 : index
    %get3A_282 = tpu.vector_load %arg6[%get3A_281] {strides = array<i32>} : memref<3328xi32, #tpu.memory_space<vmem>>, vector<16xi32>,
    %get3A_283 = vector.shape_cast %get3A_282 : vector<16xi32> to vector<16xi32>
    %add3A_284 = arith.constant 300000 : i32
    %add3A_285 = vector.broadcast %add3A_284 : i32 to vector<16xi32>
    %add3A_286 = arith.addi %get3A_283, %add3A_285 : vector<16xi32>
    %swap3A_287 = arith.constant 448 : index
    %swap3A_288 = tpu.vector_load %arg6[%swap3A_287] {strides = array<i32>} : memref<3328xi32, #tpu.memory_space<vmem>>, vector<16xi32>,
    %swap3A_289 = vector.shape_cast %swap3A_288 : vector<16xi32> to vector<16xi32>
    %swap3A_290 = vector.shape_cast %add3A_286 : vector<16xi32> to vector<16xi32>
    tpu.vector_store %arg6[%swap3A_287], %swap3A_290 {strides = array<i32>} : memref<3328xi32, #tpu.memory_space<vmem>>, vector<16xi32>,
    %get3A_291 = arith.constant 464 : index
    %get3A_292 = tpu.vector_load %arg6[%get3A_291] {strides = array<i32>} : memref<3328xi32, #tpu.memory_space<vmem>>, vector<16xi32>,
    %get3A_293 = vector.shape_cast %get3A_292 : vector<16xi32> to vector<16xi32>
    %add3A_294 = arith.constant 300000 : i32
    %add3A_295 = vector.broadcast %add3A_294 : i32 to vector<16xi32>
    %add3A_296 = arith.addi %get3A_293, %add3A_295 : vector<16xi32>
    %swap3A_297 = arith.constant 464 : index
    %swap3A_298 = tpu.vector_load %arg6[%swap3A_297] {strides = array<i32>} : memref<3328xi32, #tpu.memory_space<vmem>>, vector<16xi32>,
    %swap3A_299 = vector.shape_cast %swap3A_298 : vector<16xi32> to vector<16xi32>
    %swap3A_300 = vector.shape_cast %add3A_296 : vector<16xi32> to vector<16xi32>
    tpu.vector_store %arg6[%swap3A_297], %swap3A_300 {strides = array<i32>} : memref<3328xi32, #tpu.memory_space<vmem>>, vector<16xi32>,
    %get3A_301 = arith.constant 480 : index
    %get3A_302 = tpu.vector_load %arg6[%get3A_301] {strides = array<i32>} : memref<3328xi32, #tpu.memory_space<vmem>>, vector<16xi32>,
    %get3A_303 = vector.shape_cast %get3A_302 : vector<16xi32> to vector<16xi32>
    %add3A_304 = arith.constant 300000 : i32
    %add3A_305 = vector.broadcast %add3A_304 : i32 to vector<16xi32>
    %add3A_306 = arith.addi %get3A_303, %add3A_305 : vector<16xi32>
    %swap3A_307 = arith.constant 480 : index
    %swap3A_308 = tpu.vector_load %arg6[%swap3A_307] {strides = array<i32>} : memref<3328xi32, #tpu.memory_space<vmem>>, vector<16xi32>,
    %swap3A_309 = vector.shape_cast %swap3A_308 : vector<16xi32> to vector<16xi32>
    %swap3A_310 = vector.shape_cast %add3A_306 : vector<16xi32> to vector<16xi32>
    tpu.vector_store %arg6[%swap3A_307], %swap3A_310 {strides = array<i32>} : memref<3328xi32, #tpu.memory_space<vmem>>, vector<16xi32>,
    %get3A_311 = arith.constant 496 : index
    %get3A_312 = tpu.vector_load %arg6[%get3A_311] {strides = array<i32>} : memref<3328xi32, #tpu.memory_space<vmem>>, vector<16xi32>,
    %get3A_313 = vector.shape_cast %get3A_312 : vector<16xi32> to vector<16xi32>
    %add3A_314 = arith.constant 300000 : i32
    %add3A_315 = vector.broadcast %add3A_314 : i32 to vector<16xi32>
    %add3A_316 = arith.addi %get3A_313, %add3A_315 : vector<16xi32>
    %swap3A_317 = arith.constant 496 : index
    %swap3A_318 = tpu.vector_load %arg6[%swap3A_317] {strides = array<i32>} : memref<3328xi32, #tpu.memory_space<vmem>>, vector<16xi32>,
    %swap3A_319 = vector.shape_cast %swap3A_318 : vector<16xi32> to vector<16xi32>
    %swap3A_320 = vector.shape_cast %add3A_316 : vector<16xi32> to vector<16xi32>
    tpu.vector_store %arg6[%swap3A_317], %swap3A_320 {strides = array<i32>} : memref<3328xi32, #tpu.memory_space<vmem>>, vector<16xi32>,
    %get3A_321 = arith.constant 512 : index
    %get3A_322 = tpu.vector_load %arg6[%get3A_321] {strides = array<i32>} : memref<3328xi32, #tpu.memory_space<vmem>>, vector<16xi32>,
    %get3A_323 = vector.shape_cast %get3A_322 : vector<16xi32> to vector<16xi32>
    %add3A_324 = arith.constant 400000 : i32
    %add3A_325 = vector.broadcast %add3A_324 : i32 to vector<16xi32>
    %add3A_326 = arith.addi %get3A_323, %add3A_325 : vector<16xi32>
    %swap3A_327 = arith.constant 512 : index
    %swap3A_328 = tpu.vector_load %arg6[%swap3A_327] {strides = array<i32>} : memref<3328xi32, #tpu.memory_space<vmem>>, vector<16xi32>,
    %swap3A_329 = vector.shape_cast %swap3A_328 : vector<16xi32> to vector<16xi32>
    %swap3A_330 = vector.shape_cast %add3A_326 : vector<16xi32> to vector<16xi32>
    tpu.vector_store %arg6[%swap3A_327], %swap3A_330 {strides = array<i32>} : memref<3328xi32, #tpu.memory_space<vmem>>, vector<16xi32>,
    %get3A_331 = arith.constant 528 : index
    %get3A_332 = tpu.vector_load %arg6[%get3A_331] {strides = array<i32>} : memref<3328xi32, #tpu.memory_space<vmem>>, vector<16xi32>,
    %get3A_333 = vector.shape_cast %get3A_332 : vector<16xi32> to vector<16xi32>
    %add3A_334 = arith.constant 400000 : i32
    %add3A_335 = vector.broadcast %add3A_334 : i32 to vector<16xi32>
    %add3A_336 = arith.addi %get3A_333, %add3A_335 : vector<16xi32>
    %swap3A_337 = arith.constant 528 : index
    %swap3A_338 = tpu.vector_load %arg6[%swap3A_337] {strides = array<i32>} : memref<3328xi32, #tpu.memory_space<vmem>>, vector<16xi32>,
    %swap3A_339 = vector.shape_cast %swap3A_338 : vector<16xi32> to vector<16xi32>
    %swap3A_340 = vector.shape_cast %add3A_336 : vector<16xi32> to vector<16xi32>
    tpu.vector_store %arg6[%swap3A_337], %swap3A_340 {strides = array<i32>} : memref<3328xi32, #tpu.memory_space<vmem>>, vector<16xi32>,
    %get3A_341 = arith.constant 544 : index
    %get3A_342 = tpu.vector_load %arg6[%get3A_341] {strides = array<i32>} : memref<3328xi32, #tpu.memory_space<vmem>>, vector<16xi32>,
    %get3A_343 = vector.shape_cast %get3A_342 : vector<16xi32> to vector<16xi32>
    %add3A_344 = arith.constant 400000 : i32
    %add3A_345 = vector.broadcast %add3A_344 : i32 to vector<16xi32>
    %add3A_346 = arith.addi %get3A_343, %add3A_345 : vector<16xi32>
    %swap3A_347 = arith.constant 544 : index
    %swap3A_348 = tpu.vector_load %arg6[%swap3A_347] {strides = array<i32>} : memref<3328xi32, #tpu.memory_space<vmem>>, vector<16xi32>,
    %swap3A_349 = vector.shape_cast %swap3A_348 : vector<16xi32> to vector<16xi32>
    %swap3A_350 = vector.shape_cast %add3A_346 : vector<16xi32> to vector<16xi32>
    tpu.vector_store %arg6[%swap3A_347], %swap3A_350 {strides = array<i32>} : memref<3328xi32, #tpu.memory_space<vmem>>, vector<16xi32>,
    %get3A_351 = arith.constant 560 : index
    %get3A_352 = tpu.vector_load %arg6[%get3A_351] {strides = array<i32>} : memref<3328xi32, #tpu.memory_space<vmem>>, vector<16xi32>,
    %get3A_353 = vector.shape_cast %get3A_352 : vector<16xi32> to vector<16xi32>
    %add3A_354 = arith.constant 400000 : i32
    %add3A_355 = vector.broadcast %add3A_354 : i32 to vector<16xi32>
    %add3A_356 = arith.addi %get3A_353, %add3A_355 : vector<16xi32>
    %swap3A_357 = arith.constant 560 : index
    %swap3A_358 = tpu.vector_load %arg6[%swap3A_357] {strides = array<i32>} : memref<3328xi32, #tpu.memory_space<vmem>>, vector<16xi32>,
    %swap3A_359 = vector.shape_cast %swap3A_358 : vector<16xi32> to vector<16xi32>
    %swap3A_360 = vector.shape_cast %add3A_356 : vector<16xi32> to vector<16xi32>
    tpu.vector_store %arg6[%swap3A_357], %swap3A_360 {strides = array<i32>} : memref<3328xi32, #tpu.memory_space<vmem>>, vector<16xi32>,
    %get3A_361 = arith.constant 576 : index
    %get3A_362 = tpu.vector_load %arg6[%get3A_361] {strides = array<i32>} : memref<3328xi32, #tpu.memory_space<vmem>>, vector<16xi32>,
    %get3A_363 = vector.shape_cast %get3A_362 : vector<16xi32> to vector<16xi32>
    %add3A_364 = arith.constant 400000 : i32
    %add3A_365 = vector.broadcast %add3A_364 : i32 to vector<16xi32>
    %add3A_366 = arith.addi %get3A_363, %add3A_365 : vector<16xi32>
    %swap3A_367 = arith.constant 576 : index
    %swap3A_368 = tpu.vector_load %arg6[%swap3A_367] {strides = array<i32>} : memref<3328xi32, #tpu.memory_space<vmem>>, vector<16xi32>,
    %swap3A_369 = vector.shape_cast %swap3A_368 : vector<16xi32> to vector<16xi32>
    %swap3A_370 = vector.shape_cast %add3A_366 : vector<16xi32> to vector<16xi32>
    tpu.vector_store %arg6[%swap3A_367], %swap3A_370 {strides = array<i32>} : memref<3328xi32, #tpu.memory_space<vmem>>, vector<16xi32>,
    %get3A_371 = arith.constant 592 : index
    %get3A_372 = tpu.vector_load %arg6[%get3A_371] {strides = array<i32>} : memref<3328xi32, #tpu.memory_space<vmem>>, vector<16xi32>,
    %get3A_373 = vector.shape_cast %get3A_372 : vector<16xi32> to vector<16xi32>
    %add3A_374 = arith.constant 400000 : i32
    %add3A_375 = vector.broadcast %add3A_374 : i32 to vector<16xi32>
    %add3A_376 = arith.addi %get3A_373, %add3A_375 : vector<16xi32>
    %swap3A_377 = arith.constant 592 : index
    %swap3A_378 = tpu.vector_load %arg6[%swap3A_377] {strides = array<i32>} : memref<3328xi32, #tpu.memory_space<vmem>>, vector<16xi32>,
    %swap3A_379 = vector.shape_cast %swap3A_378 : vector<16xi32> to vector<16xi32>
    %swap3A_380 = vector.shape_cast %add3A_376 : vector<16xi32> to vector<16xi32>
    tpu.vector_store %arg6[%swap3A_377], %swap3A_380 {strides = array<i32>} : memref<3328xi32, #tpu.memory_space<vmem>>, vector<16xi32>,
    %get3A_381 = arith.constant 608 : index
    %get3A_382 = tpu.vector_load %arg6[%get3A_381] {strides = array<i32>} : memref<3328xi32, #tpu.memory_space<vmem>>, vector<16xi32>,
    %get3A_383 = vector.shape_cast %get3A_382 : vector<16xi32> to vector<16xi32>
    %add3A_384 = arith.constant 400000 : i32
    %add3A_385 = vector.broadcast %add3A_384 : i32 to vector<16xi32>
    %add3A_386 = arith.addi %get3A_383, %add3A_385 : vector<16xi32>
    %swap3A_387 = arith.constant 608 : index
    %swap3A_388 = tpu.vector_load %arg6[%swap3A_387] {strides = array<i32>} : memref<3328xi32, #tpu.memory_space<vmem>>, vector<16xi32>,
    %swap3A_389 = vector.shape_cast %swap3A_388 : vector<16xi32> to vector<16xi32>
    %swap3A_390 = vector.shape_cast %add3A_386 : vector<16xi32> to vector<16xi32>
    tpu.vector_store %arg6[%swap3A_387], %swap3A_390 {strides = array<i32>} : memref<3328xi32, #tpu.memory_space<vmem>>, vector<16xi32>,
    %get3A_391 = arith.constant 624 : index
    %get3A_392 = tpu.vector_load %arg6[%get3A_391] {strides = array<i32>} : memref<3328xi32, #tpu.memory_space<vmem>>, vector<16xi32>,
    %get3A_393 = vector.shape_cast %get3A_392 : vector<16xi32> to vector<16xi32>
    %add3A_394 = arith.constant 400000 : i32
    %add3A_395 = vector.broadcast %add3A_394 : i32 to vector<16xi32>
    %add3A_396 = arith.addi %get3A_393, %add3A_395 : vector<16xi32>
    %swap3A_397 = arith.constant 624 : index
    %swap3A_398 = tpu.vector_load %arg6[%swap3A_397] {strides = array<i32>} : memref<3328xi32, #tpu.memory_space<vmem>>, vector<16xi32>,
    %swap3A_399 = vector.shape_cast %swap3A_398 : vector<16xi32> to vector<16xi32>
    %swap3A_400 = vector.shape_cast %add3A_396 : vector<16xi32> to vector<16xi32>
    tpu.vector_store %arg6[%swap3A_397], %swap3A_400 {strides = array<i32>} : memref<3328xi32, #tpu.memory_space<vmem>>, vector<16xi32>,
    %get3A_401 = arith.constant 640 : index
    %get3A_402 = tpu.vector_load %arg6[%get3A_401] {strides = array<i32>} : memref<3328xi32, #tpu.memory_space<vmem>>, vector<16xi32>,
    %get3A_403 = vector.shape_cast %get3A_402 : vector<16xi32> to vector<16xi32>
    %add3A_404 = arith.constant 500000 : i32
    %add3A_405 = vector.broadcast %add3A_404 : i32 to vector<16xi32>
    %add3A_406 = arith.addi %get3A_403, %add3A_405 : vector<16xi32>
    %swap3A_407 = arith.constant 640 : index
    %swap3A_408 = tpu.vector_load %arg6[%swap3A_407] {strides = array<i32>} : memref<3328xi32, #tpu.memory_space<vmem>>, vector<16xi32>,
    %swap3A_409 = vector.shape_cast %swap3A_408 : vector<16xi32> to vector<16xi32>
    %swap3A_410 = vector.shape_cast %add3A_406 : vector<16xi32> to vector<16xi32>
    tpu.vector_store %arg6[%swap3A_407], %swap3A_410 {strides = array<i32>} : memref<3328xi32, #tpu.memory_space<vmem>>, vector<16xi32>,
    %get3A_411 = arith.constant 656 : index
    %get3A_412 = tpu.vector_load %arg6[%get3A_411] {strides = array<i32>} : memref<3328xi32, #tpu.memory_space<vmem>>, vector<16xi32>,
    %get3A_413 = vector.shape_cast %get3A_412 : vector<16xi32> to vector<16xi32>
    %add3A_414 = arith.constant 500000 : i32
    %add3A_415 = vector.broadcast %add3A_414 : i32 to vector<16xi32>
    %add3A_416 = arith.addi %get3A_413, %add3A_415 : vector<16xi32>
    %swap3A_417 = arith.constant 656 : index
    %swap3A_418 = tpu.vector_load %arg6[%swap3A_417] {strides = array<i32>} : memref<3328xi32, #tpu.memory_space<vmem>>, vector<16xi32>,
    %swap3A_419 = vector.shape_cast %swap3A_418 : vector<16xi32> to vector<16xi32>
    %swap3A_420 = vector.shape_cast %add3A_416 : vector<16xi32> to vector<16xi32>
    tpu.vector_store %arg6[%swap3A_417], %swap3A_420 {strides = array<i32>} : memref<3328xi32, #tpu.memory_space<vmem>>, vector<16xi32>,
    %get3A_421 = arith.constant 672 : index
    %get3A_422 = tpu.vector_load %arg6[%get3A_421] {strides = array<i32>} : memref<3328xi32, #tpu.memory_space<vmem>>, vector<16xi32>,
    %get3A_423 = vector.shape_cast %get3A_422 : vector<16xi32> to vector<16xi32>
    %add3A_424 = arith.constant 500000 : i32
    %add3A_425 = vector.broadcast %add3A_424 : i32 to vector<16xi32>
    %add3A_426 = arith.addi %get3A_423, %add3A_425 : vector<16xi32>
    %swap3A_427 = arith.constant 672 : index
    %swap3A_428 = tpu.vector_load %arg6[%swap3A_427] {strides = array<i32>} : memref<3328xi32, #tpu.memory_space<vmem>>, vector<16xi32>,
    %swap3A_429 = vector.shape_cast %swap3A_428 : vector<16xi32> to vector<16xi32>
    %swap3A_430 = vector.shape_cast %add3A_426 : vector<16xi32> to vector<16xi32>
    tpu.vector_store %arg6[%swap3A_427], %swap3A_430 {strides = array<i32>} : memref<3328xi32, #tpu.memory_space<vmem>>, vector<16xi32>,
    %get3A_431 = arith.constant 688 : index
    %get3A_432 = tpu.vector_load %arg6[%get3A_431] {strides = array<i32>} : memref<3328xi32, #tpu.memory_space<vmem>>, vector<16xi32>,
    %get3A_433 = vector.shape_cast %get3A_432 : vector<16xi32> to vector<16xi32>
    %add3A_434 = arith.constant 500000 : i32
    %add3A_435 = vector.broadcast %add3A_434 : i32 to vector<16xi32>
    %add3A_436 = arith.addi %get3A_433, %add3A_435 : vector<16xi32>
    %swap3A_437 = arith.constant 688 : index
    %swap3A_438 = tpu.vector_load %arg6[%swap3A_437] {strides = array<i32>} : memref<3328xi32, #tpu.memory_space<vmem>>, vector<16xi32>,
    %swap3A_439 = vector.shape_cast %swap3A_438 : vector<16xi32> to vector<16xi32>
    %swap3A_440 = vector.shape_cast %add3A_436 : vector<16xi32> to vector<16xi32>
    tpu.vector_store %arg6[%swap3A_437], %swap3A_440 {strides = array<i32>} : memref<3328xi32, #tpu.memory_space<vmem>>, vector<16xi32>,
    %get3A_441 = arith.constant 704 : index
    %get3A_442 = tpu.vector_load %arg6[%get3A_441] {strides = array<i32>} : memref<3328xi32, #tpu.memory_space<vmem>>, vector<16xi32>,
    %get3A_443 = vector.shape_cast %get3A_442 : vector<16xi32> to vector<16xi32>
    %add3A_444 = arith.constant 500000 : i32
    %add3A_445 = vector.broadcast %add3A_444 : i32 to vector<16xi32>
    %add3A_446 = arith.addi %get3A_443, %add3A_445 : vector<16xi32>
    %swap3A_447 = arith.constant 704 : index
    %swap3A_448 = tpu.vector_load %arg6[%swap3A_447] {strides = array<i32>} : memref<3328xi32, #tpu.memory_space<vmem>>, vector<16xi32>,
    %swap3A_449 = vector.shape_cast %swap3A_448 : vector<16xi32> to vector<16xi32>
    %swap3A_450 = vector.shape_cast %add3A_446 : vector<16xi32> to vector<16xi32>
    tpu.vector_store %arg6[%swap3A_447], %swap3A_450 {strides = array<i32>} : memref<3328xi32, #tpu.memory_space<vmem>>, vector<16xi32>,
    %get3A_451 = arith.constant 720 : index
    %get3A_452 = tpu.vector_load %arg6[%get3A_451] {strides = array<i32>} : memref<3328xi32, #tpu.memory_space<vmem>>, vector<16xi32>,
    %get3A_453 = vector.shape_cast %get3A_452 : vector<16xi32> to vector<16xi32>
    %add3A_454 = arith.constant 500000 : i32
    %add3A_455 = vector.broadcast %add3A_454 : i32 to vector<16xi32>
    %add3A_456 = arith.addi %get3A_453, %add3A_455 : vector<16xi32>
    %swap3A_457 = arith.constant 720 : index
    %swap3A_458 = tpu.vector_load %arg6[%swap3A_457] {strides = array<i32>} : memref<3328xi32, #tpu.memory_space<vmem>>, vector<16xi32>,
    %swap3A_459 = vector.shape_cast %swap3A_458 : vector<16xi32> to vector<16xi32>
    %swap3A_460 = vector.shape_cast %add3A_456 : vector<16xi32> to vector<16xi32>
    tpu.vector_store %arg6[%swap3A_457], %swap3A_460 {strides = array<i32>} : memref<3328xi32, #tpu.memory_space<vmem>>, vector<16xi32>,
    %get3A_461 = arith.constant 736 : index
    %get3A_462 = tpu.vector_load %arg6[%get3A_461] {strides = array<i32>} : memref<3328xi32, #tpu.memory_space<vmem>>, vector<16xi32>,
    %get3A_463 = vector.shape_cast %get3A_462 : vector<16xi32> to vector<16xi32>
    %add3A_464 = arith.constant 500000 : i32
    %add3A_465 = vector.broadcast %add3A_464 : i32 to vector<16xi32>
    %add3A_466 = arith.addi %get3A_463, %add3A_465 : vector<16xi32>
    %swap3A_467 = arith.constant 736 : index
    %swap3A_468 = tpu.vector_load %arg6[%swap3A_467] {strides = array<i32>} : memref<3328xi32, #tpu.memory_space<vmem>>, vector<16xi32>,
    %swap3A_469 = vector.shape_cast %swap3A_468 : vector<16xi32> to vector<16xi32>
    %swap3A_470 = vector.shape_cast %add3A_466 : vector<16xi32> to vector<16xi32>
    tpu.vector_store %arg6[%swap3A_467], %swap3A_470 {strides = array<i32>} : memref<3328xi32, #tpu.memory_space<vmem>>, vector<16xi32>,
    %get3A_471 = arith.constant 752 : index
    %get3A_472 = tpu.vector_load %arg6[%get3A_471] {strides = array<i32>} : memref<3328xi32, #tpu.memory_space<vmem>>, vector<16xi32>,
    %get3A_473 = vector.shape_cast %get3A_472 : vector<16xi32> to vector<16xi32>
    %add3A_474 = arith.constant 500000 : i32
    %add3A_475 = vector.broadcast %add3A_474 : i32 to vector<16xi32>
    %add3A_476 = arith.addi %get3A_473, %add3A_475 : vector<16xi32>
    %swap3A_477 = arith.constant 752 : index
    %swap3A_478 = tpu.vector_load %arg6[%swap3A_477] {strides = array<i32>} : memref<3328xi32, #tpu.memory_space<vmem>>, vector<16xi32>,
    %swap3A_479 = vector.shape_cast %swap3A_478 : vector<16xi32> to vector<16xi32>
    %swap3A_480 = vector.shape_cast %add3A_476 : vector<16xi32> to vector<16xi32>
    tpu.vector_store %arg6[%swap3A_477], %swap3A_480 {strides = array<i32>} : memref<3328xi32, #tpu.memory_space<vmem>>, vector<16xi32>,
    %get3A_481 = arith.constant 768 : index
    %get3A_482 = tpu.vector_load %arg6[%get3A_481] {strides = array<i32>} : memref<3328xi32, #tpu.memory_space<vmem>>, vector<16xi32>,
    %get3A_483 = vector.shape_cast %get3A_482 : vector<16xi32> to vector<16xi32>
    %add3A_484 = arith.constant 600000 : i32
    %add3A_485 = vector.broadcast %add3A_484 : i32 to vector<16xi32>
    %add3A_486 = arith.addi %get3A_483, %add3A_485 : vector<16xi32>
    %swap3A_487 = arith.constant 768 : index
    %swap3A_488 = tpu.vector_load %arg6[%swap3A_487] {strides = array<i32>} : memref<3328xi32, #tpu.memory_space<vmem>>, vector<16xi32>,
    %swap3A_489 = vector.shape_cast %swap3A_488 : vector<16xi32> to vector<16xi32>
    %swap3A_490 = vector.shape_cast %add3A_486 : vector<16xi32> to vector<16xi32>
    tpu.vector_store %arg6[%swap3A_487], %swap3A_490 {strides = array<i32>} : memref<3328xi32, #tpu.memory_space<vmem>>, vector<16xi32>,
    %get3A_491 = arith.constant 784 : index
    %get3A_492 = tpu.vector_load %arg6[%get3A_491] {strides = array<i32>} : memref<3328xi32, #tpu.memory_space<vmem>>, vector<16xi32>,
    %get3A_493 = vector.shape_cast %get3A_492 : vector<16xi32> to vector<16xi32>
    %add3A_494 = arith.constant 600000 : i32
    %add3A_495 = vector.broadcast %add3A_494 : i32 to vector<16xi32>
    %add3A_496 = arith.addi %get3A_493, %add3A_495 : vector<16xi32>
    %swap3A_497 = arith.constant 784 : index
    %swap3A_498 = tpu.vector_load %arg6[%swap3A_497] {strides = array<i32>} : memref<3328xi32, #tpu.memory_space<vmem>>, vector<16xi32>,
    %swap3A_499 = vector.shape_cast %swap3A_498 : vector<16xi32> to vector<16xi32>
    %swap3A_500 = vector.shape_cast %add3A_496 : vector<16xi32> to vector<16xi32>
    tpu.vector_store %arg6[%swap3A_497], %swap3A_500 {strides = array<i32>} : memref<3328xi32, #tpu.memory_space<vmem>>, vector<16xi32>,
    %get3A_501 = arith.constant 800 : index
    %get3A_502 = tpu.vector_load %arg6[%get3A_501] {strides = array<i32>} : memref<3328xi32, #tpu.memory_space<vmem>>, vector<16xi32>,
    %get3A_503 = vector.shape_cast %get3A_502 : vector<16xi32> to vector<16xi32>
    %add3A_504 = arith.constant 600000 : i32
    %add3A_505 = vector.broadcast %add3A_504 : i32 to vector<16xi32>
    %add3A_506 = arith.addi %get3A_503, %add3A_505 : vector<16xi32>
    %swap3A_507 = arith.constant 800 : index
    %swap3A_508 = tpu.vector_load %arg6[%swap3A_507] {strides = array<i32>} : memref<3328xi32, #tpu.memory_space<vmem>>, vector<16xi32>,
    %swap3A_509 = vector.shape_cast %swap3A_508 : vector<16xi32> to vector<16xi32>
    %swap3A_510 = vector.shape_cast %add3A_506 : vector<16xi32> to vector<16xi32>
    tpu.vector_store %arg6[%swap3A_507], %swap3A_510 {strides = array<i32>} : memref<3328xi32, #tpu.memory_space<vmem>>, vector<16xi32>,
    %get3A_511 = arith.constant 816 : index
    %get3A_512 = tpu.vector_load %arg6[%get3A_511] {strides = array<i32>} : memref<3328xi32, #tpu.memory_space<vmem>>, vector<16xi32>,
    %get3A_513 = vector.shape_cast %get3A_512 : vector<16xi32> to vector<16xi32>
    %add3A_514 = arith.constant 600000 : i32
    %add3A_515 = vector.broadcast %add3A_514 : i32 to vector<16xi32>
    %add3A_516 = arith.addi %get3A_513, %add3A_515 : vector<16xi32>
    %swap3A_517 = arith.constant 816 : index
    %swap3A_518 = tpu.vector_load %arg6[%swap3A_517] {strides = array<i32>} : memref<3328xi32, #tpu.memory_space<vmem>>, vector<16xi32>,
    %swap3A_519 = vector.shape_cast %swap3A_518 : vector<16xi32> to vector<16xi32>
    %swap3A_520 = vector.shape_cast %add3A_516 : vector<16xi32> to vector<16xi32>
    tpu.vector_store %arg6[%swap3A_517], %swap3A_520 {strides = array<i32>} : memref<3328xi32, #tpu.memory_space<vmem>>, vector<16xi32>,
    %get3A_521 = arith.constant 832 : index
    %get3A_522 = tpu.vector_load %arg6[%get3A_521] {strides = array<i32>} : memref<3328xi32, #tpu.memory_space<vmem>>, vector<16xi32>,
    %get3A_523 = vector.shape_cast %get3A_522 : vector<16xi32> to vector<16xi32>
    %add3A_524 = arith.constant 600000 : i32
    %add3A_525 = vector.broadcast %add3A_524 : i32 to vector<16xi32>
    %add3A_526 = arith.addi %get3A_523, %add3A_525 : vector<16xi32>
    %swap3A_527 = arith.constant 832 : index
    %swap3A_528 = tpu.vector_load %arg6[%swap3A_527] {strides = array<i32>} : memref<3328xi32, #tpu.memory_space<vmem>>, vector<16xi32>,
    %swap3A_529 = vector.shape_cast %swap3A_528 : vector<16xi32> to vector<16xi32>
    %swap3A_530 = vector.shape_cast %add3A_526 : vector<16xi32> to vector<16xi32>
    tpu.vector_store %arg6[%swap3A_527], %swap3A_530 {strides = array<i32>} : memref<3328xi32, #tpu.memory_space<vmem>>, vector<16xi32>,
    %get3A_531 = arith.constant 848 : index
    %get3A_532 = tpu.vector_load %arg6[%get3A_531] {strides = array<i32>} : memref<3328xi32, #tpu.memory_space<vmem>>, vector<16xi32>,
    %get3A_533 = vector.shape_cast %get3A_532 : vector<16xi32> to vector<16xi32>
    %add3A_534 = arith.constant 600000 : i32
    %add3A_535 = vector.broadcast %add3A_534 : i32 to vector<16xi32>
    %add3A_536 = arith.addi %get3A_533, %add3A_535 : vector<16xi32>
    %swap3A_537 = arith.constant 848 : index
    %swap3A_538 = tpu.vector_load %arg6[%swap3A_537] {strides = array<i32>} : memref<3328xi32, #tpu.memory_space<vmem>>, vector<16xi32>,
    %swap3A_539 = vector.shape_cast %swap3A_538 : vector<16xi32> to vector<16xi32>
    %swap3A_540 = vector.shape_cast %add3A_536 : vector<16xi32> to vector<16xi32>
    tpu.vector_store %arg6[%swap3A_537], %swap3A_540 {strides = array<i32>} : memref<3328xi32, #tpu.memory_space<vmem>>, vector<16xi32>,
    %get3A_541 = arith.constant 864 : index
    %get3A_542 = tpu.vector_load %arg6[%get3A_541] {strides = array<i32>} : memref<3328xi32, #tpu.memory_space<vmem>>, vector<16xi32>,
    %get3A_543 = vector.shape_cast %get3A_542 : vector<16xi32> to vector<16xi32>
    %add3A_544 = arith.constant 600000 : i32
    %add3A_545 = vector.broadcast %add3A_544 : i32 to vector<16xi32>
    %add3A_546 = arith.addi %get3A_543, %add3A_545 : vector<16xi32>
    %swap3A_547 = arith.constant 864 : index
    %swap3A_548 = tpu.vector_load %arg6[%swap3A_547] {strides = array<i32>} : memref<3328xi32, #tpu.memory_space<vmem>>, vector<16xi32>,
    %swap3A_549 = vector.shape_cast %swap3A_548 : vector<16xi32> to vector<16xi32>
    %swap3A_550 = vector.shape_cast %add3A_546 : vector<16xi32> to vector<16xi32>
    tpu.vector_store %arg6[%swap3A_547], %swap3A_550 {strides = array<i32>} : memref<3328xi32, #tpu.memory_space<vmem>>, vector<16xi32>,
    %get3A_551 = arith.constant 880 : index
    %get3A_552 = tpu.vector_load %arg6[%get3A_551] {strides = array<i32>} : memref<3328xi32, #tpu.memory_space<vmem>>, vector<16xi32>,
    %get3A_553 = vector.shape_cast %get3A_552 : vector<16xi32> to vector<16xi32>
    %add3A_554 = arith.constant 600000 : i32
    %add3A_555 = vector.broadcast %add3A_554 : i32 to vector<16xi32>
    %add3A_556 = arith.addi %get3A_553, %add3A_555 : vector<16xi32>
    %swap3A_557 = arith.constant 880 : index
    %swap3A_558 = tpu.vector_load %arg6[%swap3A_557] {strides = array<i32>} : memref<3328xi32, #tpu.memory_space<vmem>>, vector<16xi32>,
    %swap3A_559 = vector.shape_cast %swap3A_558 : vector<16xi32> to vector<16xi32>
    %swap3A_560 = vector.shape_cast %add3A_556 : vector<16xi32> to vector<16xi32>
    tpu.vector_store %arg6[%swap3A_557], %swap3A_560 {strides = array<i32>} : memref<3328xi32, #tpu.memory_space<vmem>>, vector<16xi32>,
    %get3A_561 = arith.constant 896 : index
    %get3A_562 = tpu.vector_load %arg6[%get3A_561] {strides = array<i32>} : memref<3328xi32, #tpu.memory_space<vmem>>, vector<16xi32>,
    %get3A_563 = vector.shape_cast %get3A_562 : vector<16xi32> to vector<16xi32>
    %add3A_564 = arith.constant 700000 : i32
    %add3A_565 = vector.broadcast %add3A_564 : i32 to vector<16xi32>
    %add3A_566 = arith.addi %get3A_563, %add3A_565 : vector<16xi32>
    %swap3A_567 = arith.constant 896 : index
    %swap3A_568 = tpu.vector_load %arg6[%swap3A_567] {strides = array<i32>} : memref<3328xi32, #tpu.memory_space<vmem>>, vector<16xi32>,
    %swap3A_569 = vector.shape_cast %swap3A_568 : vector<16xi32> to vector<16xi32>
    %swap3A_570 = vector.shape_cast %add3A_566 : vector<16xi32> to vector<16xi32>
    tpu.vector_store %arg6[%swap3A_567], %swap3A_570 {strides = array<i32>} : memref<3328xi32, #tpu.memory_space<vmem>>, vector<16xi32>,
    %get3A_571 = arith.constant 912 : index
    %get3A_572 = tpu.vector_load %arg6[%get3A_571] {strides = array<i32>} : memref<3328xi32, #tpu.memory_space<vmem>>, vector<16xi32>,
    %get3A_573 = vector.shape_cast %get3A_572 : vector<16xi32> to vector<16xi32>
    %add3A_574 = arith.constant 700000 : i32
    %add3A_575 = vector.broadcast %add3A_574 : i32 to vector<16xi32>
    %add3A_576 = arith.addi %get3A_573, %add3A_575 : vector<16xi32>
    %swap3A_577 = arith.constant 912 : index
    %swap3A_578 = tpu.vector_load %arg6[%swap3A_577] {strides = array<i32>} : memref<3328xi32, #tpu.memory_space<vmem>>, vector<16xi32>,
    %swap3A_579 = vector.shape_cast %swap3A_578 : vector<16xi32> to vector<16xi32>
    %swap3A_580 = vector.shape_cast %add3A_576 : vector<16xi32> to vector<16xi32>
    tpu.vector_store %arg6[%swap3A_577], %swap3A_580 {strides = array<i32>} : memref<3328xi32, #tpu.memory_space<vmem>>, vector<16xi32>,
    %get3A_581 = arith.constant 928 : index
    %get3A_582 = tpu.vector_load %arg6[%get3A_581] {strides = array<i32>} : memref<3328xi32, #tpu.memory_space<vmem>>, vector<16xi32>,
    %get3A_583 = vector.shape_cast %get3A_582 : vector<16xi32> to vector<16xi32>
    %add3A_584 = arith.constant 700000 : i32
    %add3A_585 = vector.broadcast %add3A_584 : i32 to vector<16xi32>
    %add3A_586 = arith.addi %get3A_583, %add3A_585 : vector<16xi32>
    %swap3A_587 = arith.constant 928 : index
    %swap3A_588 = tpu.vector_load %arg6[%swap3A_587] {strides = array<i32>} : memref<3328xi32, #tpu.memory_space<vmem>>, vector<16xi32>,
    %swap3A_589 = vector.shape_cast %swap3A_588 : vector<16xi32> to vector<16xi32>
    %swap3A_590 = vector.shape_cast %add3A_586 : vector<16xi32> to vector<16xi32>
    tpu.vector_store %arg6[%swap3A_587], %swap3A_590 {strides = array<i32>} : memref<3328xi32, #tpu.memory_space<vmem>>, vector<16xi32>,
    %get3A_591 = arith.constant 944 : index
    %get3A_592 = tpu.vector_load %arg6[%get3A_591] {strides = array<i32>} : memref<3328xi32, #tpu.memory_space<vmem>>, vector<16xi32>,
    %get3A_593 = vector.shape_cast %get3A_592 : vector<16xi32> to vector<16xi32>
    %add3A_594 = arith.constant 700000 : i32
    %add3A_595 = vector.broadcast %add3A_594 : i32 to vector<16xi32>
    %add3A_596 = arith.addi %get3A_593, %add3A_595 : vector<16xi32>
    %swap3A_597 = arith.constant 944 : index
    %swap3A_598 = tpu.vector_load %arg6[%swap3A_597] {strides = array<i32>} : memref<3328xi32, #tpu.memory_space<vmem>>, vector<16xi32>,
    %swap3A_599 = vector.shape_cast %swap3A_598 : vector<16xi32> to vector<16xi32>
    %swap3A_600 = vector.shape_cast %add3A_596 : vector<16xi32> to vector<16xi32>
    tpu.vector_store %arg6[%swap3A_597], %swap3A_600 {strides = array<i32>} : memref<3328xi32, #tpu.memory_space<vmem>>, vector<16xi32>,
    %get3A_601 = arith.constant 960 : index
    %get3A_602 = tpu.vector_load %arg6[%get3A_601] {strides = array<i32>} : memref<3328xi32, #tpu.memory_space<vmem>>, vector<16xi32>,
    %get3A_603 = vector.shape_cast %get3A_602 : vector<16xi32> to vector<16xi32>
    %add3A_604 = arith.constant 700000 : i32
    %add3A_605 = vector.broadcast %add3A_604 : i32 to vector<16xi32>
    %add3A_606 = arith.addi %get3A_603, %add3A_605 : vector<16xi32>
    %swap3A_607 = arith.constant 960 : index
    %swap3A_608 = tpu.vector_load %arg6[%swap3A_607] {strides = array<i32>} : memref<3328xi32, #tpu.memory_space<vmem>>, vector<16xi32>,
    %swap3A_609 = vector.shape_cast %swap3A_608 : vector<16xi32> to vector<16xi32>
    %swap3A_610 = vector.shape_cast %add3A_606 : vector<16xi32> to vector<16xi32>
    tpu.vector_store %arg6[%swap3A_607], %swap3A_610 {strides = array<i32>} : memref<3328xi32, #tpu.memory_space<vmem>>, vector<16xi32>,
    %get3A_611 = arith.constant 976 : index
    %get3A_612 = tpu.vector_load %arg6[%get3A_611] {strides = array<i32>} : memref<3328xi32, #tpu.memory_space<vmem>>, vector<16xi32>,
    %get3A_613 = vector.shape_cast %get3A_612 : vector<16xi32> to vector<16xi32>
    %add3A_614 = arith.constant 700000 : i32
    %add3A_615 = vector.broadcast %add3A_614 : i32 to vector<16xi32>
    %add3A_616 = arith.addi %get3A_613, %add3A_615 : vector<16xi32>
    %swap3A_617 = arith.constant 976 : index
    %swap3A_618 = tpu.vector_load %arg6[%swap3A_617] {strides = array<i32>} : memref<3328xi32, #tpu.memory_space<vmem>>, vector<16xi32>,
    %swap3A_619 = vector.shape_cast %swap3A_618 : vector<16xi32> to vector<16xi32>
    %swap3A_620 = vector.shape_cast %add3A_616 : vector<16xi32> to vector<16xi32>
    tpu.vector_store %arg6[%swap3A_617], %swap3A_620 {strides = array<i32>} : memref<3328xi32, #tpu.memory_space<vmem>>, vector<16xi32>,
    %get3A_621 = arith.constant 992 : index
    %get3A_622 = tpu.vector_load %arg6[%get3A_621] {strides = array<i32>} : memref<3328xi32, #tpu.memory_space<vmem>>, vector<16xi32>,
    %get3A_623 = vector.shape_cast %get3A_622 : vector<16xi32> to vector<16xi32>
    %add3A_624 = arith.constant 700000 : i32
    %add3A_625 = vector.broadcast %add3A_624 : i32 to vector<16xi32>
    %add3A_626 = arith.addi %get3A_623, %add3A_625 : vector<16xi32>
    %swap3A_627 = arith.constant 992 : index
    %swap3A_628 = tpu.vector_load %arg6[%swap3A_627] {strides = array<i32>} : memref<3328xi32, #tpu.memory_space<vmem>>, vector<16xi32>,
    %swap3A_629 = vector.shape_cast %swap3A_628 : vector<16xi32> to vector<16xi32>
    %swap3A_630 = vector.shape_cast %add3A_626 : vector<16xi32> to vector<16xi32>
    tpu.vector_store %arg6[%swap3A_627], %swap3A_630 {strides = array<i32>} : memref<3328xi32, #tpu.memory_space<vmem>>, vector<16xi32>,
    %get3A_631 = arith.constant 1008 : index
    %get3A_632 = tpu.vector_load %arg6[%get3A_631] {strides = array<i32>} : memref<3328xi32, #tpu.memory_space<vmem>>, vector<16xi32>,
    %get3A_633 = vector.shape_cast %get3A_632 : vector<16xi32> to vector<16xi32>
    %add3A_634 = arith.constant 700000 : i32
    %add3A_635 = vector.broadcast %add3A_634 : i32 to vector<16xi32>
    %add3A_636 = arith.addi %get3A_633, %add3A_635 : vector<16xi32>
    %swap3A_637 = arith.constant 1008 : index
    %swap3A_638 = tpu.vector_load %arg6[%swap3A_637] {strides = array<i32>} : memref<3328xi32, #tpu.memory_space<vmem>>, vector<16xi32>,
    %swap3A_639 = vector.shape_cast %swap3A_638 : vector<16xi32> to vector<16xi32>
    %swap3A_640 = vector.shape_cast %add3A_636 : vector<16xi32> to vector<16xi32>
    tpu.vector_store %arg6[%swap3A_637], %swap3A_640 {strides = array<i32>} : memref<3328xi32, #tpu.memory_space<vmem>>, vector<16xi32>,
    %get3A_641 = arith.constant 1024 : index
    %get3A_642 = tpu.vector_load %arg6[%get3A_641] {strides = array<i32>} : memref<3328xi32, #tpu.memory_space<vmem>>, vector<16xi32>,
    %get3A_643 = vector.shape_cast %get3A_642 : vector<16xi32> to vector<16xi32>
    %add3A_644 = arith.constant 800000 : i32
    %add3A_645 = vector.broadcast %add3A_644 : i32 to vector<16xi32>
    %add3A_646 = arith.addi %get3A_643, %add3A_645 : vector<16xi32>
    %swap3A_647 = arith.constant 1024 : index
    %swap3A_648 = tpu.vector_load %arg6[%swap3A_647] {strides = array<i32>} : memref<3328xi32, #tpu.memory_space<vmem>>, vector<16xi32>,
    %swap3A_649 = vector.shape_cast %swap3A_648 : vector<16xi32> to vector<16xi32>
    %swap3A_650 = vector.shape_cast %add3A_646 : vector<16xi32> to vector<16xi32>
    tpu.vector_store %arg6[%swap3A_647], %swap3A_650 {strides = array<i32>} : memref<3328xi32, #tpu.memory_space<vmem>>, vector<16xi32>,
    %get3A_651 = arith.constant 1040 : index
    %get3A_652 = tpu.vector_load %arg6[%get3A_651] {strides = array<i32>} : memref<3328xi32, #tpu.memory_space<vmem>>, vector<16xi32>,
    %get3A_653 = vector.shape_cast %get3A_652 : vector<16xi32> to vector<16xi32>
    %add3A_654 = arith.constant 800000 : i32
    %add3A_655 = vector.broadcast %add3A_654 : i32 to vector<16xi32>
    %add3A_656 = arith.addi %get3A_653, %add3A_655 : vector<16xi32>
    %swap3A_657 = arith.constant 1040 : index
    %swap3A_658 = tpu.vector_load %arg6[%swap3A_657] {strides = array<i32>} : memref<3328xi32, #tpu.memory_space<vmem>>, vector<16xi32>,
    %swap3A_659 = vector.shape_cast %swap3A_658 : vector<16xi32> to vector<16xi32>
    %swap3A_660 = vector.shape_cast %add3A_656 : vector<16xi32> to vector<16xi32>
    tpu.vector_store %arg6[%swap3A_657], %swap3A_660 {strides = array<i32>} : memref<3328xi32, #tpu.memory_space<vmem>>, vector<16xi32>,
    %get3A_661 = arith.constant 1056 : index
    %get3A_662 = tpu.vector_load %arg6[%get3A_661] {strides = array<i32>} : memref<3328xi32, #tpu.memory_space<vmem>>, vector<16xi32>,
    %get3A_663 = vector.shape_cast %get3A_662 : vector<16xi32> to vector<16xi32>
    %add3A_664 = arith.constant 800000 : i32
    %add3A_665 = vector.broadcast %add3A_664 : i32 to vector<16xi32>
    %add3A_666 = arith.addi %get3A_663, %add3A_665 : vector<16xi32>
    %swap3A_667 = arith.constant 1056 : index
    %swap3A_668 = tpu.vector_load %arg6[%swap3A_667] {strides = array<i32>} : memref<3328xi32, #tpu.memory_space<vmem>>, vector<16xi32>,
    %swap3A_669 = vector.shape_cast %swap3A_668 : vector<16xi32> to vector<16xi32>
    %swap3A_670 = vector.shape_cast %add3A_666 : vector<16xi32> to vector<16xi32>
    tpu.vector_store %arg6[%swap3A_667], %swap3A_670 {strides = array<i32>} : memref<3328xi32, #tpu.memory_space<vmem>>, vector<16xi32>,
    %get3A_671 = arith.constant 1072 : index
    %get3A_672 = tpu.vector_load %arg6[%get3A_671] {strides = array<i32>} : memref<3328xi32, #tpu.memory_space<vmem>>, vector<16xi32>,
    %get3A_673 = vector.shape_cast %get3A_672 : vector<16xi32> to vector<16xi32>
    %add3A_674 = arith.constant 800000 : i32
    %add3A_675 = vector.broadcast %add3A_674 : i32 to vector<16xi32>
    %add3A_676 = arith.addi %get3A_673, %add3A_675 : vector<16xi32>
    %swap3A_677 = arith.constant 1072 : index
    %swap3A_678 = tpu.vector_load %arg6[%swap3A_677] {strides = array<i32>} : memref<3328xi32, #tpu.memory_space<vmem>>, vector<16xi32>,
    %swap3A_679 = vector.shape_cast %swap3A_678 : vector<16xi32> to vector<16xi32>
    %swap3A_680 = vector.shape_cast %add3A_676 : vector<16xi32> to vector<16xi32>
    tpu.vector_store %arg6[%swap3A_677], %swap3A_680 {strides = array<i32>} : memref<3328xi32, #tpu.memory_space<vmem>>, vector<16xi32>,
    %get3A_681 = arith.constant 1088 : index
    %get3A_682 = tpu.vector_load %arg6[%get3A_681] {strides = array<i32>} : memref<3328xi32, #tpu.memory_space<vmem>>, vector<16xi32>,
    %get3A_683 = vector.shape_cast %get3A_682 : vector<16xi32> to vector<16xi32>
    %add3A_684 = arith.constant 800000 : i32
    %add3A_685 = vector.broadcast %add3A_684 : i32 to vector<16xi32>
    %add3A_686 = arith.addi %get3A_683, %add3A_685 : vector<16xi32>
    %swap3A_687 = arith.constant 1088 : index
    %swap3A_688 = tpu.vector_load %arg6[%swap3A_687] {strides = array<i32>} : memref<3328xi32, #tpu.memory_space<vmem>>, vector<16xi32>,
    %swap3A_689 = vector.shape_cast %swap3A_688 : vector<16xi32> to vector<16xi32>
    %swap3A_690 = vector.shape_cast %add3A_686 : vector<16xi32> to vector<16xi32>
    tpu.vector_store %arg6[%swap3A_687], %swap3A_690 {strides = array<i32>} : memref<3328xi32, #tpu.memory_space<vmem>>, vector<16xi32>,
    %get3A_691 = arith.constant 1104 : index
    %get3A_692 = tpu.vector_load %arg6[%get3A_691] {strides = array<i32>} : memref<3328xi32, #tpu.memory_space<vmem>>, vector<16xi32>,
    %get3A_693 = vector.shape_cast %get3A_692 : vector<16xi32> to vector<16xi32>
    %add3A_694 = arith.constant 800000 : i32
    %add3A_695 = vector.broadcast %add3A_694 : i32 to vector<16xi32>
    %add3A_696 = arith.addi %get3A_693, %add3A_695 : vector<16xi32>
    %swap3A_697 = arith.constant 1104 : index
    %swap3A_698 = tpu.vector_load %arg6[%swap3A_697] {strides = array<i32>} : memref<3328xi32, #tpu.memory_space<vmem>>, vector<16xi32>,
    %swap3A_699 = vector.shape_cast %swap3A_698 : vector<16xi32> to vector<16xi32>
    %swap3A_700 = vector.shape_cast %add3A_696 : vector<16xi32> to vector<16xi32>
    tpu.vector_store %arg6[%swap3A_697], %swap3A_700 {strides = array<i32>} : memref<3328xi32, #tpu.memory_space<vmem>>, vector<16xi32>,
    %get3A_701 = arith.constant 1120 : index
    %get3A_702 = tpu.vector_load %arg6[%get3A_701] {strides = array<i32>} : memref<3328xi32, #tpu.memory_space<vmem>>, vector<16xi32>,
    %get3A_703 = vector.shape_cast %get3A_702 : vector<16xi32> to vector<16xi32>
    %add3A_704 = arith.constant 800000 : i32
    %add3A_705 = vector.broadcast %add3A_704 : i32 to vector<16xi32>
    %add3A_706 = arith.addi %get3A_703, %add3A_705 : vector<16xi32>
    %swap3A_707 = arith.constant 1120 : index
    %swap3A_708 = tpu.vector_load %arg6[%swap3A_707] {strides = array<i32>} : memref<3328xi32, #tpu.memory_space<vmem>>, vector<16xi32>,
    %swap3A_709 = vector.shape_cast %swap3A_708 : vector<16xi32> to vector<16xi32>
    %swap3A_710 = vector.shape_cast %add3A_706 : vector<16xi32> to vector<16xi32>
    tpu.vector_store %arg6[%swap3A_707], %swap3A_710 {strides = array<i32>} : memref<3328xi32, #tpu.memory_space<vmem>>, vector<16xi32>,
    %get3A_711 = arith.constant 1136 : index
    %get3A_712 = tpu.vector_load %arg6[%get3A_711] {strides = array<i32>} : memref<3328xi32, #tpu.memory_space<vmem>>, vector<16xi32>,
    %get3A_713 = vector.shape_cast %get3A_712 : vector<16xi32> to vector<16xi32>
    %add3A_714 = arith.constant 800000 : i32
    %add3A_715 = vector.broadcast %add3A_714 : i32 to vector<16xi32>
    %add3A_716 = arith.addi %get3A_713, %add3A_715 : vector<16xi32>
    %swap3A_717 = arith.constant 1136 : index
    %swap3A_718 = tpu.vector_load %arg6[%swap3A_717] {strides = array<i32>} : memref<3328xi32, #tpu.memory_space<vmem>>, vector<16xi32>,
    %swap3A_719 = vector.shape_cast %swap3A_718 : vector<16xi32> to vector<16xi32>
    %swap3A_720 = vector.shape_cast %add3A_716 : vector<16xi32> to vector<16xi32>
    tpu.vector_store %arg6[%swap3A_717], %swap3A_720 {strides = array<i32>} : memref<3328xi32, #tpu.memory_space<vmem>>, vector<16xi32>,
    %get3A_721 = arith.constant 1152 : index
    %get3A_722 = tpu.vector_load %arg6[%get3A_721] {strides = array<i32>} : memref<3328xi32, #tpu.memory_space<vmem>>, vector<16xi32>,
    %get3A_723 = vector.shape_cast %get3A_722 : vector<16xi32> to vector<16xi32>
    %add3A_724 = arith.constant 900000 : i32
    %add3A_725 = vector.broadcast %add3A_724 : i32 to vector<16xi32>
    %add3A_726 = arith.addi %get3A_723, %add3A_725 : vector<16xi32>
    %swap3A_727 = arith.constant 1152 : index
    %swap3A_728 = tpu.vector_load %arg6[%swap3A_727] {strides = array<i32>} : memref<3328xi32, #tpu.memory_space<vmem>>, vector<16xi32>,
    %swap3A_729 = vector.shape_cast %swap3A_728 : vector<16xi32> to vector<16xi32>
    %swap3A_730 = vector.shape_cast %add3A_726 : vector<16xi32> to vector<16xi32>
    tpu.vector_store %arg6[%swap3A_727], %swap3A_730 {strides = array<i32>} : memref<3328xi32, #tpu.memory_space<vmem>>, vector<16xi32>,
    %get3A_731 = arith.constant 1168 : index
    %get3A_732 = tpu.vector_load %arg6[%get3A_731] {strides = array<i32>} : memref<3328xi32, #tpu.memory_space<vmem>>, vector<16xi32>,
    %get3A_733 = vector.shape_cast %get3A_732 : vector<16xi32> to vector<16xi32>
    %add3A_734 = arith.constant 900000 : i32
    %add3A_735 = vector.broadcast %add3A_734 : i32 to vector<16xi32>
    %add3A_736 = arith.addi %get3A_733, %add3A_735 : vector<16xi32>
    %swap3A_737 = arith.constant 1168 : index
    %swap3A_738 = tpu.vector_load %arg6[%swap3A_737] {strides = array<i32>} : memref<3328xi32, #tpu.memory_space<vmem>>, vector<16xi32>,
    %swap3A_739 = vector.shape_cast %swap3A_738 : vector<16xi32> to vector<16xi32>
    %swap3A_740 = vector.shape_cast %add3A_736 : vector<16xi32> to vector<16xi32>
    tpu.vector_store %arg6[%swap3A_737], %swap3A_740 {strides = array<i32>} : memref<3328xi32, #tpu.memory_space<vmem>>, vector<16xi32>,
    %get3A_741 = arith.constant 1184 : index
    %get3A_742 = tpu.vector_load %arg6[%get3A_741] {strides = array<i32>} : memref<3328xi32, #tpu.memory_space<vmem>>, vector<16xi32>,
    %get3A_743 = vector.shape_cast %get3A_742 : vector<16xi32> to vector<16xi32>
    %add3A_744 = arith.constant 900000 : i32
    %add3A_745 = vector.broadcast %add3A_744 : i32 to vector<16xi32>
    %add3A_746 = arith.addi %get3A_743, %add3A_745 : vector<16xi32>
    %swap3A_747 = arith.constant 1184 : index
    %swap3A_748 = tpu.vector_load %arg6[%swap3A_747] {strides = array<i32>} : memref<3328xi32, #tpu.memory_space<vmem>>, vector<16xi32>,
    %swap3A_749 = vector.shape_cast %swap3A_748 : vector<16xi32> to vector<16xi32>
    %swap3A_750 = vector.shape_cast %add3A_746 : vector<16xi32> to vector<16xi32>
    tpu.vector_store %arg6[%swap3A_747], %swap3A_750 {strides = array<i32>} : memref<3328xi32, #tpu.memory_space<vmem>>, vector<16xi32>,
    %get3A_751 = arith.constant 1200 : index
    %get3A_752 = tpu.vector_load %arg6[%get3A_751] {strides = array<i32>} : memref<3328xi32, #tpu.memory_space<vmem>>, vector<16xi32>,
    %get3A_753 = vector.shape_cast %get3A_752 : vector<16xi32> to vector<16xi32>
    %add3A_754 = arith.constant 900000 : i32
    %add3A_755 = vector.broadcast %add3A_754 : i32 to vector<16xi32>
    %add3A_756 = arith.addi %get3A_753, %add3A_755 : vector<16xi32>
    %swap3A_757 = arith.constant 1200 : index
    %swap3A_758 = tpu.vector_load %arg6[%swap3A_757] {strides = array<i32>} : memref<3328xi32, #tpu.memory_space<vmem>>, vector<16xi32>,
    %swap3A_759 = vector.shape_cast %swap3A_758 : vector<16xi32> to vector<16xi32>
    %swap3A_760 = vector.shape_cast %add3A_756 : vector<16xi32> to vector<16xi32>
    tpu.vector_store %arg6[%swap3A_757], %swap3A_760 {strides = array<i32>} : memref<3328xi32, #tpu.memory_space<vmem>>, vector<16xi32>,
    %get3A_761 = arith.constant 1216 : index
    %get3A_762 = tpu.vector_load %arg6[%get3A_761] {strides = array<i32>} : memref<3328xi32, #tpu.memory_space<vmem>>, vector<16xi32>,
    %get3A_763 = vector.shape_cast %get3A_762 : vector<16xi32> to vector<16xi32>
    %add3A_764 = arith.constant 900000 : i32
    %add3A_765 = vector.broadcast %add3A_764 : i32 to vector<16xi32>
    %add3A_766 = arith.addi %get3A_763, %add3A_765 : vector<16xi32>
    %swap3A_767 = arith.constant 1216 : index
    %swap3A_768 = tpu.vector_load %arg6[%swap3A_767] {strides = array<i32>} : memref<3328xi32, #tpu.memory_space<vmem>>, vector<16xi32>,
    %swap3A_769 = vector.shape_cast %swap3A_768 : vector<16xi32> to vector<16xi32>
    %swap3A_770 = vector.shape_cast %add3A_766 : vector<16xi32> to vector<16xi32>
    tpu.vector_store %arg6[%swap3A_767], %swap3A_770 {strides = array<i32>} : memref<3328xi32, #tpu.memory_space<vmem>>, vector<16xi32>,
    %get3A_771 = arith.constant 1232 : index
    %get3A_772 = tpu.vector_load %arg6[%get3A_771] {strides = array<i32>} : memref<3328xi32, #tpu.memory_space<vmem>>, vector<16xi32>,
    %get3A_773 = vector.shape_cast %get3A_772 : vector<16xi32> to vector<16xi32>
    %add3A_774 = arith.constant 900000 : i32
    %add3A_775 = vector.broadcast %add3A_774 : i32 to vector<16xi32>
    %add3A_776 = arith.addi %get3A_773, %add3A_775 : vector<16xi32>
    %swap3A_777 = arith.constant 1232 : index
    %swap3A_778 = tpu.vector_load %arg6[%swap3A_777] {strides = array<i32>} : memref<3328xi32, #tpu.memory_space<vmem>>, vector<16xi32>,
    %swap3A_779 = vector.shape_cast %swap3A_778 : vector<16xi32> to vector<16xi32>
    %swap3A_780 = vector.shape_cast %add3A_776 : vector<16xi32> to vector<16xi32>
    tpu.vector_store %arg6[%swap3A_777], %swap3A_780 {strides = array<i32>} : memref<3328xi32, #tpu.memory_space<vmem>>, vector<16xi32>,
    %get3A_781 = arith.constant 1248 : index
    %get3A_782 = tpu.vector_load %arg6[%get3A_781] {strides = array<i32>} : memref<3328xi32, #tpu.memory_space<vmem>>, vector<16xi32>,
    %get3A_783 = vector.shape_cast %get3A_782 : vector<16xi32> to vector<16xi32>
    %add3A_784 = arith.constant 900000 : i32
    %add3A_785 = vector.broadcast %add3A_784 : i32 to vector<16xi32>
    %add3A_786 = arith.addi %get3A_783, %add3A_785 : vector<16xi32>
    %swap3A_787 = arith.constant 1248 : index
    %swap3A_788 = tpu.vector_load %arg6[%swap3A_787] {strides = array<i32>} : memref<3328xi32, #tpu.memory_space<vmem>>, vector<16xi32>,
    %swap3A_789 = vector.shape_cast %swap3A_788 : vector<16xi32> to vector<16xi32>
    %swap3A_790 = vector.shape_cast %add3A_786 : vector<16xi32> to vector<16xi32>
    tpu.vector_store %arg6[%swap3A_787], %swap3A_790 {strides = array<i32>} : memref<3328xi32, #tpu.memory_space<vmem>>, vector<16xi32>,
    %get3A_791 = arith.constant 1264 : index
    %get3A_792 = tpu.vector_load %arg6[%get3A_791] {strides = array<i32>} : memref<3328xi32, #tpu.memory_space<vmem>>, vector<16xi32>,
    %get3A_793 = vector.shape_cast %get3A_792 : vector<16xi32> to vector<16xi32>
    %add3A_794 = arith.constant 900000 : i32
    %add3A_795 = vector.broadcast %add3A_794 : i32 to vector<16xi32>
    %add3A_796 = arith.addi %get3A_793, %add3A_795 : vector<16xi32>
    %swap3A_797 = arith.constant 1264 : index
    %swap3A_798 = tpu.vector_load %arg6[%swap3A_797] {strides = array<i32>} : memref<3328xi32, #tpu.memory_space<vmem>>, vector<16xi32>,
    %swap3A_799 = vector.shape_cast %swap3A_798 : vector<16xi32> to vector<16xi32>
    %swap3A_800 = vector.shape_cast %add3A_796 : vector<16xi32> to vector<16xi32>
    tpu.vector_store %arg6[%swap3A_797], %swap3A_800 {strides = array<i32>} : memref<3328xi32, #tpu.memory_space<vmem>>, vector<16xi32>,
    %get3A_801 = arith.constant 1280 : index
    %get3A_802 = tpu.vector_load %arg6[%get3A_801] {strides = array<i32>} : memref<3328xi32, #tpu.memory_space<vmem>>, vector<16xi32>,
    %get3A_803 = vector.shape_cast %get3A_802 : vector<16xi32> to vector<16xi32>
    %add3A_804 = arith.constant 1000000 : i32
    %add3A_805 = vector.broadcast %add3A_804 : i32 to vector<16xi32>
    %add3A_806 = arith.addi %get3A_803, %add3A_805 : vector<16xi32>
    %swap3A_807 = arith.constant 1280 : index
    %swap3A_808 = tpu.vector_load %arg6[%swap3A_807] {strides = array<i32>} : memref<3328xi32, #tpu.memory_space<vmem>>, vector<16xi32>,
    %swap3A_809 = vector.shape_cast %swap3A_808 : vector<16xi32> to vector<16xi32>
    %swap3A_810 = vector.shape_cast %add3A_806 : vector<16xi32> to vector<16xi32>
    tpu.vector_store %arg6[%swap3A_807], %swap3A_810 {strides = array<i32>} : memref<3328xi32, #tpu.memory_space<vmem>>, vector<16xi32>,
    %get3A_811 = arith.constant 1296 : index
    %get3A_812 = tpu.vector_load %arg6[%get3A_811] {strides = array<i32>} : memref<3328xi32, #tpu.memory_space<vmem>>, vector<16xi32>,
    %get3A_813 = vector.shape_cast %get3A_812 : vector<16xi32> to vector<16xi32>
    %add3A_814 = arith.constant 1000000 : i32
    %add3A_815 = vector.broadcast %add3A_814 : i32 to vector<16xi32>
    %add3A_816 = arith.addi %get3A_813, %add3A_815 : vector<16xi32>
    %swap3A_817 = arith.constant 1296 : index
    %swap3A_818 = tpu.vector_load %arg6[%swap3A_817] {strides = array<i32>} : memref<3328xi32, #tpu.memory_space<vmem>>, vector<16xi32>,
    %swap3A_819 = vector.shape_cast %swap3A_818 : vector<16xi32> to vector<16xi32>
    %swap3A_820 = vector.shape_cast %add3A_816 : vector<16xi32> to vector<16xi32>
    tpu.vector_store %arg6[%swap3A_817], %swap3A_820 {strides = array<i32>} : memref<3328xi32, #tpu.memory_space<vmem>>, vector<16xi32>,
    %get3A_821 = arith.constant 1312 : index
    %get3A_822 = tpu.vector_load %arg6[%get3A_821] {strides = array<i32>} : memref<3328xi32, #tpu.memory_space<vmem>>, vector<16xi32>,
    %get3A_823 = vector.shape_cast %get3A_822 : vector<16xi32> to vector<16xi32>
    %add3A_824 = arith.constant 1000000 : i32
    %add3A_825 = vector.broadcast %add3A_824 : i32 to vector<16xi32>
    %add3A_826 = arith.addi %get3A_823, %add3A_825 : vector<16xi32>
    %swap3A_827 = arith.constant 1312 : index
    %swap3A_828 = tpu.vector_load %arg6[%swap3A_827] {strides = array<i32>} : memref<3328xi32, #tpu.memory_space<vmem>>, vector<16xi32>,
    %swap3A_829 = vector.shape_cast %swap3A_828 : vector<16xi32> to vector<16xi32>
    %swap3A_830 = vector.shape_cast %add3A_826 : vector<16xi32> to vector<16xi32>
    tpu.vector_store %arg6[%swap3A_827], %swap3A_830 {strides = array<i32>} : memref<3328xi32, #tpu.memory_space<vmem>>, vector<16xi32>,
    %get3A_831 = arith.constant 1328 : index
    %get3A_832 = tpu.vector_load %arg6[%get3A_831] {strides = array<i32>} : memref<3328xi32, #tpu.memory_space<vmem>>, vector<16xi32>,
    %get3A_833 = vector.shape_cast %get3A_832 : vector<16xi32> to vector<16xi32>
    %add3A_834 = arith.constant 1000000 : i32
    %add3A_835 = vector.broadcast %add3A_834 : i32 to vector<16xi32>
    %add3A_836 = arith.addi %get3A_833, %add3A_835 : vector<16xi32>
    %swap3A_837 = arith.constant 1328 : index
    %swap3A_838 = tpu.vector_load %arg6[%swap3A_837] {strides = array<i32>} : memref<3328xi32, #tpu.memory_space<vmem>>, vector<16xi32>,
    %swap3A_839 = vector.shape_cast %swap3A_838 : vector<16xi32> to vector<16xi32>
    %swap3A_840 = vector.shape_cast %add3A_836 : vector<16xi32> to vector<16xi32>
    tpu.vector_store %arg6[%swap3A_837], %swap3A_840 {strides = array<i32>} : memref<3328xi32, #tpu.memory_space<vmem>>, vector<16xi32>,
    %get3A_841 = arith.constant 1344 : index
    %get3A_842 = tpu.vector_load %arg6[%get3A_841] {strides = array<i32>} : memref<3328xi32, #tpu.memory_space<vmem>>, vector<16xi32>,
    %get3A_843 = vector.shape_cast %get3A_842 : vector<16xi32> to vector<16xi32>
    %add3A_844 = arith.constant 1000000 : i32
    %add3A_845 = vector.broadcast %add3A_844 : i32 to vector<16xi32>
    %add3A_846 = arith.addi %get3A_843, %add3A_845 : vector<16xi32>
    %swap3A_847 = arith.constant 1344 : index
    %swap3A_848 = tpu.vector_load %arg6[%swap3A_847] {strides = array<i32>} : memref<3328xi32, #tpu.memory_space<vmem>>, vector<16xi32>,
    %swap3A_849 = vector.shape_cast %swap3A_848 : vector<16xi32> to vector<16xi32>
    %swap3A_850 = vector.shape_cast %add3A_846 : vector<16xi32> to vector<16xi32>
    tpu.vector_store %arg6[%swap3A_847], %swap3A_850 {strides = array<i32>} : memref<3328xi32, #tpu.memory_space<vmem>>, vector<16xi32>,
    %get3A_851 = arith.constant 1360 : index
    %get3A_852 = tpu.vector_load %arg6[%get3A_851] {strides = array<i32>} : memref<3328xi32, #tpu.memory_space<vmem>>, vector<16xi32>,
    %get3A_853 = vector.shape_cast %get3A_852 : vector<16xi32> to vector<16xi32>
    %add3A_854 = arith.constant 1000000 : i32
    %add3A_855 = vector.broadcast %add3A_854 : i32 to vector<16xi32>
    %add3A_856 = arith.addi %get3A_853, %add3A_855 : vector<16xi32>
    %swap3A_857 = arith.constant 1360 : index
    %swap3A_858 = tpu.vector_load %arg6[%swap3A_857] {strides = array<i32>} : memref<3328xi32, #tpu.memory_space<vmem>>, vector<16xi32>,
    %swap3A_859 = vector.shape_cast %swap3A_858 : vector<16xi32> to vector<16xi32>
    %swap3A_860 = vector.shape_cast %add3A_856 : vector<16xi32> to vector<16xi32>
    tpu.vector_store %arg6[%swap3A_857], %swap3A_860 {strides = array<i32>} : memref<3328xi32, #tpu.memory_space<vmem>>, vector<16xi32>,
    %get3A_861 = arith.constant 1376 : index
    %get3A_862 = tpu.vector_load %arg6[%get3A_861] {strides = array<i32>} : memref<3328xi32, #tpu.memory_space<vmem>>, vector<16xi32>,
    %get3A_863 = vector.shape_cast %get3A_862 : vector<16xi32> to vector<16xi32>
    %add3A_864 = arith.constant 1000000 : i32
    %add3A_865 = vector.broadcast %add3A_864 : i32 to vector<16xi32>
    %add3A_866 = arith.addi %get3A_863, %add3A_865 : vector<16xi32>
    %swap3A_867 = arith.constant 1376 : index
    %swap3A_868 = tpu.vector_load %arg6[%swap3A_867] {strides = array<i32>} : memref<3328xi32, #tpu.memory_space<vmem>>, vector<16xi32>,
    %swap3A_869 = vector.shape_cast %swap3A_868 : vector<16xi32> to vector<16xi32>
    %swap3A_870 = vector.shape_cast %add3A_866 : vector<16xi32> to vector<16xi32>
    tpu.vector_store %arg6[%swap3A_867], %swap3A_870 {strides = array<i32>} : memref<3328xi32, #tpu.memory_space<vmem>>, vector<16xi32>,
    %get3A_871 = arith.constant 1392 : index
    %get3A_872 = tpu.vector_load %arg6[%get3A_871] {strides = array<i32>} : memref<3328xi32, #tpu.memory_space<vmem>>, vector<16xi32>,
    %get3A_873 = vector.shape_cast %get3A_872 : vector<16xi32> to vector<16xi32>
    %add3A_874 = arith.constant 1000000 : i32
    %add3A_875 = vector.broadcast %add3A_874 : i32 to vector<16xi32>
    %add3A_876 = arith.addi %get3A_873, %add3A_875 : vector<16xi32>
    %swap3A_877 = arith.constant 1392 : index
    %swap3A_878 = tpu.vector_load %arg6[%swap3A_877] {strides = array<i32>} : memref<3328xi32, #tpu.memory_space<vmem>>, vector<16xi32>,
    %swap3A_879 = vector.shape_cast %swap3A_878 : vector<16xi32> to vector<16xi32>
    %swap3A_880 = vector.shape_cast %add3A_876 : vector<16xi32> to vector<16xi32>
    tpu.vector_store %arg6[%swap3A_877], %swap3A_880 {strides = array<i32>} : memref<3328xi32, #tpu.memory_space<vmem>>, vector<16xi32>,
    %get3A_881 = arith.constant 1408 : index
    %get3A_882 = tpu.vector_load %arg6[%get3A_881] {strides = array<i32>} : memref<3328xi32, #tpu.memory_space<vmem>>, vector<16xi32>,
    %get3A_883 = vector.shape_cast %get3A_882 : vector<16xi32> to vector<16xi32>
    %add3A_884 = arith.constant 1100000 : i32
    %add3A_885 = vector.broadcast %add3A_884 : i32 to vector<16xi32>
    %add3A_886 = arith.addi %get3A_883, %add3A_885 : vector<16xi32>
    %swap3A_887 = arith.constant 1408 : index
    %swap3A_888 = tpu.vector_load %arg6[%swap3A_887] {strides = array<i32>} : memref<3328xi32, #tpu.memory_space<vmem>>, vector<16xi32>,
    %swap3A_889 = vector.shape_cast %swap3A_888 : vector<16xi32> to vector<16xi32>
    %swap3A_890 = vector.shape_cast %add3A_886 : vector<16xi32> to vector<16xi32>
    tpu.vector_store %arg6[%swap3A_887], %swap3A_890 {strides = array<i32>} : memref<3328xi32, #tpu.memory_space<vmem>>, vector<16xi32>,
    %get3A_891 = arith.constant 1424 : index
    %get3A_892 = tpu.vector_load %arg6[%get3A_891] {strides = array<i32>} : memref<3328xi32, #tpu.memory_space<vmem>>, vector<16xi32>,
    %get3A_893 = vector.shape_cast %get3A_892 : vector<16xi32> to vector<16xi32>
    %add3A_894 = arith.constant 1100000 : i32
    %add3A_895 = vector.broadcast %add3A_894 : i32 to vector<16xi32>
    %add3A_896 = arith.addi %get3A_893, %add3A_895 : vector<16xi32>
    %swap3A_897 = arith.constant 1424 : index
    %swap3A_898 = tpu.vector_load %arg6[%swap3A_897] {strides = array<i32>} : memref<3328xi32, #tpu.memory_space<vmem>>, vector<16xi32>,
    %swap3A_899 = vector.shape_cast %swap3A_898 : vector<16xi32> to vector<16xi32>
    %swap3A_900 = vector.shape_cast %add3A_896 : vector<16xi32> to vector<16xi32>
    tpu.vector_store %arg6[%swap3A_897], %swap3A_900 {strides = array<i32>} : memref<3328xi32, #tpu.memory_space<vmem>>, vector<16xi32>,
    %get3A_901 = arith.constant 1440 : index
    %get3A_902 = tpu.vector_load %arg6[%get3A_901] {strides = array<i32>} : memref<3328xi32, #tpu.memory_space<vmem>>, vector<16xi32>,
    %get3A_903 = vector.shape_cast %get3A_902 : vector<16xi32> to vector<16xi32>
    %add3A_904 = arith.constant 1100000 : i32
    %add3A_905 = vector.broadcast %add3A_904 : i32 to vector<16xi32>
    %add3A_906 = arith.addi %get3A_903, %add3A_905 : vector<16xi32>
    %swap3A_907 = arith.constant 1440 : index
    %swap3A_908 = tpu.vector_load %arg6[%swap3A_907] {strides = array<i32>} : memref<3328xi32, #tpu.memory_space<vmem>>, vector<16xi32>,
    %swap3A_909 = vector.shape_cast %swap3A_908 : vector<16xi32> to vector<16xi32>
    %swap3A_910 = vector.shape_cast %add3A_906 : vector<16xi32> to vector<16xi32>
    tpu.vector_store %arg6[%swap3A_907], %swap3A_910 {strides = array<i32>} : memref<3328xi32, #tpu.memory_space<vmem>>, vector<16xi32>,
    %get3A_911 = arith.constant 1456 : index
    %get3A_912 = tpu.vector_load %arg6[%get3A_911] {strides = array<i32>} : memref<3328xi32, #tpu.memory_space<vmem>>, vector<16xi32>,
    %get3A_913 = vector.shape_cast %get3A_912 : vector<16xi32> to vector<16xi32>
    %add3A_914 = arith.constant 1100000 : i32
    %add3A_915 = vector.broadcast %add3A_914 : i32 to vector<16xi32>
    %add3A_916 = arith.addi %get3A_913, %add3A_915 : vector<16xi32>
    %swap3A_917 = arith.constant 1456 : index
    %swap3A_918 = tpu.vector_load %arg6[%swap3A_917] {strides = array<i32>} : memref<3328xi32, #tpu.memory_space<vmem>>, vector<16xi32>,
    %swap3A_919 = vector.shape_cast %swap3A_918 : vector<16xi32> to vector<16xi32>
    %swap3A_920 = vector.shape_cast %add3A_916 : vector<16xi32> to vector<16xi32>
    tpu.vector_store %arg6[%swap3A_917], %swap3A_920 {strides = array<i32>} : memref<3328xi32, #tpu.memory_space<vmem>>, vector<16xi32>,
    %get3A_921 = arith.constant 1472 : index
    %get3A_922 = tpu.vector_load %arg6[%get3A_921] {strides = array<i32>} : memref<3328xi32, #tpu.memory_space<vmem>>, vector<16xi32>,
    %get3A_923 = vector.shape_cast %get3A_922 : vector<16xi32> to vector<16xi32>
    %add3A_924 = arith.constant 1100000 : i32
    %add3A_925 = vector.broadcast %add3A_924 : i32 to vector<16xi32>
    %add3A_926 = arith.addi %get3A_923, %add3A_925 : vector<16xi32>
    %swap3A_927 = arith.constant 1472 : index
    %swap3A_928 = tpu.vector_load %arg6[%swap3A_927] {strides = array<i32>} : memref<3328xi32, #tpu.memory_space<vmem>>, vector<16xi32>,
    %swap3A_929 = vector.shape_cast %swap3A_928 : vector<16xi32> to vector<16xi32>
    %swap3A_930 = vector.shape_cast %add3A_926 : vector<16xi32> to vector<16xi32>
    tpu.vector_store %arg6[%swap3A_927], %swap3A_930 {strides = array<i32>} : memref<3328xi32, #tpu.memory_space<vmem>>, vector<16xi32>,
    %get3A_931 = arith.constant 1488 : index
    %get3A_932 = tpu.vector_load %arg6[%get3A_931] {strides = array<i32>} : memref<3328xi32, #tpu.memory_space<vmem>>, vector<16xi32>,
    %get3A_933 = vector.shape_cast %get3A_932 : vector<16xi32> to vector<16xi32>
    %add3A_934 = arith.constant 1100000 : i32
    %add3A_935 = vector.broadcast %add3A_934 : i32 to vector<16xi32>
    %add3A_936 = arith.addi %get3A_933, %add3A_935 : vector<16xi32>
    %swap3A_937 = arith.constant 1488 : index
    %swap3A_938 = tpu.vector_load %arg6[%swap3A_937] {strides = array<i32>} : memref<3328xi32, #tpu.memory_space<vmem>>, vector<16xi32>,
    %swap3A_939 = vector.shape_cast %swap3A_938 : vector<16xi32> to vector<16xi32>
    %swap3A_940 = vector.shape_cast %add3A_936 : vector<16xi32> to vector<16xi32>
    tpu.vector_store %arg6[%swap3A_937], %swap3A_940 {strides = array<i32>} : memref<3328xi32, #tpu.memory_space<vmem>>, vector<16xi32>,
    %get3A_941 = arith.constant 1504 : index
    %get3A_942 = tpu.vector_load %arg6[%get3A_941] {strides = array<i32>} : memref<3328xi32, #tpu.memory_space<vmem>>, vector<16xi32>,
    %get3A_943 = vector.shape_cast %get3A_942 : vector<16xi32> to vector<16xi32>
    %add3A_944 = arith.constant 1100000 : i32
    %add3A_945 = vector.broadcast %add3A_944 : i32 to vector<16xi32>
    %add3A_946 = arith.addi %get3A_943, %add3A_945 : vector<16xi32>
    %swap3A_947 = arith.constant 1504 : index
    %swap3A_948 = tpu.vector_load %arg6[%swap3A_947] {strides = array<i32>} : memref<3328xi32, #tpu.memory_space<vmem>>, vector<16xi32>,
    %swap3A_949 = vector.shape_cast %swap3A_948 : vector<16xi32> to vector<16xi32>
    %swap3A_950 = vector.shape_cast %add3A_946 : vector<16xi32> to vector<16xi32>
    tpu.vector_store %arg6[%swap3A_947], %swap3A_950 {strides = array<i32>} : memref<3328xi32, #tpu.memory_space<vmem>>, vector<16xi32>,
    %get3A_951 = arith.constant 1520 : index
    %get3A_952 = tpu.vector_load %arg6[%get3A_951] {strides = array<i32>} : memref<3328xi32, #tpu.memory_space<vmem>>, vector<16xi32>,
    %get3A_953 = vector.shape_cast %get3A_952 : vector<16xi32> to vector<16xi32>
    %add3A_954 = arith.constant 1100000 : i32
    %add3A_955 = vector.broadcast %add3A_954 : i32 to vector<16xi32>
    %add3A_956 = arith.addi %get3A_953, %add3A_955 : vector<16xi32>
    %swap3A_957 = arith.constant 1520 : index
    %swap3A_958 = tpu.vector_load %arg6[%swap3A_957] {strides = array<i32>} : memref<3328xi32, #tpu.memory_space<vmem>>, vector<16xi32>,
    %swap3A_959 = vector.shape_cast %swap3A_958 : vector<16xi32> to vector<16xi32>
    %swap3A_960 = vector.shape_cast %add3A_956 : vector<16xi32> to vector<16xi32>
    tpu.vector_store %arg6[%swap3A_957], %swap3A_960 {strides = array<i32>} : memref<3328xi32, #tpu.memory_space<vmem>>, vector<16xi32>,
    %get3A_961 = arith.constant 1536 : index
    %get3A_962 = tpu.vector_load %arg6[%get3A_961] {strides = array<i32>} : memref<3328xi32, #tpu.memory_space<vmem>>, vector<16xi32>,
    %get3A_963 = vector.shape_cast %get3A_962 : vector<16xi32> to vector<16xi32>
    %add3A_964 = arith.constant 1200000 : i32
    %add3A_965 = vector.broadcast %add3A_964 : i32 to vector<16xi32>
    %add3A_966 = arith.addi %get3A_963, %add3A_965 : vector<16xi32>
    %swap3A_967 = arith.constant 1536 : index
    %swap3A_968 = tpu.vector_load %arg6[%swap3A_967] {strides = array<i32>} : memref<3328xi32, #tpu.memory_space<vmem>>, vector<16xi32>,
    %swap3A_969 = vector.shape_cast %swap3A_968 : vector<16xi32> to vector<16xi32>
    %swap3A_970 = vector.shape_cast %add3A_966 : vector<16xi32> to vector<16xi32>
    tpu.vector_store %arg6[%swap3A_967], %swap3A_970 {strides = array<i32>} : memref<3328xi32, #tpu.memory_space<vmem>>, vector<16xi32>,
    %get3A_971 = arith.constant 1552 : index
    %get3A_972 = tpu.vector_load %arg6[%get3A_971] {strides = array<i32>} : memref<3328xi32, #tpu.memory_space<vmem>>, vector<16xi32>,
    %get3A_973 = vector.shape_cast %get3A_972 : vector<16xi32> to vector<16xi32>
    %add3A_974 = arith.constant 1200000 : i32
    %add3A_975 = vector.broadcast %add3A_974 : i32 to vector<16xi32>
    %add3A_976 = arith.addi %get3A_973, %add3A_975 : vector<16xi32>
    %swap3A_977 = arith.constant 1552 : index
    %swap3A_978 = tpu.vector_load %arg6[%swap3A_977] {strides = array<i32>} : memref<3328xi32, #tpu.memory_space<vmem>>, vector<16xi32>,
    %swap3A_979 = vector.shape_cast %swap3A_978 : vector<16xi32> to vector<16xi32>
    %swap3A_980 = vector.shape_cast %add3A_976 : vector<16xi32> to vector<16xi32>
    tpu.vector_store %arg6[%swap3A_977], %swap3A_980 {strides = array<i32>} : memref<3328xi32, #tpu.memory_space<vmem>>, vector<16xi32>,
    %get3A_981 = arith.constant 1568 : index
    %get3A_982 = tpu.vector_load %arg6[%get3A_981] {strides = array<i32>} : memref<3328xi32, #tpu.memory_space<vmem>>, vector<16xi32>,
    %get3A_983 = vector.shape_cast %get3A_982 : vector<16xi32> to vector<16xi32>
    %add3A_984 = arith.constant 1200000 : i32
    %add3A_985 = vector.broadcast %add3A_984 : i32 to vector<16xi32>
    %add3A_986 = arith.addi %get3A_983, %add3A_985 : vector<16xi32>
    %swap3A_987 = arith.constant 1568 : index
    %swap3A_988 = tpu.vector_load %arg6[%swap3A_987] {strides = array<i32>} : memref<3328xi32, #tpu.memory_space<vmem>>, vector<16xi32>,
    %swap3A_989 = vector.shape_cast %swap3A_988 : vector<16xi32> to vector<16xi32>
    %swap3A_990 = vector.shape_cast %add3A_986 : vector<16xi32> to vector<16xi32>
    tpu.vector_store %arg6[%swap3A_987], %swap3A_990 {strides = array<i32>} : memref<3328xi32, #tpu.memory_space<vmem>>, vector<16xi32>,
    %get3A_991 = arith.constant 1584 : index
    %get3A_992 = tpu.vector_load %arg6[%get3A_991] {strides = array<i32>} : memref<3328xi32, #tpu.memory_space<vmem>>, vector<16xi32>,
    %get3A_993 = vector.shape_cast %get3A_992 : vector<16xi32> to vector<16xi32>
    %add3A_994 = arith.constant 1200000 : i32
    %add3A_995 = vector.broadcast %add3A_994 : i32 to vector<16xi32>
    %add3A_996 = arith.addi %get3A_993, %add3A_995 : vector<16xi32>
    %swap3A_997 = arith.constant 1584 : index
    %swap3A_998 = tpu.vector_load %arg6[%swap3A_997] {strides = array<i32>} : memref<3328xi32, #tpu.memory_space<vmem>>, vector<16xi32>,
    %swap3A_999 = vector.shape_cast %swap3A_998 : vector<16xi32> to vector<16xi32>
    %swap3A_1000 = vector.shape_cast %add3A_996 : vector<16xi32> to vector<16xi32>
    tpu.vector_store %arg6[%swap3A_997], %swap3A_1000 {strides = array<i32>} : memref<3328xi32, #tpu.memory_space<vmem>>, vector<16xi32>,
    %get3A_1001 = arith.constant 1600 : index
    %get3A_1002 = tpu.vector_load %arg6[%get3A_1001] {strides = array<i32>} : memref<3328xi32, #tpu.memory_space<vmem>>, vector<16xi32>,
    %get3A_1003 = vector.shape_cast %get3A_1002 : vector<16xi32> to vector<16xi32>
    %add3A_1004 = arith.constant 1200000 : i32
    %add3A_1005 = vector.broadcast %add3A_1004 : i32 to vector<16xi32>
    %add3A_1006 = arith.addi %get3A_1003, %add3A_1005 : vector<16xi32>
    %swap3A_1007 = arith.constant 1600 : index
    %swap3A_1008 = tpu.vector_load %arg6[%swap3A_1007] {strides = array<i32>} : memref<3328xi32, #tpu.memory_space<vmem>>, vector<16xi32>,
    %swap3A_1009 = vector.shape_cast %swap3A_1008 : vector<16xi32> to vector<16xi32>
    %swap3A_1010 = vector.shape_cast %add3A_1006 : vector<16xi32> to vector<16xi32>
    tpu.vector_store %arg6[%swap3A_1007], %swap3A_1010 {strides = array<i32>} : memref<3328xi32, #tpu.memory_space<vmem>>, vector<16xi32>,
    %get3A_1011 = arith.constant 1616 : index
    %get3A_1012 = tpu.vector_load %arg6[%get3A_1011] {strides = array<i32>} : memref<3328xi32, #tpu.memory_space<vmem>>, vector<16xi32>,
    %get3A_1013 = vector.shape_cast %get3A_1012 : vector<16xi32> to vector<16xi32>
    %add3A_1014 = arith.constant 1200000 : i32
    %add3A_1015 = vector.broadcast %add3A_1014 : i32 to vector<16xi32>
    %add3A_1016 = arith.addi %get3A_1013, %add3A_1015 : vector<16xi32>
    %swap3A_1017 = arith.constant 1616 : index
    %swap3A_1018 = tpu.vector_load %arg6[%swap3A_1017] {strides = array<i32>} : memref<3328xi32, #tpu.memory_space<vmem>>, vector<16xi32>,
    %swap3A_1019 = vector.shape_cast %swap3A_1018 : vector<16xi32> to vector<16xi32>
    %swap3A_1020 = vector.shape_cast %add3A_1016 : vector<16xi32> to vector<16xi32>
    tpu.vector_store %arg6[%swap3A_1017], %swap3A_1020 {strides = array<i32>} : memref<3328xi32, #tpu.memory_space<vmem>>, vector<16xi32>,
    %get3A_1021 = arith.constant 1632 : index
    %get3A_1022 = tpu.vector_load %arg6[%get3A_1021] {strides = array<i32>} : memref<3328xi32, #tpu.memory_space<vmem>>, vector<16xi32>,
    %get3A_1023 = vector.shape_cast %get3A_1022 : vector<16xi32> to vector<16xi32>
    %add3A_1024 = arith.constant 1200000 : i32
    %add3A_1025 = vector.broadcast %add3A_1024 : i32 to vector<16xi32>
    %add3A_1026 = arith.addi %get3A_1023, %add3A_1025 : vector<16xi32>
    %swap3A_1027 = arith.constant 1632 : index
    %swap3A_1028 = tpu.vector_load %arg6[%swap3A_1027] {strides = array<i32>} : memref<3328xi32, #tpu.memory_space<vmem>>, vector<16xi32>,
    %swap3A_1029 = vector.shape_cast %swap3A_1028 : vector<16xi32> to vector<16xi32>
    %swap3A_1030 = vector.shape_cast %add3A_1026 : vector<16xi32> to vector<16xi32>
    tpu.vector_store %arg6[%swap3A_1027], %swap3A_1030 {strides = array<i32>} : memref<3328xi32, #tpu.memory_space<vmem>>, vector<16xi32>,
    %get3A_1031 = arith.constant 1648 : index
    %get3A_1032 = tpu.vector_load %arg6[%get3A_1031] {strides = array<i32>} : memref<3328xi32, #tpu.memory_space<vmem>>, vector<16xi32>,
    %get3A_1033 = vector.shape_cast %get3A_1032 : vector<16xi32> to vector<16xi32>
    %add3A_1034 = arith.constant 1200000 : i32
    %add3A_1035 = vector.broadcast %add3A_1034 : i32 to vector<16xi32>
    %add3A_1036 = arith.addi %get3A_1033, %add3A_1035 : vector<16xi32>
    %swap3A_1037 = arith.constant 1648 : index
    %swap3A_1038 = tpu.vector_load %arg6[%swap3A_1037] {strides = array<i32>} : memref<3328xi32, #tpu.memory_space<vmem>>, vector<16xi32>,
    %swap3A_1039 = vector.shape_cast %swap3A_1038 : vector<16xi32> to vector<16xi32>
    %swap3A_1040 = vector.shape_cast %add3A_1036 : vector<16xi32> to vector<16xi32>
    tpu.vector_store %arg6[%swap3A_1037], %swap3A_1040 {strides = array<i32>} : memref<3328xi32, #tpu.memory_space<vmem>>, vector<16xi32>,
    %get3A_1041 = arith.constant 1664 : index
    %get3A_1042 = tpu.vector_load %arg6[%get3A_1041] {strides = array<i32>} : memref<3328xi32, #tpu.memory_space<vmem>>, vector<16xi32>,
    %get3A_1043 = vector.shape_cast %get3A_1042 : vector<16xi32> to vector<16xi32>
    %add3A_1044 = arith.constant 1300000 : i32
    %add3A_1045 = vector.broadcast %add3A_1044 : i32 to vector<16xi32>
    %add3A_1046 = arith.addi %get3A_1043, %add3A_1045 : vector<16xi32>
    %swap3A_1047 = arith.constant 1664 : index
    %swap3A_1048 = tpu.vector_load %arg6[%swap3A_1047] {strides = array<i32>} : memref<3328xi32, #tpu.memory_space<vmem>>, vector<16xi32>,
    %swap3A_1049 = vector.shape_cast %swap3A_1048 : vector<16xi32> to vector<16xi32>
    %swap3A_1050 = vector.shape_cast %add3A_1046 : vector<16xi32> to vector<16xi32>
    tpu.vector_store %arg6[%swap3A_1047], %swap3A_1050 {strides = array<i32>} : memref<3328xi32, #tpu.memory_space<vmem>>, vector<16xi32>,
    %get3A_1051 = arith.constant 1680 : index
    %get3A_1052 = tpu.vector_load %arg6[%get3A_1051] {strides = array<i32>} : memref<3328xi32, #tpu.memory_space<vmem>>, vector<16xi32>,
    %get3A_1053 = vector.shape_cast %get3A_1052 : vector<16xi32> to vector<16xi32>
    %add3A_1054 = arith.constant 1300000 : i32
    %add3A_1055 = vector.broadcast %add3A_1054 : i32 to vector<16xi32>
    %add3A_1056 = arith.addi %get3A_1053, %add3A_1055 : vector<16xi32>
    %swap3A_1057 = arith.constant 1680 : index
    %swap3A_1058 = tpu.vector_load %arg6[%swap3A_1057] {strides = array<i32>} : memref<3328xi32, #tpu.memory_space<vmem>>, vector<16xi32>,
    %swap3A_1059 = vector.shape_cast %swap3A_1058 : vector<16xi32> to vector<16xi32>
    %swap3A_1060 = vector.shape_cast %add3A_1056 : vector<16xi32> to vector<16xi32>
    tpu.vector_store %arg6[%swap3A_1057], %swap3A_1060 {strides = array<i32>} : memref<3328xi32, #tpu.memory_space<vmem>>, vector<16xi32>,
    %get3A_1061 = arith.constant 1696 : index
    %get3A_1062 = tpu.vector_load %arg6[%get3A_1061] {strides = array<i32>} : memref<3328xi32, #tpu.memory_space<vmem>>, vector<16xi32>,
    %get3A_1063 = vector.shape_cast %get3A_1062 : vector<16xi32> to vector<16xi32>
    %add3A_1064 = arith.constant 1300000 : i32
    %add3A_1065 = vector.broadcast %add3A_1064 : i32 to vector<16xi32>
    %add3A_1066 = arith.addi %get3A_1063, %add3A_1065 : vector<16xi32>
    %swap3A_1067 = arith.constant 1696 : index
    %swap3A_1068 = tpu.vector_load %arg6[%swap3A_1067] {strides = array<i32>} : memref<3328xi32, #tpu.memory_space<vmem>>, vector<16xi32>,
    %swap3A_1069 = vector.shape_cast %swap3A_1068 : vector<16xi32> to vector<16xi32>
    %swap3A_1070 = vector.shape_cast %add3A_1066 : vector<16xi32> to vector<16xi32>
    tpu.vector_store %arg6[%swap3A_1067], %swap3A_1070 {strides = array<i32>} : memref<3328xi32, #tpu.memory_space<vmem>>, vector<16xi32>,
    %get3A_1071 = arith.constant 1712 : index
    %get3A_1072 = tpu.vector_load %arg6[%get3A_1071] {strides = array<i32>} : memref<3328xi32, #tpu.memory_space<vmem>>, vector<16xi32>,
    %get3A_1073 = vector.shape_cast %get3A_1072 : vector<16xi32> to vector<16xi32>
    %add3A_1074 = arith.constant 1300000 : i32
    %add3A_1075 = vector.broadcast %add3A_1074 : i32 to vector<16xi32>
    %add3A_1076 = arith.addi %get3A_1073, %add3A_1075 : vector<16xi32>
    %swap3A_1077 = arith.constant 1712 : index
    %swap3A_1078 = tpu.vector_load %arg6[%swap3A_1077] {strides = array<i32>} : memref<3328xi32, #tpu.memory_space<vmem>>, vector<16xi32>,
    %swap3A_1079 = vector.shape_cast %swap3A_1078 : vector<16xi32> to vector<16xi32>
    %swap3A_1080 = vector.shape_cast %add3A_1076 : vector<16xi32> to vector<16xi32>
    tpu.vector_store %arg6[%swap3A_1077], %swap3A_1080 {strides = array<i32>} : memref<3328xi32, #tpu.memory_space<vmem>>, vector<16xi32>,
    %get3A_1081 = arith.constant 1728 : index
    %get3A_1082 = tpu.vector_load %arg6[%get3A_1081] {strides = array<i32>} : memref<3328xi32, #tpu.memory_space<vmem>>, vector<16xi32>,
    %get3A_1083 = vector.shape_cast %get3A_1082 : vector<16xi32> to vector<16xi32>
    %add3A_1084 = arith.constant 1300000 : i32
    %add3A_1085 = vector.broadcast %add3A_1084 : i32 to vector<16xi32>
    %add3A_1086 = arith.addi %get3A_1083, %add3A_1085 : vector<16xi32>
    %swap3A_1087 = arith.constant 1728 : index
    %swap3A_1088 = tpu.vector_load %arg6[%swap3A_1087] {strides = array<i32>} : memref<3328xi32, #tpu.memory_space<vmem>>, vector<16xi32>,
    %swap3A_1089 = vector.shape_cast %swap3A_1088 : vector<16xi32> to vector<16xi32>
    %swap3A_1090 = vector.shape_cast %add3A_1086 : vector<16xi32> to vector<16xi32>
    tpu.vector_store %arg6[%swap3A_1087], %swap3A_1090 {strides = array<i32>} : memref<3328xi32, #tpu.memory_space<vmem>>, vector<16xi32>,
    %get3A_1091 = arith.constant 1744 : index
    %get3A_1092 = tpu.vector_load %arg6[%get3A_1091] {strides = array<i32>} : memref<3328xi32, #tpu.memory_space<vmem>>, vector<16xi32>,
    %get3A_1093 = vector.shape_cast %get3A_1092 : vector<16xi32> to vector<16xi32>
    %add3A_1094 = arith.constant 1300000 : i32
    %add3A_1095 = vector.broadcast %add3A_1094 : i32 to vector<16xi32>
    %add3A_1096 = arith.addi %get3A_1093, %add3A_1095 : vector<16xi32>
    %swap3A_1097 = arith.constant 1744 : index
    %swap3A_1098 = tpu.vector_load %arg6[%swap3A_1097] {strides = array<i32>} : memref<3328xi32, #tpu.memory_space<vmem>>, vector<16xi32>,
    %swap3A_1099 = vector.shape_cast %swap3A_1098 : vector<16xi32> to vector<16xi32>
    %swap3A_1100 = vector.shape_cast %add3A_1096 : vector<16xi32> to vector<16xi32>
    tpu.vector_store %arg6[%swap3A_1097], %swap3A_1100 {strides = array<i32>} : memref<3328xi32, #tpu.memory_space<vmem>>, vector<16xi32>,
    %get3A_1101 = arith.constant 1760 : index
    %get3A_1102 = tpu.vector_load %arg6[%get3A_1101] {strides = array<i32>} : memref<3328xi32, #tpu.memory_space<vmem>>, vector<16xi32>,
    %get3A_1103 = vector.shape_cast %get3A_1102 : vector<16xi32> to vector<16xi32>
    %add3A_1104 = arith.constant 1300000 : i32
    %add3A_1105 = vector.broadcast %add3A_1104 : i32 to vector<16xi32>
    %add3A_1106 = arith.addi %get3A_1103, %add3A_1105 : vector<16xi32>
    %swap3A_1107 = arith.constant 1760 : index
    %swap3A_1108 = tpu.vector_load %arg6[%swap3A_1107] {strides = array<i32>} : memref<3328xi32, #tpu.memory_space<vmem>>, vector<16xi32>,
    %swap3A_1109 = vector.shape_cast %swap3A_1108 : vector<16xi32> to vector<16xi32>
    %swap3A_1110 = vector.shape_cast %add3A_1106 : vector<16xi32> to vector<16xi32>
    tpu.vector_store %arg6[%swap3A_1107], %swap3A_1110 {strides = array<i32>} : memref<3328xi32, #tpu.memory_space<vmem>>, vector<16xi32>,
    %get3A_1111 = arith.constant 1776 : index
    %get3A_1112 = tpu.vector_load %arg6[%get3A_1111] {strides = array<i32>} : memref<3328xi32, #tpu.memory_space<vmem>>, vector<16xi32>,
    %get3A_1113 = vector.shape_cast %get3A_1112 : vector<16xi32> to vector<16xi32>
    %add3A_1114 = arith.constant 1300000 : i32
    %add3A_1115 = vector.broadcast %add3A_1114 : i32 to vector<16xi32>
    %add3A_1116 = arith.addi %get3A_1113, %add3A_1115 : vector<16xi32>
    %swap3A_1117 = arith.constant 1776 : index
    %swap3A_1118 = tpu.vector_load %arg6[%swap3A_1117] {strides = array<i32>} : memref<3328xi32, #tpu.memory_space<vmem>>, vector<16xi32>,
    %swap3A_1119 = vector.shape_cast %swap3A_1118 : vector<16xi32> to vector<16xi32>
    %swap3A_1120 = vector.shape_cast %add3A_1116 : vector<16xi32> to vector<16xi32>
    tpu.vector_store %arg6[%swap3A_1117], %swap3A_1120 {strides = array<i32>} : memref<3328xi32, #tpu.memory_space<vmem>>, vector<16xi32>,
    %get3A_1121 = arith.constant 1792 : index
    %get3A_1122 = tpu.vector_load %arg6[%get3A_1121] {strides = array<i32>} : memref<3328xi32, #tpu.memory_space<vmem>>, vector<16xi32>,
    %get3A_1123 = vector.shape_cast %get3A_1122 : vector<16xi32> to vector<16xi32>
    %add3A_1124 = arith.constant 1400000 : i32
    %add3A_1125 = vector.broadcast %add3A_1124 : i32 to vector<16xi32>
    %add3A_1126 = arith.addi %get3A_1123, %add3A_1125 : vector<16xi32>
    %swap3A_1127 = arith.constant 1792 : index
    %swap3A_1128 = tpu.vector_load %arg6[%swap3A_1127] {strides = array<i32>} : memref<3328xi32, #tpu.memory_space<vmem>>, vector<16xi32>,
    %swap3A_1129 = vector.shape_cast %swap3A_1128 : vector<16xi32> to vector<16xi32>
    %swap3A_1130 = vector.shape_cast %add3A_1126 : vector<16xi32> to vector<16xi32>
    tpu.vector_store %arg6[%swap3A_1127], %swap3A_1130 {strides = array<i32>} : memref<3328xi32, #tpu.memory_space<vmem>>, vector<16xi32>,
    %get3A_1131 = arith.constant 1808 : index
    %get3A_1132 = tpu.vector_load %arg6[%get3A_1131] {strides = array<i32>} : memref<3328xi32, #tpu.memory_space<vmem>>, vector<16xi32>,
    %get3A_1133 = vector.shape_cast %get3A_1132 : vector<16xi32> to vector<16xi32>
    %add3A_1134 = arith.constant 1400000 : i32
    %add3A_1135 = vector.broadcast %add3A_1134 : i32 to vector<16xi32>
    %add3A_1136 = arith.addi %get3A_1133, %add3A_1135 : vector<16xi32>
    %swap3A_1137 = arith.constant 1808 : index
    %swap3A_1138 = tpu.vector_load %arg6[%swap3A_1137] {strides = array<i32>} : memref<3328xi32, #tpu.memory_space<vmem>>, vector<16xi32>,
    %swap3A_1139 = vector.shape_cast %swap3A_1138 : vector<16xi32> to vector<16xi32>
    %swap3A_1140 = vector.shape_cast %add3A_1136 : vector<16xi32> to vector<16xi32>
    tpu.vector_store %arg6[%swap3A_1137], %swap3A_1140 {strides = array<i32>} : memref<3328xi32, #tpu.memory_space<vmem>>, vector<16xi32>,
    %get3A_1141 = arith.constant 1824 : index
    %get3A_1142 = tpu.vector_load %arg6[%get3A_1141] {strides = array<i32>} : memref<3328xi32, #tpu.memory_space<vmem>>, vector<16xi32>,
    %get3A_1143 = vector.shape_cast %get3A_1142 : vector<16xi32> to vector<16xi32>
    %add3A_1144 = arith.constant 1400000 : i32
    %add3A_1145 = vector.broadcast %add3A_1144 : i32 to vector<16xi32>
    %add3A_1146 = arith.addi %get3A_1143, %add3A_1145 : vector<16xi32>
    %swap3A_1147 = arith.constant 1824 : index
    %swap3A_1148 = tpu.vector_load %arg6[%swap3A_1147] {strides = array<i32>} : memref<3328xi32, #tpu.memory_space<vmem>>, vector<16xi32>,
    %swap3A_1149 = vector.shape_cast %swap3A_1148 : vector<16xi32> to vector<16xi32>
    %swap3A_1150 = vector.shape_cast %add3A_1146 : vector<16xi32> to vector<16xi32>
    tpu.vector_store %arg6[%swap3A_1147], %swap3A_1150 {strides = array<i32>} : memref<3328xi32, #tpu.memory_space<vmem>>, vector<16xi32>,
    %get3A_1151 = arith.constant 1840 : index
    %get3A_1152 = tpu.vector_load %arg6[%get3A_1151] {strides = array<i32>} : memref<3328xi32, #tpu.memory_space<vmem>>, vector<16xi32>,
    %get3A_1153 = vector.shape_cast %get3A_1152 : vector<16xi32> to vector<16xi32>
    %add3A_1154 = arith.constant 1400000 : i32
    %add3A_1155 = vector.broadcast %add3A_1154 : i32 to vector<16xi32>
    %add3A_1156 = arith.addi %get3A_1153, %add3A_1155 : vector<16xi32>
    %swap3A_1157 = arith.constant 1840 : index
    %swap3A_1158 = tpu.vector_load %arg6[%swap3A_1157] {strides = array<i32>} : memref<3328xi32, #tpu.memory_space<vmem>>, vector<16xi32>,
    %swap3A_1159 = vector.shape_cast %swap3A_1158 : vector<16xi32> to vector<16xi32>
    %swap3A_1160 = vector.shape_cast %add3A_1156 : vector<16xi32> to vector<16xi32>
    tpu.vector_store %arg6[%swap3A_1157], %swap3A_1160 {strides = array<i32>} : memref<3328xi32, #tpu.memory_space<vmem>>, vector<16xi32>,
    %get3A_1161 = arith.constant 1856 : index
    %get3A_1162 = tpu.vector_load %arg6[%get3A_1161] {strides = array<i32>} : memref<3328xi32, #tpu.memory_space<vmem>>, vector<16xi32>,
    %get3A_1163 = vector.shape_cast %get3A_1162 : vector<16xi32> to vector<16xi32>
    %add3A_1164 = arith.constant 1400000 : i32
    %add3A_1165 = vector.broadcast %add3A_1164 : i32 to vector<16xi32>
    %add3A_1166 = arith.addi %get3A_1163, %add3A_1165 : vector<16xi32>
    %swap3A_1167 = arith.constant 1856 : index
    %swap3A_1168 = tpu.vector_load %arg6[%swap3A_1167] {strides = array<i32>} : memref<3328xi32, #tpu.memory_space<vmem>>, vector<16xi32>,
    %swap3A_1169 = vector.shape_cast %swap3A_1168 : vector<16xi32> to vector<16xi32>
    %swap3A_1170 = vector.shape_cast %add3A_1166 : vector<16xi32> to vector<16xi32>
    tpu.vector_store %arg6[%swap3A_1167], %swap3A_1170 {strides = array<i32>} : memref<3328xi32, #tpu.memory_space<vmem>>, vector<16xi32>,
    %get3A_1171 = arith.constant 1872 : index
    %get3A_1172 = tpu.vector_load %arg6[%get3A_1171] {strides = array<i32>} : memref<3328xi32, #tpu.memory_space<vmem>>, vector<16xi32>,
    %get3A_1173 = vector.shape_cast %get3A_1172 : vector<16xi32> to vector<16xi32>
    %add3A_1174 = arith.constant 1400000 : i32
    %add3A_1175 = vector.broadcast %add3A_1174 : i32 to vector<16xi32>
    %add3A_1176 = arith.addi %get3A_1173, %add3A_1175 : vector<16xi32>
    %swap3A_1177 = arith.constant 1872 : index
    %swap3A_1178 = tpu.vector_load %arg6[%swap3A_1177] {strides = array<i32>} : memref<3328xi32, #tpu.memory_space<vmem>>, vector<16xi32>,
    %swap3A_1179 = vector.shape_cast %swap3A_1178 : vector<16xi32> to vector<16xi32>
    %swap3A_1180 = vector.shape_cast %add3A_1176 : vector<16xi32> to vector<16xi32>
    tpu.vector_store %arg6[%swap3A_1177], %swap3A_1180 {strides = array<i32>} : memref<3328xi32, #tpu.memory_space<vmem>>, vector<16xi32>,
    %get3A_1181 = arith.constant 1888 : index
    %get3A_1182 = tpu.vector_load %arg6[%get3A_1181] {strides = array<i32>} : memref<3328xi32, #tpu.memory_space<vmem>>, vector<16xi32>,
    %get3A_1183 = vector.shape_cast %get3A_1182 : vector<16xi32> to vector<16xi32>
    %add3A_1184 = arith.constant 1400000 : i32
    %add3A_1185 = vector.broadcast %add3A_1184 : i32 to vector<16xi32>
    %add3A_1186 = arith.addi %get3A_1183, %add3A_1185 : vector<16xi32>
    %swap3A_1187 = arith.constant 1888 : index
    %swap3A_1188 = tpu.vector_load %arg6[%swap3A_1187] {strides = array<i32>} : memref<3328xi32, #tpu.memory_space<vmem>>, vector<16xi32>,
    %swap3A_1189 = vector.shape_cast %swap3A_1188 : vector<16xi32> to vector<16xi32>
    %swap3A_1190 = vector.shape_cast %add3A_1186 : vector<16xi32> to vector<16xi32>
    tpu.vector_store %arg6[%swap3A_1187], %swap3A_1190 {strides = array<i32>} : memref<3328xi32, #tpu.memory_space<vmem>>, vector<16xi32>,
    %get3A_1191 = arith.constant 1904 : index
    %get3A_1192 = tpu.vector_load %arg6[%get3A_1191] {strides = array<i32>} : memref<3328xi32, #tpu.memory_space<vmem>>, vector<16xi32>,
    %get3A_1193 = vector.shape_cast %get3A_1192 : vector<16xi32> to vector<16xi32>
    %add3A_1194 = arith.constant 1400000 : i32
    %add3A_1195 = vector.broadcast %add3A_1194 : i32 to vector<16xi32>
    %add3A_1196 = arith.addi %get3A_1193, %add3A_1195 : vector<16xi32>
    %swap3A_1197 = arith.constant 1904 : index
    %swap3A_1198 = tpu.vector_load %arg6[%swap3A_1197] {strides = array<i32>} : memref<3328xi32, #tpu.memory_space<vmem>>, vector<16xi32>,
    %swap3A_1199 = vector.shape_cast %swap3A_1198 : vector<16xi32> to vector<16xi32>
    %swap3A_1200 = vector.shape_cast %add3A_1196 : vector<16xi32> to vector<16xi32>
    tpu.vector_store %arg6[%swap3A_1197], %swap3A_1200 {strides = array<i32>} : memref<3328xi32, #tpu.memory_space<vmem>>, vector<16xi32>,
    %get3A_1201 = arith.constant 1920 : index
    %get3A_1202 = tpu.vector_load %arg6[%get3A_1201] {strides = array<i32>} : memref<3328xi32, #tpu.memory_space<vmem>>, vector<16xi32>,
    %get3A_1203 = vector.shape_cast %get3A_1202 : vector<16xi32> to vector<16xi32>
    %add3A_1204 = arith.constant 1500000 : i32
    %add3A_1205 = vector.broadcast %add3A_1204 : i32 to vector<16xi32>
    %add3A_1206 = arith.addi %get3A_1203, %add3A_1205 : vector<16xi32>
    %swap3A_1207 = arith.constant 1920 : index
    %swap3A_1208 = tpu.vector_load %arg6[%swap3A_1207] {strides = array<i32>} : memref<3328xi32, #tpu.memory_space<vmem>>, vector<16xi32>,
    %swap3A_1209 = vector.shape_cast %swap3A_1208 : vector<16xi32> to vector<16xi32>
    %swap3A_1210 = vector.shape_cast %add3A_1206 : vector<16xi32> to vector<16xi32>
    tpu.vector_store %arg6[%swap3A_1207], %swap3A_1210 {strides = array<i32>} : memref<3328xi32, #tpu.memory_space<vmem>>, vector<16xi32>,
    %get3A_1211 = arith.constant 1936 : index
    %get3A_1212 = tpu.vector_load %arg6[%get3A_1211] {strides = array<i32>} : memref<3328xi32, #tpu.memory_space<vmem>>, vector<16xi32>,
    %get3A_1213 = vector.shape_cast %get3A_1212 : vector<16xi32> to vector<16xi32>
    %add3A_1214 = arith.constant 1500000 : i32
    %add3A_1215 = vector.broadcast %add3A_1214 : i32 to vector<16xi32>
    %add3A_1216 = arith.addi %get3A_1213, %add3A_1215 : vector<16xi32>
    %swap3A_1217 = arith.constant 1936 : index
    %swap3A_1218 = tpu.vector_load %arg6[%swap3A_1217] {strides = array<i32>} : memref<3328xi32, #tpu.memory_space<vmem>>, vector<16xi32>,
    %swap3A_1219 = vector.shape_cast %swap3A_1218 : vector<16xi32> to vector<16xi32>
    %swap3A_1220 = vector.shape_cast %add3A_1216 : vector<16xi32> to vector<16xi32>
    tpu.vector_store %arg6[%swap3A_1217], %swap3A_1220 {strides = array<i32>} : memref<3328xi32, #tpu.memory_space<vmem>>, vector<16xi32>,
    %get3A_1221 = arith.constant 1952 : index
    %get3A_1222 = tpu.vector_load %arg6[%get3A_1221] {strides = array<i32>} : memref<3328xi32, #tpu.memory_space<vmem>>, vector<16xi32>,
    %get3A_1223 = vector.shape_cast %get3A_1222 : vector<16xi32> to vector<16xi32>
    %add3A_1224 = arith.constant 1500000 : i32
    %add3A_1225 = vector.broadcast %add3A_1224 : i32 to vector<16xi32>
    %add3A_1226 = arith.addi %get3A_1223, %add3A_1225 : vector<16xi32>
    %swap3A_1227 = arith.constant 1952 : index
    %swap3A_1228 = tpu.vector_load %arg6[%swap3A_1227] {strides = array<i32>} : memref<3328xi32, #tpu.memory_space<vmem>>, vector<16xi32>,
    %swap3A_1229 = vector.shape_cast %swap3A_1228 : vector<16xi32> to vector<16xi32>
    %swap3A_1230 = vector.shape_cast %add3A_1226 : vector<16xi32> to vector<16xi32>
    tpu.vector_store %arg6[%swap3A_1227], %swap3A_1230 {strides = array<i32>} : memref<3328xi32, #tpu.memory_space<vmem>>, vector<16xi32>,
    %get3A_1231 = arith.constant 1968 : index
    %get3A_1232 = tpu.vector_load %arg6[%get3A_1231] {strides = array<i32>} : memref<3328xi32, #tpu.memory_space<vmem>>, vector<16xi32>,
    %get3A_1233 = vector.shape_cast %get3A_1232 : vector<16xi32> to vector<16xi32>
    %add3A_1234 = arith.constant 1500000 : i32
    %add3A_1235 = vector.broadcast %add3A_1234 : i32 to vector<16xi32>
    %add3A_1236 = arith.addi %get3A_1233, %add3A_1235 : vector<16xi32>
    %swap3A_1237 = arith.constant 1968 : index
    %swap3A_1238 = tpu.vector_load %arg6[%swap3A_1237] {strides = array<i32>} : memref<3328xi32, #tpu.memory_space<vmem>>, vector<16xi32>,
    %swap3A_1239 = vector.shape_cast %swap3A_1238 : vector<16xi32> to vector<16xi32>
    %swap3A_1240 = vector.shape_cast %add3A_1236 : vector<16xi32> to vector<16xi32>
    tpu.vector_store %arg6[%swap3A_1237], %swap3A_1240 {strides = array<i32>} : memref<3328xi32, #tpu.memory_space<vmem>>, vector<16xi32>,
    %get3A_1241 = arith.constant 1984 : index
    %get3A_1242 = tpu.vector_load %arg6[%get3A_1241] {strides = array<i32>} : memref<3328xi32, #tpu.memory_space<vmem>>, vector<16xi32>,
    %get3A_1243 = vector.shape_cast %get3A_1242 : vector<16xi32> to vector<16xi32>
    %add3A_1244 = arith.constant 1500000 : i32
    %add3A_1245 = vector.broadcast %add3A_1244 : i32 to vector<16xi32>
    %add3A_1246 = arith.addi %get3A_1243, %add3A_1245 : vector<16xi32>
    %swap3A_1247 = arith.constant 1984 : index
    %swap3A_1248 = tpu.vector_load %arg6[%swap3A_1247] {strides = array<i32>} : memref<3328xi32, #tpu.memory_space<vmem>>, vector<16xi32>,
    %swap3A_1249 = vector.shape_cast %swap3A_1248 : vector<16xi32> to vector<16xi32>
    %swap3A_1250 = vector.shape_cast %add3A_1246 : vector<16xi32> to vector<16xi32>
    tpu.vector_store %arg6[%swap3A_1247], %swap3A_1250 {strides = array<i32>} : memref<3328xi32, #tpu.memory_space<vmem>>, vector<16xi32>,
    %get3A_1251 = arith.constant 2000 : index
    %get3A_1252 = tpu.vector_load %arg6[%get3A_1251] {strides = array<i32>} : memref<3328xi32, #tpu.memory_space<vmem>>, vector<16xi32>,
    %get3A_1253 = vector.shape_cast %get3A_1252 : vector<16xi32> to vector<16xi32>
    %add3A_1254 = arith.constant 1500000 : i32
    %add3A_1255 = vector.broadcast %add3A_1254 : i32 to vector<16xi32>
    %add3A_1256 = arith.addi %get3A_1253, %add3A_1255 : vector<16xi32>
    %swap3A_1257 = arith.constant 2000 : index
    %swap3A_1258 = tpu.vector_load %arg6[%swap3A_1257] {strides = array<i32>} : memref<3328xi32, #tpu.memory_space<vmem>>, vector<16xi32>,
    %swap3A_1259 = vector.shape_cast %swap3A_1258 : vector<16xi32> to vector<16xi32>
    %swap3A_1260 = vector.shape_cast %add3A_1256 : vector<16xi32> to vector<16xi32>
    tpu.vector_store %arg6[%swap3A_1257], %swap3A_1260 {strides = array<i32>} : memref<3328xi32, #tpu.memory_space<vmem>>, vector<16xi32>,
    %get3A_1261 = arith.constant 2016 : index
    %get3A_1262 = tpu.vector_load %arg6[%get3A_1261] {strides = array<i32>} : memref<3328xi32, #tpu.memory_space<vmem>>, vector<16xi32>,
    %get3A_1263 = vector.shape_cast %get3A_1262 : vector<16xi32> to vector<16xi32>
    %add3A_1264 = arith.constant 1500000 : i32
    %add3A_1265 = vector.broadcast %add3A_1264 : i32 to vector<16xi32>
    %add3A_1266 = arith.addi %get3A_1263, %add3A_1265 : vector<16xi32>
    %swap3A_1267 = arith.constant 2016 : index
    %swap3A_1268 = tpu.vector_load %arg6[%swap3A_1267] {strides = array<i32>} : memref<3328xi32, #tpu.memory_space<vmem>>, vector<16xi32>,
    %swap3A_1269 = vector.shape_cast %swap3A_1268 : vector<16xi32> to vector<16xi32>
    %swap3A_1270 = vector.shape_cast %add3A_1266 : vector<16xi32> to vector<16xi32>
    tpu.vector_store %arg6[%swap3A_1267], %swap3A_1270 {strides = array<i32>} : memref<3328xi32, #tpu.memory_space<vmem>>, vector<16xi32>,
    %get3A_1271 = arith.constant 2032 : index
    %get3A_1272 = tpu.vector_load %arg6[%get3A_1271] {strides = array<i32>} : memref<3328xi32, #tpu.memory_space<vmem>>, vector<16xi32>,
    %get3A_1273 = vector.shape_cast %get3A_1272 : vector<16xi32> to vector<16xi32>
    %add3A_1274 = arith.constant 1500000 : i32
    %add3A_1275 = vector.broadcast %add3A_1274 : i32 to vector<16xi32>
    %add3A_1276 = arith.addi %get3A_1273, %add3A_1275 : vector<16xi32>
    %swap3A_1277 = arith.constant 2032 : index
    %swap3A_1278 = tpu.vector_load %arg6[%swap3A_1277] {strides = array<i32>} : memref<3328xi32, #tpu.memory_space<vmem>>, vector<16xi32>,
    %swap3A_1279 = vector.shape_cast %swap3A_1278 : vector<16xi32> to vector<16xi32>
    %swap3A_1280 = vector.shape_cast %add3A_1276 : vector<16xi32> to vector<16xi32>
    tpu.vector_store %arg6[%swap3A_1277], %swap3A_1280 {strides = array<i32>} : memref<3328xi32, #tpu.memory_space<vmem>>, vector<16xi32>,
    %get3A_1281 = arith.constant 2048 : index
    %get3A_1282 = tpu.vector_load %arg6[%get3A_1281] {strides = array<i32>} : memref<3328xi32, #tpu.memory_space<vmem>>, vector<16xi32>,
    %get3A_1283 = vector.shape_cast %get3A_1282 : vector<16xi32> to vector<16xi32>
    %add3A_1284 = arith.constant 1600000 : i32
    %add3A_1285 = vector.broadcast %add3A_1284 : i32 to vector<16xi32>
    %add3A_1286 = arith.addi %get3A_1283, %add3A_1285 : vector<16xi32>
    %swap3A_1287 = arith.constant 2048 : index
    %swap3A_1288 = tpu.vector_load %arg6[%swap3A_1287] {strides = array<i32>} : memref<3328xi32, #tpu.memory_space<vmem>>, vector<16xi32>,
    %swap3A_1289 = vector.shape_cast %swap3A_1288 : vector<16xi32> to vector<16xi32>
    %swap3A_1290 = vector.shape_cast %add3A_1286 : vector<16xi32> to vector<16xi32>
    tpu.vector_store %arg6[%swap3A_1287], %swap3A_1290 {strides = array<i32>} : memref<3328xi32, #tpu.memory_space<vmem>>, vector<16xi32>,
    %get3A_1291 = arith.constant 2064 : index
    %get3A_1292 = tpu.vector_load %arg6[%get3A_1291] {strides = array<i32>} : memref<3328xi32, #tpu.memory_space<vmem>>, vector<16xi32>,
    %get3A_1293 = vector.shape_cast %get3A_1292 : vector<16xi32> to vector<16xi32>
    %add3A_1294 = arith.constant 1600000 : i32
    %add3A_1295 = vector.broadcast %add3A_1294 : i32 to vector<16xi32>
    %add3A_1296 = arith.addi %get3A_1293, %add3A_1295 : vector<16xi32>
    %swap3A_1297 = arith.constant 2064 : index
    %swap3A_1298 = tpu.vector_load %arg6[%swap3A_1297] {strides = array<i32>} : memref<3328xi32, #tpu.memory_space<vmem>>, vector<16xi32>,
    %swap3A_1299 = vector.shape_cast %swap3A_1298 : vector<16xi32> to vector<16xi32>
    %swap3A_1300 = vector.shape_cast %add3A_1296 : vector<16xi32> to vector<16xi32>
    tpu.vector_store %arg6[%swap3A_1297], %swap3A_1300 {strides = array<i32>} : memref<3328xi32, #tpu.memory_space<vmem>>, vector<16xi32>,
    %get3A_1301 = arith.constant 2080 : index
    %get3A_1302 = tpu.vector_load %arg6[%get3A_1301] {strides = array<i32>} : memref<3328xi32, #tpu.memory_space<vmem>>, vector<16xi32>,
    %get3A_1303 = vector.shape_cast %get3A_1302 : vector<16xi32> to vector<16xi32>
    %add3A_1304 = arith.constant 1600000 : i32
    %add3A_1305 = vector.broadcast %add3A_1304 : i32 to vector<16xi32>
    %add3A_1306 = arith.addi %get3A_1303, %add3A_1305 : vector<16xi32>
    %swap3A_1307 = arith.constant 2080 : index
    %swap3A_1308 = tpu.vector_load %arg6[%swap3A_1307] {strides = array<i32>} : memref<3328xi32, #tpu.memory_space<vmem>>, vector<16xi32>,
    %swap3A_1309 = vector.shape_cast %swap3A_1308 : vector<16xi32> to vector<16xi32>
    %swap3A_1310 = vector.shape_cast %add3A_1306 : vector<16xi32> to vector<16xi32>
    tpu.vector_store %arg6[%swap3A_1307], %swap3A_1310 {strides = array<i32>} : memref<3328xi32, #tpu.memory_space<vmem>>, vector<16xi32>,
    %get3A_1311 = arith.constant 2096 : index
    %get3A_1312 = tpu.vector_load %arg6[%get3A_1311] {strides = array<i32>} : memref<3328xi32, #tpu.memory_space<vmem>>, vector<16xi32>,
    %get3A_1313 = vector.shape_cast %get3A_1312 : vector<16xi32> to vector<16xi32>
    %add3A_1314 = arith.constant 1600000 : i32
    %add3A_1315 = vector.broadcast %add3A_1314 : i32 to vector<16xi32>
    %add3A_1316 = arith.addi %get3A_1313, %add3A_1315 : vector<16xi32>
    %swap3A_1317 = arith.constant 2096 : index
    %swap3A_1318 = tpu.vector_load %arg6[%swap3A_1317] {strides = array<i32>} : memref<3328xi32, #tpu.memory_space<vmem>>, vector<16xi32>,
    %swap3A_1319 = vector.shape_cast %swap3A_1318 : vector<16xi32> to vector<16xi32>
    %swap3A_1320 = vector.shape_cast %add3A_1316 : vector<16xi32> to vector<16xi32>
    tpu.vector_store %arg6[%swap3A_1317], %swap3A_1320 {strides = array<i32>} : memref<3328xi32, #tpu.memory_space<vmem>>, vector<16xi32>,
    %get3A_1321 = arith.constant 2112 : index
    %get3A_1322 = tpu.vector_load %arg6[%get3A_1321] {strides = array<i32>} : memref<3328xi32, #tpu.memory_space<vmem>>, vector<16xi32>,
    %get3A_1323 = vector.shape_cast %get3A_1322 : vector<16xi32> to vector<16xi32>
    %add3A_1324 = arith.constant 1600000 : i32
    %add3A_1325 = vector.broadcast %add3A_1324 : i32 to vector<16xi32>
    %add3A_1326 = arith.addi %get3A_1323, %add3A_1325 : vector<16xi32>
    %swap3A_1327 = arith.constant 2112 : index
    %swap3A_1328 = tpu.vector_load %arg6[%swap3A_1327] {strides = array<i32>} : memref<3328xi32, #tpu.memory_space<vmem>>, vector<16xi32>,
    %swap3A_1329 = vector.shape_cast %swap3A_1328 : vector<16xi32> to vector<16xi32>
    %swap3A_1330 = vector.shape_cast %add3A_1326 : vector<16xi32> to vector<16xi32>
    tpu.vector_store %arg6[%swap3A_1327], %swap3A_1330 {strides = array<i32>} : memref<3328xi32, #tpu.memory_space<vmem>>, vector<16xi32>,
    %get3A_1331 = arith.constant 2128 : index
    %get3A_1332 = tpu.vector_load %arg6[%get3A_1331] {strides = array<i32>} : memref<3328xi32, #tpu.memory_space<vmem>>, vector<16xi32>,
    %get3A_1333 = vector.shape_cast %get3A_1332 : vector<16xi32> to vector<16xi32>
    %add3A_1334 = arith.constant 1600000 : i32
    %add3A_1335 = vector.broadcast %add3A_1334 : i32 to vector<16xi32>
    %add3A_1336 = arith.addi %get3A_1333, %add3A_1335 : vector<16xi32>
    %swap3A_1337 = arith.constant 2128 : index
    %swap3A_1338 = tpu.vector_load %arg6[%swap3A_1337] {strides = array<i32>} : memref<3328xi32, #tpu.memory_space<vmem>>, vector<16xi32>,
    %swap3A_1339 = vector.shape_cast %swap3A_1338 : vector<16xi32> to vector<16xi32>
    %swap3A_1340 = vector.shape_cast %add3A_1336 : vector<16xi32> to vector<16xi32>
    tpu.vector_store %arg6[%swap3A_1337], %swap3A_1340 {strides = array<i32>} : memref<3328xi32, #tpu.memory_space<vmem>>, vector<16xi32>,
    %get3A_1341 = arith.constant 2144 : index
    %get3A_1342 = tpu.vector_load %arg6[%get3A_1341] {strides = array<i32>} : memref<3328xi32, #tpu.memory_space<vmem>>, vector<16xi32>,
    %get3A_1343 = vector.shape_cast %get3A_1342 : vector<16xi32> to vector<16xi32>
    %add3A_1344 = arith.constant 1600000 : i32
    %add3A_1345 = vector.broadcast %add3A_1344 : i32 to vector<16xi32>
    %add3A_1346 = arith.addi %get3A_1343, %add3A_1345 : vector<16xi32>
    %swap3A_1347 = arith.constant 2144 : index
    %swap3A_1348 = tpu.vector_load %arg6[%swap3A_1347] {strides = array<i32>} : memref<3328xi32, #tpu.memory_space<vmem>>, vector<16xi32>,
    %swap3A_1349 = vector.shape_cast %swap3A_1348 : vector<16xi32> to vector<16xi32>
    %swap3A_1350 = vector.shape_cast %add3A_1346 : vector<16xi32> to vector<16xi32>
    tpu.vector_store %arg6[%swap3A_1347], %swap3A_1350 {strides = array<i32>} : memref<3328xi32, #tpu.memory_space<vmem>>, vector<16xi32>,
    %get3A_1351 = arith.constant 2160 : index
    %get3A_1352 = tpu.vector_load %arg6[%get3A_1351] {strides = array<i32>} : memref<3328xi32, #tpu.memory_space<vmem>>, vector<16xi32>,
    %get3A_1353 = vector.shape_cast %get3A_1352 : vector<16xi32> to vector<16xi32>
    %add3A_1354 = arith.constant 1600000 : i32
    %add3A_1355 = vector.broadcast %add3A_1354 : i32 to vector<16xi32>
    %add3A_1356 = arith.addi %get3A_1353, %add3A_1355 : vector<16xi32>
    %swap3A_1357 = arith.constant 2160 : index
    %swap3A_1358 = tpu.vector_load %arg6[%swap3A_1357] {strides = array<i32>} : memref<3328xi32, #tpu.memory_space<vmem>>, vector<16xi32>,
    %swap3A_1359 = vector.shape_cast %swap3A_1358 : vector<16xi32> to vector<16xi32>
    %swap3A_1360 = vector.shape_cast %add3A_1356 : vector<16xi32> to vector<16xi32>
    tpu.vector_store %arg6[%swap3A_1357], %swap3A_1360 {strides = array<i32>} : memref<3328xi32, #tpu.memory_space<vmem>>, vector<16xi32>,
    %get3A_1361 = arith.constant 2176 : index
    %get3A_1362 = tpu.vector_load %arg6[%get3A_1361] {strides = array<i32>} : memref<3328xi32, #tpu.memory_space<vmem>>, vector<16xi32>,
    %get3A_1363 = vector.shape_cast %get3A_1362 : vector<16xi32> to vector<16xi32>
    %add3A_1364 = arith.constant 1700000 : i32
    %add3A_1365 = vector.broadcast %add3A_1364 : i32 to vector<16xi32>
    %add3A_1366 = arith.addi %get3A_1363, %add3A_1365 : vector<16xi32>
    %swap3A_1367 = arith.constant 2176 : index
    %swap3A_1368 = tpu.vector_load %arg6[%swap3A_1367] {strides = array<i32>} : memref<3328xi32, #tpu.memory_space<vmem>>, vector<16xi32>,
    %swap3A_1369 = vector.shape_cast %swap3A_1368 : vector<16xi32> to vector<16xi32>
    %swap3A_1370 = vector.shape_cast %add3A_1366 : vector<16xi32> to vector<16xi32>
    tpu.vector_store %arg6[%swap3A_1367], %swap3A_1370 {strides = array<i32>} : memref<3328xi32, #tpu.memory_space<vmem>>, vector<16xi32>,
    %get3A_1371 = arith.constant 2192 : index
    %get3A_1372 = tpu.vector_load %arg6[%get3A_1371] {strides = array<i32>} : memref<3328xi32, #tpu.memory_space<vmem>>, vector<16xi32>,
    %get3A_1373 = vector.shape_cast %get3A_1372 : vector<16xi32> to vector<16xi32>
    %add3A_1374 = arith.constant 1700000 : i32
    %add3A_1375 = vector.broadcast %add3A_1374 : i32 to vector<16xi32>
    %add3A_1376 = arith.addi %get3A_1373, %add3A_1375 : vector<16xi32>
    %swap3A_1377 = arith.constant 2192 : index
    %swap3A_1378 = tpu.vector_load %arg6[%swap3A_1377] {strides = array<i32>} : memref<3328xi32, #tpu.memory_space<vmem>>, vector<16xi32>,
    %swap3A_1379 = vector.shape_cast %swap3A_1378 : vector<16xi32> to vector<16xi32>
    %swap3A_1380 = vector.shape_cast %add3A_1376 : vector<16xi32> to vector<16xi32>
    tpu.vector_store %arg6[%swap3A_1377], %swap3A_1380 {strides = array<i32>} : memref<3328xi32, #tpu.memory_space<vmem>>, vector<16xi32>,
    %get3A_1381 = arith.constant 2208 : index
    %get3A_1382 = tpu.vector_load %arg6[%get3A_1381] {strides = array<i32>} : memref<3328xi32, #tpu.memory_space<vmem>>, vector<16xi32>,
    %get3A_1383 = vector.shape_cast %get3A_1382 : vector<16xi32> to vector<16xi32>
    %add3A_1384 = arith.constant 1700000 : i32
    %add3A_1385 = vector.broadcast %add3A_1384 : i32 to vector<16xi32>
    %add3A_1386 = arith.addi %get3A_1383, %add3A_1385 : vector<16xi32>
    %swap3A_1387 = arith.constant 2208 : index
    %swap3A_1388 = tpu.vector_load %arg6[%swap3A_1387] {strides = array<i32>} : memref<3328xi32, #tpu.memory_space<vmem>>, vector<16xi32>,
    %swap3A_1389 = vector.shape_cast %swap3A_1388 : vector<16xi32> to vector<16xi32>
    %swap3A_1390 = vector.shape_cast %add3A_1386 : vector<16xi32> to vector<16xi32>
    tpu.vector_store %arg6[%swap3A_1387], %swap3A_1390 {strides = array<i32>} : memref<3328xi32, #tpu.memory_space<vmem>>, vector<16xi32>,
    %get3A_1391 = arith.constant 2224 : index
    %get3A_1392 = tpu.vector_load %arg6[%get3A_1391] {strides = array<i32>} : memref<3328xi32, #tpu.memory_space<vmem>>, vector<16xi32>,
    %get3A_1393 = vector.shape_cast %get3A_1392 : vector<16xi32> to vector<16xi32>
    %add3A_1394 = arith.constant 1700000 : i32
    %add3A_1395 = vector.broadcast %add3A_1394 : i32 to vector<16xi32>
    %add3A_1396 = arith.addi %get3A_1393, %add3A_1395 : vector<16xi32>
    %swap3A_1397 = arith.constant 2224 : index
    %swap3A_1398 = tpu.vector_load %arg6[%swap3A_1397] {strides = array<i32>} : memref<3328xi32, #tpu.memory_space<vmem>>, vector<16xi32>,
    %swap3A_1399 = vector.shape_cast %swap3A_1398 : vector<16xi32> to vector<16xi32>
    %swap3A_1400 = vector.shape_cast %add3A_1396 : vector<16xi32> to vector<16xi32>
    tpu.vector_store %arg6[%swap3A_1397], %swap3A_1400 {strides = array<i32>} : memref<3328xi32, #tpu.memory_space<vmem>>, vector<16xi32>,
    %get3A_1401 = arith.constant 2240 : index
    %get3A_1402 = tpu.vector_load %arg6[%get3A_1401] {strides = array<i32>} : memref<3328xi32, #tpu.memory_space<vmem>>, vector<16xi32>,
    %get3A_1403 = vector.shape_cast %get3A_1402 : vector<16xi32> to vector<16xi32>
    %add3A_1404 = arith.constant 1700000 : i32
    %add3A_1405 = vector.broadcast %add3A_1404 : i32 to vector<16xi32>
    %add3A_1406 = arith.addi %get3A_1403, %add3A_1405 : vector<16xi32>
    %swap3A_1407 = arith.constant 2240 : index
    %swap3A_1408 = tpu.vector_load %arg6[%swap3A_1407] {strides = array<i32>} : memref<3328xi32, #tpu.memory_space<vmem>>, vector<16xi32>,
    %swap3A_1409 = vector.shape_cast %swap3A_1408 : vector<16xi32> to vector<16xi32>
    %swap3A_1410 = vector.shape_cast %add3A_1406 : vector<16xi32> to vector<16xi32>
    tpu.vector_store %arg6[%swap3A_1407], %swap3A_1410 {strides = array<i32>} : memref<3328xi32, #tpu.memory_space<vmem>>, vector<16xi32>,
    %get3A_1411 = arith.constant 2256 : index
    %get3A_1412 = tpu.vector_load %arg6[%get3A_1411] {strides = array<i32>} : memref<3328xi32, #tpu.memory_space<vmem>>, vector<16xi32>,
    %get3A_1413 = vector.shape_cast %get3A_1412 : vector<16xi32> to vector<16xi32>
    %add3A_1414 = arith.constant 1700000 : i32
    %add3A_1415 = vector.broadcast %add3A_1414 : i32 to vector<16xi32>
    %add3A_1416 = arith.addi %get3A_1413, %add3A_1415 : vector<16xi32>
    %swap3A_1417 = arith.constant 2256 : index
    %swap3A_1418 = tpu.vector_load %arg6[%swap3A_1417] {strides = array<i32>} : memref<3328xi32, #tpu.memory_space<vmem>>, vector<16xi32>,
    %swap3A_1419 = vector.shape_cast %swap3A_1418 : vector<16xi32> to vector<16xi32>
    %swap3A_1420 = vector.shape_cast %add3A_1416 : vector<16xi32> to vector<16xi32>
    tpu.vector_store %arg6[%swap3A_1417], %swap3A_1420 {strides = array<i32>} : memref<3328xi32, #tpu.memory_space<vmem>>, vector<16xi32>,
    %get3A_1421 = arith.constant 2272 : index
    %get3A_1422 = tpu.vector_load %arg6[%get3A_1421] {strides = array<i32>} : memref<3328xi32, #tpu.memory_space<vmem>>, vector<16xi32>,
    %get3A_1423 = vector.shape_cast %get3A_1422 : vector<16xi32> to vector<16xi32>
    %add3A_1424 = arith.constant 1700000 : i32
    %add3A_1425 = vector.broadcast %add3A_1424 : i32 to vector<16xi32>
    %add3A_1426 = arith.addi %get3A_1423, %add3A_1425 : vector<16xi32>
    %swap3A_1427 = arith.constant 2272 : index
    %swap3A_1428 = tpu.vector_load %arg6[%swap3A_1427] {strides = array<i32>} : memref<3328xi32, #tpu.memory_space<vmem>>, vector<16xi32>,
    %swap3A_1429 = vector.shape_cast %swap3A_1428 : vector<16xi32> to vector<16xi32>
    %swap3A_1430 = vector.shape_cast %add3A_1426 : vector<16xi32> to vector<16xi32>
    tpu.vector_store %arg6[%swap3A_1427], %swap3A_1430 {strides = array<i32>} : memref<3328xi32, #tpu.memory_space<vmem>>, vector<16xi32>,
    %get3A_1431 = arith.constant 2288 : index
    %get3A_1432 = tpu.vector_load %arg6[%get3A_1431] {strides = array<i32>} : memref<3328xi32, #tpu.memory_space<vmem>>, vector<16xi32>,
    %get3A_1433 = vector.shape_cast %get3A_1432 : vector<16xi32> to vector<16xi32>
    %add3A_1434 = arith.constant 1700000 : i32
    %add3A_1435 = vector.broadcast %add3A_1434 : i32 to vector<16xi32>
    %add3A_1436 = arith.addi %get3A_1433, %add3A_1435 : vector<16xi32>
    %swap3A_1437 = arith.constant 2288 : index
    %swap3A_1438 = tpu.vector_load %arg6[%swap3A_1437] {strides = array<i32>} : memref<3328xi32, #tpu.memory_space<vmem>>, vector<16xi32>,
    %swap3A_1439 = vector.shape_cast %swap3A_1438 : vector<16xi32> to vector<16xi32>
    %swap3A_1440 = vector.shape_cast %add3A_1436 : vector<16xi32> to vector<16xi32>
    tpu.vector_store %arg6[%swap3A_1437], %swap3A_1440 {strides = array<i32>} : memref<3328xi32, #tpu.memory_space<vmem>>, vector<16xi32>,
    %get3A_1441 = arith.constant 2304 : index
    %get3A_1442 = tpu.vector_load %arg6[%get3A_1441] {strides = array<i32>} : memref<3328xi32, #tpu.memory_space<vmem>>, vector<16xi32>,
    %get3A_1443 = vector.shape_cast %get3A_1442 : vector<16xi32> to vector<16xi32>
    %add3A_1444 = arith.constant 1800000 : i32
    %add3A_1445 = vector.broadcast %add3A_1444 : i32 to vector<16xi32>
    %add3A_1446 = arith.addi %get3A_1443, %add3A_1445 : vector<16xi32>
    %swap3A_1447 = arith.constant 2304 : index
    %swap3A_1448 = tpu.vector_load %arg6[%swap3A_1447] {strides = array<i32>} : memref<3328xi32, #tpu.memory_space<vmem>>, vector<16xi32>,
    %swap3A_1449 = vector.shape_cast %swap3A_1448 : vector<16xi32> to vector<16xi32>
    %swap3A_1450 = vector.shape_cast %add3A_1446 : vector<16xi32> to vector<16xi32>
    tpu.vector_store %arg6[%swap3A_1447], %swap3A_1450 {strides = array<i32>} : memref<3328xi32, #tpu.memory_space<vmem>>, vector<16xi32>,
    %get3A_1451 = arith.constant 2320 : index
    %get3A_1452 = tpu.vector_load %arg6[%get3A_1451] {strides = array<i32>} : memref<3328xi32, #tpu.memory_space<vmem>>, vector<16xi32>,
    %get3A_1453 = vector.shape_cast %get3A_1452 : vector<16xi32> to vector<16xi32>
    %add3A_1454 = arith.constant 1800000 : i32
    %add3A_1455 = vector.broadcast %add3A_1454 : i32 to vector<16xi32>
    %add3A_1456 = arith.addi %get3A_1453, %add3A_1455 : vector<16xi32>
    %swap3A_1457 = arith.constant 2320 : index
    %swap3A_1458 = tpu.vector_load %arg6[%swap3A_1457] {strides = array<i32>} : memref<3328xi32, #tpu.memory_space<vmem>>, vector<16xi32>,
    %swap3A_1459 = vector.shape_cast %swap3A_1458 : vector<16xi32> to vector<16xi32>
    %swap3A_1460 = vector.shape_cast %add3A_1456 : vector<16xi32> to vector<16xi32>
    tpu.vector_store %arg6[%swap3A_1457], %swap3A_1460 {strides = array<i32>} : memref<3328xi32, #tpu.memory_space<vmem>>, vector<16xi32>,
    %get3A_1461 = arith.constant 2336 : index
    %get3A_1462 = tpu.vector_load %arg6[%get3A_1461] {strides = array<i32>} : memref<3328xi32, #tpu.memory_space<vmem>>, vector<16xi32>,
    %get3A_1463 = vector.shape_cast %get3A_1462 : vector<16xi32> to vector<16xi32>
    %add3A_1464 = arith.constant 1800000 : i32
    %add3A_1465 = vector.broadcast %add3A_1464 : i32 to vector<16xi32>
    %add3A_1466 = arith.addi %get3A_1463, %add3A_1465 : vector<16xi32>
    %swap3A_1467 = arith.constant 2336 : index
    %swap3A_1468 = tpu.vector_load %arg6[%swap3A_1467] {strides = array<i32>} : memref<3328xi32, #tpu.memory_space<vmem>>, vector<16xi32>,
    %swap3A_1469 = vector.shape_cast %swap3A_1468 : vector<16xi32> to vector<16xi32>
    %swap3A_1470 = vector.shape_cast %add3A_1466 : vector<16xi32> to vector<16xi32>
    tpu.vector_store %arg6[%swap3A_1467], %swap3A_1470 {strides = array<i32>} : memref<3328xi32, #tpu.memory_space<vmem>>, vector<16xi32>,
    %get3A_1471 = arith.constant 2352 : index
    %get3A_1472 = tpu.vector_load %arg6[%get3A_1471] {strides = array<i32>} : memref<3328xi32, #tpu.memory_space<vmem>>, vector<16xi32>,
    %get3A_1473 = vector.shape_cast %get3A_1472 : vector<16xi32> to vector<16xi32>
    %add3A_1474 = arith.constant 1800000 : i32
    %add3A_1475 = vector.broadcast %add3A_1474 : i32 to vector<16xi32>
    %add3A_1476 = arith.addi %get3A_1473, %add3A_1475 : vector<16xi32>
    %swap3A_1477 = arith.constant 2352 : index
    %swap3A_1478 = tpu.vector_load %arg6[%swap3A_1477] {strides = array<i32>} : memref<3328xi32, #tpu.memory_space<vmem>>, vector<16xi32>,
    %swap3A_1479 = vector.shape_cast %swap3A_1478 : vector<16xi32> to vector<16xi32>
    %swap3A_1480 = vector.shape_cast %add3A_1476 : vector<16xi32> to vector<16xi32>
    tpu.vector_store %arg6[%swap3A_1477], %swap3A_1480 {strides = array<i32>} : memref<3328xi32, #tpu.memory_space<vmem>>, vector<16xi32>,
    %get3A_1481 = arith.constant 2368 : index
    %get3A_1482 = tpu.vector_load %arg6[%get3A_1481] {strides = array<i32>} : memref<3328xi32, #tpu.memory_space<vmem>>, vector<16xi32>,
    %get3A_1483 = vector.shape_cast %get3A_1482 : vector<16xi32> to vector<16xi32>
    %add3A_1484 = arith.constant 1800000 : i32
    %add3A_1485 = vector.broadcast %add3A_1484 : i32 to vector<16xi32>
    %add3A_1486 = arith.addi %get3A_1483, %add3A_1485 : vector<16xi32>
    %swap3A_1487 = arith.constant 2368 : index
    %swap3A_1488 = tpu.vector_load %arg6[%swap3A_1487] {strides = array<i32>} : memref<3328xi32, #tpu.memory_space<vmem>>, vector<16xi32>,
    %swap3A_1489 = vector.shape_cast %swap3A_1488 : vector<16xi32> to vector<16xi32>
    %swap3A_1490 = vector.shape_cast %add3A_1486 : vector<16xi32> to vector<16xi32>
    tpu.vector_store %arg6[%swap3A_1487], %swap3A_1490 {strides = array<i32>} : memref<3328xi32, #tpu.memory_space<vmem>>, vector<16xi32>,
    %get3A_1491 = arith.constant 2384 : index
    %get3A_1492 = tpu.vector_load %arg6[%get3A_1491] {strides = array<i32>} : memref<3328xi32, #tpu.memory_space<vmem>>, vector<16xi32>,
    %get3A_1493 = vector.shape_cast %get3A_1492 : vector<16xi32> to vector<16xi32>
    %add3A_1494 = arith.constant 1800000 : i32
    %add3A_1495 = vector.broadcast %add3A_1494 : i32 to vector<16xi32>
    %add3A_1496 = arith.addi %get3A_1493, %add3A_1495 : vector<16xi32>
    %swap3A_1497 = arith.constant 2384 : index
    %swap3A_1498 = tpu.vector_load %arg6[%swap3A_1497] {strides = array<i32>} : memref<3328xi32, #tpu.memory_space<vmem>>, vector<16xi32>,
    %swap3A_1499 = vector.shape_cast %swap3A_1498 : vector<16xi32> to vector<16xi32>
    %swap3A_1500 = vector.shape_cast %add3A_1496 : vector<16xi32> to vector<16xi32>
    tpu.vector_store %arg6[%swap3A_1497], %swap3A_1500 {strides = array<i32>} : memref<3328xi32, #tpu.memory_space<vmem>>, vector<16xi32>,
    %get3A_1501 = arith.constant 2400 : index
    %get3A_1502 = tpu.vector_load %arg6[%get3A_1501] {strides = array<i32>} : memref<3328xi32, #tpu.memory_space<vmem>>, vector<16xi32>,
    %get3A_1503 = vector.shape_cast %get3A_1502 : vector<16xi32> to vector<16xi32>
    %add3A_1504 = arith.constant 1800000 : i32
    %add3A_1505 = vector.broadcast %add3A_1504 : i32 to vector<16xi32>
    %add3A_1506 = arith.addi %get3A_1503, %add3A_1505 : vector<16xi32>
    %swap3A_1507 = arith.constant 2400 : index
    %swap3A_1508 = tpu.vector_load %arg6[%swap3A_1507] {strides = array<i32>} : memref<3328xi32, #tpu.memory_space<vmem>>, vector<16xi32>,
    %swap3A_1509 = vector.shape_cast %swap3A_1508 : vector<16xi32> to vector<16xi32>
    %swap3A_1510 = vector.shape_cast %add3A_1506 : vector<16xi32> to vector<16xi32>
    tpu.vector_store %arg6[%swap3A_1507], %swap3A_1510 {strides = array<i32>} : memref<3328xi32, #tpu.memory_space<vmem>>, vector<16xi32>,
    %get3A_1511 = arith.constant 2416 : index
    %get3A_1512 = tpu.vector_load %arg6[%get3A_1511] {strides = array<i32>} : memref<3328xi32, #tpu.memory_space<vmem>>, vector<16xi32>,
    %get3A_1513 = vector.shape_cast %get3A_1512 : vector<16xi32> to vector<16xi32>
    %add3A_1514 = arith.constant 1800000 : i32
    %add3A_1515 = vector.broadcast %add3A_1514 : i32 to vector<16xi32>
    %add3A_1516 = arith.addi %get3A_1513, %add3A_1515 : vector<16xi32>
    %swap3A_1517 = arith.constant 2416 : index
    %swap3A_1518 = tpu.vector_load %arg6[%swap3A_1517] {strides = array<i32>} : memref<3328xi32, #tpu.memory_space<vmem>>, vector<16xi32>,
    %swap3A_1519 = vector.shape_cast %swap3A_1518 : vector<16xi32> to vector<16xi32>
    %swap3A_1520 = vector.shape_cast %add3A_1516 : vector<16xi32> to vector<16xi32>
    tpu.vector_store %arg6[%swap3A_1517], %swap3A_1520 {strides = array<i32>} : memref<3328xi32, #tpu.memory_space<vmem>>, vector<16xi32>,
    %get3A_1521 = arith.constant 2432 : index
    %get3A_1522 = tpu.vector_load %arg6[%get3A_1521] {strides = array<i32>} : memref<3328xi32, #tpu.memory_space<vmem>>, vector<16xi32>,
    %get3A_1523 = vector.shape_cast %get3A_1522 : vector<16xi32> to vector<16xi32>
    %add3A_1524 = arith.constant 1900000 : i32
    %add3A_1525 = vector.broadcast %add3A_1524 : i32 to vector<16xi32>
    %add3A_1526 = arith.addi %get3A_1523, %add3A_1525 : vector<16xi32>
    %swap3A_1527 = arith.constant 2432 : index
    %swap3A_1528 = tpu.vector_load %arg6[%swap3A_1527] {strides = array<i32>} : memref<3328xi32, #tpu.memory_space<vmem>>, vector<16xi32>,
    %swap3A_1529 = vector.shape_cast %swap3A_1528 : vector<16xi32> to vector<16xi32>
    %swap3A_1530 = vector.shape_cast %add3A_1526 : vector<16xi32> to vector<16xi32>
    tpu.vector_store %arg6[%swap3A_1527], %swap3A_1530 {strides = array<i32>} : memref<3328xi32, #tpu.memory_space<vmem>>, vector<16xi32>,
    %get3A_1531 = arith.constant 2448 : index
    %get3A_1532 = tpu.vector_load %arg6[%get3A_1531] {strides = array<i32>} : memref<3328xi32, #tpu.memory_space<vmem>>, vector<16xi32>,
    %get3A_1533 = vector.shape_cast %get3A_1532 : vector<16xi32> to vector<16xi32>
    %add3A_1534 = arith.constant 1900000 : i32
    %add3A_1535 = vector.broadcast %add3A_1534 : i32 to vector<16xi32>
    %add3A_1536 = arith.addi %get3A_1533, %add3A_1535 : vector<16xi32>
    %swap3A_1537 = arith.constant 2448 : index
    %swap3A_1538 = tpu.vector_load %arg6[%swap3A_1537] {strides = array<i32>} : memref<3328xi32, #tpu.memory_space<vmem>>, vector<16xi32>,
    %swap3A_1539 = vector.shape_cast %swap3A_1538 : vector<16xi32> to vector<16xi32>
    %swap3A_1540 = vector.shape_cast %add3A_1536 : vector<16xi32> to vector<16xi32>
    tpu.vector_store %arg6[%swap3A_1537], %swap3A_1540 {strides = array<i32>} : memref<3328xi32, #tpu.memory_space<vmem>>, vector<16xi32>,
    %get3A_1541 = arith.constant 2464 : index
    %get3A_1542 = tpu.vector_load %arg6[%get3A_1541] {strides = array<i32>} : memref<3328xi32, #tpu.memory_space<vmem>>, vector<16xi32>,
    %get3A_1543 = vector.shape_cast %get3A_1542 : vector<16xi32> to vector<16xi32>
    %add3A_1544 = arith.constant 1900000 : i32
    %add3A_1545 = vector.broadcast %add3A_1544 : i32 to vector<16xi32>
    %add3A_1546 = arith.addi %get3A_1543, %add3A_1545 : vector<16xi32>
    %swap3A_1547 = arith.constant 2464 : index
    %swap3A_1548 = tpu.vector_load %arg6[%swap3A_1547] {strides = array<i32>} : memref<3328xi32, #tpu.memory_space<vmem>>, vector<16xi32>,
    %swap3A_1549 = vector.shape_cast %swap3A_1548 : vector<16xi32> to vector<16xi32>
    %swap3A_1550 = vector.shape_cast %add3A_1546 : vector<16xi32> to vector<16xi32>
    tpu.vector_store %arg6[%swap3A_1547], %swap3A_1550 {strides = array<i32>} : memref<3328xi32, #tpu.memory_space<vmem>>, vector<16xi32>,
    %get3A_1551 = arith.constant 2480 : index
    %get3A_1552 = tpu.vector_load %arg6[%get3A_1551] {strides = array<i32>} : memref<3328xi32, #tpu.memory_space<vmem>>, vector<16xi32>,
    %get3A_1553 = vector.shape_cast %get3A_1552 : vector<16xi32> to vector<16xi32>
    %add3A_1554 = arith.constant 1900000 : i32
    %add3A_1555 = vector.broadcast %add3A_1554 : i32 to vector<16xi32>
    %add3A_1556 = arith.addi %get3A_1553, %add3A_1555 : vector<16xi32>
    %swap3A_1557 = arith.constant 2480 : index
    %swap3A_1558 = tpu.vector_load %arg6[%swap3A_1557] {strides = array<i32>} : memref<3328xi32, #tpu.memory_space<vmem>>, vector<16xi32>,
    %swap3A_1559 = vector.shape_cast %swap3A_1558 : vector<16xi32> to vector<16xi32>
    %swap3A_1560 = vector.shape_cast %add3A_1556 : vector<16xi32> to vector<16xi32>
    tpu.vector_store %arg6[%swap3A_1557], %swap3A_1560 {strides = array<i32>} : memref<3328xi32, #tpu.memory_space<vmem>>, vector<16xi32>,
    %get3A_1561 = arith.constant 2496 : index
    %get3A_1562 = tpu.vector_load %arg6[%get3A_1561] {strides = array<i32>} : memref<3328xi32, #tpu.memory_space<vmem>>, vector<16xi32>,
    %get3A_1563 = vector.shape_cast %get3A_1562 : vector<16xi32> to vector<16xi32>
    %add3A_1564 = arith.constant 1900000 : i32
    %add3A_1565 = vector.broadcast %add3A_1564 : i32 to vector<16xi32>
    %add3A_1566 = arith.addi %get3A_1563, %add3A_1565 : vector<16xi32>
    %swap3A_1567 = arith.constant 2496 : index
    %swap3A_1568 = tpu.vector_load %arg6[%swap3A_1567] {strides = array<i32>} : memref<3328xi32, #tpu.memory_space<vmem>>, vector<16xi32>,
    %swap3A_1569 = vector.shape_cast %swap3A_1568 : vector<16xi32> to vector<16xi32>
    %swap3A_1570 = vector.shape_cast %add3A_1566 : vector<16xi32> to vector<16xi32>
    tpu.vector_store %arg6[%swap3A_1567], %swap3A_1570 {strides = array<i32>} : memref<3328xi32, #tpu.memory_space<vmem>>, vector<16xi32>,
    %get3A_1571 = arith.constant 2512 : index
    %get3A_1572 = tpu.vector_load %arg6[%get3A_1571] {strides = array<i32>} : memref<3328xi32, #tpu.memory_space<vmem>>, vector<16xi32>,
    %get3A_1573 = vector.shape_cast %get3A_1572 : vector<16xi32> to vector<16xi32>
    %add3A_1574 = arith.constant 1900000 : i32
    %add3A_1575 = vector.broadcast %add3A_1574 : i32 to vector<16xi32>
    %add3A_1576 = arith.addi %get3A_1573, %add3A_1575 : vector<16xi32>
    %swap3A_1577 = arith.constant 2512 : index
    %swap3A_1578 = tpu.vector_load %arg6[%swap3A_1577] {strides = array<i32>} : memref<3328xi32, #tpu.memory_space<vmem>>, vector<16xi32>,
    %swap3A_1579 = vector.shape_cast %swap3A_1578 : vector<16xi32> to vector<16xi32>
    %swap3A_1580 = vector.shape_cast %add3A_1576 : vector<16xi32> to vector<16xi32>
    tpu.vector_store %arg6[%swap3A_1577], %swap3A_1580 {strides = array<i32>} : memref<3328xi32, #tpu.memory_space<vmem>>, vector<16xi32>,
    %get3A_1581 = arith.constant 2528 : index
    %get3A_1582 = tpu.vector_load %arg6[%get3A_1581] {strides = array<i32>} : memref<3328xi32, #tpu.memory_space<vmem>>, vector<16xi32>,
    %get3A_1583 = vector.shape_cast %get3A_1582 : vector<16xi32> to vector<16xi32>
    %add3A_1584 = arith.constant 1900000 : i32
    %add3A_1585 = vector.broadcast %add3A_1584 : i32 to vector<16xi32>
    %add3A_1586 = arith.addi %get3A_1583, %add3A_1585 : vector<16xi32>
    %swap3A_1587 = arith.constant 2528 : index
    %swap3A_1588 = tpu.vector_load %arg6[%swap3A_1587] {strides = array<i32>} : memref<3328xi32, #tpu.memory_space<vmem>>, vector<16xi32>,
    %swap3A_1589 = vector.shape_cast %swap3A_1588 : vector<16xi32> to vector<16xi32>
    %swap3A_1590 = vector.shape_cast %add3A_1586 : vector<16xi32> to vector<16xi32>
    tpu.vector_store %arg6[%swap3A_1587], %swap3A_1590 {strides = array<i32>} : memref<3328xi32, #tpu.memory_space<vmem>>, vector<16xi32>,
    %get3A_1591 = arith.constant 2544 : index
    %get3A_1592 = tpu.vector_load %arg6[%get3A_1591] {strides = array<i32>} : memref<3328xi32, #tpu.memory_space<vmem>>, vector<16xi32>,
    %get3A_1593 = vector.shape_cast %get3A_1592 : vector<16xi32> to vector<16xi32>
    %add3A_1594 = arith.constant 1900000 : i32
    %add3A_1595 = vector.broadcast %add3A_1594 : i32 to vector<16xi32>
    %add3A_1596 = arith.addi %get3A_1593, %add3A_1595 : vector<16xi32>
    %swap3A_1597 = arith.constant 2544 : index
    %swap3A_1598 = tpu.vector_load %arg6[%swap3A_1597] {strides = array<i32>} : memref<3328xi32, #tpu.memory_space<vmem>>, vector<16xi32>,
    %swap3A_1599 = vector.shape_cast %swap3A_1598 : vector<16xi32> to vector<16xi32>
    %swap3A_1600 = vector.shape_cast %add3A_1596 : vector<16xi32> to vector<16xi32>
    tpu.vector_store %arg6[%swap3A_1597], %swap3A_1600 {strides = array<i32>} : memref<3328xi32, #tpu.memory_space<vmem>>, vector<16xi32>,
    %get3A_1601 = arith.constant 2560 : index
    %get3A_1602 = tpu.vector_load %arg6[%get3A_1601] {strides = array<i32>} : memref<3328xi32, #tpu.memory_space<vmem>>, vector<16xi32>,
    %get3A_1603 = vector.shape_cast %get3A_1602 : vector<16xi32> to vector<16xi32>
    %add3A_1604 = arith.constant 2000000 : i32
    %add3A_1605 = vector.broadcast %add3A_1604 : i32 to vector<16xi32>
    %add3A_1606 = arith.addi %get3A_1603, %add3A_1605 : vector<16xi32>
    %swap3A_1607 = arith.constant 2560 : index
    %swap3A_1608 = tpu.vector_load %arg6[%swap3A_1607] {strides = array<i32>} : memref<3328xi32, #tpu.memory_space<vmem>>, vector<16xi32>,
    %swap3A_1609 = vector.shape_cast %swap3A_1608 : vector<16xi32> to vector<16xi32>
    %swap3A_1610 = vector.shape_cast %add3A_1606 : vector<16xi32> to vector<16xi32>
    tpu.vector_store %arg6[%swap3A_1607], %swap3A_1610 {strides = array<i32>} : memref<3328xi32, #tpu.memory_space<vmem>>, vector<16xi32>,
    %get3A_1611 = arith.constant 2576 : index
    %get3A_1612 = tpu.vector_load %arg6[%get3A_1611] {strides = array<i32>} : memref<3328xi32, #tpu.memory_space<vmem>>, vector<16xi32>,
    %get3A_1613 = vector.shape_cast %get3A_1612 : vector<16xi32> to vector<16xi32>
    %add3A_1614 = arith.constant 2000000 : i32
    %add3A_1615 = vector.broadcast %add3A_1614 : i32 to vector<16xi32>
    %add3A_1616 = arith.addi %get3A_1613, %add3A_1615 : vector<16xi32>
    %swap3A_1617 = arith.constant 2576 : index
    %swap3A_1618 = tpu.vector_load %arg6[%swap3A_1617] {strides = array<i32>} : memref<3328xi32, #tpu.memory_space<vmem>>, vector<16xi32>,
    %swap3A_1619 = vector.shape_cast %swap3A_1618 : vector<16xi32> to vector<16xi32>
    %swap3A_1620 = vector.shape_cast %add3A_1616 : vector<16xi32> to vector<16xi32>
    tpu.vector_store %arg6[%swap3A_1617], %swap3A_1620 {strides = array<i32>} : memref<3328xi32, #tpu.memory_space<vmem>>, vector<16xi32>,
    %get3A_1621 = arith.constant 2592 : index
    %get3A_1622 = tpu.vector_load %arg6[%get3A_1621] {strides = array<i32>} : memref<3328xi32, #tpu.memory_space<vmem>>, vector<16xi32>,
    %get3A_1623 = vector.shape_cast %get3A_1622 : vector<16xi32> to vector<16xi32>
    %add3A_1624 = arith.constant 2000000 : i32
    %add3A_1625 = vector.broadcast %add3A_1624 : i32 to vector<16xi32>
    %add3A_1626 = arith.addi %get3A_1623, %add3A_1625 : vector<16xi32>
    %swap3A_1627 = arith.constant 2592 : index
    %swap3A_1628 = tpu.vector_load %arg6[%swap3A_1627] {strides = array<i32>} : memref<3328xi32, #tpu.memory_space<vmem>>, vector<16xi32>,
    %swap3A_1629 = vector.shape_cast %swap3A_1628 : vector<16xi32> to vector<16xi32>
    %swap3A_1630 = vector.shape_cast %add3A_1626 : vector<16xi32> to vector<16xi32>
    tpu.vector_store %arg6[%swap3A_1627], %swap3A_1630 {strides = array<i32>} : memref<3328xi32, #tpu.memory_space<vmem>>, vector<16xi32>,
    %get3A_1631 = arith.constant 2608 : index
    %get3A_1632 = tpu.vector_load %arg6[%get3A_1631] {strides = array<i32>} : memref<3328xi32, #tpu.memory_space<vmem>>, vector<16xi32>,
    %get3A_1633 = vector.shape_cast %get3A_1632 : vector<16xi32> to vector<16xi32>
    %add3A_1634 = arith.constant 2000000 : i32
    %add3A_1635 = vector.broadcast %add3A_1634 : i32 to vector<16xi32>
    %add3A_1636 = arith.addi %get3A_1633, %add3A_1635 : vector<16xi32>
    %swap3A_1637 = arith.constant 2608 : index
    %swap3A_1638 = tpu.vector_load %arg6[%swap3A_1637] {strides = array<i32>} : memref<3328xi32, #tpu.memory_space<vmem>>, vector<16xi32>,
    %swap3A_1639 = vector.shape_cast %swap3A_1638 : vector<16xi32> to vector<16xi32>
    %swap3A_1640 = vector.shape_cast %add3A_1636 : vector<16xi32> to vector<16xi32>
    tpu.vector_store %arg6[%swap3A_1637], %swap3A_1640 {strides = array<i32>} : memref<3328xi32, #tpu.memory_space<vmem>>, vector<16xi32>,
    %get3A_1641 = arith.constant 2624 : index
    %get3A_1642 = tpu.vector_load %arg6[%get3A_1641] {strides = array<i32>} : memref<3328xi32, #tpu.memory_space<vmem>>, vector<16xi32>,
    %get3A_1643 = vector.shape_cast %get3A_1642 : vector<16xi32> to vector<16xi32>
    %add3A_1644 = arith.constant 2000000 : i32
    %add3A_1645 = vector.broadcast %add3A_1644 : i32 to vector<16xi32>
    %add3A_1646 = arith.addi %get3A_1643, %add3A_1645 : vector<16xi32>
    %swap3A_1647 = arith.constant 2624 : index
    %swap3A_1648 = tpu.vector_load %arg6[%swap3A_1647] {strides = array<i32>} : memref<3328xi32, #tpu.memory_space<vmem>>, vector<16xi32>,
    %swap3A_1649 = vector.shape_cast %swap3A_1648 : vector<16xi32> to vector<16xi32>
    %swap3A_1650 = vector.shape_cast %add3A_1646 : vector<16xi32> to vector<16xi32>
    tpu.vector_store %arg6[%swap3A_1647], %swap3A_1650 {strides = array<i32>} : memref<3328xi32, #tpu.memory_space<vmem>>, vector<16xi32>,
    %get3A_1651 = arith.constant 2640 : index
    %get3A_1652 = tpu.vector_load %arg6[%get3A_1651] {strides = array<i32>} : memref<3328xi32, #tpu.memory_space<vmem>>, vector<16xi32>,
    %get3A_1653 = vector.shape_cast %get3A_1652 : vector<16xi32> to vector<16xi32>
    %add3A_1654 = arith.constant 2000000 : i32
    %add3A_1655 = vector.broadcast %add3A_1654 : i32 to vector<16xi32>
    %add3A_1656 = arith.addi %get3A_1653, %add3A_1655 : vector<16xi32>
    %swap3A_1657 = arith.constant 2640 : index
    %swap3A_1658 = tpu.vector_load %arg6[%swap3A_1657] {strides = array<i32>} : memref<3328xi32, #tpu.memory_space<vmem>>, vector<16xi32>,
    %swap3A_1659 = vector.shape_cast %swap3A_1658 : vector<16xi32> to vector<16xi32>
    %swap3A_1660 = vector.shape_cast %add3A_1656 : vector<16xi32> to vector<16xi32>
    tpu.vector_store %arg6[%swap3A_1657], %swap3A_1660 {strides = array<i32>} : memref<3328xi32, #tpu.memory_space<vmem>>, vector<16xi32>,
    %get3A_1661 = arith.constant 2656 : index
    %get3A_1662 = tpu.vector_load %arg6[%get3A_1661] {strides = array<i32>} : memref<3328xi32, #tpu.memory_space<vmem>>, vector<16xi32>,
    %get3A_1663 = vector.shape_cast %get3A_1662 : vector<16xi32> to vector<16xi32>
    %add3A_1664 = arith.constant 2000000 : i32
    %add3A_1665 = vector.broadcast %add3A_1664 : i32 to vector<16xi32>
    %add3A_1666 = arith.addi %get3A_1663, %add3A_1665 : vector<16xi32>
    %swap3A_1667 = arith.constant 2656 : index
    %swap3A_1668 = tpu.vector_load %arg6[%swap3A_1667] {strides = array<i32>} : memref<3328xi32, #tpu.memory_space<vmem>>, vector<16xi32>,
    %swap3A_1669 = vector.shape_cast %swap3A_1668 : vector<16xi32> to vector<16xi32>
    %swap3A_1670 = vector.shape_cast %add3A_1666 : vector<16xi32> to vector<16xi32>
    tpu.vector_store %arg6[%swap3A_1667], %swap3A_1670 {strides = array<i32>} : memref<3328xi32, #tpu.memory_space<vmem>>, vector<16xi32>,
    %get3A_1671 = arith.constant 2672 : index
    %get3A_1672 = tpu.vector_load %arg6[%get3A_1671] {strides = array<i32>} : memref<3328xi32, #tpu.memory_space<vmem>>, vector<16xi32>,
    %get3A_1673 = vector.shape_cast %get3A_1672 : vector<16xi32> to vector<16xi32>
    %add3A_1674 = arith.constant 2000000 : i32
    %add3A_1675 = vector.broadcast %add3A_1674 : i32 to vector<16xi32>
    %add3A_1676 = arith.addi %get3A_1673, %add3A_1675 : vector<16xi32>
    %swap3A_1677 = arith.constant 2672 : index
    %swap3A_1678 = tpu.vector_load %arg6[%swap3A_1677] {strides = array<i32>} : memref<3328xi32, #tpu.memory_space<vmem>>, vector<16xi32>,
    %swap3A_1679 = vector.shape_cast %swap3A_1678 : vector<16xi32> to vector<16xi32>
    %swap3A_1680 = vector.shape_cast %add3A_1676 : vector<16xi32> to vector<16xi32>
    tpu.vector_store %arg6[%swap3A_1677], %swap3A_1680 {strides = array<i32>} : memref<3328xi32, #tpu.memory_space<vmem>>, vector<16xi32>,
    %get3A_1681 = arith.constant 2688 : index
    %get3A_1682 = tpu.vector_load %arg6[%get3A_1681] {strides = array<i32>} : memref<3328xi32, #tpu.memory_space<vmem>>, vector<16xi32>,
    %get3A_1683 = vector.shape_cast %get3A_1682 : vector<16xi32> to vector<16xi32>
    %add3A_1684 = arith.constant 2100000 : i32
    %add3A_1685 = vector.broadcast %add3A_1684 : i32 to vector<16xi32>
    %add3A_1686 = arith.addi %get3A_1683, %add3A_1685 : vector<16xi32>
    %swap3A_1687 = arith.constant 2688 : index
    %swap3A_1688 = tpu.vector_load %arg6[%swap3A_1687] {strides = array<i32>} : memref<3328xi32, #tpu.memory_space<vmem>>, vector<16xi32>,
    %swap3A_1689 = vector.shape_cast %swap3A_1688 : vector<16xi32> to vector<16xi32>
    %swap3A_1690 = vector.shape_cast %add3A_1686 : vector<16xi32> to vector<16xi32>
    tpu.vector_store %arg6[%swap3A_1687], %swap3A_1690 {strides = array<i32>} : memref<3328xi32, #tpu.memory_space<vmem>>, vector<16xi32>,
    %get3A_1691 = arith.constant 2704 : index
    %get3A_1692 = tpu.vector_load %arg6[%get3A_1691] {strides = array<i32>} : memref<3328xi32, #tpu.memory_space<vmem>>, vector<16xi32>,
    %get3A_1693 = vector.shape_cast %get3A_1692 : vector<16xi32> to vector<16xi32>
    %add3A_1694 = arith.constant 2100000 : i32
    %add3A_1695 = vector.broadcast %add3A_1694 : i32 to vector<16xi32>
    %add3A_1696 = arith.addi %get3A_1693, %add3A_1695 : vector<16xi32>
    %swap3A_1697 = arith.constant 2704 : index
    %swap3A_1698 = tpu.vector_load %arg6[%swap3A_1697] {strides = array<i32>} : memref<3328xi32, #tpu.memory_space<vmem>>, vector<16xi32>,
    %swap3A_1699 = vector.shape_cast %swap3A_1698 : vector<16xi32> to vector<16xi32>
    %swap3A_1700 = vector.shape_cast %add3A_1696 : vector<16xi32> to vector<16xi32>
    tpu.vector_store %arg6[%swap3A_1697], %swap3A_1700 {strides = array<i32>} : memref<3328xi32, #tpu.memory_space<vmem>>, vector<16xi32>,
    %get3A_1701 = arith.constant 2720 : index
    %get3A_1702 = tpu.vector_load %arg6[%get3A_1701] {strides = array<i32>} : memref<3328xi32, #tpu.memory_space<vmem>>, vector<16xi32>,
    %get3A_1703 = vector.shape_cast %get3A_1702 : vector<16xi32> to vector<16xi32>
    %add3A_1704 = arith.constant 2100000 : i32
    %add3A_1705 = vector.broadcast %add3A_1704 : i32 to vector<16xi32>
    %add3A_1706 = arith.addi %get3A_1703, %add3A_1705 : vector<16xi32>
    %swap3A_1707 = arith.constant 2720 : index
    %swap3A_1708 = tpu.vector_load %arg6[%swap3A_1707] {strides = array<i32>} : memref<3328xi32, #tpu.memory_space<vmem>>, vector<16xi32>,
    %swap3A_1709 = vector.shape_cast %swap3A_1708 : vector<16xi32> to vector<16xi32>
    %swap3A_1710 = vector.shape_cast %add3A_1706 : vector<16xi32> to vector<16xi32>
    tpu.vector_store %arg6[%swap3A_1707], %swap3A_1710 {strides = array<i32>} : memref<3328xi32, #tpu.memory_space<vmem>>, vector<16xi32>,
    %get3A_1711 = arith.constant 2736 : index
    %get3A_1712 = tpu.vector_load %arg6[%get3A_1711] {strides = array<i32>} : memref<3328xi32, #tpu.memory_space<vmem>>, vector<16xi32>,
    %get3A_1713 = vector.shape_cast %get3A_1712 : vector<16xi32> to vector<16xi32>
    %add3A_1714 = arith.constant 2100000 : i32
    %add3A_1715 = vector.broadcast %add3A_1714 : i32 to vector<16xi32>
    %add3A_1716 = arith.addi %get3A_1713, %add3A_1715 : vector<16xi32>
    %swap3A_1717 = arith.constant 2736 : index
    %swap3A_1718 = tpu.vector_load %arg6[%swap3A_1717] {strides = array<i32>} : memref<3328xi32, #tpu.memory_space<vmem>>, vector<16xi32>,
    %swap3A_1719 = vector.shape_cast %swap3A_1718 : vector<16xi32> to vector<16xi32>
    %swap3A_1720 = vector.shape_cast %add3A_1716 : vector<16xi32> to vector<16xi32>
    tpu.vector_store %arg6[%swap3A_1717], %swap3A_1720 {strides = array<i32>} : memref<3328xi32, #tpu.memory_space<vmem>>, vector<16xi32>,
    %get3A_1721 = arith.constant 2752 : index
    %get3A_1722 = tpu.vector_load %arg6[%get3A_1721] {strides = array<i32>} : memref<3328xi32, #tpu.memory_space<vmem>>, vector<16xi32>,
    %get3A_1723 = vector.shape_cast %get3A_1722 : vector<16xi32> to vector<16xi32>
    %add3A_1724 = arith.constant 2100000 : i32
    %add3A_1725 = vector.broadcast %add3A_1724 : i32 to vector<16xi32>
    %add3A_1726 = arith.addi %get3A_1723, %add3A_1725 : vector<16xi32>
    %swap3A_1727 = arith.constant 2752 : index
    %swap3A_1728 = tpu.vector_load %arg6[%swap3A_1727] {strides = array<i32>} : memref<3328xi32, #tpu.memory_space<vmem>>, vector<16xi32>,
    %swap3A_1729 = vector.shape_cast %swap3A_1728 : vector<16xi32> to vector<16xi32>
    %swap3A_1730 = vector.shape_cast %add3A_1726 : vector<16xi32> to vector<16xi32>
    tpu.vector_store %arg6[%swap3A_1727], %swap3A_1730 {strides = array<i32>} : memref<3328xi32, #tpu.memory_space<vmem>>, vector<16xi32>,
    %get3A_1731 = arith.constant 2768 : index
    %get3A_1732 = tpu.vector_load %arg6[%get3A_1731] {strides = array<i32>} : memref<3328xi32, #tpu.memory_space<vmem>>, vector<16xi32>,
    %get3A_1733 = vector.shape_cast %get3A_1732 : vector<16xi32> to vector<16xi32>
    %add3A_1734 = arith.constant 2100000 : i32
    %add3A_1735 = vector.broadcast %add3A_1734 : i32 to vector<16xi32>
    %add3A_1736 = arith.addi %get3A_1733, %add3A_1735 : vector<16xi32>
    %swap3A_1737 = arith.constant 2768 : index
    %swap3A_1738 = tpu.vector_load %arg6[%swap3A_1737] {strides = array<i32>} : memref<3328xi32, #tpu.memory_space<vmem>>, vector<16xi32>,
    %swap3A_1739 = vector.shape_cast %swap3A_1738 : vector<16xi32> to vector<16xi32>
    %swap3A_1740 = vector.shape_cast %add3A_1736 : vector<16xi32> to vector<16xi32>
    tpu.vector_store %arg6[%swap3A_1737], %swap3A_1740 {strides = array<i32>} : memref<3328xi32, #tpu.memory_space<vmem>>, vector<16xi32>,
    %get3A_1741 = arith.constant 2784 : index
    %get3A_1742 = tpu.vector_load %arg6[%get3A_1741] {strides = array<i32>} : memref<3328xi32, #tpu.memory_space<vmem>>, vector<16xi32>,
    %get3A_1743 = vector.shape_cast %get3A_1742 : vector<16xi32> to vector<16xi32>
    %add3A_1744 = arith.constant 2100000 : i32
    %add3A_1745 = vector.broadcast %add3A_1744 : i32 to vector<16xi32>
    %add3A_1746 = arith.addi %get3A_1743, %add3A_1745 : vector<16xi32>
    %swap3A_1747 = arith.constant 2784 : index
    %swap3A_1748 = tpu.vector_load %arg6[%swap3A_1747] {strides = array<i32>} : memref<3328xi32, #tpu.memory_space<vmem>>, vector<16xi32>,
    %swap3A_1749 = vector.shape_cast %swap3A_1748 : vector<16xi32> to vector<16xi32>
    %swap3A_1750 = vector.shape_cast %add3A_1746 : vector<16xi32> to vector<16xi32>
    tpu.vector_store %arg6[%swap3A_1747], %swap3A_1750 {strides = array<i32>} : memref<3328xi32, #tpu.memory_space<vmem>>, vector<16xi32>,
    %get3A_1751 = arith.constant 2800 : index
    %get3A_1752 = tpu.vector_load %arg6[%get3A_1751] {strides = array<i32>} : memref<3328xi32, #tpu.memory_space<vmem>>, vector<16xi32>,
    %get3A_1753 = vector.shape_cast %get3A_1752 : vector<16xi32> to vector<16xi32>
    %add3A_1754 = arith.constant 2100000 : i32
    %add3A_1755 = vector.broadcast %add3A_1754 : i32 to vector<16xi32>
    %add3A_1756 = arith.addi %get3A_1753, %add3A_1755 : vector<16xi32>
    %swap3A_1757 = arith.constant 2800 : index
    %swap3A_1758 = tpu.vector_load %arg6[%swap3A_1757] {strides = array<i32>} : memref<3328xi32, #tpu.memory_space<vmem>>, vector<16xi32>,
    %swap3A_1759 = vector.shape_cast %swap3A_1758 : vector<16xi32> to vector<16xi32>
    %swap3A_1760 = vector.shape_cast %add3A_1756 : vector<16xi32> to vector<16xi32>
    tpu.vector_store %arg6[%swap3A_1757], %swap3A_1760 {strides = array<i32>} : memref<3328xi32, #tpu.memory_space<vmem>>, vector<16xi32>,
    %get3A_1761 = arith.constant 2816 : index
    %get3A_1762 = tpu.vector_load %arg6[%get3A_1761] {strides = array<i32>} : memref<3328xi32, #tpu.memory_space<vmem>>, vector<16xi32>,
    %get3A_1763 = vector.shape_cast %get3A_1762 : vector<16xi32> to vector<16xi32>
    %add3A_1764 = arith.constant 2200000 : i32
    %add3A_1765 = vector.broadcast %add3A_1764 : i32 to vector<16xi32>
    %add3A_1766 = arith.addi %get3A_1763, %add3A_1765 : vector<16xi32>
    %swap3A_1767 = arith.constant 2816 : index
    %swap3A_1768 = tpu.vector_load %arg6[%swap3A_1767] {strides = array<i32>} : memref<3328xi32, #tpu.memory_space<vmem>>, vector<16xi32>,
    %swap3A_1769 = vector.shape_cast %swap3A_1768 : vector<16xi32> to vector<16xi32>
    %swap3A_1770 = vector.shape_cast %add3A_1766 : vector<16xi32> to vector<16xi32>
    tpu.vector_store %arg6[%swap3A_1767], %swap3A_1770 {strides = array<i32>} : memref<3328xi32, #tpu.memory_space<vmem>>, vector<16xi32>,
    %get3A_1771 = arith.constant 2832 : index
    %get3A_1772 = tpu.vector_load %arg6[%get3A_1771] {strides = array<i32>} : memref<3328xi32, #tpu.memory_space<vmem>>, vector<16xi32>,
    %get3A_1773 = vector.shape_cast %get3A_1772 : vector<16xi32> to vector<16xi32>
    %add3A_1774 = arith.constant 2200000 : i32
    %add3A_1775 = vector.broadcast %add3A_1774 : i32 to vector<16xi32>
    %add3A_1776 = arith.addi %get3A_1773, %add3A_1775 : vector<16xi32>
    %swap3A_1777 = arith.constant 2832 : index
    %swap3A_1778 = tpu.vector_load %arg6[%swap3A_1777] {strides = array<i32>} : memref<3328xi32, #tpu.memory_space<vmem>>, vector<16xi32>,
    %swap3A_1779 = vector.shape_cast %swap3A_1778 : vector<16xi32> to vector<16xi32>
    %swap3A_1780 = vector.shape_cast %add3A_1776 : vector<16xi32> to vector<16xi32>
    tpu.vector_store %arg6[%swap3A_1777], %swap3A_1780 {strides = array<i32>} : memref<3328xi32, #tpu.memory_space<vmem>>, vector<16xi32>,
    %get3A_1781 = arith.constant 2848 : index
    %get3A_1782 = tpu.vector_load %arg6[%get3A_1781] {strides = array<i32>} : memref<3328xi32, #tpu.memory_space<vmem>>, vector<16xi32>,
    %get3A_1783 = vector.shape_cast %get3A_1782 : vector<16xi32> to vector<16xi32>
    %add3A_1784 = arith.constant 2200000 : i32
    %add3A_1785 = vector.broadcast %add3A_1784 : i32 to vector<16xi32>
    %add3A_1786 = arith.addi %get3A_1783, %add3A_1785 : vector<16xi32>
    %swap3A_1787 = arith.constant 2848 : index
    %swap3A_1788 = tpu.vector_load %arg6[%swap3A_1787] {strides = array<i32>} : memref<3328xi32, #tpu.memory_space<vmem>>, vector<16xi32>,
    %swap3A_1789 = vector.shape_cast %swap3A_1788 : vector<16xi32> to vector<16xi32>
    %swap3A_1790 = vector.shape_cast %add3A_1786 : vector<16xi32> to vector<16xi32>
    tpu.vector_store %arg6[%swap3A_1787], %swap3A_1790 {strides = array<i32>} : memref<3328xi32, #tpu.memory_space<vmem>>, vector<16xi32>,
    %get3A_1791 = arith.constant 2864 : index
    %get3A_1792 = tpu.vector_load %arg6[%get3A_1791] {strides = array<i32>} : memref<3328xi32, #tpu.memory_space<vmem>>, vector<16xi32>,
    %get3A_1793 = vector.shape_cast %get3A_1792 : vector<16xi32> to vector<16xi32>
    %add3A_1794 = arith.constant 2200000 : i32
    %add3A_1795 = vector.broadcast %add3A_1794 : i32 to vector<16xi32>
    %add3A_1796 = arith.addi %get3A_1793, %add3A_1795 : vector<16xi32>
    %swap3A_1797 = arith.constant 2864 : index
    %swap3A_1798 = tpu.vector_load %arg6[%swap3A_1797] {strides = array<i32>} : memref<3328xi32, #tpu.memory_space<vmem>>, vector<16xi32>,
    %swap3A_1799 = vector.shape_cast %swap3A_1798 : vector<16xi32> to vector<16xi32>
    %swap3A_1800 = vector.shape_cast %add3A_1796 : vector<16xi32> to vector<16xi32>
    tpu.vector_store %arg6[%swap3A_1797], %swap3A_1800 {strides = array<i32>} : memref<3328xi32, #tpu.memory_space<vmem>>, vector<16xi32>,
    %get3A_1801 = arith.constant 2880 : index
    %get3A_1802 = tpu.vector_load %arg6[%get3A_1801] {strides = array<i32>} : memref<3328xi32, #tpu.memory_space<vmem>>, vector<16xi32>,
    %get3A_1803 = vector.shape_cast %get3A_1802 : vector<16xi32> to vector<16xi32>
    %add3A_1804 = arith.constant 2200000 : i32
    %add3A_1805 = vector.broadcast %add3A_1804 : i32 to vector<16xi32>
    %add3A_1806 = arith.addi %get3A_1803, %add3A_1805 : vector<16xi32>
    %swap3A_1807 = arith.constant 2880 : index
    %swap3A_1808 = tpu.vector_load %arg6[%swap3A_1807] {strides = array<i32>} : memref<3328xi32, #tpu.memory_space<vmem>>, vector<16xi32>,
    %swap3A_1809 = vector.shape_cast %swap3A_1808 : vector<16xi32> to vector<16xi32>
    %swap3A_1810 = vector.shape_cast %add3A_1806 : vector<16xi32> to vector<16xi32>
    tpu.vector_store %arg6[%swap3A_1807], %swap3A_1810 {strides = array<i32>} : memref<3328xi32, #tpu.memory_space<vmem>>, vector<16xi32>,
    %get3A_1811 = arith.constant 2896 : index
    %get3A_1812 = tpu.vector_load %arg6[%get3A_1811] {strides = array<i32>} : memref<3328xi32, #tpu.memory_space<vmem>>, vector<16xi32>,
    %get3A_1813 = vector.shape_cast %get3A_1812 : vector<16xi32> to vector<16xi32>
    %add3A_1814 = arith.constant 2200000 : i32
    %add3A_1815 = vector.broadcast %add3A_1814 : i32 to vector<16xi32>
    %add3A_1816 = arith.addi %get3A_1813, %add3A_1815 : vector<16xi32>
    %swap3A_1817 = arith.constant 2896 : index
    %swap3A_1818 = tpu.vector_load %arg6[%swap3A_1817] {strides = array<i32>} : memref<3328xi32, #tpu.memory_space<vmem>>, vector<16xi32>,
    %swap3A_1819 = vector.shape_cast %swap3A_1818 : vector<16xi32> to vector<16xi32>
    %swap3A_1820 = vector.shape_cast %add3A_1816 : vector<16xi32> to vector<16xi32>
    tpu.vector_store %arg6[%swap3A_1817], %swap3A_1820 {strides = array<i32>} : memref<3328xi32, #tpu.memory_space<vmem>>, vector<16xi32>,
    %get3A_1821 = arith.constant 2912 : index
    %get3A_1822 = tpu.vector_load %arg6[%get3A_1821] {strides = array<i32>} : memref<3328xi32, #tpu.memory_space<vmem>>, vector<16xi32>,
    %get3A_1823 = vector.shape_cast %get3A_1822 : vector<16xi32> to vector<16xi32>
    %add3A_1824 = arith.constant 2200000 : i32
    %add3A_1825 = vector.broadcast %add3A_1824 : i32 to vector<16xi32>
    %add3A_1826 = arith.addi %get3A_1823, %add3A_1825 : vector<16xi32>
    %swap3A_1827 = arith.constant 2912 : index
    %swap3A_1828 = tpu.vector_load %arg6[%swap3A_1827] {strides = array<i32>} : memref<3328xi32, #tpu.memory_space<vmem>>, vector<16xi32>,
    %swap3A_1829 = vector.shape_cast %swap3A_1828 : vector<16xi32> to vector<16xi32>
    %swap3A_1830 = vector.shape_cast %add3A_1826 : vector<16xi32> to vector<16xi32>
    tpu.vector_store %arg6[%swap3A_1827], %swap3A_1830 {strides = array<i32>} : memref<3328xi32, #tpu.memory_space<vmem>>, vector<16xi32>,
    %get3A_1831 = arith.constant 2928 : index
    %get3A_1832 = tpu.vector_load %arg6[%get3A_1831] {strides = array<i32>} : memref<3328xi32, #tpu.memory_space<vmem>>, vector<16xi32>,
    %get3A_1833 = vector.shape_cast %get3A_1832 : vector<16xi32> to vector<16xi32>
    %add3A_1834 = arith.constant 2200000 : i32
    %add3A_1835 = vector.broadcast %add3A_1834 : i32 to vector<16xi32>
    %add3A_1836 = arith.addi %get3A_1833, %add3A_1835 : vector<16xi32>
    %swap3A_1837 = arith.constant 2928 : index
    %swap3A_1838 = tpu.vector_load %arg6[%swap3A_1837] {strides = array<i32>} : memref<3328xi32, #tpu.memory_space<vmem>>, vector<16xi32>,
    %swap3A_1839 = vector.shape_cast %swap3A_1838 : vector<16xi32> to vector<16xi32>
    %swap3A_1840 = vector.shape_cast %add3A_1836 : vector<16xi32> to vector<16xi32>
    tpu.vector_store %arg6[%swap3A_1837], %swap3A_1840 {strides = array<i32>} : memref<3328xi32, #tpu.memory_space<vmem>>, vector<16xi32>,
    %get3A_1841 = arith.constant 2944 : index
    %get3A_1842 = tpu.vector_load %arg6[%get3A_1841] {strides = array<i32>} : memref<3328xi32, #tpu.memory_space<vmem>>, vector<16xi32>,
    %get3A_1843 = vector.shape_cast %get3A_1842 : vector<16xi32> to vector<16xi32>
    %add3A_1844 = arith.constant 2300000 : i32
    %add3A_1845 = vector.broadcast %add3A_1844 : i32 to vector<16xi32>
    %add3A_1846 = arith.addi %get3A_1843, %add3A_1845 : vector<16xi32>
    %swap3A_1847 = arith.constant 2944 : index
    %swap3A_1848 = tpu.vector_load %arg6[%swap3A_1847] {strides = array<i32>} : memref<3328xi32, #tpu.memory_space<vmem>>, vector<16xi32>,
    %swap3A_1849 = vector.shape_cast %swap3A_1848 : vector<16xi32> to vector<16xi32>
    %swap3A_1850 = vector.shape_cast %add3A_1846 : vector<16xi32> to vector<16xi32>
    tpu.vector_store %arg6[%swap3A_1847], %swap3A_1850 {strides = array<i32>} : memref<3328xi32, #tpu.memory_space<vmem>>, vector<16xi32>,
    %get3A_1851 = arith.constant 2960 : index
    %get3A_1852 = tpu.vector_load %arg6[%get3A_1851] {strides = array<i32>} : memref<3328xi32, #tpu.memory_space<vmem>>, vector<16xi32>,
    %get3A_1853 = vector.shape_cast %get3A_1852 : vector<16xi32> to vector<16xi32>
    %add3A_1854 = arith.constant 2300000 : i32
    %add3A_1855 = vector.broadcast %add3A_1854 : i32 to vector<16xi32>
    %add3A_1856 = arith.addi %get3A_1853, %add3A_1855 : vector<16xi32>
    %swap3A_1857 = arith.constant 2960 : index
    %swap3A_1858 = tpu.vector_load %arg6[%swap3A_1857] {strides = array<i32>} : memref<3328xi32, #tpu.memory_space<vmem>>, vector<16xi32>,
    %swap3A_1859 = vector.shape_cast %swap3A_1858 : vector<16xi32> to vector<16xi32>
    %swap3A_1860 = vector.shape_cast %add3A_1856 : vector<16xi32> to vector<16xi32>
    tpu.vector_store %arg6[%swap3A_1857], %swap3A_1860 {strides = array<i32>} : memref<3328xi32, #tpu.memory_space<vmem>>, vector<16xi32>,
    %get3A_1861 = arith.constant 2976 : index
    %get3A_1862 = tpu.vector_load %arg6[%get3A_1861] {strides = array<i32>} : memref<3328xi32, #tpu.memory_space<vmem>>, vector<16xi32>,
    %get3A_1863 = vector.shape_cast %get3A_1862 : vector<16xi32> to vector<16xi32>
    %add3A_1864 = arith.constant 2300000 : i32
    %add3A_1865 = vector.broadcast %add3A_1864 : i32 to vector<16xi32>
    %add3A_1866 = arith.addi %get3A_1863, %add3A_1865 : vector<16xi32>
    %swap3A_1867 = arith.constant 2976 : index
    %swap3A_1868 = tpu.vector_load %arg6[%swap3A_1867] {strides = array<i32>} : memref<3328xi32, #tpu.memory_space<vmem>>, vector<16xi32>,
    %swap3A_1869 = vector.shape_cast %swap3A_1868 : vector<16xi32> to vector<16xi32>
    %swap3A_1870 = vector.shape_cast %add3A_1866 : vector<16xi32> to vector<16xi32>
    tpu.vector_store %arg6[%swap3A_1867], %swap3A_1870 {strides = array<i32>} : memref<3328xi32, #tpu.memory_space<vmem>>, vector<16xi32>,
    %get3A_1871 = arith.constant 2992 : index
    %get3A_1872 = tpu.vector_load %arg6[%get3A_1871] {strides = array<i32>} : memref<3328xi32, #tpu.memory_space<vmem>>, vector<16xi32>,
    %get3A_1873 = vector.shape_cast %get3A_1872 : vector<16xi32> to vector<16xi32>
    %add3A_1874 = arith.constant 2300000 : i32
    %add3A_1875 = vector.broadcast %add3A_1874 : i32 to vector<16xi32>
    %add3A_1876 = arith.addi %get3A_1873, %add3A_1875 : vector<16xi32>
    %swap3A_1877 = arith.constant 2992 : index
    %swap3A_1878 = tpu.vector_load %arg6[%swap3A_1877] {strides = array<i32>} : memref<3328xi32, #tpu.memory_space<vmem>>, vector<16xi32>,
    %swap3A_1879 = vector.shape_cast %swap3A_1878 : vector<16xi32> to vector<16xi32>
    %swap3A_1880 = vector.shape_cast %add3A_1876 : vector<16xi32> to vector<16xi32>
    tpu.vector_store %arg6[%swap3A_1877], %swap3A_1880 {strides = array<i32>} : memref<3328xi32, #tpu.memory_space<vmem>>, vector<16xi32>,
    %get3A_1881 = arith.constant 3008 : index
    %get3A_1882 = tpu.vector_load %arg6[%get3A_1881] {strides = array<i32>} : memref<3328xi32, #tpu.memory_space<vmem>>, vector<16xi32>,
    %get3A_1883 = vector.shape_cast %get3A_1882 : vector<16xi32> to vector<16xi32>
    %add3A_1884 = arith.constant 2300000 : i32
    %add3A_1885 = vector.broadcast %add3A_1884 : i32 to vector<16xi32>
    %add3A_1886 = arith.addi %get3A_1883, %add3A_1885 : vector<16xi32>
    %swap3A_1887 = arith.constant 3008 : index
    %swap3A_1888 = tpu.vector_load %arg6[%swap3A_1887] {strides = array<i32>} : memref<3328xi32, #tpu.memory_space<vmem>>, vector<16xi32>,
    %swap3A_1889 = vector.shape_cast %swap3A_1888 : vector<16xi32> to vector<16xi32>
    %swap3A_1890 = vector.shape_cast %add3A_1886 : vector<16xi32> to vector<16xi32>
    tpu.vector_store %arg6[%swap3A_1887], %swap3A_1890 {strides = array<i32>} : memref<3328xi32, #tpu.memory_space<vmem>>, vector<16xi32>,
    %get3A_1891 = arith.constant 3024 : index
    %get3A_1892 = tpu.vector_load %arg6[%get3A_1891] {strides = array<i32>} : memref<3328xi32, #tpu.memory_space<vmem>>, vector<16xi32>,
    %get3A_1893 = vector.shape_cast %get3A_1892 : vector<16xi32> to vector<16xi32>
    %add3A_1894 = arith.constant 2300000 : i32
    %add3A_1895 = vector.broadcast %add3A_1894 : i32 to vector<16xi32>
    %add3A_1896 = arith.addi %get3A_1893, %add3A_1895 : vector<16xi32>
    %swap3A_1897 = arith.constant 3024 : index
    %swap3A_1898 = tpu.vector_load %arg6[%swap3A_1897] {strides = array<i32>} : memref<3328xi32, #tpu.memory_space<vmem>>, vector<16xi32>,
    %swap3A_1899 = vector.shape_cast %swap3A_1898 : vector<16xi32> to vector<16xi32>
    %swap3A_1900 = vector.shape_cast %add3A_1896 : vector<16xi32> to vector<16xi32>
    tpu.vector_store %arg6[%swap3A_1897], %swap3A_1900 {strides = array<i32>} : memref<3328xi32, #tpu.memory_space<vmem>>, vector<16xi32>,
    %get3A_1901 = arith.constant 3040 : index
    %get3A_1902 = tpu.vector_load %arg6[%get3A_1901] {strides = array<i32>} : memref<3328xi32, #tpu.memory_space<vmem>>, vector<16xi32>,
    %get3A_1903 = vector.shape_cast %get3A_1902 : vector<16xi32> to vector<16xi32>
    %add3A_1904 = arith.constant 2300000 : i32
    %add3A_1905 = vector.broadcast %add3A_1904 : i32 to vector<16xi32>
    %add3A_1906 = arith.addi %get3A_1903, %add3A_1905 : vector<16xi32>
    %swap3A_1907 = arith.constant 3040 : index
    %swap3A_1908 = tpu.vector_load %arg6[%swap3A_1907] {strides = array<i32>} : memref<3328xi32, #tpu.memory_space<vmem>>, vector<16xi32>,
    %swap3A_1909 = vector.shape_cast %swap3A_1908 : vector<16xi32> to vector<16xi32>
    %swap3A_1910 = vector.shape_cast %add3A_1906 : vector<16xi32> to vector<16xi32>
    tpu.vector_store %arg6[%swap3A_1907], %swap3A_1910 {strides = array<i32>} : memref<3328xi32, #tpu.memory_space<vmem>>, vector<16xi32>,
    %get3A_1911 = arith.constant 3056 : index
    %get3A_1912 = tpu.vector_load %arg6[%get3A_1911] {strides = array<i32>} : memref<3328xi32, #tpu.memory_space<vmem>>, vector<16xi32>,
    %get3A_1913 = vector.shape_cast %get3A_1912 : vector<16xi32> to vector<16xi32>
    %add3A_1914 = arith.constant 2300000 : i32
    %add3A_1915 = vector.broadcast %add3A_1914 : i32 to vector<16xi32>
    %add3A_1916 = arith.addi %get3A_1913, %add3A_1915 : vector<16xi32>
    %swap3A_1917 = arith.constant 3056 : index
    %swap3A_1918 = tpu.vector_load %arg6[%swap3A_1917] {strides = array<i32>} : memref<3328xi32, #tpu.memory_space<vmem>>, vector<16xi32>,
    %swap3A_1919 = vector.shape_cast %swap3A_1918 : vector<16xi32> to vector<16xi32>
    %swap3A_1920 = vector.shape_cast %add3A_1916 : vector<16xi32> to vector<16xi32>
    tpu.vector_store %arg6[%swap3A_1917], %swap3A_1920 {strides = array<i32>} : memref<3328xi32, #tpu.memory_space<vmem>>, vector<16xi32>,
    %get3A_1921 = arith.constant 3072 : index
    %get3A_1922 = tpu.vector_load %arg6[%get3A_1921] {strides = array<i32>} : memref<3328xi32, #tpu.memory_space<vmem>>, vector<16xi32>,
    %get3A_1923 = vector.shape_cast %get3A_1922 : vector<16xi32> to vector<16xi32>
    %add3A_1924 = arith.constant 2400000 : i32
    %add3A_1925 = vector.broadcast %add3A_1924 : i32 to vector<16xi32>
    %add3A_1926 = arith.addi %get3A_1923, %add3A_1925 : vector<16xi32>
    %swap3A_1927 = arith.constant 3072 : index
    %swap3A_1928 = tpu.vector_load %arg6[%swap3A_1927] {strides = array<i32>} : memref<3328xi32, #tpu.memory_space<vmem>>, vector<16xi32>,
    %swap3A_1929 = vector.shape_cast %swap3A_1928 : vector<16xi32> to vector<16xi32>
    %swap3A_1930 = vector.shape_cast %add3A_1926 : vector<16xi32> to vector<16xi32>
    tpu.vector_store %arg6[%swap3A_1927], %swap3A_1930 {strides = array<i32>} : memref<3328xi32, #tpu.memory_space<vmem>>, vector<16xi32>,
    %get3A_1931 = arith.constant 3088 : index
    %get3A_1932 = tpu.vector_load %arg6[%get3A_1931] {strides = array<i32>} : memref<3328xi32, #tpu.memory_space<vmem>>, vector<16xi32>,
    %get3A_1933 = vector.shape_cast %get3A_1932 : vector<16xi32> to vector<16xi32>
    %add3A_1934 = arith.constant 2400000 : i32
    %add3A_1935 = vector.broadcast %add3A_1934 : i32 to vector<16xi32>
    %add3A_1936 = arith.addi %get3A_1933, %add3A_1935 : vector<16xi32>
    %swap3A_1937 = arith.constant 3088 : index
    %swap3A_1938 = tpu.vector_load %arg6[%swap3A_1937] {strides = array<i32>} : memref<3328xi32, #tpu.memory_space<vmem>>, vector<16xi32>,
    %swap3A_1939 = vector.shape_cast %swap3A_1938 : vector<16xi32> to vector<16xi32>
    %swap3A_1940 = vector.shape_cast %add3A_1936 : vector<16xi32> to vector<16xi32>
    tpu.vector_store %arg6[%swap3A_1937], %swap3A_1940 {strides = array<i32>} : memref<3328xi32, #tpu.memory_space<vmem>>, vector<16xi32>,
    %get3A_1941 = arith.constant 3104 : index
    %get3A_1942 = tpu.vector_load %arg6[%get3A_1941] {strides = array<i32>} : memref<3328xi32, #tpu.memory_space<vmem>>, vector<16xi32>,
    %get3A_1943 = vector.shape_cast %get3A_1942 : vector<16xi32> to vector<16xi32>
    %add3A_1944 = arith.constant 2400000 : i32
    %add3A_1945 = vector.broadcast %add3A_1944 : i32 to vector<16xi32>
    %add3A_1946 = arith.addi %get3A_1943, %add3A_1945 : vector<16xi32>
    %swap3A_1947 = arith.constant 3104 : index
    %swap3A_1948 = tpu.vector_load %arg6[%swap3A_1947] {strides = array<i32>} : memref<3328xi32, #tpu.memory_space<vmem>>, vector<16xi32>,
    %swap3A_1949 = vector.shape_cast %swap3A_1948 : vector<16xi32> to vector<16xi32>
    %swap3A_1950 = vector.shape_cast %add3A_1946 : vector<16xi32> to vector<16xi32>
    tpu.vector_store %arg6[%swap3A_1947], %swap3A_1950 {strides = array<i32>} : memref<3328xi32, #tpu.memory_space<vmem>>, vector<16xi32>,
    %get3A_1951 = arith.constant 3120 : index
    %get3A_1952 = tpu.vector_load %arg6[%get3A_1951] {strides = array<i32>} : memref<3328xi32, #tpu.memory_space<vmem>>, vector<16xi32>,
    %get3A_1953 = vector.shape_cast %get3A_1952 : vector<16xi32> to vector<16xi32>
    %add3A_1954 = arith.constant 2400000 : i32
    %add3A_1955 = vector.broadcast %add3A_1954 : i32 to vector<16xi32>
    %add3A_1956 = arith.addi %get3A_1953, %add3A_1955 : vector<16xi32>
    %swap3A_1957 = arith.constant 3120 : index
    %swap3A_1958 = tpu.vector_load %arg6[%swap3A_1957] {strides = array<i32>} : memref<3328xi32, #tpu.memory_space<vmem>>, vector<16xi32>,
    %swap3A_1959 = vector.shape_cast %swap3A_1958 : vector<16xi32> to vector<16xi32>
    %swap3A_1960 = vector.shape_cast %add3A_1956 : vector<16xi32> to vector<16xi32>
    tpu.vector_store %arg6[%swap3A_1957], %swap3A_1960 {strides = array<i32>} : memref<3328xi32, #tpu.memory_space<vmem>>, vector<16xi32>,
    %get3A_1961 = arith.constant 3136 : index
    %get3A_1962 = tpu.vector_load %arg6[%get3A_1961] {strides = array<i32>} : memref<3328xi32, #tpu.memory_space<vmem>>, vector<16xi32>,
    %get3A_1963 = vector.shape_cast %get3A_1962 : vector<16xi32> to vector<16xi32>
    %add3A_1964 = arith.constant 2400000 : i32
    %add3A_1965 = vector.broadcast %add3A_1964 : i32 to vector<16xi32>
    %add3A_1966 = arith.addi %get3A_1963, %add3A_1965 : vector<16xi32>
    %swap3A_1967 = arith.constant 3136 : index
    %swap3A_1968 = tpu.vector_load %arg6[%swap3A_1967] {strides = array<i32>} : memref<3328xi32, #tpu.memory_space<vmem>>, vector<16xi32>,
    %swap3A_1969 = vector.shape_cast %swap3A_1968 : vector<16xi32> to vector<16xi32>
    %swap3A_1970 = vector.shape_cast %add3A_1966 : vector<16xi32> to vector<16xi32>
    tpu.vector_store %arg6[%swap3A_1967], %swap3A_1970 {strides = array<i32>} : memref<3328xi32, #tpu.memory_space<vmem>>, vector<16xi32>,
    %get3A_1971 = arith.constant 3152 : index
    %get3A_1972 = tpu.vector_load %arg6[%get3A_1971] {strides = array<i32>} : memref<3328xi32, #tpu.memory_space<vmem>>, vector<16xi32>,
    %get3A_1973 = vector.shape_cast %get3A_1972 : vector<16xi32> to vector<16xi32>
    %add3A_1974 = arith.constant 2400000 : i32
    %add3A_1975 = vector.broadcast %add3A_1974 : i32 to vector<16xi32>
    %add3A_1976 = arith.addi %get3A_1973, %add3A_1975 : vector<16xi32>
    %swap3A_1977 = arith.constant 3152 : index
    %swap3A_1978 = tpu.vector_load %arg6[%swap3A_1977] {strides = array<i32>} : memref<3328xi32, #tpu.memory_space<vmem>>, vector<16xi32>,
    %swap3A_1979 = vector.shape_cast %swap3A_1978 : vector<16xi32> to vector<16xi32>
    %swap3A_1980 = vector.shape_cast %add3A_1976 : vector<16xi32> to vector<16xi32>
    tpu.vector_store %arg6[%swap3A_1977], %swap3A_1980 {strides = array<i32>} : memref<3328xi32, #tpu.memory_space<vmem>>, vector<16xi32>,
    %get3A_1981 = arith.constant 3168 : index
    %get3A_1982 = tpu.vector_load %arg6[%get3A_1981] {strides = array<i32>} : memref<3328xi32, #tpu.memory_space<vmem>>, vector<16xi32>,
    %get3A_1983 = vector.shape_cast %get3A_1982 : vector<16xi32> to vector<16xi32>
    %add3A_1984 = arith.constant 2400000 : i32
    %add3A_1985 = vector.broadcast %add3A_1984 : i32 to vector<16xi32>
    %add3A_1986 = arith.addi %get3A_1983, %add3A_1985 : vector<16xi32>
    %swap3A_1987 = arith.constant 3168 : index
    %swap3A_1988 = tpu.vector_load %arg6[%swap3A_1987] {strides = array<i32>} : memref<3328xi32, #tpu.memory_space<vmem>>, vector<16xi32>,
    %swap3A_1989 = vector.shape_cast %swap3A_1988 : vector<16xi32> to vector<16xi32>
    %swap3A_1990 = vector.shape_cast %add3A_1986 : vector<16xi32> to vector<16xi32>
    tpu.vector_store %arg6[%swap3A_1987], %swap3A_1990 {strides = array<i32>} : memref<3328xi32, #tpu.memory_space<vmem>>, vector<16xi32>,
    %get3A_1991 = arith.constant 3184 : index
    %get3A_1992 = tpu.vector_load %arg6[%get3A_1991] {strides = array<i32>} : memref<3328xi32, #tpu.memory_space<vmem>>, vector<16xi32>,
    %get3A_1993 = vector.shape_cast %get3A_1992 : vector<16xi32> to vector<16xi32>
    %add3A_1994 = arith.constant 2400000 : i32
    %add3A_1995 = vector.broadcast %add3A_1994 : i32 to vector<16xi32>
    %add3A_1996 = arith.addi %get3A_1993, %add3A_1995 : vector<16xi32>
    %swap3A_1997 = arith.constant 3184 : index
    %swap3A_1998 = tpu.vector_load %arg6[%swap3A_1997] {strides = array<i32>} : memref<3328xi32, #tpu.memory_space<vmem>>, vector<16xi32>,
    %swap3A_1999 = vector.shape_cast %swap3A_1998 : vector<16xi32> to vector<16xi32>
    %swap3A_2000 = vector.shape_cast %add3A_1996 : vector<16xi32> to vector<16xi32>
    tpu.vector_store %arg6[%swap3A_1997], %swap3A_2000 {strides = array<i32>} : memref<3328xi32, #tpu.memory_space<vmem>>, vector<16xi32>,
    %get3A_2001 = arith.constant 3200 : index
    %get3A_2002 = tpu.vector_load %arg6[%get3A_2001] {strides = array<i32>} : memref<3328xi32, #tpu.memory_space<vmem>>, vector<16xi32>,
    %get3A_2003 = vector.shape_cast %get3A_2002 : vector<16xi32> to vector<16xi32>
    %add3A_2004 = arith.constant 2500000 : i32
    %add3A_2005 = vector.broadcast %add3A_2004 : i32 to vector<16xi32>
    %add3A_2006 = arith.addi %get3A_2003, %add3A_2005 : vector<16xi32>
    %swap3A_2007 = arith.constant 3200 : index
    %swap3A_2008 = tpu.vector_load %arg6[%swap3A_2007] {strides = array<i32>} : memref<3328xi32, #tpu.memory_space<vmem>>, vector<16xi32>,
    %swap3A_2009 = vector.shape_cast %swap3A_2008 : vector<16xi32> to vector<16xi32>
    %swap3A_2010 = vector.shape_cast %add3A_2006 : vector<16xi32> to vector<16xi32>
    tpu.vector_store %arg6[%swap3A_2007], %swap3A_2010 {strides = array<i32>} : memref<3328xi32, #tpu.memory_space<vmem>>, vector<16xi32>,
    %get3A_2011 = arith.constant 3216 : index
    %get3A_2012 = tpu.vector_load %arg6[%get3A_2011] {strides = array<i32>} : memref<3328xi32, #tpu.memory_space<vmem>>, vector<16xi32>,
    %get3A_2013 = vector.shape_cast %get3A_2012 : vector<16xi32> to vector<16xi32>
    %add3A_2014 = arith.constant 2500000 : i32
    %add3A_2015 = vector.broadcast %add3A_2014 : i32 to vector<16xi32>
    %add3A_2016 = arith.addi %get3A_2013, %add3A_2015 : vector<16xi32>
    %swap3A_2017 = arith.constant 3216 : index
    %swap3A_2018 = tpu.vector_load %arg6[%swap3A_2017] {strides = array<i32>} : memref<3328xi32, #tpu.memory_space<vmem>>, vector<16xi32>,
    %swap3A_2019 = vector.shape_cast %swap3A_2018 : vector<16xi32> to vector<16xi32>
    %swap3A_2020 = vector.shape_cast %add3A_2016 : vector<16xi32> to vector<16xi32>
    tpu.vector_store %arg6[%swap3A_2017], %swap3A_2020 {strides = array<i32>} : memref<3328xi32, #tpu.memory_space<vmem>>, vector<16xi32>,
    %get3A_2021 = arith.constant 3232 : index
    %get3A_2022 = tpu.vector_load %arg6[%get3A_2021] {strides = array<i32>} : memref<3328xi32, #tpu.memory_space<vmem>>, vector<16xi32>,
    %get3A_2023 = vector.shape_cast %get3A_2022 : vector<16xi32> to vector<16xi32>
    %add3A_2024 = arith.constant 2500000 : i32
    %add3A_2025 = vector.broadcast %add3A_2024 : i32 to vector<16xi32>
    %add3A_2026 = arith.addi %get3A_2023, %add3A_2025 : vector<16xi32>
    %swap3A_2027 = arith.constant 3232 : index
    %swap3A_2028 = tpu.vector_load %arg6[%swap3A_2027] {strides = array<i32>} : memref<3328xi32, #tpu.memory_space<vmem>>, vector<16xi32>,
    %swap3A_2029 = vector.shape_cast %swap3A_2028 : vector<16xi32> to vector<16xi32>
    %swap3A_2030 = vector.shape_cast %add3A_2026 : vector<16xi32> to vector<16xi32>
    tpu.vector_store %arg6[%swap3A_2027], %swap3A_2030 {strides = array<i32>} : memref<3328xi32, #tpu.memory_space<vmem>>, vector<16xi32>,
    %get3A_2031 = arith.constant 3248 : index
    %get3A_2032 = tpu.vector_load %arg6[%get3A_2031] {strides = array<i32>} : memref<3328xi32, #tpu.memory_space<vmem>>, vector<16xi32>,
    %get3A_2033 = vector.shape_cast %get3A_2032 : vector<16xi32> to vector<16xi32>
    %add3A_2034 = arith.constant 2500000 : i32
    %add3A_2035 = vector.broadcast %add3A_2034 : i32 to vector<16xi32>
    %add3A_2036 = arith.addi %get3A_2033, %add3A_2035 : vector<16xi32>
    %swap3A_2037 = arith.constant 3248 : index
    %swap3A_2038 = tpu.vector_load %arg6[%swap3A_2037] {strides = array<i32>} : memref<3328xi32, #tpu.memory_space<vmem>>, vector<16xi32>,
    %swap3A_2039 = vector.shape_cast %swap3A_2038 : vector<16xi32> to vector<16xi32>
    %swap3A_2040 = vector.shape_cast %add3A_2036 : vector<16xi32> to vector<16xi32>
    tpu.vector_store %arg6[%swap3A_2037], %swap3A_2040 {strides = array<i32>} : memref<3328xi32, #tpu.memory_space<vmem>>, vector<16xi32>,
    %get3A_2041 = arith.constant 3264 : index
    %get3A_2042 = tpu.vector_load %arg6[%get3A_2041] {strides = array<i32>} : memref<3328xi32, #tpu.memory_space<vmem>>, vector<16xi32>,
    %get3A_2043 = vector.shape_cast %get3A_2042 : vector<16xi32> to vector<16xi32>
    %add3A_2044 = arith.constant 2500000 : i32
    %add3A_2045 = vector.broadcast %add3A_2044 : i32 to vector<16xi32>
    %add3A_2046 = arith.addi %get3A_2043, %add3A_2045 : vector<16xi32>
    %swap3A_2047 = arith.constant 3264 : index
    %swap3A_2048 = tpu.vector_load %arg6[%swap3A_2047] {strides = array<i32>} : memref<3328xi32, #tpu.memory_space<vmem>>, vector<16xi32>,
    %swap3A_2049 = vector.shape_cast %swap3A_2048 : vector<16xi32> to vector<16xi32>
    %swap3A_2050 = vector.shape_cast %add3A_2046 : vector<16xi32> to vector<16xi32>
    tpu.vector_store %arg6[%swap3A_2047], %swap3A_2050 {strides = array<i32>} : memref<3328xi32, #tpu.memory_space<vmem>>, vector<16xi32>,
    %get3A_2051 = arith.constant 3280 : index
    %get3A_2052 = tpu.vector_load %arg6[%get3A_2051] {strides = array<i32>} : memref<3328xi32, #tpu.memory_space<vmem>>, vector<16xi32>,
    %get3A_2053 = vector.shape_cast %get3A_2052 : vector<16xi32> to vector<16xi32>
    %add3A_2054 = arith.constant 2500000 : i32
    %add3A_2055 = vector.broadcast %add3A_2054 : i32 to vector<16xi32>
    %add3A_2056 = arith.addi %get3A_2053, %add3A_2055 : vector<16xi32>
    %swap3A_2057 = arith.constant 3280 : index
    %swap3A_2058 = tpu.vector_load %arg6[%swap3A_2057] {strides = array<i32>} : memref<3328xi32, #tpu.memory_space<vmem>>, vector<16xi32>,
    %swap3A_2059 = vector.shape_cast %swap3A_2058 : vector<16xi32> to vector<16xi32>
    %swap3A_2060 = vector.shape_cast %add3A_2056 : vector<16xi32> to vector<16xi32>
    tpu.vector_store %arg6[%swap3A_2057], %swap3A_2060 {strides = array<i32>} : memref<3328xi32, #tpu.memory_space<vmem>>, vector<16xi32>,
    %get3A_2061 = arith.constant 3296 : index
    %get3A_2062 = tpu.vector_load %arg6[%get3A_2061] {strides = array<i32>} : memref<3328xi32, #tpu.memory_space<vmem>>, vector<16xi32>,
    %get3A_2063 = vector.shape_cast %get3A_2062 : vector<16xi32> to vector<16xi32>
    %add3A_2064 = arith.constant 2500000 : i32
    %add3A_2065 = vector.broadcast %add3A_2064 : i32 to vector<16xi32>
    %add3A_2066 = arith.addi %get3A_2063, %add3A_2065 : vector<16xi32>
    %swap3A_2067 = arith.constant 3296 : index
    %swap3A_2068 = tpu.vector_load %arg6[%swap3A_2067] {strides = array<i32>} : memref<3328xi32, #tpu.memory_space<vmem>>, vector<16xi32>,
    %swap3A_2069 = vector.shape_cast %swap3A_2068 : vector<16xi32> to vector<16xi32>
    %swap3A_2070 = vector.shape_cast %add3A_2066 : vector<16xi32> to vector<16xi32>
    tpu.vector_store %arg6[%swap3A_2067], %swap3A_2070 {strides = array<i32>} : memref<3328xi32, #tpu.memory_space<vmem>>, vector<16xi32>,
    %get3A_2071 = arith.constant 3312 : index
    %get3A_2072 = tpu.vector_load %arg6[%get3A_2071] {strides = array<i32>} : memref<3328xi32, #tpu.memory_space<vmem>>, vector<16xi32>,
    %get3A_2073 = vector.shape_cast %get3A_2072 : vector<16xi32> to vector<16xi32>
    %add3A_2074 = arith.constant 2500000 : i32
    %add3A_2075 = vector.broadcast %add3A_2074 : i32 to vector<16xi32>
    %add3A_2076 = arith.addi %get3A_2073, %add3A_2075 : vector<16xi32>
    %swap3A_2077 = arith.constant 3312 : index
    %swap3A_2078 = tpu.vector_load %arg6[%swap3A_2077] {strides = array<i32>} : memref<3328xi32, #tpu.memory_space<vmem>>, vector<16xi32>,
    %swap3A_2079 = vector.shape_cast %swap3A_2078 : vector<16xi32> to vector<16xi32>
    %swap3A_2080 = vector.shape_cast %add3A_2076 : vector<16xi32> to vector<16xi32>
    tpu.vector_store %arg6[%swap3A_2077], %swap3A_2080 {strides = array<i32>} : memref<3328xi32, #tpu.memory_space<vmem>>, vector<16xi32>,
    %dma_start3A = arith.constant 0 : i32
    %dma_start3A_2081 = tpu.memref_slice %arg3[%dma_start3A] : memref<2600000xf32, #tpu.memory_space<hbm>> -> memref<2600000xf32, #tpu.memory_space<hbm>>
    tpu.enqueue_indirect_dma source(%dma_start3A_2081 : memref<2600000xf32, #tpu.memory_space<hbm>>) target(%arg7 : memref<3328xf32, #tpu.memory_space<vmem>>) offsets(%arg6 : memref<3328xi32, #tpu.memory_space<vmem>>) semaphore(%arg10 : memref<!tpu.dma_semaphore, #tpu.memory_space<semaphore_mem>>)
    %dma_wait3A = arith.constant 0 : i32
    %dma_wait3A_2082 = tpu.memref_slice %arg3[%dma_wait3A] : memref<2600000xf32, #tpu.memory_space<hbm>> -> memref<2600000xf32, #tpu.memory_space<hbm>>
    tpu.wait_indirect_dma semaphore(%arg10 : memref<!tpu.dma_semaphore, #tpu.memory_space<semaphore_mem>>) src(%dma_wait3A_2082 : memref<2600000xf32, #tpu.memory_space<hbm>>) dst(%arg7 : memref<3328xf32, #tpu.memory_space<vmem>>)
    tpu.wait_dma2 semaphore(%arg11 : memref<!tpu.dma_semaphore, #tpu.memory_space<semaphore_mem>>) src(%arg4 : memref<16xf32, #tpu.memory_space<hbm>>) dst(%arg8 : memref<16xf32, #tpu.memory_space<vmem>>)
    %get3A_2083 = arith.constant 0 : index
    %get3A_2084 = tpu.vector_load %arg8[%get3A_2083] {strides = array<i32>} : memref<16xf32, #tpu.memory_space<vmem>>, vector<16xf32>,
    %get3A_2085 = vector.shape_cast %get3A_2084 : vector<16xf32> to vector<16xf32>
    %get3A_2086 = arith.constant 0 : index
    %get3A_2087 = tpu.vector_load %arg7[%get3A_2086] {strides = array<i32>} : memref<3328xf32, #tpu.memory_space<vmem>>, vector<16xf32>,
    %get3A_2088 = vector.shape_cast %get3A_2087 : vector<16xf32> to vector<16xf32>
    %add3A_2089 = arith.addf %get3A_2085, %get3A_2088 : vector<16xf32>
    %get3A_2090 = arith.constant 16 : index
    %get3A_2091 = tpu.vector_load %arg7[%get3A_2090] {strides = array<i32>} : memref<3328xf32, #tpu.memory_space<vmem>>, vector<16xf32>,
    %get3A_2092 = vector.shape_cast %get3A_2091 : vector<16xf32> to vector<16xf32>
    %add3A_2093 = arith.addf %get3A_2085, %get3A_2092 : vector<16xf32>
    %get3A_2094 = arith.constant 32 : index
    %get3A_2095 = tpu.vector_load %arg7[%get3A_2094] {strides = array<i32>} : memref<3328xf32, #tpu.memory_space<vmem>>, vector<16xf32>,
    %get3A_2096 = vector.shape_cast %get3A_2095 : vector<16xf32> to vector<16xf32>
    %add3A_2097 = arith.addf %get3A_2085, %get3A_2096 : vector<16xf32>
    %get3A_2098 = arith.constant 48 : index
    %get3A_2099 = tpu.vector_load %arg7[%get3A_2098] {strides = array<i32>} : memref<3328xf32, #tpu.memory_space<vmem>>, vector<16xf32>,
    %get3A_2100 = vector.shape_cast %get3A_2099 : vector<16xf32> to vector<16xf32>
    %add3A_2101 = arith.addf %get3A_2085, %get3A_2100 : vector<16xf32>
    %get3A_2102 = arith.constant 64 : index
    %get3A_2103 = tpu.vector_load %arg7[%get3A_2102] {strides = array<i32>} : memref<3328xf32, #tpu.memory_space<vmem>>, vector<16xf32>,
    %get3A_2104 = vector.shape_cast %get3A_2103 : vector<16xf32> to vector<16xf32>
    %add3A_2105 = arith.addf %get3A_2085, %get3A_2104 : vector<16xf32>
    %get3A_2106 = arith.constant 80 : index
    %get3A_2107 = tpu.vector_load %arg7[%get3A_2106] {strides = array<i32>} : memref<3328xf32, #tpu.memory_space<vmem>>, vector<16xf32>,
    %get3A_2108 = vector.shape_cast %get3A_2107 : vector<16xf32> to vector<16xf32>
    %add3A_2109 = arith.addf %get3A_2085, %get3A_2108 : vector<16xf32>
    %get3A_2110 = arith.constant 96 : index
    %get3A_2111 = tpu.vector_load %arg7[%get3A_2110] {strides = array<i32>} : memref<3328xf32, #tpu.memory_space<vmem>>, vector<16xf32>,
    %get3A_2112 = vector.shape_cast %get3A_2111 : vector<16xf32> to vector<16xf32>
    %add3A_2113 = arith.addf %get3A_2085, %get3A_2112 : vector<16xf32>
    %get3A_2114 = arith.constant 112 : index
    %get3A_2115 = tpu.vector_load %arg7[%get3A_2114] {strides = array<i32>} : memref<3328xf32, #tpu.memory_space<vmem>>, vector<16xf32>,
    %get3A_2116 = vector.shape_cast %get3A_2115 : vector<16xf32> to vector<16xf32>
    %add3A_2117 = arith.addf %get3A_2085, %get3A_2116 : vector<16xf32>
    %get3A_2118 = arith.constant 128 : index
    %get3A_2119 = tpu.vector_load %arg7[%get3A_2118] {strides = array<i32>} : memref<3328xf32, #tpu.memory_space<vmem>>, vector<16xf32>,
    %get3A_2120 = vector.shape_cast %get3A_2119 : vector<16xf32> to vector<16xf32>
    %add3A_2121 = arith.addf %add3A_2089, %get3A_2120 : vector<16xf32>
    %get3A_2122 = arith.constant 144 : index
    %get3A_2123 = tpu.vector_load %arg7[%get3A_2122] {strides = array<i32>} : memref<3328xf32, #tpu.memory_space<vmem>>, vector<16xf32>,
    %get3A_2124 = vector.shape_cast %get3A_2123 : vector<16xf32> to vector<16xf32>
    %add3A_2125 = arith.addf %add3A_2093, %get3A_2124 : vector<16xf32>
    %get3A_2126 = arith.constant 160 : index
    %get3A_2127 = tpu.vector_load %arg7[%get3A_2126] {strides = array<i32>} : memref<3328xf32, #tpu.memory_space<vmem>>, vector<16xf32>,
    %get3A_2128 = vector.shape_cast %get3A_2127 : vector<16xf32> to vector<16xf32>
    %add3A_2129 = arith.addf %add3A_2097, %get3A_2128 : vector<16xf32>
    %get3A_2130 = arith.constant 176 : index
    %get3A_2131 = tpu.vector_load %arg7[%get3A_2130] {strides = array<i32>} : memref<3328xf32, #tpu.memory_space<vmem>>, vector<16xf32>,
    %get3A_2132 = vector.shape_cast %get3A_2131 : vector<16xf32> to vector<16xf32>
    %add3A_2133 = arith.addf %add3A_2101, %get3A_2132 : vector<16xf32>
    %get3A_2134 = arith.constant 192 : index
    %get3A_2135 = tpu.vector_load %arg7[%get3A_2134] {strides = array<i32>} : memref<3328xf32, #tpu.memory_space<vmem>>, vector<16xf32>,
    %get3A_2136 = vector.shape_cast %get3A_2135 : vector<16xf32> to vector<16xf32>
    %add3A_2137 = arith.addf %add3A_2105, %get3A_2136 : vector<16xf32>
    %get3A_2138 = arith.constant 208 : index
    %get3A_2139 = tpu.vector_load %arg7[%get3A_2138] {strides = array<i32>} : memref<3328xf32, #tpu.memory_space<vmem>>, vector<16xf32>,
    %get3A_2140 = vector.shape_cast %get3A_2139 : vector<16xf32> to vector<16xf32>
    %add3A_2141 = arith.addf %add3A_2109, %get3A_2140 : vector<16xf32>
    %get3A_2142 = arith.constant 224 : index
    %get3A_2143 = tpu.vector_load %arg7[%get3A_2142] {strides = array<i32>} : memref<3328xf32, #tpu.memory_space<vmem>>, vector<16xf32>,
    %get3A_2144 = vector.shape_cast %get3A_2143 : vector<16xf32> to vector<16xf32>
    %add3A_2145 = arith.addf %add3A_2113, %get3A_2144 : vector<16xf32>
    %get3A_2146 = arith.constant 240 : index
    %get3A_2147 = tpu.vector_load %arg7[%get3A_2146] {strides = array<i32>} : memref<3328xf32, #tpu.memory_space<vmem>>, vector<16xf32>,
    %get3A_2148 = vector.shape_cast %get3A_2147 : vector<16xf32> to vector<16xf32>
    %add3A_2149 = arith.addf %add3A_2117, %get3A_2148 : vector<16xf32>
    %get3A_2150 = arith.constant 256 : index
    %get3A_2151 = tpu.vector_load %arg7[%get3A_2150] {strides = array<i32>} : memref<3328xf32, #tpu.memory_space<vmem>>, vector<16xf32>,
    %get3A_2152 = vector.shape_cast %get3A_2151 : vector<16xf32> to vector<16xf32>
    %add3A_2153 = arith.addf %add3A_2121, %get3A_2152 : vector<16xf32>
    %get3A_2154 = arith.constant 272 : index
    %get3A_2155 = tpu.vector_load %arg7[%get3A_2154] {strides = array<i32>} : memref<3328xf32, #tpu.memory_space<vmem>>, vector<16xf32>,
    %get3A_2156 = vector.shape_cast %get3A_2155 : vector<16xf32> to vector<16xf32>
    %add3A_2157 = arith.addf %add3A_2125, %get3A_2156 : vector<16xf32>
    %get3A_2158 = arith.constant 288 : index
    %get3A_2159 = tpu.vector_load %arg7[%get3A_2158] {strides = array<i32>} : memref<3328xf32, #tpu.memory_space<vmem>>, vector<16xf32>,
    %get3A_2160 = vector.shape_cast %get3A_2159 : vector<16xf32> to vector<16xf32>
    %add3A_2161 = arith.addf %add3A_2129, %get3A_2160 : vector<16xf32>
    %get3A_2162 = arith.constant 304 : index
    %get3A_2163 = tpu.vector_load %arg7[%get3A_2162] {strides = array<i32>} : memref<3328xf32, #tpu.memory_space<vmem>>, vector<16xf32>,
    %get3A_2164 = vector.shape_cast %get3A_2163 : vector<16xf32> to vector<16xf32>
    %add3A_2165 = arith.addf %add3A_2133, %get3A_2164 : vector<16xf32>
    %get3A_2166 = arith.constant 320 : index
    %get3A_2167 = tpu.vector_load %arg7[%get3A_2166] {strides = array<i32>} : memref<3328xf32, #tpu.memory_space<vmem>>, vector<16xf32>,
    %get3A_2168 = vector.shape_cast %get3A_2167 : vector<16xf32> to vector<16xf32>
    %add3A_2169 = arith.addf %add3A_2137, %get3A_2168 : vector<16xf32>
    %get3A_2170 = arith.constant 336 : index
    %get3A_2171 = tpu.vector_load %arg7[%get3A_2170] {strides = array<i32>} : memref<3328xf32, #tpu.memory_space<vmem>>, vector<16xf32>,
    %get3A_2172 = vector.shape_cast %get3A_2171 : vector<16xf32> to vector<16xf32>
    %add3A_2173 = arith.addf %add3A_2141, %get3A_2172 : vector<16xf32>
    %get3A_2174 = arith.constant 352 : index
    %get3A_2175 = tpu.vector_load %arg7[%get3A_2174] {strides = array<i32>} : memref<3328xf32, #tpu.memory_space<vmem>>, vector<16xf32>,
    %get3A_2176 = vector.shape_cast %get3A_2175 : vector<16xf32> to vector<16xf32>
    %add3A_2177 = arith.addf %add3A_2145, %get3A_2176 : vector<16xf32>
    %get3A_2178 = arith.constant 368 : index
    %get3A_2179 = tpu.vector_load %arg7[%get3A_2178] {strides = array<i32>} : memref<3328xf32, #tpu.memory_space<vmem>>, vector<16xf32>,
    %get3A_2180 = vector.shape_cast %get3A_2179 : vector<16xf32> to vector<16xf32>
    %add3A_2181 = arith.addf %add3A_2149, %get3A_2180 : vector<16xf32>
    %get3A_2182 = arith.constant 384 : index
    %get3A_2183 = tpu.vector_load %arg7[%get3A_2182] {strides = array<i32>} : memref<3328xf32, #tpu.memory_space<vmem>>, vector<16xf32>,
    %get3A_2184 = vector.shape_cast %get3A_2183 : vector<16xf32> to vector<16xf32>
    %add3A_2185 = arith.addf %add3A_2153, %get3A_2184 : vector<16xf32>
    %get3A_2186 = arith.constant 400 : index
    %get3A_2187 = tpu.vector_load %arg7[%get3A_2186] {strides = array<i32>} : memref<3328xf32, #tpu.memory_space<vmem>>, vector<16xf32>,
    %get3A_2188 = vector.shape_cast %get3A_2187 : vector<16xf32> to vector<16xf32>
    %add3A_2189 = arith.addf %add3A_2157, %get3A_2188 : vector<16xf32>
    %get3A_2190 = arith.constant 416 : index
    %get3A_2191 = tpu.vector_load %arg7[%get3A_2190] {strides = array<i32>} : memref<3328xf32, #tpu.memory_space<vmem>>, vector<16xf32>,
    %get3A_2192 = vector.shape_cast %get3A_2191 : vector<16xf32> to vector<16xf32>
    %add3A_2193 = arith.addf %add3A_2161, %get3A_2192 : vector<16xf32>
    %get3A_2194 = arith.constant 432 : index
    %get3A_2195 = tpu.vector_load %arg7[%get3A_2194] {strides = array<i32>} : memref<3328xf32, #tpu.memory_space<vmem>>, vector<16xf32>,
    %get3A_2196 = vector.shape_cast %get3A_2195 : vector<16xf32> to vector<16xf32>
    %add3A_2197 = arith.addf %add3A_2165, %get3A_2196 : vector<16xf32>
    %get3A_2198 = arith.constant 448 : index
    %get3A_2199 = tpu.vector_load %arg7[%get3A_2198] {strides = array<i32>} : memref<3328xf32, #tpu.memory_space<vmem>>, vector<16xf32>,
    %get3A_2200 = vector.shape_cast %get3A_2199 : vector<16xf32> to vector<16xf32>
    %add3A_2201 = arith.addf %add3A_2169, %get3A_2200 : vector<16xf32>
    %get3A_2202 = arith.constant 464 : index
    %get3A_2203 = tpu.vector_load %arg7[%get3A_2202] {strides = array<i32>} : memref<3328xf32, #tpu.memory_space<vmem>>, vector<16xf32>,
    %get3A_2204 = vector.shape_cast %get3A_2203 : vector<16xf32> to vector<16xf32>
    %add3A_2205 = arith.addf %add3A_2173, %get3A_2204 : vector<16xf32>
    %get3A_2206 = arith.constant 480 : index
    %get3A_2207 = tpu.vector_load %arg7[%get3A_2206] {strides = array<i32>} : memref<3328xf32, #tpu.memory_space<vmem>>, vector<16xf32>,
    %get3A_2208 = vector.shape_cast %get3A_2207 : vector<16xf32> to vector<16xf32>
    %add3A_2209 = arith.addf %add3A_2177, %get3A_2208 : vector<16xf32>
    %get3A_2210 = arith.constant 496 : index
    %get3A_2211 = tpu.vector_load %arg7[%get3A_2210] {strides = array<i32>} : memref<3328xf32, #tpu.memory_space<vmem>>, vector<16xf32>,
    %get3A_2212 = vector.shape_cast %get3A_2211 : vector<16xf32> to vector<16xf32>
    %add3A_2213 = arith.addf %add3A_2181, %get3A_2212 : vector<16xf32>
    %get3A_2214 = arith.constant 512 : index
    %get3A_2215 = tpu.vector_load %arg7[%get3A_2214] {strides = array<i32>} : memref<3328xf32, #tpu.memory_space<vmem>>, vector<16xf32>,
    %get3A_2216 = vector.shape_cast %get3A_2215 : vector<16xf32> to vector<16xf32>
    %add3A_2217 = arith.addf %add3A_2185, %get3A_2216 : vector<16xf32>
    %get3A_2218 = arith.constant 528 : index
    %get3A_2219 = tpu.vector_load %arg7[%get3A_2218] {strides = array<i32>} : memref<3328xf32, #tpu.memory_space<vmem>>, vector<16xf32>,
    %get3A_2220 = vector.shape_cast %get3A_2219 : vector<16xf32> to vector<16xf32>
    %add3A_2221 = arith.addf %add3A_2189, %get3A_2220 : vector<16xf32>
    %get3A_2222 = arith.constant 544 : index
    %get3A_2223 = tpu.vector_load %arg7[%get3A_2222] {strides = array<i32>} : memref<3328xf32, #tpu.memory_space<vmem>>, vector<16xf32>,
    %get3A_2224 = vector.shape_cast %get3A_2223 : vector<16xf32> to vector<16xf32>
    %add3A_2225 = arith.addf %add3A_2193, %get3A_2224 : vector<16xf32>
    %get3A_2226 = arith.constant 560 : index
    %get3A_2227 = tpu.vector_load %arg7[%get3A_2226] {strides = array<i32>} : memref<3328xf32, #tpu.memory_space<vmem>>, vector<16xf32>,
    %get3A_2228 = vector.shape_cast %get3A_2227 : vector<16xf32> to vector<16xf32>
    %add3A_2229 = arith.addf %add3A_2197, %get3A_2228 : vector<16xf32>
    %get3A_2230 = arith.constant 576 : index
    %get3A_2231 = tpu.vector_load %arg7[%get3A_2230] {strides = array<i32>} : memref<3328xf32, #tpu.memory_space<vmem>>, vector<16xf32>,
    %get3A_2232 = vector.shape_cast %get3A_2231 : vector<16xf32> to vector<16xf32>
    %add3A_2233 = arith.addf %add3A_2201, %get3A_2232 : vector<16xf32>
    %get3A_2234 = arith.constant 592 : index
    %get3A_2235 = tpu.vector_load %arg7[%get3A_2234] {strides = array<i32>} : memref<3328xf32, #tpu.memory_space<vmem>>, vector<16xf32>,
    %get3A_2236 = vector.shape_cast %get3A_2235 : vector<16xf32> to vector<16xf32>
    %add3A_2237 = arith.addf %add3A_2205, %get3A_2236 : vector<16xf32>
    %get3A_2238 = arith.constant 608 : index
    %get3A_2239 = tpu.vector_load %arg7[%get3A_2238] {strides = array<i32>} : memref<3328xf32, #tpu.memory_space<vmem>>, vector<16xf32>,
    %get3A_2240 = vector.shape_cast %get3A_2239 : vector<16xf32> to vector<16xf32>
    %add3A_2241 = arith.addf %add3A_2209, %get3A_2240 : vector<16xf32>
    %get3A_2242 = arith.constant 624 : index
    %get3A_2243 = tpu.vector_load %arg7[%get3A_2242] {strides = array<i32>} : memref<3328xf32, #tpu.memory_space<vmem>>, vector<16xf32>,
    %get3A_2244 = vector.shape_cast %get3A_2243 : vector<16xf32> to vector<16xf32>
    %add3A_2245 = arith.addf %add3A_2213, %get3A_2244 : vector<16xf32>
    %get3A_2246 = arith.constant 640 : index
    %get3A_2247 = tpu.vector_load %arg7[%get3A_2246] {strides = array<i32>} : memref<3328xf32, #tpu.memory_space<vmem>>, vector<16xf32>,
    %get3A_2248 = vector.shape_cast %get3A_2247 : vector<16xf32> to vector<16xf32>
    %add3A_2249 = arith.addf %add3A_2217, %get3A_2248 : vector<16xf32>
    %get3A_2250 = arith.constant 656 : index
    %get3A_2251 = tpu.vector_load %arg7[%get3A_2250] {strides = array<i32>} : memref<3328xf32, #tpu.memory_space<vmem>>, vector<16xf32>,
    %get3A_2252 = vector.shape_cast %get3A_2251 : vector<16xf32> to vector<16xf32>
    %add3A_2253 = arith.addf %add3A_2221, %get3A_2252 : vector<16xf32>
    %get3A_2254 = arith.constant 672 : index
    %get3A_2255 = tpu.vector_load %arg7[%get3A_2254] {strides = array<i32>} : memref<3328xf32, #tpu.memory_space<vmem>>, vector<16xf32>,
    %get3A_2256 = vector.shape_cast %get3A_2255 : vector<16xf32> to vector<16xf32>
    %add3A_2257 = arith.addf %add3A_2225, %get3A_2256 : vector<16xf32>
    %get3A_2258 = arith.constant 688 : index
    %get3A_2259 = tpu.vector_load %arg7[%get3A_2258] {strides = array<i32>} : memref<3328xf32, #tpu.memory_space<vmem>>, vector<16xf32>,
    %get3A_2260 = vector.shape_cast %get3A_2259 : vector<16xf32> to vector<16xf32>
    %add3A_2261 = arith.addf %add3A_2229, %get3A_2260 : vector<16xf32>
    %get3A_2262 = arith.constant 704 : index
    %get3A_2263 = tpu.vector_load %arg7[%get3A_2262] {strides = array<i32>} : memref<3328xf32, #tpu.memory_space<vmem>>, vector<16xf32>,
    %get3A_2264 = vector.shape_cast %get3A_2263 : vector<16xf32> to vector<16xf32>
    %add3A_2265 = arith.addf %add3A_2233, %get3A_2264 : vector<16xf32>
    %get3A_2266 = arith.constant 720 : index
    %get3A_2267 = tpu.vector_load %arg7[%get3A_2266] {strides = array<i32>} : memref<3328xf32, #tpu.memory_space<vmem>>, vector<16xf32>,
    %get3A_2268 = vector.shape_cast %get3A_2267 : vector<16xf32> to vector<16xf32>
    %add3A_2269 = arith.addf %add3A_2237, %get3A_2268 : vector<16xf32>
    %get3A_2270 = arith.constant 736 : index
    %get3A_2271 = tpu.vector_load %arg7[%get3A_2270] {strides = array<i32>} : memref<3328xf32, #tpu.memory_space<vmem>>, vector<16xf32>,
    %get3A_2272 = vector.shape_cast %get3A_2271 : vector<16xf32> to vector<16xf32>
    %add3A_2273 = arith.addf %add3A_2241, %get3A_2272 : vector<16xf32>
    %get3A_2274 = arith.constant 752 : index
    %get3A_2275 = tpu.vector_load %arg7[%get3A_2274] {strides = array<i32>} : memref<3328xf32, #tpu.memory_space<vmem>>, vector<16xf32>,
    %get3A_2276 = vector.shape_cast %get3A_2275 : vector<16xf32> to vector<16xf32>
    %add3A_2277 = arith.addf %add3A_2245, %get3A_2276 : vector<16xf32>
    %get3A_2278 = arith.constant 768 : index
    %get3A_2279 = tpu.vector_load %arg7[%get3A_2278] {strides = array<i32>} : memref<3328xf32, #tpu.memory_space<vmem>>, vector<16xf32>,
    %get3A_2280 = vector.shape_cast %get3A_2279 : vector<16xf32> to vector<16xf32>
    %add3A_2281 = arith.addf %add3A_2249, %get3A_2280 : vector<16xf32>
    %get3A_2282 = arith.constant 784 : index
    %get3A_2283 = tpu.vector_load %arg7[%get3A_2282] {strides = array<i32>} : memref<3328xf32, #tpu.memory_space<vmem>>, vector<16xf32>,
    %get3A_2284 = vector.shape_cast %get3A_2283 : vector<16xf32> to vector<16xf32>
    %add3A_2285 = arith.addf %add3A_2253, %get3A_2284 : vector<16xf32>
    %get3A_2286 = arith.constant 800 : index
    %get3A_2287 = tpu.vector_load %arg7[%get3A_2286] {strides = array<i32>} : memref<3328xf32, #tpu.memory_space<vmem>>, vector<16xf32>,
    %get3A_2288 = vector.shape_cast %get3A_2287 : vector<16xf32> to vector<16xf32>
    %add3A_2289 = arith.addf %add3A_2257, %get3A_2288 : vector<16xf32>
    %get3A_2290 = arith.constant 816 : index
    %get3A_2291 = tpu.vector_load %arg7[%get3A_2290] {strides = array<i32>} : memref<3328xf32, #tpu.memory_space<vmem>>, vector<16xf32>,
    %get3A_2292 = vector.shape_cast %get3A_2291 : vector<16xf32> to vector<16xf32>
    %add3A_2293 = arith.addf %add3A_2261, %get3A_2292 : vector<16xf32>
    %get3A_2294 = arith.constant 832 : index
    %get3A_2295 = tpu.vector_load %arg7[%get3A_2294] {strides = array<i32>} : memref<3328xf32, #tpu.memory_space<vmem>>, vector<16xf32>,
    %get3A_2296 = vector.shape_cast %get3A_2295 : vector<16xf32> to vector<16xf32>
    %add3A_2297 = arith.addf %add3A_2265, %get3A_2296 : vector<16xf32>
    %get3A_2298 = arith.constant 848 : index
    %get3A_2299 = tpu.vector_load %arg7[%get3A_2298] {strides = array<i32>} : memref<3328xf32, #tpu.memory_space<vmem>>, vector<16xf32>,
    %get3A_2300 = vector.shape_cast %get3A_2299 : vector<16xf32> to vector<16xf32>
    %add3A_2301 = arith.addf %add3A_2269, %get3A_2300 : vector<16xf32>
    %get3A_2302 = arith.constant 864 : index
    %get3A_2303 = tpu.vector_load %arg7[%get3A_2302] {strides = array<i32>} : memref<3328xf32, #tpu.memory_space<vmem>>, vector<16xf32>,
    %get3A_2304 = vector.shape_cast %get3A_2303 : vector<16xf32> to vector<16xf32>
    %add3A_2305 = arith.addf %add3A_2273, %get3A_2304 : vector<16xf32>
    %get3A_2306 = arith.constant 880 : index
    %get3A_2307 = tpu.vector_load %arg7[%get3A_2306] {strides = array<i32>} : memref<3328xf32, #tpu.memory_space<vmem>>, vector<16xf32>,
    %get3A_2308 = vector.shape_cast %get3A_2307 : vector<16xf32> to vector<16xf32>
    %add3A_2309 = arith.addf %add3A_2277, %get3A_2308 : vector<16xf32>
    %get3A_2310 = arith.constant 896 : index
    %get3A_2311 = tpu.vector_load %arg7[%get3A_2310] {strides = array<i32>} : memref<3328xf32, #tpu.memory_space<vmem>>, vector<16xf32>,
    %get3A_2312 = vector.shape_cast %get3A_2311 : vector<16xf32> to vector<16xf32>
    %add3A_2313 = arith.addf %add3A_2281, %get3A_2312 : vector<16xf32>
    %get3A_2314 = arith.constant 912 : index
    %get3A_2315 = tpu.vector_load %arg7[%get3A_2314] {strides = array<i32>} : memref<3328xf32, #tpu.memory_space<vmem>>, vector<16xf32>,
    %get3A_2316 = vector.shape_cast %get3A_2315 : vector<16xf32> to vector<16xf32>
    %add3A_2317 = arith.addf %add3A_2285, %get3A_2316 : vector<16xf32>
    %get3A_2318 = arith.constant 928 : index
    %get3A_2319 = tpu.vector_load %arg7[%get3A_2318] {strides = array<i32>} : memref<3328xf32, #tpu.memory_space<vmem>>, vector<16xf32>,
    %get3A_2320 = vector.shape_cast %get3A_2319 : vector<16xf32> to vector<16xf32>
    %add3A_2321 = arith.addf %add3A_2289, %get3A_2320 : vector<16xf32>
    %get3A_2322 = arith.constant 944 : index
    %get3A_2323 = tpu.vector_load %arg7[%get3A_2322] {strides = array<i32>} : memref<3328xf32, #tpu.memory_space<vmem>>, vector<16xf32>,
    %get3A_2324 = vector.shape_cast %get3A_2323 : vector<16xf32> to vector<16xf32>
    %add3A_2325 = arith.addf %add3A_2293, %get3A_2324 : vector<16xf32>
    %get3A_2326 = arith.constant 960 : index
    %get3A_2327 = tpu.vector_load %arg7[%get3A_2326] {strides = array<i32>} : memref<3328xf32, #tpu.memory_space<vmem>>, vector<16xf32>,
    %get3A_2328 = vector.shape_cast %get3A_2327 : vector<16xf32> to vector<16xf32>
    %add3A_2329 = arith.addf %add3A_2297, %get3A_2328 : vector<16xf32>
    %get3A_2330 = arith.constant 976 : index
    %get3A_2331 = tpu.vector_load %arg7[%get3A_2330] {strides = array<i32>} : memref<3328xf32, #tpu.memory_space<vmem>>, vector<16xf32>,
    %get3A_2332 = vector.shape_cast %get3A_2331 : vector<16xf32> to vector<16xf32>
    %add3A_2333 = arith.addf %add3A_2301, %get3A_2332 : vector<16xf32>
    %get3A_2334 = arith.constant 992 : index
    %get3A_2335 = tpu.vector_load %arg7[%get3A_2334] {strides = array<i32>} : memref<3328xf32, #tpu.memory_space<vmem>>, vector<16xf32>,
    %get3A_2336 = vector.shape_cast %get3A_2335 : vector<16xf32> to vector<16xf32>
    %add3A_2337 = arith.addf %add3A_2305, %get3A_2336 : vector<16xf32>
    %get3A_2338 = arith.constant 1008 : index
    %get3A_2339 = tpu.vector_load %arg7[%get3A_2338] {strides = array<i32>} : memref<3328xf32, #tpu.memory_space<vmem>>, vector<16xf32>,
    %get3A_2340 = vector.shape_cast %get3A_2339 : vector<16xf32> to vector<16xf32>
    %add3A_2341 = arith.addf %add3A_2309, %get3A_2340 : vector<16xf32>
    %get3A_2342 = arith.constant 1024 : index
    %get3A_2343 = tpu.vector_load %arg7[%get3A_2342] {strides = array<i32>} : memref<3328xf32, #tpu.memory_space<vmem>>, vector<16xf32>,
    %get3A_2344 = vector.shape_cast %get3A_2343 : vector<16xf32> to vector<16xf32>
    %add3A_2345 = arith.addf %add3A_2313, %get3A_2344 : vector<16xf32>
    %get3A_2346 = arith.constant 1040 : index
    %get3A_2347 = tpu.vector_load %arg7[%get3A_2346] {strides = array<i32>} : memref<3328xf32, #tpu.memory_space<vmem>>, vector<16xf32>,
    %get3A_2348 = vector.shape_cast %get3A_2347 : vector<16xf32> to vector<16xf32>
    %add3A_2349 = arith.addf %add3A_2317, %get3A_2348 : vector<16xf32>
    %get3A_2350 = arith.constant 1056 : index
    %get3A_2351 = tpu.vector_load %arg7[%get3A_2350] {strides = array<i32>} : memref<3328xf32, #tpu.memory_space<vmem>>, vector<16xf32>,
    %get3A_2352 = vector.shape_cast %get3A_2351 : vector<16xf32> to vector<16xf32>
    %add3A_2353 = arith.addf %add3A_2321, %get3A_2352 : vector<16xf32>
    %get3A_2354 = arith.constant 1072 : index
    %get3A_2355 = tpu.vector_load %arg7[%get3A_2354] {strides = array<i32>} : memref<3328xf32, #tpu.memory_space<vmem>>, vector<16xf32>,
    %get3A_2356 = vector.shape_cast %get3A_2355 : vector<16xf32> to vector<16xf32>
    %add3A_2357 = arith.addf %add3A_2325, %get3A_2356 : vector<16xf32>
    %get3A_2358 = arith.constant 1088 : index
    %get3A_2359 = tpu.vector_load %arg7[%get3A_2358] {strides = array<i32>} : memref<3328xf32, #tpu.memory_space<vmem>>, vector<16xf32>,
    %get3A_2360 = vector.shape_cast %get3A_2359 : vector<16xf32> to vector<16xf32>
    %add3A_2361 = arith.addf %add3A_2329, %get3A_2360 : vector<16xf32>
    %get3A_2362 = arith.constant 1104 : index
    %get3A_2363 = tpu.vector_load %arg7[%get3A_2362] {strides = array<i32>} : memref<3328xf32, #tpu.memory_space<vmem>>, vector<16xf32>,
    %get3A_2364 = vector.shape_cast %get3A_2363 : vector<16xf32> to vector<16xf32>
    %add3A_2365 = arith.addf %add3A_2333, %get3A_2364 : vector<16xf32>
    %get3A_2366 = arith.constant 1120 : index
    %get3A_2367 = tpu.vector_load %arg7[%get3A_2366] {strides = array<i32>} : memref<3328xf32, #tpu.memory_space<vmem>>, vector<16xf32>,
    %get3A_2368 = vector.shape_cast %get3A_2367 : vector<16xf32> to vector<16xf32>
    %add3A_2369 = arith.addf %add3A_2337, %get3A_2368 : vector<16xf32>
    %get3A_2370 = arith.constant 1136 : index
    %get3A_2371 = tpu.vector_load %arg7[%get3A_2370] {strides = array<i32>} : memref<3328xf32, #tpu.memory_space<vmem>>, vector<16xf32>,
    %get3A_2372 = vector.shape_cast %get3A_2371 : vector<16xf32> to vector<16xf32>
    %add3A_2373 = arith.addf %add3A_2341, %get3A_2372 : vector<16xf32>
    %get3A_2374 = arith.constant 1152 : index
    %get3A_2375 = tpu.vector_load %arg7[%get3A_2374] {strides = array<i32>} : memref<3328xf32, #tpu.memory_space<vmem>>, vector<16xf32>,
    %get3A_2376 = vector.shape_cast %get3A_2375 : vector<16xf32> to vector<16xf32>
    %add3A_2377 = arith.addf %add3A_2345, %get3A_2376 : vector<16xf32>
    %get3A_2378 = arith.constant 1168 : index
    %get3A_2379 = tpu.vector_load %arg7[%get3A_2378] {strides = array<i32>} : memref<3328xf32, #tpu.memory_space<vmem>>, vector<16xf32>,
    %get3A_2380 = vector.shape_cast %get3A_2379 : vector<16xf32> to vector<16xf32>
    %add3A_2381 = arith.addf %add3A_2349, %get3A_2380 : vector<16xf32>
    %get3A_2382 = arith.constant 1184 : index
    %get3A_2383 = tpu.vector_load %arg7[%get3A_2382] {strides = array<i32>} : memref<3328xf32, #tpu.memory_space<vmem>>, vector<16xf32>,
    %get3A_2384 = vector.shape_cast %get3A_2383 : vector<16xf32> to vector<16xf32>
    %add3A_2385 = arith.addf %add3A_2353, %get3A_2384 : vector<16xf32>
    %get3A_2386 = arith.constant 1200 : index
    %get3A_2387 = tpu.vector_load %arg7[%get3A_2386] {strides = array<i32>} : memref<3328xf32, #tpu.memory_space<vmem>>, vector<16xf32>,
    %get3A_2388 = vector.shape_cast %get3A_2387 : vector<16xf32> to vector<16xf32>
    %add3A_2389 = arith.addf %add3A_2357, %get3A_2388 : vector<16xf32>
    %get3A_2390 = arith.constant 1216 : index
    %get3A_2391 = tpu.vector_load %arg7[%get3A_2390] {strides = array<i32>} : memref<3328xf32, #tpu.memory_space<vmem>>, vector<16xf32>,
    %get3A_2392 = vector.shape_cast %get3A_2391 : vector<16xf32> to vector<16xf32>
    %add3A_2393 = arith.addf %add3A_2361, %get3A_2392 : vector<16xf32>
    %get3A_2394 = arith.constant 1232 : index
    %get3A_2395 = tpu.vector_load %arg7[%get3A_2394] {strides = array<i32>} : memref<3328xf32, #tpu.memory_space<vmem>>, vector<16xf32>,
    %get3A_2396 = vector.shape_cast %get3A_2395 : vector<16xf32> to vector<16xf32>
    %add3A_2397 = arith.addf %add3A_2365, %get3A_2396 : vector<16xf32>
    %get3A_2398 = arith.constant 1248 : index
    %get3A_2399 = tpu.vector_load %arg7[%get3A_2398] {strides = array<i32>} : memref<3328xf32, #tpu.memory_space<vmem>>, vector<16xf32>,
    %get3A_2400 = vector.shape_cast %get3A_2399 : vector<16xf32> to vector<16xf32>
    %add3A_2401 = arith.addf %add3A_2369, %get3A_2400 : vector<16xf32>
    %get3A_2402 = arith.constant 1264 : index
    %get3A_2403 = tpu.vector_load %arg7[%get3A_2402] {strides = array<i32>} : memref<3328xf32, #tpu.memory_space<vmem>>, vector<16xf32>,
    %get3A_2404 = vector.shape_cast %get3A_2403 : vector<16xf32> to vector<16xf32>
    %add3A_2405 = arith.addf %add3A_2373, %get3A_2404 : vector<16xf32>
    %get3A_2406 = arith.constant 1280 : index
    %get3A_2407 = tpu.vector_load %arg7[%get3A_2406] {strides = array<i32>} : memref<3328xf32, #tpu.memory_space<vmem>>, vector<16xf32>,
    %get3A_2408 = vector.shape_cast %get3A_2407 : vector<16xf32> to vector<16xf32>
    %add3A_2409 = arith.addf %add3A_2377, %get3A_2408 : vector<16xf32>
    %get3A_2410 = arith.constant 1296 : index
    %get3A_2411 = tpu.vector_load %arg7[%get3A_2410] {strides = array<i32>} : memref<3328xf32, #tpu.memory_space<vmem>>, vector<16xf32>,
    %get3A_2412 = vector.shape_cast %get3A_2411 : vector<16xf32> to vector<16xf32>
    %add3A_2413 = arith.addf %add3A_2381, %get3A_2412 : vector<16xf32>
    %get3A_2414 = arith.constant 1312 : index
    %get3A_2415 = tpu.vector_load %arg7[%get3A_2414] {strides = array<i32>} : memref<3328xf32, #tpu.memory_space<vmem>>, vector<16xf32>,
    %get3A_2416 = vector.shape_cast %get3A_2415 : vector<16xf32> to vector<16xf32>
    %add3A_2417 = arith.addf %add3A_2385, %get3A_2416 : vector<16xf32>
    %get3A_2418 = arith.constant 1328 : index
    %get3A_2419 = tpu.vector_load %arg7[%get3A_2418] {strides = array<i32>} : memref<3328xf32, #tpu.memory_space<vmem>>, vector<16xf32>,
    %get3A_2420 = vector.shape_cast %get3A_2419 : vector<16xf32> to vector<16xf32>
    %add3A_2421 = arith.addf %add3A_2389, %get3A_2420 : vector<16xf32>
    %get3A_2422 = arith.constant 1344 : index
    %get3A_2423 = tpu.vector_load %arg7[%get3A_2422] {strides = array<i32>} : memref<3328xf32, #tpu.memory_space<vmem>>, vector<16xf32>,
    %get3A_2424 = vector.shape_cast %get3A_2423 : vector<16xf32> to vector<16xf32>
    %add3A_2425 = arith.addf %add3A_2393, %get3A_2424 : vector<16xf32>
    %get3A_2426 = arith.constant 1360 : index
    %get3A_2427 = tpu.vector_load %arg7[%get3A_2426] {strides = array<i32>} : memref<3328xf32, #tpu.memory_space<vmem>>, vector<16xf32>,
    %get3A_2428 = vector.shape_cast %get3A_2427 : vector<16xf32> to vector<16xf32>
    %add3A_2429 = arith.addf %add3A_2397, %get3A_2428 : vector<16xf32>
    %get3A_2430 = arith.constant 1376 : index
    %get3A_2431 = tpu.vector_load %arg7[%get3A_2430] {strides = array<i32>} : memref<3328xf32, #tpu.memory_space<vmem>>, vector<16xf32>,
    %get3A_2432 = vector.shape_cast %get3A_2431 : vector<16xf32> to vector<16xf32>
    %add3A_2433 = arith.addf %add3A_2401, %get3A_2432 : vector<16xf32>
    %get3A_2434 = arith.constant 1392 : index
    %get3A_2435 = tpu.vector_load %arg7[%get3A_2434] {strides = array<i32>} : memref<3328xf32, #tpu.memory_space<vmem>>, vector<16xf32>,
    %get3A_2436 = vector.shape_cast %get3A_2435 : vector<16xf32> to vector<16xf32>
    %add3A_2437 = arith.addf %add3A_2405, %get3A_2436 : vector<16xf32>
    %get3A_2438 = arith.constant 1408 : index
    %get3A_2439 = tpu.vector_load %arg7[%get3A_2438] {strides = array<i32>} : memref<3328xf32, #tpu.memory_space<vmem>>, vector<16xf32>,
    %get3A_2440 = vector.shape_cast %get3A_2439 : vector<16xf32> to vector<16xf32>
    %add3A_2441 = arith.addf %add3A_2409, %get3A_2440 : vector<16xf32>
    %get3A_2442 = arith.constant 1424 : index
    %get3A_2443 = tpu.vector_load %arg7[%get3A_2442] {strides = array<i32>} : memref<3328xf32, #tpu.memory_space<vmem>>, vector<16xf32>,
    %get3A_2444 = vector.shape_cast %get3A_2443 : vector<16xf32> to vector<16xf32>
    %add3A_2445 = arith.addf %add3A_2413, %get3A_2444 : vector<16xf32>
    %get3A_2446 = arith.constant 1440 : index
    %get3A_2447 = tpu.vector_load %arg7[%get3A_2446] {strides = array<i32>} : memref<3328xf32, #tpu.memory_space<vmem>>, vector<16xf32>,
    %get3A_2448 = vector.shape_cast %get3A_2447 : vector<16xf32> to vector<16xf32>
    %add3A_2449 = arith.addf %add3A_2417, %get3A_2448 : vector<16xf32>
    %get3A_2450 = arith.constant 1456 : index
    %get3A_2451 = tpu.vector_load %arg7[%get3A_2450] {strides = array<i32>} : memref<3328xf32, #tpu.memory_space<vmem>>, vector<16xf32>,
    %get3A_2452 = vector.shape_cast %get3A_2451 : vector<16xf32> to vector<16xf32>
    %add3A_2453 = arith.addf %add3A_2421, %get3A_2452 : vector<16xf32>
    %get3A_2454 = arith.constant 1472 : index
    %get3A_2455 = tpu.vector_load %arg7[%get3A_2454] {strides = array<i32>} : memref<3328xf32, #tpu.memory_space<vmem>>, vector<16xf32>,
    %get3A_2456 = vector.shape_cast %get3A_2455 : vector<16xf32> to vector<16xf32>
    %add3A_2457 = arith.addf %add3A_2425, %get3A_2456 : vector<16xf32>
    %get3A_2458 = arith.constant 1488 : index
    %get3A_2459 = tpu.vector_load %arg7[%get3A_2458] {strides = array<i32>} : memref<3328xf32, #tpu.memory_space<vmem>>, vector<16xf32>,
    %get3A_2460 = vector.shape_cast %get3A_2459 : vector<16xf32> to vector<16xf32>
    %add3A_2461 = arith.addf %add3A_2429, %get3A_2460 : vector<16xf32>
    %get3A_2462 = arith.constant 1504 : index
    %get3A_2463 = tpu.vector_load %arg7[%get3A_2462] {strides = array<i32>} : memref<3328xf32, #tpu.memory_space<vmem>>, vector<16xf32>,
    %get3A_2464 = vector.shape_cast %get3A_2463 : vector<16xf32> to vector<16xf32>
    %add3A_2465 = arith.addf %add3A_2433, %get3A_2464 : vector<16xf32>
    %get3A_2466 = arith.constant 1520 : index
    %get3A_2467 = tpu.vector_load %arg7[%get3A_2466] {strides = array<i32>} : memref<3328xf32, #tpu.memory_space<vmem>>, vector<16xf32>,
    %get3A_2468 = vector.shape_cast %get3A_2467 : vector<16xf32> to vector<16xf32>
    %add3A_2469 = arith.addf %add3A_2437, %get3A_2468 : vector<16xf32>
    %get3A_2470 = arith.constant 1536 : index
    %get3A_2471 = tpu.vector_load %arg7[%get3A_2470] {strides = array<i32>} : memref<3328xf32, #tpu.memory_space<vmem>>, vector<16xf32>,
    %get3A_2472 = vector.shape_cast %get3A_2471 : vector<16xf32> to vector<16xf32>
    %add3A_2473 = arith.addf %add3A_2441, %get3A_2472 : vector<16xf32>
    %get3A_2474 = arith.constant 1552 : index
    %get3A_2475 = tpu.vector_load %arg7[%get3A_2474] {strides = array<i32>} : memref<3328xf32, #tpu.memory_space<vmem>>, vector<16xf32>,
    %get3A_2476 = vector.shape_cast %get3A_2475 : vector<16xf32> to vector<16xf32>
    %add3A_2477 = arith.addf %add3A_2445, %get3A_2476 : vector<16xf32>
    %get3A_2478 = arith.constant 1568 : index
    %get3A_2479 = tpu.vector_load %arg7[%get3A_2478] {strides = array<i32>} : memref<3328xf32, #tpu.memory_space<vmem>>, vector<16xf32>,
    %get3A_2480 = vector.shape_cast %get3A_2479 : vector<16xf32> to vector<16xf32>
    %add3A_2481 = arith.addf %add3A_2449, %get3A_2480 : vector<16xf32>
    %get3A_2482 = arith.constant 1584 : index
    %get3A_2483 = tpu.vector_load %arg7[%get3A_2482] {strides = array<i32>} : memref<3328xf32, #tpu.memory_space<vmem>>, vector<16xf32>,
    %get3A_2484 = vector.shape_cast %get3A_2483 : vector<16xf32> to vector<16xf32>
    %add3A_2485 = arith.addf %add3A_2453, %get3A_2484 : vector<16xf32>
    %get3A_2486 = arith.constant 1600 : index
    %get3A_2487 = tpu.vector_load %arg7[%get3A_2486] {strides = array<i32>} : memref<3328xf32, #tpu.memory_space<vmem>>, vector<16xf32>,
    %get3A_2488 = vector.shape_cast %get3A_2487 : vector<16xf32> to vector<16xf32>
    %add3A_2489 = arith.addf %add3A_2457, %get3A_2488 : vector<16xf32>
    %get3A_2490 = arith.constant 1616 : index
    %get3A_2491 = tpu.vector_load %arg7[%get3A_2490] {strides = array<i32>} : memref<3328xf32, #tpu.memory_space<vmem>>, vector<16xf32>,
    %get3A_2492 = vector.shape_cast %get3A_2491 : vector<16xf32> to vector<16xf32>
    %add3A_2493 = arith.addf %add3A_2461, %get3A_2492 : vector<16xf32>
    %get3A_2494 = arith.constant 1632 : index
    %get3A_2495 = tpu.vector_load %arg7[%get3A_2494] {strides = array<i32>} : memref<3328xf32, #tpu.memory_space<vmem>>, vector<16xf32>,
    %get3A_2496 = vector.shape_cast %get3A_2495 : vector<16xf32> to vector<16xf32>
    %add3A_2497 = arith.addf %add3A_2465, %get3A_2496 : vector<16xf32>
    %get3A_2498 = arith.constant 1648 : index
    %get3A_2499 = tpu.vector_load %arg7[%get3A_2498] {strides = array<i32>} : memref<3328xf32, #tpu.memory_space<vmem>>, vector<16xf32>,
    %get3A_2500 = vector.shape_cast %get3A_2499 : vector<16xf32> to vector<16xf32>
    %add3A_2501 = arith.addf %add3A_2469, %get3A_2500 : vector<16xf32>
    %get3A_2502 = arith.constant 1664 : index
    %get3A_2503 = tpu.vector_load %arg7[%get3A_2502] {strides = array<i32>} : memref<3328xf32, #tpu.memory_space<vmem>>, vector<16xf32>,
    %get3A_2504 = vector.shape_cast %get3A_2503 : vector<16xf32> to vector<16xf32>
    %add3A_2505 = arith.addf %add3A_2473, %get3A_2504 : vector<16xf32>
    %get3A_2506 = arith.constant 1680 : index
    %get3A_2507 = tpu.vector_load %arg7[%get3A_2506] {strides = array<i32>} : memref<3328xf32, #tpu.memory_space<vmem>>, vector<16xf32>,
    %get3A_2508 = vector.shape_cast %get3A_2507 : vector<16xf32> to vector<16xf32>
    %add3A_2509 = arith.addf %add3A_2477, %get3A_2508 : vector<16xf32>
    %get3A_2510 = arith.constant 1696 : index
    %get3A_2511 = tpu.vector_load %arg7[%get3A_2510] {strides = array<i32>} : memref<3328xf32, #tpu.memory_space<vmem>>, vector<16xf32>,
    %get3A_2512 = vector.shape_cast %get3A_2511 : vector<16xf32> to vector<16xf32>
    %add3A_2513 = arith.addf %add3A_2481, %get3A_2512 : vector<16xf32>
    %get3A_2514 = arith.constant 1712 : index
    %get3A_2515 = tpu.vector_load %arg7[%get3A_2514] {strides = array<i32>} : memref<3328xf32, #tpu.memory_space<vmem>>, vector<16xf32>,
    %get3A_2516 = vector.shape_cast %get3A_2515 : vector<16xf32> to vector<16xf32>
    %add3A_2517 = arith.addf %add3A_2485, %get3A_2516 : vector<16xf32>
    %get3A_2518 = arith.constant 1728 : index
    %get3A_2519 = tpu.vector_load %arg7[%get3A_2518] {strides = array<i32>} : memref<3328xf32, #tpu.memory_space<vmem>>, vector<16xf32>,
    %get3A_2520 = vector.shape_cast %get3A_2519 : vector<16xf32> to vector<16xf32>
    %add3A_2521 = arith.addf %add3A_2489, %get3A_2520 : vector<16xf32>
    %get3A_2522 = arith.constant 1744 : index
    %get3A_2523 = tpu.vector_load %arg7[%get3A_2522] {strides = array<i32>} : memref<3328xf32, #tpu.memory_space<vmem>>, vector<16xf32>,
    %get3A_2524 = vector.shape_cast %get3A_2523 : vector<16xf32> to vector<16xf32>
    %add3A_2525 = arith.addf %add3A_2493, %get3A_2524 : vector<16xf32>
    %get3A_2526 = arith.constant 1760 : index
    %get3A_2527 = tpu.vector_load %arg7[%get3A_2526] {strides = array<i32>} : memref<3328xf32, #tpu.memory_space<vmem>>, vector<16xf32>,
    %get3A_2528 = vector.shape_cast %get3A_2527 : vector<16xf32> to vector<16xf32>
    %add3A_2529 = arith.addf %add3A_2497, %get3A_2528 : vector<16xf32>
    %get3A_2530 = arith.constant 1776 : index
    %get3A_2531 = tpu.vector_load %arg7[%get3A_2530] {strides = array<i32>} : memref<3328xf32, #tpu.memory_space<vmem>>, vector<16xf32>,
    %get3A_2532 = vector.shape_cast %get3A_2531 : vector<16xf32> to vector<16xf32>
    %add3A_2533 = arith.addf %add3A_2501, %get3A_2532 : vector<16xf32>
    %get3A_2534 = arith.constant 1792 : index
    %get3A_2535 = tpu.vector_load %arg7[%get3A_2534] {strides = array<i32>} : memref<3328xf32, #tpu.memory_space<vmem>>, vector<16xf32>,
    %get3A_2536 = vector.shape_cast %get3A_2535 : vector<16xf32> to vector<16xf32>
    %add3A_2537 = arith.addf %add3A_2505, %get3A_2536 : vector<16xf32>
    %get3A_2538 = arith.constant 1808 : index
    %get3A_2539 = tpu.vector_load %arg7[%get3A_2538] {strides = array<i32>} : memref<3328xf32, #tpu.memory_space<vmem>>, vector<16xf32>,
    %get3A_2540 = vector.shape_cast %get3A_2539 : vector<16xf32> to vector<16xf32>
    %add3A_2541 = arith.addf %add3A_2509, %get3A_2540 : vector<16xf32>
    %get3A_2542 = arith.constant 1824 : index
    %get3A_2543 = tpu.vector_load %arg7[%get3A_2542] {strides = array<i32>} : memref<3328xf32, #tpu.memory_space<vmem>>, vector<16xf32>,
    %get3A_2544 = vector.shape_cast %get3A_2543 : vector<16xf32> to vector<16xf32>
    %add3A_2545 = arith.addf %add3A_2513, %get3A_2544 : vector<16xf32>
    %get3A_2546 = arith.constant 1840 : index
    %get3A_2547 = tpu.vector_load %arg7[%get3A_2546] {strides = array<i32>} : memref<3328xf32, #tpu.memory_space<vmem>>, vector<16xf32>,
    %get3A_2548 = vector.shape_cast %get3A_2547 : vector<16xf32> to vector<16xf32>
    %add3A_2549 = arith.addf %add3A_2517, %get3A_2548 : vector<16xf32>
    %get3A_2550 = arith.constant 1856 : index
    %get3A_2551 = tpu.vector_load %arg7[%get3A_2550] {strides = array<i32>} : memref<3328xf32, #tpu.memory_space<vmem>>, vector<16xf32>,
    %get3A_2552 = vector.shape_cast %get3A_2551 : vector<16xf32> to vector<16xf32>
    %add3A_2553 = arith.addf %add3A_2521, %get3A_2552 : vector<16xf32>
    %get3A_2554 = arith.constant 1872 : index
    %get3A_2555 = tpu.vector_load %arg7[%get3A_2554] {strides = array<i32>} : memref<3328xf32, #tpu.memory_space<vmem>>, vector<16xf32>,
    %get3A_2556 = vector.shape_cast %get3A_2555 : vector<16xf32> to vector<16xf32>
    %add3A_2557 = arith.addf %add3A_2525, %get3A_2556 : vector<16xf32>
    %get3A_2558 = arith.constant 1888 : index
    %get3A_2559 = tpu.vector_load %arg7[%get3A_2558] {strides = array<i32>} : memref<3328xf32, #tpu.memory_space<vmem>>, vector<16xf32>,
    %get3A_2560 = vector.shape_cast %get3A_2559 : vector<16xf32> to vector<16xf32>
    %add3A_2561 = arith.addf %add3A_2529, %get3A_2560 : vector<16xf32>
    %get3A_2562 = arith.constant 1904 : index
    %get3A_2563 = tpu.vector_load %arg7[%get3A_2562] {strides = array<i32>} : memref<3328xf32, #tpu.memory_space<vmem>>, vector<16xf32>,
    %get3A_2564 = vector.shape_cast %get3A_2563 : vector<16xf32> to vector<16xf32>
    %add3A_2565 = arith.addf %add3A_2533, %get3A_2564 : vector<16xf32>
    %get3A_2566 = arith.constant 1920 : index
    %get3A_2567 = tpu.vector_load %arg7[%get3A_2566] {strides = array<i32>} : memref<3328xf32, #tpu.memory_space<vmem>>, vector<16xf32>,
    %get3A_2568 = vector.shape_cast %get3A_2567 : vector<16xf32> to vector<16xf32>
    %add3A_2569 = arith.addf %add3A_2537, %get3A_2568 : vector<16xf32>
    %get3A_2570 = arith.constant 1936 : index
    %get3A_2571 = tpu.vector_load %arg7[%get3A_2570] {strides = array<i32>} : memref<3328xf32, #tpu.memory_space<vmem>>, vector<16xf32>,
    %get3A_2572 = vector.shape_cast %get3A_2571 : vector<16xf32> to vector<16xf32>
    %add3A_2573 = arith.addf %add3A_2541, %get3A_2572 : vector<16xf32>
    %get3A_2574 = arith.constant 1952 : index
    %get3A_2575 = tpu.vector_load %arg7[%get3A_2574] {strides = array<i32>} : memref<3328xf32, #tpu.memory_space<vmem>>, vector<16xf32>,
    %get3A_2576 = vector.shape_cast %get3A_2575 : vector<16xf32> to vector<16xf32>
    %add3A_2577 = arith.addf %add3A_2545, %get3A_2576 : vector<16xf32>
    %get3A_2578 = arith.constant 1968 : index
    %get3A_2579 = tpu.vector_load %arg7[%get3A_2578] {strides = array<i32>} : memref<3328xf32, #tpu.memory_space<vmem>>, vector<16xf32>,
    %get3A_2580 = vector.shape_cast %get3A_2579 : vector<16xf32> to vector<16xf32>
    %add3A_2581 = arith.addf %add3A_2549, %get3A_2580 : vector<16xf32>
    %get3A_2582 = arith.constant 1984 : index
    %get3A_2583 = tpu.vector_load %arg7[%get3A_2582] {strides = array<i32>} : memref<3328xf32, #tpu.memory_space<vmem>>, vector<16xf32>,
    %get3A_2584 = vector.shape_cast %get3A_2583 : vector<16xf32> to vector<16xf32>
    %add3A_2585 = arith.addf %add3A_2553, %get3A_2584 : vector<16xf32>
    %get3A_2586 = arith.constant 2000 : index
    %get3A_2587 = tpu.vector_load %arg7[%get3A_2586] {strides = array<i32>} : memref<3328xf32, #tpu.memory_space<vmem>>, vector<16xf32>,
    %get3A_2588 = vector.shape_cast %get3A_2587 : vector<16xf32> to vector<16xf32>
    %add3A_2589 = arith.addf %add3A_2557, %get3A_2588 : vector<16xf32>
    %get3A_2590 = arith.constant 2016 : index
    %get3A_2591 = tpu.vector_load %arg7[%get3A_2590] {strides = array<i32>} : memref<3328xf32, #tpu.memory_space<vmem>>, vector<16xf32>,
    %get3A_2592 = vector.shape_cast %get3A_2591 : vector<16xf32> to vector<16xf32>
    %add3A_2593 = arith.addf %add3A_2561, %get3A_2592 : vector<16xf32>
    %get3A_2594 = arith.constant 2032 : index
    %get3A_2595 = tpu.vector_load %arg7[%get3A_2594] {strides = array<i32>} : memref<3328xf32, #tpu.memory_space<vmem>>, vector<16xf32>,
    %get3A_2596 = vector.shape_cast %get3A_2595 : vector<16xf32> to vector<16xf32>
    %add3A_2597 = arith.addf %add3A_2565, %get3A_2596 : vector<16xf32>
    %get3A_2598 = arith.constant 2048 : index
    %get3A_2599 = tpu.vector_load %arg7[%get3A_2598] {strides = array<i32>} : memref<3328xf32, #tpu.memory_space<vmem>>, vector<16xf32>,
    %get3A_2600 = vector.shape_cast %get3A_2599 : vector<16xf32> to vector<16xf32>
    %add3A_2601 = arith.addf %add3A_2569, %get3A_2600 : vector<16xf32>
    %get3A_2602 = arith.constant 2064 : index
    %get3A_2603 = tpu.vector_load %arg7[%get3A_2602] {strides = array<i32>} : memref<3328xf32, #tpu.memory_space<vmem>>, vector<16xf32>,
    %get3A_2604 = vector.shape_cast %get3A_2603 : vector<16xf32> to vector<16xf32>
    %add3A_2605 = arith.addf %add3A_2573, %get3A_2604 : vector<16xf32>
    %get3A_2606 = arith.constant 2080 : index
    %get3A_2607 = tpu.vector_load %arg7[%get3A_2606] {strides = array<i32>} : memref<3328xf32, #tpu.memory_space<vmem>>, vector<16xf32>,
    %get3A_2608 = vector.shape_cast %get3A_2607 : vector<16xf32> to vector<16xf32>
    %add3A_2609 = arith.addf %add3A_2577, %get3A_2608 : vector<16xf32>
    %get3A_2610 = arith.constant 2096 : index
    %get3A_2611 = tpu.vector_load %arg7[%get3A_2610] {strides = array<i32>} : memref<3328xf32, #tpu.memory_space<vmem>>, vector<16xf32>,
    %get3A_2612 = vector.shape_cast %get3A_2611 : vector<16xf32> to vector<16xf32>
    %add3A_2613 = arith.addf %add3A_2581, %get3A_2612 : vector<16xf32>
    %get3A_2614 = arith.constant 2112 : index
    %get3A_2615 = tpu.vector_load %arg7[%get3A_2614] {strides = array<i32>} : memref<3328xf32, #tpu.memory_space<vmem>>, vector<16xf32>,
    %get3A_2616 = vector.shape_cast %get3A_2615 : vector<16xf32> to vector<16xf32>
    %add3A_2617 = arith.addf %add3A_2585, %get3A_2616 : vector<16xf32>
    %get3A_2618 = arith.constant 2128 : index
    %get3A_2619 = tpu.vector_load %arg7[%get3A_2618] {strides = array<i32>} : memref<3328xf32, #tpu.memory_space<vmem>>, vector<16xf32>,
    %get3A_2620 = vector.shape_cast %get3A_2619 : vector<16xf32> to vector<16xf32>
    %add3A_2621 = arith.addf %add3A_2589, %get3A_2620 : vector<16xf32>
    %get3A_2622 = arith.constant 2144 : index
    %get3A_2623 = tpu.vector_load %arg7[%get3A_2622] {strides = array<i32>} : memref<3328xf32, #tpu.memory_space<vmem>>, vector<16xf32>,
    %get3A_2624 = vector.shape_cast %get3A_2623 : vector<16xf32> to vector<16xf32>
    %add3A_2625 = arith.addf %add3A_2593, %get3A_2624 : vector<16xf32>
    %get3A_2626 = arith.constant 2160 : index
    %get3A_2627 = tpu.vector_load %arg7[%get3A_2626] {strides = array<i32>} : memref<3328xf32, #tpu.memory_space<vmem>>, vector<16xf32>,
    %get3A_2628 = vector.shape_cast %get3A_2627 : vector<16xf32> to vector<16xf32>
    %add3A_2629 = arith.addf %add3A_2597, %get3A_2628 : vector<16xf32>
    %get3A_2630 = arith.constant 2176 : index
    %get3A_2631 = tpu.vector_load %arg7[%get3A_2630] {strides = array<i32>} : memref<3328xf32, #tpu.memory_space<vmem>>, vector<16xf32>,
    %get3A_2632 = vector.shape_cast %get3A_2631 : vector<16xf32> to vector<16xf32>
    %add3A_2633 = arith.addf %add3A_2601, %get3A_2632 : vector<16xf32>
    %get3A_2634 = arith.constant 2192 : index
    %get3A_2635 = tpu.vector_load %arg7[%get3A_2634] {strides = array<i32>} : memref<3328xf32, #tpu.memory_space<vmem>>, vector<16xf32>,
    %get3A_2636 = vector.shape_cast %get3A_2635 : vector<16xf32> to vector<16xf32>
    %add3A_2637 = arith.addf %add3A_2605, %get3A_2636 : vector<16xf32>
    %get3A_2638 = arith.constant 2208 : index
    %get3A_2639 = tpu.vector_load %arg7[%get3A_2638] {strides = array<i32>} : memref<3328xf32, #tpu.memory_space<vmem>>, vector<16xf32>,
    %get3A_2640 = vector.shape_cast %get3A_2639 : vector<16xf32> to vector<16xf32>
    %add3A_2641 = arith.addf %add3A_2609, %get3A_2640 : vector<16xf32>
    %get3A_2642 = arith.constant 2224 : index
    %get3A_2643 = tpu.vector_load %arg7[%get3A_2642] {strides = array<i32>} : memref<3328xf32, #tpu.memory_space<vmem>>, vector<16xf32>,
    %get3A_2644 = vector.shape_cast %get3A_2643 : vector<16xf32> to vector<16xf32>
    %add3A_2645 = arith.addf %add3A_2613, %get3A_2644 : vector<16xf32>
    %get3A_2646 = arith.constant 2240 : index
    %get3A_2647 = tpu.vector_load %arg7[%get3A_2646] {strides = array<i32>} : memref<3328xf32, #tpu.memory_space<vmem>>, vector<16xf32>,
    %get3A_2648 = vector.shape_cast %get3A_2647 : vector<16xf32> to vector<16xf32>
    %add3A_2649 = arith.addf %add3A_2617, %get3A_2648 : vector<16xf32>
    %get3A_2650 = arith.constant 2256 : index
    %get3A_2651 = tpu.vector_load %arg7[%get3A_2650] {strides = array<i32>} : memref<3328xf32, #tpu.memory_space<vmem>>, vector<16xf32>,
    %get3A_2652 = vector.shape_cast %get3A_2651 : vector<16xf32> to vector<16xf32>
    %add3A_2653 = arith.addf %add3A_2621, %get3A_2652 : vector<16xf32>
    %get3A_2654 = arith.constant 2272 : index
    %get3A_2655 = tpu.vector_load %arg7[%get3A_2654] {strides = array<i32>} : memref<3328xf32, #tpu.memory_space<vmem>>, vector<16xf32>,
    %get3A_2656 = vector.shape_cast %get3A_2655 : vector<16xf32> to vector<16xf32>
    %add3A_2657 = arith.addf %add3A_2625, %get3A_2656 : vector<16xf32>
    %get3A_2658 = arith.constant 2288 : index
    %get3A_2659 = tpu.vector_load %arg7[%get3A_2658] {strides = array<i32>} : memref<3328xf32, #tpu.memory_space<vmem>>, vector<16xf32>,
    %get3A_2660 = vector.shape_cast %get3A_2659 : vector<16xf32> to vector<16xf32>
    %add3A_2661 = arith.addf %add3A_2629, %get3A_2660 : vector<16xf32>
    %get3A_2662 = arith.constant 2304 : index
    %get3A_2663 = tpu.vector_load %arg7[%get3A_2662] {strides = array<i32>} : memref<3328xf32, #tpu.memory_space<vmem>>, vector<16xf32>,
    %get3A_2664 = vector.shape_cast %get3A_2663 : vector<16xf32> to vector<16xf32>
    %add3A_2665 = arith.addf %add3A_2633, %get3A_2664 : vector<16xf32>
    %get3A_2666 = arith.constant 2320 : index
    %get3A_2667 = tpu.vector_load %arg7[%get3A_2666] {strides = array<i32>} : memref<3328xf32, #tpu.memory_space<vmem>>, vector<16xf32>,
    %get3A_2668 = vector.shape_cast %get3A_2667 : vector<16xf32> to vector<16xf32>
    %add3A_2669 = arith.addf %add3A_2637, %get3A_2668 : vector<16xf32>
    %get3A_2670 = arith.constant 2336 : index
    %get3A_2671 = tpu.vector_load %arg7[%get3A_2670] {strides = array<i32>} : memref<3328xf32, #tpu.memory_space<vmem>>, vector<16xf32>,
    %get3A_2672 = vector.shape_cast %get3A_2671 : vector<16xf32> to vector<16xf32>
    %add3A_2673 = arith.addf %add3A_2641, %get3A_2672 : vector<16xf32>
    %get3A_2674 = arith.constant 2352 : index
    %get3A_2675 = tpu.vector_load %arg7[%get3A_2674] {strides = array<i32>} : memref<3328xf32, #tpu.memory_space<vmem>>, vector<16xf32>,
    %get3A_2676 = vector.shape_cast %get3A_2675 : vector<16xf32> to vector<16xf32>
    %add3A_2677 = arith.addf %add3A_2645, %get3A_2676 : vector<16xf32>
    %get3A_2678 = arith.constant 2368 : index
    %get3A_2679 = tpu.vector_load %arg7[%get3A_2678] {strides = array<i32>} : memref<3328xf32, #tpu.memory_space<vmem>>, vector<16xf32>,
    %get3A_2680 = vector.shape_cast %get3A_2679 : vector<16xf32> to vector<16xf32>
    %add3A_2681 = arith.addf %add3A_2649, %get3A_2680 : vector<16xf32>
    %get3A_2682 = arith.constant 2384 : index
    %get3A_2683 = tpu.vector_load %arg7[%get3A_2682] {strides = array<i32>} : memref<3328xf32, #tpu.memory_space<vmem>>, vector<16xf32>,
    %get3A_2684 = vector.shape_cast %get3A_2683 : vector<16xf32> to vector<16xf32>
    %add3A_2685 = arith.addf %add3A_2653, %get3A_2684 : vector<16xf32>
    %get3A_2686 = arith.constant 2400 : index
    %get3A_2687 = tpu.vector_load %arg7[%get3A_2686] {strides = array<i32>} : memref<3328xf32, #tpu.memory_space<vmem>>, vector<16xf32>,
    %get3A_2688 = vector.shape_cast %get3A_2687 : vector<16xf32> to vector<16xf32>
    %add3A_2689 = arith.addf %add3A_2657, %get3A_2688 : vector<16xf32>
    %get3A_2690 = arith.constant 2416 : index
    %get3A_2691 = tpu.vector_load %arg7[%get3A_2690] {strides = array<i32>} : memref<3328xf32, #tpu.memory_space<vmem>>, vector<16xf32>,
    %get3A_2692 = vector.shape_cast %get3A_2691 : vector<16xf32> to vector<16xf32>
    %add3A_2693 = arith.addf %add3A_2661, %get3A_2692 : vector<16xf32>
    %get3A_2694 = arith.constant 2432 : index
    %get3A_2695 = tpu.vector_load %arg7[%get3A_2694] {strides = array<i32>} : memref<3328xf32, #tpu.memory_space<vmem>>, vector<16xf32>,
    %get3A_2696 = vector.shape_cast %get3A_2695 : vector<16xf32> to vector<16xf32>
    %add3A_2697 = arith.addf %add3A_2665, %get3A_2696 : vector<16xf32>
    %get3A_2698 = arith.constant 2448 : index
    %get3A_2699 = tpu.vector_load %arg7[%get3A_2698] {strides = array<i32>} : memref<3328xf32, #tpu.memory_space<vmem>>, vector<16xf32>,
    %get3A_2700 = vector.shape_cast %get3A_2699 : vector<16xf32> to vector<16xf32>
    %add3A_2701 = arith.addf %add3A_2669, %get3A_2700 : vector<16xf32>
    %get3A_2702 = arith.constant 2464 : index
    %get3A_2703 = tpu.vector_load %arg7[%get3A_2702] {strides = array<i32>} : memref<3328xf32, #tpu.memory_space<vmem>>, vector<16xf32>,
    %get3A_2704 = vector.shape_cast %get3A_2703 : vector<16xf32> to vector<16xf32>
    %add3A_2705 = arith.addf %add3A_2673, %get3A_2704 : vector<16xf32>
    %get3A_2706 = arith.constant 2480 : index
    %get3A_2707 = tpu.vector_load %arg7[%get3A_2706] {strides = array<i32>} : memref<3328xf32, #tpu.memory_space<vmem>>, vector<16xf32>,
    %get3A_2708 = vector.shape_cast %get3A_2707 : vector<16xf32> to vector<16xf32>
    %add3A_2709 = arith.addf %add3A_2677, %get3A_2708 : vector<16xf32>
    %get3A_2710 = arith.constant 2496 : index
    %get3A_2711 = tpu.vector_load %arg7[%get3A_2710] {strides = array<i32>} : memref<3328xf32, #tpu.memory_space<vmem>>, vector<16xf32>,
    %get3A_2712 = vector.shape_cast %get3A_2711 : vector<16xf32> to vector<16xf32>
    %add3A_2713 = arith.addf %add3A_2681, %get3A_2712 : vector<16xf32>
    %get3A_2714 = arith.constant 2512 : index
    %get3A_2715 = tpu.vector_load %arg7[%get3A_2714] {strides = array<i32>} : memref<3328xf32, #tpu.memory_space<vmem>>, vector<16xf32>,
    %get3A_2716 = vector.shape_cast %get3A_2715 : vector<16xf32> to vector<16xf32>
    %add3A_2717 = arith.addf %add3A_2685, %get3A_2716 : vector<16xf32>
    %get3A_2718 = arith.constant 2528 : index
    %get3A_2719 = tpu.vector_load %arg7[%get3A_2718] {strides = array<i32>} : memref<3328xf32, #tpu.memory_space<vmem>>, vector<16xf32>,
    %get3A_2720 = vector.shape_cast %get3A_2719 : vector<16xf32> to vector<16xf32>
    %add3A_2721 = arith.addf %add3A_2689, %get3A_2720 : vector<16xf32>
    %get3A_2722 = arith.constant 2544 : index
    %get3A_2723 = tpu.vector_load %arg7[%get3A_2722] {strides = array<i32>} : memref<3328xf32, #tpu.memory_space<vmem>>, vector<16xf32>,
    %get3A_2724 = vector.shape_cast %get3A_2723 : vector<16xf32> to vector<16xf32>
    %add3A_2725 = arith.addf %add3A_2693, %get3A_2724 : vector<16xf32>
    %get3A_2726 = arith.constant 2560 : index
    %get3A_2727 = tpu.vector_load %arg7[%get3A_2726] {strides = array<i32>} : memref<3328xf32, #tpu.memory_space<vmem>>, vector<16xf32>,
    %get3A_2728 = vector.shape_cast %get3A_2727 : vector<16xf32> to vector<16xf32>
    %add3A_2729 = arith.addf %add3A_2697, %get3A_2728 : vector<16xf32>
    %get3A_2730 = arith.constant 2576 : index
    %get3A_2731 = tpu.vector_load %arg7[%get3A_2730] {strides = array<i32>} : memref<3328xf32, #tpu.memory_space<vmem>>, vector<16xf32>,
    %get3A_2732 = vector.shape_cast %get3A_2731 : vector<16xf32> to vector<16xf32>
    %add3A_2733 = arith.addf %add3A_2701, %get3A_2732 : vector<16xf32>
    %get3A_2734 = arith.constant 2592 : index
    %get3A_2735 = tpu.vector_load %arg7[%get3A_2734] {strides = array<i32>} : memref<3328xf32, #tpu.memory_space<vmem>>, vector<16xf32>,
    %get3A_2736 = vector.shape_cast %get3A_2735 : vector<16xf32> to vector<16xf32>
    %add3A_2737 = arith.addf %add3A_2705, %get3A_2736 : vector<16xf32>
    %get3A_2738 = arith.constant 2608 : index
    %get3A_2739 = tpu.vector_load %arg7[%get3A_2738] {strides = array<i32>} : memref<3328xf32, #tpu.memory_space<vmem>>, vector<16xf32>,
    %get3A_2740 = vector.shape_cast %get3A_2739 : vector<16xf32> to vector<16xf32>
    %add3A_2741 = arith.addf %add3A_2709, %get3A_2740 : vector<16xf32>
    %get3A_2742 = arith.constant 2624 : index
    %get3A_2743 = tpu.vector_load %arg7[%get3A_2742] {strides = array<i32>} : memref<3328xf32, #tpu.memory_space<vmem>>, vector<16xf32>,
    %get3A_2744 = vector.shape_cast %get3A_2743 : vector<16xf32> to vector<16xf32>
    %add3A_2745 = arith.addf %add3A_2713, %get3A_2744 : vector<16xf32>
    %get3A_2746 = arith.constant 2640 : index
    %get3A_2747 = tpu.vector_load %arg7[%get3A_2746] {strides = array<i32>} : memref<3328xf32, #tpu.memory_space<vmem>>, vector<16xf32>,
    %get3A_2748 = vector.shape_cast %get3A_2747 : vector<16xf32> to vector<16xf32>
    %add3A_2749 = arith.addf %add3A_2717, %get3A_2748 : vector<16xf32>
    %get3A_2750 = arith.constant 2656 : index
    %get3A_2751 = tpu.vector_load %arg7[%get3A_2750] {strides = array<i32>} : memref<3328xf32, #tpu.memory_space<vmem>>, vector<16xf32>,
    %get3A_2752 = vector.shape_cast %get3A_2751 : vector<16xf32> to vector<16xf32>
    %add3A_2753 = arith.addf %add3A_2721, %get3A_2752 : vector<16xf32>
    %get3A_2754 = arith.constant 2672 : index
    %get3A_2755 = tpu.vector_load %arg7[%get3A_2754] {strides = array<i32>} : memref<3328xf32, #tpu.memory_space<vmem>>, vector<16xf32>,
    %get3A_2756 = vector.shape_cast %get3A_2755 : vector<16xf32> to vector<16xf32>
    %add3A_2757 = arith.addf %add3A_2725, %get3A_2756 : vector<16xf32>
    %get3A_2758 = arith.constant 2688 : index
    %get3A_2759 = tpu.vector_load %arg7[%get3A_2758] {strides = array<i32>} : memref<3328xf32, #tpu.memory_space<vmem>>, vector<16xf32>,
    %get3A_2760 = vector.shape_cast %get3A_2759 : vector<16xf32> to vector<16xf32>
    %add3A_2761 = arith.addf %add3A_2729, %get3A_2760 : vector<16xf32>
    %get3A_2762 = arith.constant 2704 : index
    %get3A_2763 = tpu.vector_load %arg7[%get3A_2762] {strides = array<i32>} : memref<3328xf32, #tpu.memory_space<vmem>>, vector<16xf32>,
    %get3A_2764 = vector.shape_cast %get3A_2763 : vector<16xf32> to vector<16xf32>
    %add3A_2765 = arith.addf %add3A_2733, %get3A_2764 : vector<16xf32>
    %get3A_2766 = arith.constant 2720 : index
    %get3A_2767 = tpu.vector_load %arg7[%get3A_2766] {strides = array<i32>} : memref<3328xf32, #tpu.memory_space<vmem>>, vector<16xf32>,
    %get3A_2768 = vector.shape_cast %get3A_2767 : vector<16xf32> to vector<16xf32>
    %add3A_2769 = arith.addf %add3A_2737, %get3A_2768 : vector<16xf32>
    %get3A_2770 = arith.constant 2736 : index
    %get3A_2771 = tpu.vector_load %arg7[%get3A_2770] {strides = array<i32>} : memref<3328xf32, #tpu.memory_space<vmem>>, vector<16xf32>,
    %get3A_2772 = vector.shape_cast %get3A_2771 : vector<16xf32> to vector<16xf32>
    %add3A_2773 = arith.addf %add3A_2741, %get3A_2772 : vector<16xf32>
    %get3A_2774 = arith.constant 2752 : index
    %get3A_2775 = tpu.vector_load %arg7[%get3A_2774] {strides = array<i32>} : memref<3328xf32, #tpu.memory_space<vmem>>, vector<16xf32>,
    %get3A_2776 = vector.shape_cast %get3A_2775 : vector<16xf32> to vector<16xf32>
    %add3A_2777 = arith.addf %add3A_2745, %get3A_2776 : vector<16xf32>
    %get3A_2778 = arith.constant 2768 : index
    %get3A_2779 = tpu.vector_load %arg7[%get3A_2778] {strides = array<i32>} : memref<3328xf32, #tpu.memory_space<vmem>>, vector<16xf32>,
    %get3A_2780 = vector.shape_cast %get3A_2779 : vector<16xf32> to vector<16xf32>
    %add3A_2781 = arith.addf %add3A_2749, %get3A_2780 : vector<16xf32>
    %get3A_2782 = arith.constant 2784 : index
    %get3A_2783 = tpu.vector_load %arg7[%get3A_2782] {strides = array<i32>} : memref<3328xf32, #tpu.memory_space<vmem>>, vector<16xf32>,
    %get3A_2784 = vector.shape_cast %get3A_2783 : vector<16xf32> to vector<16xf32>
    %add3A_2785 = arith.addf %add3A_2753, %get3A_2784 : vector<16xf32>
    %get3A_2786 = arith.constant 2800 : index
    %get3A_2787 = tpu.vector_load %arg7[%get3A_2786] {strides = array<i32>} : memref<3328xf32, #tpu.memory_space<vmem>>, vector<16xf32>,
    %get3A_2788 = vector.shape_cast %get3A_2787 : vector<16xf32> to vector<16xf32>
    %add3A_2789 = arith.addf %add3A_2757, %get3A_2788 : vector<16xf32>
    %get3A_2790 = arith.constant 2816 : index
    %get3A_2791 = tpu.vector_load %arg7[%get3A_2790] {strides = array<i32>} : memref<3328xf32, #tpu.memory_space<vmem>>, vector<16xf32>,
    %get3A_2792 = vector.shape_cast %get3A_2791 : vector<16xf32> to vector<16xf32>
    %add3A_2793 = arith.addf %add3A_2761, %get3A_2792 : vector<16xf32>
    %get3A_2794 = arith.constant 2832 : index
    %get3A_2795 = tpu.vector_load %arg7[%get3A_2794] {strides = array<i32>} : memref<3328xf32, #tpu.memory_space<vmem>>, vector<16xf32>,
    %get3A_2796 = vector.shape_cast %get3A_2795 : vector<16xf32> to vector<16xf32>
    %add3A_2797 = arith.addf %add3A_2765, %get3A_2796 : vector<16xf32>
    %get3A_2798 = arith.constant 2848 : index
    %get3A_2799 = tpu.vector_load %arg7[%get3A_2798] {strides = array<i32>} : memref<3328xf32, #tpu.memory_space<vmem>>, vector<16xf32>,
    %get3A_2800 = vector.shape_cast %get3A_2799 : vector<16xf32> to vector<16xf32>
    %add3A_2801 = arith.addf %add3A_2769, %get3A_2800 : vector<16xf32>
    %get3A_2802 = arith.constant 2864 : index
    %get3A_2803 = tpu.vector_load %arg7[%get3A_2802] {strides = array<i32>} : memref<3328xf32, #tpu.memory_space<vmem>>, vector<16xf32>,
    %get3A_2804 = vector.shape_cast %get3A_2803 : vector<16xf32> to vector<16xf32>
    %add3A_2805 = arith.addf %add3A_2773, %get3A_2804 : vector<16xf32>
    %get3A_2806 = arith.constant 2880 : index
    %get3A_2807 = tpu.vector_load %arg7[%get3A_2806] {strides = array<i32>} : memref<3328xf32, #tpu.memory_space<vmem>>, vector<16xf32>,
    %get3A_2808 = vector.shape_cast %get3A_2807 : vector<16xf32> to vector<16xf32>
    %add3A_2809 = arith.addf %add3A_2777, %get3A_2808 : vector<16xf32>
    %get3A_2810 = arith.constant 2896 : index
    %get3A_2811 = tpu.vector_load %arg7[%get3A_2810] {strides = array<i32>} : memref<3328xf32, #tpu.memory_space<vmem>>, vector<16xf32>,
    %get3A_2812 = vector.shape_cast %get3A_2811 : vector<16xf32> to vector<16xf32>
    %add3A_2813 = arith.addf %add3A_2781, %get3A_2812 : vector<16xf32>
    %get3A_2814 = arith.constant 2912 : index
    %get3A_2815 = tpu.vector_load %arg7[%get3A_2814] {strides = array<i32>} : memref<3328xf32, #tpu.memory_space<vmem>>, vector<16xf32>,
    %get3A_2816 = vector.shape_cast %get3A_2815 : vector<16xf32> to vector<16xf32>
    %add3A_2817 = arith.addf %add3A_2785, %get3A_2816 : vector<16xf32>
    %get3A_2818 = arith.constant 2928 : index
    %get3A_2819 = tpu.vector_load %arg7[%get3A_2818] {strides = array<i32>} : memref<3328xf32, #tpu.memory_space<vmem>>, vector<16xf32>,
    %get3A_2820 = vector.shape_cast %get3A_2819 : vector<16xf32> to vector<16xf32>
    %add3A_2821 = arith.addf %add3A_2789, %get3A_2820 : vector<16xf32>
    %get3A_2822 = arith.constant 2944 : index
    %get3A_2823 = tpu.vector_load %arg7[%get3A_2822] {strides = array<i32>} : memref<3328xf32, #tpu.memory_space<vmem>>, vector<16xf32>,
    %get3A_2824 = vector.shape_cast %get3A_2823 : vector<16xf32> to vector<16xf32>
    %add3A_2825 = arith.addf %add3A_2793, %get3A_2824 : vector<16xf32>
    %get3A_2826 = arith.constant 2960 : index
    %get3A_2827 = tpu.vector_load %arg7[%get3A_2826] {strides = array<i32>} : memref<3328xf32, #tpu.memory_space<vmem>>, vector<16xf32>,
    %get3A_2828 = vector.shape_cast %get3A_2827 : vector<16xf32> to vector<16xf32>
    %add3A_2829 = arith.addf %add3A_2797, %get3A_2828 : vector<16xf32>
    %get3A_2830 = arith.constant 2976 : index
    %get3A_2831 = tpu.vector_load %arg7[%get3A_2830] {strides = array<i32>} : memref<3328xf32, #tpu.memory_space<vmem>>, vector<16xf32>,
    %get3A_2832 = vector.shape_cast %get3A_2831 : vector<16xf32> to vector<16xf32>
    %add3A_2833 = arith.addf %add3A_2801, %get3A_2832 : vector<16xf32>
    %get3A_2834 = arith.constant 2992 : index
    %get3A_2835 = tpu.vector_load %arg7[%get3A_2834] {strides = array<i32>} : memref<3328xf32, #tpu.memory_space<vmem>>, vector<16xf32>,
    %get3A_2836 = vector.shape_cast %get3A_2835 : vector<16xf32> to vector<16xf32>
    %add3A_2837 = arith.addf %add3A_2805, %get3A_2836 : vector<16xf32>
    %get3A_2838 = arith.constant 3008 : index
    %get3A_2839 = tpu.vector_load %arg7[%get3A_2838] {strides = array<i32>} : memref<3328xf32, #tpu.memory_space<vmem>>, vector<16xf32>,
    %get3A_2840 = vector.shape_cast %get3A_2839 : vector<16xf32> to vector<16xf32>
    %add3A_2841 = arith.addf %add3A_2809, %get3A_2840 : vector<16xf32>
    %get3A_2842 = arith.constant 3024 : index
    %get3A_2843 = tpu.vector_load %arg7[%get3A_2842] {strides = array<i32>} : memref<3328xf32, #tpu.memory_space<vmem>>, vector<16xf32>,
    %get3A_2844 = vector.shape_cast %get3A_2843 : vector<16xf32> to vector<16xf32>
    %add3A_2845 = arith.addf %add3A_2813, %get3A_2844 : vector<16xf32>
    %get3A_2846 = arith.constant 3040 : index
    %get3A_2847 = tpu.vector_load %arg7[%get3A_2846] {strides = array<i32>} : memref<3328xf32, #tpu.memory_space<vmem>>, vector<16xf32>,
    %get3A_2848 = vector.shape_cast %get3A_2847 : vector<16xf32> to vector<16xf32>
    %add3A_2849 = arith.addf %add3A_2817, %get3A_2848 : vector<16xf32>
    %get3A_2850 = arith.constant 3056 : index
    %get3A_2851 = tpu.vector_load %arg7[%get3A_2850] {strides = array<i32>} : memref<3328xf32, #tpu.memory_space<vmem>>, vector<16xf32>,
    %get3A_2852 = vector.shape_cast %get3A_2851 : vector<16xf32> to vector<16xf32>
    %add3A_2853 = arith.addf %add3A_2821, %get3A_2852 : vector<16xf32>
    %get3A_2854 = arith.constant 3072 : index
    %get3A_2855 = tpu.vector_load %arg7[%get3A_2854] {strides = array<i32>} : memref<3328xf32, #tpu.memory_space<vmem>>, vector<16xf32>,
    %get3A_2856 = vector.shape_cast %get3A_2855 : vector<16xf32> to vector<16xf32>
    %add3A_2857 = arith.addf %add3A_2825, %get3A_2856 : vector<16xf32>
    %get3A_2858 = arith.constant 3088 : index
    %get3A_2859 = tpu.vector_load %arg7[%get3A_2858] {strides = array<i32>} : memref<3328xf32, #tpu.memory_space<vmem>>, vector<16xf32>,
    %get3A_2860 = vector.shape_cast %get3A_2859 : vector<16xf32> to vector<16xf32>
    %add3A_2861 = arith.addf %add3A_2829, %get3A_2860 : vector<16xf32>
    %get3A_2862 = arith.constant 3104 : index
    %get3A_2863 = tpu.vector_load %arg7[%get3A_2862] {strides = array<i32>} : memref<3328xf32, #tpu.memory_space<vmem>>, vector<16xf32>,
    %get3A_2864 = vector.shape_cast %get3A_2863 : vector<16xf32> to vector<16xf32>
    %add3A_2865 = arith.addf %add3A_2833, %get3A_2864 : vector<16xf32>
    %get3A_2866 = arith.constant 3120 : index
    %get3A_2867 = tpu.vector_load %arg7[%get3A_2866] {strides = array<i32>} : memref<3328xf32, #tpu.memory_space<vmem>>, vector<16xf32>,
    %get3A_2868 = vector.shape_cast %get3A_2867 : vector<16xf32> to vector<16xf32>
    %add3A_2869 = arith.addf %add3A_2837, %get3A_2868 : vector<16xf32>
    %get3A_2870 = arith.constant 3136 : index
    %get3A_2871 = tpu.vector_load %arg7[%get3A_2870] {strides = array<i32>} : memref<3328xf32, #tpu.memory_space<vmem>>, vector<16xf32>,
    %get3A_2872 = vector.shape_cast %get3A_2871 : vector<16xf32> to vector<16xf32>
    %add3A_2873 = arith.addf %add3A_2841, %get3A_2872 : vector<16xf32>
    %get3A_2874 = arith.constant 3152 : index
    %get3A_2875 = tpu.vector_load %arg7[%get3A_2874] {strides = array<i32>} : memref<3328xf32, #tpu.memory_space<vmem>>, vector<16xf32>,
    %get3A_2876 = vector.shape_cast %get3A_2875 : vector<16xf32> to vector<16xf32>
    %add3A_2877 = arith.addf %add3A_2845, %get3A_2876 : vector<16xf32>
    %get3A_2878 = arith.constant 3168 : index
    %get3A_2879 = tpu.vector_load %arg7[%get3A_2878] {strides = array<i32>} : memref<3328xf32, #tpu.memory_space<vmem>>, vector<16xf32>,
    %get3A_2880 = vector.shape_cast %get3A_2879 : vector<16xf32> to vector<16xf32>
    %add3A_2881 = arith.addf %add3A_2849, %get3A_2880 : vector<16xf32>
    %get3A_2882 = arith.constant 3184 : index
    %get3A_2883 = tpu.vector_load %arg7[%get3A_2882] {strides = array<i32>} : memref<3328xf32, #tpu.memory_space<vmem>>, vector<16xf32>,
    %get3A_2884 = vector.shape_cast %get3A_2883 : vector<16xf32> to vector<16xf32>
    %add3A_2885 = arith.addf %add3A_2853, %get3A_2884 : vector<16xf32>
    %get3A_2886 = arith.constant 3200 : index
    %get3A_2887 = tpu.vector_load %arg7[%get3A_2886] {strides = array<i32>} : memref<3328xf32, #tpu.memory_space<vmem>>, vector<16xf32>,
    %get3A_2888 = vector.shape_cast %get3A_2887 : vector<16xf32> to vector<16xf32>
    %add3A_2889 = arith.addf %add3A_2857, %get3A_2888 : vector<16xf32>
    %get3A_2890 = arith.constant 3216 : index
    %get3A_2891 = tpu.vector_load %arg7[%get3A_2890] {strides = array<i32>} : memref<3328xf32, #tpu.memory_space<vmem>>, vector<16xf32>,
    %get3A_2892 = vector.shape_cast %get3A_2891 : vector<16xf32> to vector<16xf32>
    %add3A_2893 = arith.addf %add3A_2861, %get3A_2892 : vector<16xf32>
    %get3A_2894 = arith.constant 3232 : index
    %get3A_2895 = tpu.vector_load %arg7[%get3A_2894] {strides = array<i32>} : memref<3328xf32, #tpu.memory_space<vmem>>, vector<16xf32>,
    %get3A_2896 = vector.shape_cast %get3A_2895 : vector<16xf32> to vector<16xf32>
    %add3A_2897 = arith.addf %add3A_2865, %get3A_2896 : vector<16xf32>
    %get3A_2898 = arith.constant 3248 : index
    %get3A_2899 = tpu.vector_load %arg7[%get3A_2898] {strides = array<i32>} : memref<3328xf32, #tpu.memory_space<vmem>>, vector<16xf32>,
    %get3A_2900 = vector.shape_cast %get3A_2899 : vector<16xf32> to vector<16xf32>
    %add3A_2901 = arith.addf %add3A_2869, %get3A_2900 : vector<16xf32>
    %get3A_2902 = arith.constant 3264 : index
    %get3A_2903 = tpu.vector_load %arg7[%get3A_2902] {strides = array<i32>} : memref<3328xf32, #tpu.memory_space<vmem>>, vector<16xf32>,
    %get3A_2904 = vector.shape_cast %get3A_2903 : vector<16xf32> to vector<16xf32>
    %add3A_2905 = arith.addf %add3A_2873, %get3A_2904 : vector<16xf32>
    %get3A_2906 = arith.constant 3280 : index
    %get3A_2907 = tpu.vector_load %arg7[%get3A_2906] {strides = array<i32>} : memref<3328xf32, #tpu.memory_space<vmem>>, vector<16xf32>,
    %get3A_2908 = vector.shape_cast %get3A_2907 : vector<16xf32> to vector<16xf32>
    %add3A_2909 = arith.addf %add3A_2877, %get3A_2908 : vector<16xf32>
    %get3A_2910 = arith.constant 3296 : index
    %get3A_2911 = tpu.vector_load %arg7[%get3A_2910] {strides = array<i32>} : memref<3328xf32, #tpu.memory_space<vmem>>, vector<16xf32>,
    %get3A_2912 = vector.shape_cast %get3A_2911 : vector<16xf32> to vector<16xf32>
    %add3A_2913 = arith.addf %add3A_2881, %get3A_2912 : vector<16xf32>
    %get3A_2914 = arith.constant 3312 : index
    %get3A_2915 = tpu.vector_load %arg7[%get3A_2914] {strides = array<i32>} : memref<3328xf32, #tpu.memory_space<vmem>>, vector<16xf32>,
    %get3A_2916 = vector.shape_cast %get3A_2915 : vector<16xf32> to vector<16xf32>
    %add3A_2917 = arith.addf %add3A_2885, %get3A_2916 : vector<16xf32>
    %swap3A_2918 = arith.constant 0 : index
    %swap3A_2919 = tpu.vector_load %arg9[%swap3A_2918] {strides = array<i32>} : memref<128xf32, #tpu.memory_space<vmem>>, vector<16xf32>,
    %swap3A_2920 = vector.shape_cast %swap3A_2919 : vector<16xf32> to vector<16xf32>
    %swap3A_2921 = vector.shape_cast %add3A_2889 : vector<16xf32> to vector<16xf32>
    tpu.vector_store %arg9[%swap3A_2918], %swap3A_2921 {strides = array<i32>} : memref<128xf32, #tpu.memory_space<vmem>>, vector<16xf32>,
    %swap3A_2922 = arith.constant 16 : index
    %swap3A_2923 = tpu.vector_load %arg9[%swap3A_2922] {strides = array<i32>} : memref<128xf32, #tpu.memory_space<vmem>>, vector<16xf32>,
    %swap3A_2924 = vector.shape_cast %swap3A_2923 : vector<16xf32> to vector<16xf32>
    %swap3A_2925 = vector.shape_cast %add3A_2893 : vector<16xf32> to vector<16xf32>
    tpu.vector_store %arg9[%swap3A_2922], %swap3A_2925 {strides = array<i32>} : memref<128xf32, #tpu.memory_space<vmem>>, vector<16xf32>,
    %swap3A_2926 = arith.constant 32 : index
    %swap3A_2927 = tpu.vector_load %arg9[%swap3A_2926] {strides = array<i32>} : memref<128xf32, #tpu.memory_space<vmem>>, vector<16xf32>,
    %swap3A_2928 = vector.shape_cast %swap3A_2927 : vector<16xf32> to vector<16xf32>
    %swap3A_2929 = vector.shape_cast %add3A_2897 : vector<16xf32> to vector<16xf32>
    tpu.vector_store %arg9[%swap3A_2926], %swap3A_2929 {strides = array<i32>} : memref<128xf32, #tpu.memory_space<vmem>>, vector<16xf32>,
    %swap3A_2930 = arith.constant 48 : index
    %swap3A_2931 = tpu.vector_load %arg9[%swap3A_2930] {strides = array<i32>} : memref<128xf32, #tpu.memory_space<vmem>>, vector<16xf32>,
    %swap3A_2932 = vector.shape_cast %swap3A_2931 : vector<16xf32> to vector<16xf32>
    %swap3A_2933 = vector.shape_cast %add3A_2901 : vector<16xf32> to vector<16xf32>
    tpu.vector_store %arg9[%swap3A_2930], %swap3A_2933 {strides = array<i32>} : memref<128xf32, #tpu.memory_space<vmem>>, vector<16xf32>,
    %swap3A_2934 = arith.constant 64 : index
    %swap3A_2935 = tpu.vector_load %arg9[%swap3A_2934] {strides = array<i32>} : memref<128xf32, #tpu.memory_space<vmem>>, vector<16xf32>,
    %swap3A_2936 = vector.shape_cast %swap3A_2935 : vector<16xf32> to vector<16xf32>
    %swap3A_2937 = vector.shape_cast %add3A_2905 : vector<16xf32> to vector<16xf32>
    tpu.vector_store %arg9[%swap3A_2934], %swap3A_2937 {strides = array<i32>} : memref<128xf32, #tpu.memory_space<vmem>>, vector<16xf32>,
    %swap3A_2938 = arith.constant 80 : index
    %swap3A_2939 = tpu.vector_load %arg9[%swap3A_2938] {strides = array<i32>} : memref<128xf32, #tpu.memory_space<vmem>>, vector<16xf32>,
    %swap3A_2940 = vector.shape_cast %swap3A_2939 : vector<16xf32> to vector<16xf32>
    %swap3A_2941 = vector.shape_cast %add3A_2909 : vector<16xf32> to vector<16xf32>
    tpu.vector_store %arg9[%swap3A_2938], %swap3A_2941 {strides = array<i32>} : memref<128xf32, #tpu.memory_space<vmem>>, vector<16xf32>,
    %swap3A_2942 = arith.constant 96 : index
    %swap3A_2943 = tpu.vector_load %arg9[%swap3A_2942] {strides = array<i32>} : memref<128xf32, #tpu.memory_space<vmem>>, vector<16xf32>,
    %swap3A_2944 = vector.shape_cast %swap3A_2943 : vector<16xf32> to vector<16xf32>
    %swap3A_2945 = vector.shape_cast %add3A_2913 : vector<16xf32> to vector<16xf32>
    tpu.vector_store %arg9[%swap3A_2942], %swap3A_2945 {strides = array<i32>} : memref<128xf32, #tpu.memory_space<vmem>>, vector<16xf32>,
    %swap3A_2946 = arith.constant 112 : index
    %swap3A_2947 = tpu.vector_load %arg9[%swap3A_2946] {strides = array<i32>} : memref<128xf32, #tpu.memory_space<vmem>>, vector<16xf32>,
    %swap3A_2948 = vector.shape_cast %swap3A_2947 : vector<16xf32> to vector<16xf32>
    %swap3A_2949 = vector.shape_cast %add3A_2917 : vector<16xf32> to vector<16xf32>
    tpu.vector_store %arg9[%swap3A_2946], %swap3A_2949 {strides = array<i32>} : memref<128xf32, #tpu.memory_space<vmem>>, vector<16xf32>,
    %mul3A_2950 = arith.constant 128 : i32
    %mul3A_2951 = arith.muli %add3A, %mul3A_2950 : i32
    "tpu.region"() ({
      %run_scoped3A = tpu.sem_alloc : memref<!tpu.dma_semaphore, #tpu.memory_space<semaphore_mem>>
      %dma_start3A_2952 = tpu.memref_slice %arg5[%mul3A_2951] : memref<4096xf32, #tpu.memory_space<hbm>> -> memref<128xf32, #tpu.memory_space<hbm>>
      %dma_start3A_2953 = tpu.memref_slice %arg5[%mul3A_2951] : memref<4096xf32, #tpu.memory_space<hbm>> -> memref<128xf32, #tpu.memory_space<hbm>>
      tpu.enqueue_dma source(%arg9 : memref<128xf32, #tpu.memory_space<vmem>>) target(%dma_start3A_2953 : memref<128xf32, #tpu.memory_space<hbm>>) target_semaphore(%run_scoped3A : memref<!tpu.dma_semaphore, #tpu.memory_space<semaphore_mem>>)
      %dma_wait3A_2954 = tpu.memref_slice %arg5[%mul3A_2951] : memref<4096xf32, #tpu.memory_space<hbm>> -> memref<128xf32, #tpu.memory_space<hbm>>
      %dma_wait3A_2955 = tpu.memref_slice %arg5[%mul3A_2951] : memref<4096xf32, #tpu.memory_space<hbm>> -> memref<128xf32, #tpu.memory_space<hbm>>
      tpu.wait_dma2 semaphore(%run_scoped3A : memref<!tpu.dma_semaphore, #tpu.memory_space<semaphore_mem>>) src(%arg9 : memref<128xf32, #tpu.memory_space<vmem>>) dst(%dma_wait3A_2955 : memref<128xf32, #tpu.memory_space<hbm>>)
      tpu.yield
    }) : () -> ()
    return
  }
}

</mosaic_0001>

<sc_bundles>
// kernel: kernel.3.cloned.1.call-start
scs
__scs_entry_jumppad:
0x0: {  	(pc) =	sbr.rel $0x88, $3  }
0x1: {  	(tag) =	ssettag $0x0;
	lr =	simm.s32 $0x1  }
0x2: {  	[smem:$0x3F9E] =	sst lr;
	_ =	strace $0xD0000000  }
0x3: {  	_ = 	snop  }
0x4: {  	_ = 	snop  }
0x5: {  	_ = 	snop  }
0x6: {  	_ = 	snop  }
0x7: {  	_ = 	snop  }
__scs_overlays_trampoline_lowered:
0x8: {  	[smem:$0x3FAD] =	sst s0  }
0x9: {  	[smem:$0x3FAE] =	sst s1  }
0xa: {  	[smem:$0x3FAF] =	sst s2  }
0xb: {  	[smem:$0x3FB0] =	sst s3  }
0xc: {  	[smem:$0x3FB1] =	sst s4  }
0xd: {  	[smem:$0x3FB2] =	sst s5  }
0xe: {  	[smem:$0x3FB3] =	sst s6  }
0xf: {  	[smem:$0x3FB4] =	sst s7  }
0x10: {  	[smem:$0x3FB5] =	sst s8  }
0x11: {  	[smem:$0x3FB6] =	sst s9;
	s0 =	simm.s32 @!p0 $0x0  }
0x12: {  	s1 =	sld [smem:$0x3F9C];
	s0 =	simm.s32 @p0 $0x1  }
0x13: {  	[smem:$0x3FB7] =	sst s0;
	s0 =	simm.s32 @!p1 $0x0  }
0x14: {  	s2 =	sld [smem:$0x3F9B];
	s0 =	simm.s32 @p1 $0x1  }
0x15: {  	[smem:$0x3FB8] =	sst s0;
	s0 =	simm.s32 @!p2 $0x0  }
0x16: {  	s3 =	sld [smem:$0x3FDB];
	s0 =	simm.s32 @p2 $0x1  }
0x17: {  	s4 =	simm.s32 $0x1BF5;
	[smem:$0x3FBA] =	sst s0  }
0x18: {  	s0 =	sld [smem:$0x3F9D];
	_ =	swait.ge [sflag:s4], $0x0  }
0x19: {  	s7 =	sld [smem:$0x3F9E]  }
0x1a: {  	s8 =	sadd.s32 $0xFFFFE003, lr  }
0x1b: {  	s9 =	sadd.s32 $0xFFFFFEF7, lr;
	s5 =	simm.s32 $0xFFFFFFFF;
	p2 =	slt.u32 s8, $0xFFFFF086  }
0x1c: {  	p1 =	slt.u32 s9, $0xF7A;
	s5 =	simm.s32 @!p2 $0x0  }
0x1d: {  	s5 =	simm.s32 @p1 $0x1;
	p0 =	seq.s32 s7, s2  }
0x1e: {  	s7 =	smul.u32 @!p0 $0xF7A, s2;
	p2 =	seq.s32 @!p0 s5, $0x0  }
0x1f: {  	s9 =	smul.u32 $0xF7A, s1;
	s8 =	simm.s32 @!p0 $0x1BF5;
	p2 =	por !p2, p0  }
0x20: {  	[sflag:s8] =	ssyncset.s32 @!p0 $0xFFFFF086;
	s6 =	sadd.s32 @!p0 s3, s7;
	s7 =	simm.s32 @!p0 $0x108  }
0x21: {  	s3 =	sadd.s32 s3, s9;
	s6 =	sadd.s32 @!p0 $0x88, s6;
	s7 =	simm.s32 @p2 $0x1082  }
0x22: {  	[simem:s7], [sflag:s8] =	dma.local @!p0 [hbm:s6], $0xF7A  }
0x23: {  	s9 =	sor.u32 $0xD0000000, s2;
	s6 =	simm.s32 $0x108;
	_ =	swait.ge @!p0 [sflag:s8], $0x0  }
0x24: {  	s3 =	sadd.s32 $0x88, s3;
	s6 =	simm.s32 @!p1 $0x1082;
	[sflag:s4] =	ssyncset.s32 $0xFFFFF086  }
0x25: {  	[simem:s6], [sflag:s4] =	dma.local [hbm:s3], $0xF7A  }
0x26: {  	[smem:$0x3F9E] =	sst s1;
	(tag) =	ssettag s2;
	_ =	strace s9  }
0x27: {  	s1 =	sld [smem:$0x3FAE]  }
0x28: {  	s2 =	sld [smem:$0x3FAF]  }
0x29: {  	s4 =	sld [smem:$0x3FB1]  }
0x2a: {  	p0 =	seq.s32 s5, $0x0;
	s5 =	sld [smem:$0x3FB2]  }
0x2b: {  	s6 =	sld [smem:$0x3FB3]  }
0x2c: {  	s7 =	sld [smem:$0x3FB4]  }
0x2d: {  	s3 =	simm.s32 $0x108;
	s8 =	sld [smem:$0x3FB5]  }
0x2e: {  	s3 =	simm.s32 @!p0 $0x1082;
	s9 =	sld [smem:$0x3FB6]  }
0x2f: {  	lr =	sadd.s32 s0, s3;
	s0 =	sld [smem:$0x3FAD]  }
0x30: {  	s3 =	sld [smem:$0x3FB0]  }
0x31: {  	[smem:$0x3FB9] =	sst s10  }
0x32: {  	s10 =	sld [smem:$0x3FB7];
	_ =	sdelay $0x3  }
0x33: {  	p0 =	seq.s32 s10, $0x1;
	s10 =	sld [smem:$0x3FB9];
	_ =	sdelay $0x3  }
0x34: {  	[smem:$0x3FB9] =	sst s10  }
0x35: {  	s10 =	sld [smem:$0x3FB8];
	_ =	sdelay $0x3  }
0x36: {  	p1 =	seq.s32 s10, $0x1;
	s10 =	sld [smem:$0x3FB9];
	_ =	sdelay $0x3  }
0x37: {  	[smem:$0x3FB9] =	sst s10  }
0x38: {  	s10 =	sld [smem:$0x3FBA]  }
0x39: {  	_ = 	snop;
	(pc) =	sbr.ind lr, $3  }
0x3a: {  	_ = 	snop  }
0x3b: {  	_ = 	snop  }
0x3c: {  	p2 =	seq.s32 s10, $0x1;
	s10 =	sld [smem:$0x3FB9]  }
0x3d: {  	_ =	shalt  }
0x3e: {  	_ =	shalt  }
0x3f: {  	_ =	shalt  }
0x40: {  	_ =	shalt  }
0x41: {  	_ =	shalt  }
0x42: {  	_ =	shalt  }
0x43: {  	_ =	shalt  }
0x44: {  	_ =	shalt  }
0x45: {  	_ =	shalt  }
0x46: {  	_ =	shalt  }
0x47: {  	_ =	shalt  }
0x48: {  	_ =	shalt  }
0x49: {  	_ =	shalt  }
0x4a: {  	_ =	shalt  }
0x4b: {  	_ =	shalt  }
0x4c: {  	_ =	shalt  }
0x4d: {  	_ =	shalt  }
0x4e: {  	_ =	shalt  }
0x4f: {  	_ =	shalt  }
0x50: {  	_ =	shalt  }
0x51: {  	_ =	shalt  }
0x52: {  	_ =	shalt  }
0x53: {  	_ =	shalt  }
0x54: {  	_ =	shalt  }
0x55: {  	_ =	shalt  }
0x56: {  	_ =	shalt  }
0x57: {  	_ =	shalt  }
0x58: {  	_ =	shalt  }
0x59: {  	_ =	shalt  }
0x5a: {  	_ =	shalt  }
0x5b: {  	_ =	shalt  }
0x5c: {  	_ =	shalt  }
0x5d: {  	_ =	shalt  }
0x5e: {  	_ =	shalt  }
0x5f: {  	_ =	shalt  }
0x60: {  	_ =	shalt  }
0x61: {  	_ =	shalt  }
0x62: {  	_ =	shalt  }
0x63: {  	_ =	shalt  }
0x64: {  	_ =	shalt  }
0x65: {  	_ =	shalt  }
0x66: {  	_ =	shalt  }
0x67: {  	_ =	shalt  }
0x68: {  	_ =	shalt  }
0x69: {  	_ =	shalt  }
0x6a: {  	_ =	shalt  }
0x6b: {  	_ =	shalt  }
0x6c: {  	_ =	shalt  }
0x6d: {  	_ =	shalt  }
0x6e: {  	_ =	shalt  }
0x6f: {  	_ =	shalt  }
0x70: {  	_ =	shalt  }
0x71: {  	_ =	shalt  }
0x72: {  	_ =	shalt  }
0x73: {  	_ =	shalt  }
0x74: {  	_ =	shalt  }
0x75: {  	_ =	shalt  }
0x76: {  	_ =	shalt  }
0x77: {  	_ =	shalt  }
0x78: {  	_ =	shalt  }
0x79: {  	_ =	shalt  }
0x7a: {  	_ =	shalt  }
0x7b: {  	_ =	shalt  }
0x7c: {  	_ =	shalt  }
0x7d: {  	_ =	shalt  }
0x7e: {  	_ =	shalt  }
0x7f: {  	_ =	shalt  }
0x80: {  	_ =	shalt  }
0x81: {  	_ =	shalt  }
0x82: {  	_ =	shalt  }
0x83: {  	_ =	shalt  }
0x84: {  	_ =	shalt  }
0x85: {  	_ =	shalt  }
0x86: {  	_ =	shalt  }
0x87: {  	_ =	shalt  }
.Lfunc_end0:
.L_simem_size_0:
called_computation_lowered:
.L_overlay_start_0:
0x88: {  	s2 =	sld [smem:$0x3FD9]  }
0x89: {  	s3 =	sld [smem:$0x3FFE];
	_ =	sdelay $0x1  }
0x8a: {  	s1 =	srdreg.scid  }
0x8b: {  	s0 =	sand.u32 $0x1, s1  }
0x8c: {  	s17 =	sshll.u32 s0, $0xA;
	s2 =	sadd.s32 s3, s2  }
0x8d: {  	s2 =	sadd.s32 s2, s17  }
0x8e: {  	[smem:$0x3FC5] =	sst s2  }
0x8f: {  	_ = 	snop  }
0x90: {  	s2 =	sld [smem:$0x3FD0];
	(tm) =	ssettm $0x1  }
0x91: {  	s18 =	sld [smem:$0x3FFB];
	_ =	sdelay $0x3  }
0x92: {  	_ =	strace s18  }
0x93: {  	s3 =	sld [smem:$0x3FFC];
	_ =	sdelay $0x3  }
0x94: {  	_ =	strace s3  }
0x95: {  	s3 =	sld [smem:$0x3FFD];
	_ =	sdelay $0x3  }
0x96: {  	_ =	strace s3  }
0x97: {  	_ =	strace $0x8FFFFFFF  }
0x98: {  	s19 =	sld [smem:$0x3FDB];
	_ =	sdelay $0x1  }
0x99: {  	s4 =	simm.s32 $_scs_section_size  }
0x9a: {  	s5 =	simm.s32 $_size__tile_overlayer_lowered;
	s6 =	simm.s32 $_tile_overlayer_lowered  }
0x9b: {  	s22 =	simm.s32 $0x1BFF;
	s21 =	sshll.u32 s6, $0x1;
	s3 =	sadd.s32 s4, s19  }
0x9c: {  	s7 =	simm.s32 $0x0;
	s20 =	sshll.u32 s5, $0x1;
	s5 =	sadd.s32 s21, s3  }
0x9d: {  	[timem:s7], [sflag:s22] =	dma.local [hbm:s5], s20  }
0x9e: {  	_ =	swait.ge [sflag:s22], s20  }
0x9f: {  	s4 =	ssub.s32 $0x0, s20;
	[sflag:s22] =	ssyncset.done $0x0  }
0xa0: {  	[sflag:s22] =	ssyncadd.s32 s4;
	_ =	sdelay $0x1  }
0xa1: {  	s23 =	simm.s32 $0x1B8B  }
0xa2: {  	_ =	swait.ge [sflag:s23], $0x1  }
0xa3: {  	[sflag:s23] =	ssyncset.done $0x0  }
0xa4: {  	s25 =	simm.s32 $0x1B8E;
	s24 =	sld [smem:$0x3FFE];
	[sflag:s23] =	ssyncadd.s32 $0xFFFFFFFF  }
0xa5: {  	s26 =	simm.s32 $execute0_lowered;
	[smem:$0x3FD2] =	sst s25  }
0xa6: {  	s5 =	sshll.u32 s26, $0x1;
	_ =	strace $0x80000046;
	[dreg:$0x1] =	wrdreg $0xFFFFFFFF  }
0xa7: {  	s28 =	simm.s32 $_size_execute0_lowered;
	s3 =	sadd.s32 s3, s5;
	[dreg:$0x0] =	wrdreg $0x0  }
0xa8: {  	s5 =	sshll.u32 s28, $0x1;
	[dreg:$0x2] =	wrdreg s3  }
0xa9: {  	[dreg:$0x3] =	wrdreg s5  }
0xaa: {  	[dreg:$0x4] =	wrdreg $0xC0  }
0xab: {  	_ =	task [dreg:s7], $0x5FFFF  }
0xac: {  	[dreg:$0x1] =	wrdreg $0xFFFFFFFF  }
0xad: {  	[dreg:$0x0] =	wrdreg $0x60  }
0xae: {  	[dreg:$0x2] =	wrdreg s24  }
0xaf: {  	[dreg:$0x3] =	wrdreg s2  }
0xb0: {  	[dreg:$0x4] =	wrdreg $0x9  }
0xb1: {  	_ =	task.clear_ibuf [dreg:s7], $0x5FFFF;
	_ =	strace $0x90000046  }
0xb2: {  	s29 =	simm.s32 $0x9;
	_ =	strace $0x80000048  }
0xb3: {  	_ =	swait.ge [sflag:s29], $0x1  }
0xb4: {  	[sflag:s29] =	ssyncadd.s32 $0xFFFFFFFF  }
0xb5: {  	_ =	strace $0x90000048  }
0xb6: {  	_ =	sfence  }
0xb7: {  	s30 =	sld [smem:$0x0];
	_ =	sdelay $0x2  }
0xb8: {  	s31 =	sshll.u32 s1, $0xD;
	s1 =	sshrl.u32 s1, $0x2  }
0xb9: {  	s3 =	sand.u32 $0x4000, s31;
	s1 =	sadd.s32 s1, s30  }
0xba: {  	s0 =	sor.u32 s3, s0;
	s1 =	sshll.u32 s1, $0x11  }
0xbb: {  	s0 =	sor.u32 s1, s0  }
0xbc: {  	s0 =	sadd.s32 $0x8F2B, s0  }
0xbd: {  	[sflag:s0] =	ssyncadd.remote.s32 $0x1  }
0xbe: {  	_ =	sfence.sel $0xFFFF  }
0xbf: {  	[dreg:$0x0] =	wrdreg $0xFFFFFFFF;
	(pc) =	sbr.abs _section_cstart, $3  }
0xc0: {  	[dreg:$0x1] =	wrdreg $0xFFFFFFFF  }
0xc1: {  	_ =	task.clear_ibuf [dreg:s7], $0x2FFFF;
	_ =	strace $0x9FFFFFFF  }
0xc2: {  	(tm) =	ssettm $0x7FFFFFFF  }
0xc3: {  	_ =	shalt  }
tec
execute0_lowered:
.L_overlay_start_1:
0x0: {  	(tag) =	ssettag $0x1  }
0x1: {  	s5 =	rddreg [dreg:$0x0]  }
0x2: {  	s6 =	rddreg [dreg:$0x1]  }
0x3: {  	s0 =	rddreg [dreg:$0x2]  }
0x4: {  	s2 =	simm.s32 $0x0;
	s3 =	srdreg.scid;
	s1 =	stileid.u32  }
0x5: {  	s11 =	simm.s32 $0x1;
	s12 =	simm.s32 $0x2;
	s13 =	simm.s32 $0x1A80  }
0x6: {  	[smem:$0x7FF] =	sst s2;
	s3 =	sand.u32 $0x1, s3;
	s4 =	sshll.u32 s1, $0x1  }
0x7: {  	_ =	strace $0x80000047;
	s7 =	ssub.s32 $0x2, s3;
	s8 =	sor.u32 s3, s4  }
0x8: {  	s3 =	sadd.s32 $0x3400, s5;
	s4 =	sadd.s32 $0x52A00, s5;
	s9 =	sshrl.u32 s7, $0x1  }
0x9: {  	s10 =	smul.u32 $0x1A0, s8;
	s8 =	sshll.u32 s8, $0x4;
	s7 =	ssub.s32 s7, s9  }
0xa: {  	s6 =	sadd.s32 s6, s8;
	s8 =	simm.s32 $0x1A00;
	s9 =	simm.s32 $0x3  }
0xb: {  	s5 =	sadd.s32 s5, s10;
	s7 =	smax.u32 s7, $0x1;
	s10 =	simm.s32 $0xD00  }
.LBB2_1:
0xc: {  	[tilespmem:s8], [sflag:$0x2] =	stream.linear.gather [hbm4b:s4+s2], $0x80, $0x38;
	[tilespmem:$0x1B00] =	vst v63  }
0xd: {  	_ = 	snop  }
0xe: {  	[tilespmem:s2], [sflag:$0x3] =	stream.linear.gather [hbm4b:s5+s2], $0xD00, $0x38;
	[tilespmem:$0x1B00] =	vst v63  }
0xf: {  	_ =	swait.ge [sflag:s9], $0xD00  }
0x10: {  	[sflag:s9] =	ssyncset.done $0x0  }
0x11: {  	[sflag:s9] =	ssyncadd.s32 $0xFFFFF300  }
0x12: {  	v0 =	vld [tilespmem:$0x80]  }
0x13: {  	v1 =	vld [tilespmem:$0x90]  }
0x14: {  	v2 =	vld [tilespmem:$0xA0]  }
0x15: {  	v3 =	vld [tilespmem:$0xB0]  }
0x16: {  	v4 =	vld [tilespmem:$0xC0]  }
0x17: {  	v5 =	vld [tilespmem:$0xD0];
	v0 =	vadd.s32 $0x186A0, v0  }
0x18: {  	v35 =	vld [tilespmem:$0xE0];
	v34 =	vadd.s32 $0x186A0, v1;
	[tilespmem:$0x80] =	vst v0  }
0x19: {  	v37 =	vld [tilespmem:$0xF0];
	v36 =	vadd.s32 $0x186A0, v2;
	[tilespmem:$0x90] =	vst v34  }
0x1a: {  	v39 =	vld [tilespmem:$0x100];
	v38 =	vadd.s32 $0x186A0, v3;
	[tilespmem:$0xA0] =	vst v36  }
0x1b: {  	v41 =	vld [tilespmem:$0x110];
	v40 =	vadd.s32 $0x186A0, v4;
	[tilespmem:$0xB0] =	vst v38  }
0x1c: {  	v43 =	vld [tilespmem:$0x120];
	v42 =	vadd.s32 $0x186A0, v5;
	[tilespmem:$0xC0] =	vst v40  }
0x1d: {  	v45 =	vld [tilespmem:$0x130];
	v44 =	vadd.s32 $0x186A0, v35;
	[tilespmem:$0xD0] =	vst v42  }
0x1e: {  	v47 =	vld [tilespmem:$0x140];
	v46 =	vadd.s32 $0x186A0, v37;
	[tilespmem:$0xE0] =	vst v44  }
0x1f: {  	v49 =	vld [tilespmem:$0x150];
	v48 =	vadd.s32 $0x30D40, v39;
	[tilespmem:$0xF0] =	vst v46  }
0x20: {  	v51 =	vld [tilespmem:$0x160];
	v50 =	vadd.s32 $0x30D40, v41;
	[tilespmem:$0x100] =	vst v48  }
0x21: {  	v53 =	vld [tilespmem:$0x170];
	v52 =	vadd.s32 $0x30D40, v43;
	[tilespmem:$0x110] =	vst v50  }
0x22: {  	v55 =	vld [tilespmem:$0x180];
	v54 =	vadd.s32 $0x30D40, v45;
	[tilespmem:$0x120] =	vst v52  }
0x23: {  	v57 =	vld [tilespmem:$0x190];
	v56 =	vadd.s32 $0x30D40, v47;
	[tilespmem:$0x130] =	vst v54  }
0x24: {  	v59 =	vld [tilespmem:$0x1A0];
	v58 =	vadd.s32 $0x30D40, v49;
	[tilespmem:$0x140] =	vst v56  }
0x25: {  	v61 =	vld [tilespmem:$0x1B0];
	v60 =	vadd.s32 $0x30D40, v51;
	[tilespmem:$0x150] =	vst v58  }
0x26: {  	v63 =	vld [tilespmem:$0x1C0];
	v62 =	vadd.s32 $0x30D40, v53;
	[tilespmem:$0x160] =	vst v60  }
0x27: {  	v8 =	vld [tilespmem:$0x1D0];
	v7 =	vadd.s32 $0x493E0, v55;
	[tilespmem:$0x170] =	vst v62  }
0x28: {  	v10 =	vld [tilespmem:$0x1E0];
	v9 =	vadd.s32 $0x493E0, v57;
	[tilespmem:$0x180] =	vst v7  }
0x29: {  	v12 =	vld [tilespmem:$0x1F0];
	v11 =	vadd.s32 $0x493E0, v59;
	[tilespmem:$0x190] =	vst v9  }
0x2a: {  	v14 =	vld [tilespmem:$0x200];
	v13 =	vadd.s32 $0x493E0, v61;
	[tilespmem:$0x1A0] =	vst v11  }
0x2b: {  	v16 =	vld [tilespmem:$0x210];
	v15 =	vadd.s32 $0x493E0, v63;
	[tilespmem:$0x1B0] =	vst v13  }
0x2c: {  	v18 =	vld [tilespmem:$0x220];
	v17 =	vadd.s32 $0x493E0, v8;
	[tilespmem:$0x1C0] =	vst v15  }
0x2d: {  	v20 =	vld [tilespmem:$0x230];
	v19 =	vadd.s32 $0x493E0, v10;
	[tilespmem:$0x1D0] =	vst v17  }
0x2e: {  	v22 =	vld [tilespmem:$0x240];
	v21 =	vadd.s32 $0x493E0, v12;
	[tilespmem:$0x1E0] =	vst v19  }
0x2f: {  	v24 =	vld [tilespmem:$0x250];
	v23 =	vadd.s32 $0x61A80, v14;
	[tilespmem:$0x1F0] =	vst v21  }
0x30: {  	v26 =	vld [tilespmem:$0x260];
	v25 =	vadd.s32 $0x61A80, v16;
	[tilespmem:$0x200] =	vst v23  }
0x31: {  	v28 =	vld [tilespmem:$0x270];
	v27 =	vadd.s32 $0x61A80, v18;
	[tilespmem:$0x210] =	vst v25  }
0x32: {  	v30 =	vld [tilespmem:$0x280];
	v29 =	vadd.s32 $0x61A80, v20;
	[tilespmem:$0x220] =	vst v27  }
0x33: {  	v32 =	vld [tilespmem:$0x290];
	v31 =	vadd.s32 $0x61A80, v22;
	[tilespmem:$0x230] =	vst v29  }
0x34: {  	v33 =	vadd.s32 $0x61A80, v24;
	v8 =	vld [tilespmem:$0x390];
	[tilespmem:$0x240] =	vst v31  }
0x35: {  	v35 =	vadd.s32 $0x61A80, v26;
	v10 =	vld [tilespmem:$0x3A0];
	[tilespmem:$0x250] =	vst v33  }
0x36: {  	v37 =	vadd.s32 $0x61A80, v28;
	v12 =	vld [tilespmem:$0x3B0];
	[tilespmem:$0x260] =	vst v35  }
0x37: {  	v39 =	vadd.s32 $0x7A120, v30;
	v14 =	vld [tilespmem:$0x3C0];
	[tilespmem:$0x270] =	vst v37  }
0x38: {  	v41 =	vadd.s32 $0x7A120, v32;
	v16 =	vld [tilespmem:$0x3D0];
	[tilespmem:$0x280] =	vst v39  }
0x39: {  	v18 =	vld [tilespmem:$0x3E0];
	[tilespmem:$0x290] =	vst v41;
	v17 =	vadd.s32 $0xAAE60, v8  }
0x3a: {  	v20 =	vld [tilespmem:$0x3F0];
	v19 =	vadd.s32 $0xAAE60, v10;
	[tilespmem:$0x390] =	vst v17  }
0x3b: {  	v22 =	vld [tilespmem:$0x400];
	v21 =	vadd.s32 $0xAAE60, v12;
	[tilespmem:$0x3A0] =	vst v19  }
0x3c: {  	v24 =	vld [tilespmem:$0x410];
	v23 =	vadd.s32 $0xAAE60, v14;
	[tilespmem:$0x3B0] =	vst v21  }
0x3d: {  	v26 =	vld [tilespmem:$0x420];
	v25 =	vadd.s32 $0xAAE60, v16;
	[tilespmem:$0x3C0] =	vst v23  }
0x3e: {  	v30 =	vld [tilespmem:$0x440];
	v27 =	vadd.s32 $0xAAE60, v18;
	[tilespmem:$0x3D0] =	vst v25  }
0x3f: {  	v34 =	vld [tilespmem:$0x2A0];
	v29 =	vadd.s32 $0xAAE60, v20;
	[tilespmem:$0x3E0] =	vst v27  }
0x40: {  	v36 =	vld [tilespmem:$0x2B0];
	v31 =	vadd.s32 $0xC3500, v22;
	[tilespmem:$0x3F0] =	vst v29  }
0x41: {  	v38 =	vld [tilespmem:$0x2C0];
	v33 =	vadd.s32 $0xC3500, v24;
	[tilespmem:$0x400] =	vst v31  }
0x42: {  	v40 =	vld [tilespmem:$0x2D0];
	v35 =	vadd.s32 $0xC3500, v26;
	[tilespmem:$0x410] =	vst v33  }
0x43: {  	v42 =	vld [tilespmem:$0x2E0];
	v37 =	vadd.s32 $0xC3500, v30;
	[tilespmem:$0x420] =	vst v35  }
0x44: {  	v44 =	vld [tilespmem:$0x2F0];
	v43 =	vadd.s32 $0x7A120, v34;
	[tilespmem:$0x440] =	vst v37  }
0x45: {  	v46 =	vld [tilespmem:$0x300];
	v45 =	vadd.s32 $0x7A120, v36;
	[tilespmem:$0x2A0] =	vst v43  }
0x46: {  	v48 =	vld [tilespmem:$0x310];
	v47 =	vadd.s32 $0x7A120, v38;
	[tilespmem:$0x2B0] =	vst v45  }
0x47: {  	v50 =	vld [tilespmem:$0x320];
	v49 =	vadd.s32 $0x7A120, v40;
	[tilespmem:$0x2C0] =	vst v47  }
0x48: {  	v52 =	vld [tilespmem:$0x330];
	v51 =	vadd.s32 $0x7A120, v42;
	[tilespmem:$0x2D0] =	vst v49  }
0x49: {  	v54 =	vld [tilespmem:$0x340];
	v53 =	vadd.s32 $0x7A120, v44;
	[tilespmem:$0x2E0] =	vst v51  }
0x4a: {  	v56 =	vld [tilespmem:$0x350];
	v55 =	vadd.s32 $0x927C0, v46;
	[tilespmem:$0x2F0] =	vst v53  }
0x4b: {  	v58 =	vld [tilespmem:$0x360];
	v57 =	vadd.s32 $0x927C0, v48;
	[tilespmem:$0x300] =	vst v55  }
0x4c: {  	v60 =	vld [tilespmem:$0x370];
	v59 =	vadd.s32 $0x927C0, v50;
	[tilespmem:$0x310] =	vst v57  }
0x4d: {  	v62 =	vld [tilespmem:$0x380];
	v61 =	vadd.s32 $0x927C0, v52;
	[tilespmem:$0x320] =	vst v59  }
0x4e: {  	v28 =	vld [tilespmem:$0x430];
	v63 =	vadd.s32 $0x927C0, v54;
	[tilespmem:$0x330] =	vst v61  }
0x4f: {  	v32 =	vld [tilespmem:$0x450];
	v9 =	vadd.s32 $0x927C0, v56;
	[tilespmem:$0x340] =	vst v63  }
0x50: {  	v41 =	vld [tilespmem:$0x480];
	v11 =	vadd.s32 $0x927C0, v58;
	[tilespmem:$0x350] =	vst v9  }
0x51: {  	v13 =	vadd.s32 $0x927C0, v60;
	v34 =	vld [tilespmem:$0x460];
	[tilespmem:$0x360] =	vst v11  }
0x52: {  	v15 =	vadd.s32 $0xAAE60, v62;
	v40 =	vld [tilespmem:$0x470];
	[tilespmem:$0x370] =	vst v13  }
0x53: {  	v36 =	vadd.s32 $0xC3500, v28;
	v42 =	vld [tilespmem:$0x490];
	[tilespmem:$0x380] =	vst v15  }
0x54: {  	v38 =	vadd.s32 $0xC3500, v32;
	v44 =	vld [tilespmem:$0x4B0];
	[tilespmem:$0x430] =	vst v36  }
0x55: {  	v46 =	vadd.s32 $0xDBBA0, v41;
	v17 =	vld [tilespmem:$0x5A0];
	[tilespmem:$0x450] =	vst v38  }
0x56: {  	v19 =	vld [tilespmem:$0x5B0];
	[tilespmem:$0x480] =	vst v46;
	v39 =	vadd.s32 $0xC3500, v34  }
0x57: {  	v21 =	vld [tilespmem:$0x5C0];
	v0 =	vadd.s32 $0xC3500, v40;
	[tilespmem:$0x460] =	vst v39  }
0x58: {  	v23 =	vld [tilespmem:$0x5D0];
	v48 =	vadd.s32 $0xDBBA0, v42;
	[tilespmem:$0x470] =	vst v0  }
0x59: {  	v25 =	vld [tilespmem:$0x5E0];
	v52 =	vadd.s32 $0xDBBA0, v44;
	[tilespmem:$0x490] =	vst v48  }
0x5a: {  	v27 =	vld [tilespmem:$0x5F0];
	v26 =	vadd.s32 $0x10C8E0, v17;
	[tilespmem:$0x4B0] =	vst v52  }
0x5b: {  	v29 =	vld [tilespmem:$0x600];
	v28 =	vadd.s32 $0x10C8E0, v19;
	[tilespmem:$0x5A0] =	vst v26  }
0x5c: {  	v31 =	vld [tilespmem:$0x610];
	v30 =	vadd.s32 $0x10C8E0, v21;
	[tilespmem:$0x5B0] =	vst v28  }
0x5d: {  	v33 =	vld [tilespmem:$0x620];
	v32 =	vadd.s32 $0x10C8E0, v23;
	[tilespmem:$0x5C0] =	vst v30  }
0x5e: {  	v35 =	vld [tilespmem:$0x630];
	v34 =	vadd.s32 $0x10C8E0, v25;
	[tilespmem:$0x5D0] =	vst v32  }
0x5f: {  	v37 =	vld [tilespmem:$0x640];
	v36 =	vadd.s32 $0x10C8E0, v27;
	[tilespmem:$0x5E0] =	vst v34  }
0x60: {  	v43 =	vld [tilespmem:$0x4A0];
	v38 =	vadd.s32 $0x124F80, v29;
	[tilespmem:$0x5F0] =	vst v36  }
0x61: {  	v45 =	vld [tilespmem:$0x4C0];
	v40 =	vadd.s32 $0x124F80, v31;
	[tilespmem:$0x600] =	vst v38  }
0x62: {  	v47 =	vld [tilespmem:$0x4D0];
	v42 =	vadd.s32 $0x124F80, v33;
	[tilespmem:$0x610] =	vst v40  }
0x63: {  	v49 =	vld [tilespmem:$0x4E0];
	v44 =	vadd.s32 $0x124F80, v35;
	[tilespmem:$0x620] =	vst v42  }
0x64: {  	v51 =	vld [tilespmem:$0x4F0];
	v46 =	vadd.s32 $0x124F80, v37;
	[tilespmem:$0x630] =	vst v44  }
0x65: {  	v53 =	vld [tilespmem:$0x500];
	v50 =	vadd.s32 $0xDBBA0, v43;
	[tilespmem:$0x640] =	vst v46  }
0x66: {  	v55 =	vld [tilespmem:$0x510];
	v54 =	vadd.s32 $0xDBBA0, v45;
	[tilespmem:$0x4A0] =	vst v50  }
0x67: {  	v57 =	vld [tilespmem:$0x520];
	v56 =	vadd.s32 $0xDBBA0, v47;
	[tilespmem:$0x4C0] =	vst v54  }
0x68: {  	v59 =	vld [tilespmem:$0x530];
	v58 =	vadd.s32 $0xDBBA0, v49;
	[tilespmem:$0x4D0] =	vst v56  }
0x69: {  	v61 =	vld [tilespmem:$0x540];
	v60 =	vadd.s32 $0xDBBA0, v51;
	[tilespmem:$0x4E0] =	vst v58  }
0x6a: {  	v63 =	vld [tilespmem:$0x550];
	v62 =	vadd.s32 $0xF4240, v53;
	[tilespmem:$0x4F0] =	vst v60  }
0x6b: {  	v9 =	vld [tilespmem:$0x560];
	v8 =	vadd.s32 $0xF4240, v55;
	[tilespmem:$0x500] =	vst v62  }
0x6c: {  	v11 =	vld [tilespmem:$0x570];
	v10 =	vadd.s32 $0xF4240, v57;
	[tilespmem:$0x510] =	vst v8  }
0x6d: {  	v13 =	vld [tilespmem:$0x580];
	v12 =	vadd.s32 $0xF4240, v59;
	[tilespmem:$0x520] =	vst v10  }
0x6e: {  	v15 =	vld [tilespmem:$0x590];
	v14 =	vadd.s32 $0xF4240, v61;
	[tilespmem:$0x530] =	vst v12  }
0x6f: {  	v41 =	vld [tilespmem:$0x660];
	v16 =	vadd.s32 $0xF4240, v63;
	[tilespmem:$0x540] =	vst v14  }
0x70: {  	v17 =	vld [tilespmem:$0x760];
	v18 =	vadd.s32 $0xF4240, v9;
	[tilespmem:$0x550] =	vst v16  }
0x71: {  	v20 =	vadd.s32 $0xF4240, v11;
	v39 =	vld [tilespmem:$0x650];
	[tilespmem:$0x560] =	vst v18  }
0x72: {  	v22 =	vadd.s32 $0x10C8E0, v13;
	v43 =	vld [tilespmem:$0x670];
	[tilespmem:$0x570] =	vst v20  }
0x73: {  	v24 =	vadd.s32 $0x10C8E0, v15;
	v45 =	vld [tilespmem:$0x680];
	[tilespmem:$0x580] =	vst v22  }
0x74: {  	v47 =	vld [tilespmem:$0x690];
	[tilespmem:$0x590] =	vst v24;
	v50 =	vadd.s32 $0x124F80, v41  }
0x75: {  	v49 =	vld [tilespmem:$0x6A0];
	[tilespmem:$0x660] =	vst v50;
	v26 =	vadd.s32 $0x155CC0, v17  }
0x76: {  	v51 =	vld [tilespmem:$0x6B0];
	v48 =	vadd.s32 $0x124F80, v39;
	[tilespmem:$0x760] =	vst v26  }
0x77: {  	v53 =	vld [tilespmem:$0x6C0];
	v52 =	vadd.s32 $0x124F80, v43;
	[tilespmem:$0x650] =	vst v48  }
0x78: {  	v55 =	vld [tilespmem:$0x6D0];
	v54 =	vadd.s32 $0x13D620, v45;
	[tilespmem:$0x670] =	vst v52  }
0x79: {  	v57 =	vld [tilespmem:$0x6E0];
	v56 =	vadd.s32 $0x13D620, v47;
	[tilespmem:$0x680] =	vst v54  }
0x7a: {  	v59 =	vld [tilespmem:$0x6F0];
	v58 =	vadd.s32 $0x13D620, v49;
	[tilespmem:$0x690] =	vst v56  }
0x7b: {  	v61 =	vld [tilespmem:$0x700];
	v60 =	vadd.s32 $0x13D620, v51;
	[tilespmem:$0x6A0] =	vst v58  }
0x7c: {  	v63 =	vld [tilespmem:$0x710];
	v62 =	vadd.s32 $0x13D620, v53;
	[tilespmem:$0x6B0] =	vst v60  }
0x7d: {  	v9 =	vld [tilespmem:$0x720];
	v8 =	vadd.s32 $0x13D620, v55;
	[tilespmem:$0x6C0] =	vst v62  }
0x7e: {  	v11 =	vld [tilespmem:$0x730];
	v10 =	vadd.s32 $0x13D620, v57;
	[tilespmem:$0x6D0] =	vst v8  }
0x7f: {  	v13 =	vld [tilespmem:$0x740];
	v12 =	vadd.s32 $0x13D620, v59;
	[tilespmem:$0x6E0] =	vst v10  }
0x80: {  	v15 =	vld [tilespmem:$0x750];
	v14 =	vadd.s32 $0x155CC0, v61;
	[tilespmem:$0x6F0] =	vst v12  }
0x81: {  	v16 =	vadd.s32 $0x155CC0, v63;
	[tilespmem:$0x700] =	vst v14  }
0x82: {  	v19 =	vld [tilespmem:$0x770];
	v18 =	vadd.s32 $0x155CC0, v9;
	[tilespmem:$0x710] =	vst v16  }
0x83: {  	v21 =	vld [tilespmem:$0x780];
	v20 =	vadd.s32 $0x155CC0, v11;
	[tilespmem:$0x720] =	vst v18  }
0x84: {  	v23 =	vld [tilespmem:$0x790];
	v22 =	vadd.s32 $0x155CC0, v13;
	[tilespmem:$0x730] =	vst v20  }
0x85: {  	v25 =	vld [tilespmem:$0x7A0];
	v24 =	vadd.s32 $0x155CC0, v15;
	[tilespmem:$0x740] =	vst v22  }
0x86: {  	v27 =	vld [tilespmem:$0x7B0];
	[tilespmem:$0x750] =	vst v24  }
0x87: {  	v28 =	vadd.s32 $0x155CC0, v19;
	v29 =	vld [tilespmem:$0x7C0]  }
0x88: {  	v30 =	vadd.s32 $0x16E360, v21;
	[tilespmem:$0x770] =	vst v28;
	v31 =	vld [tilespmem:$0x7D0]  }
0x89: {  	v32 =	vadd.s32 $0x16E360, v23;
	[tilespmem:$0x780] =	vst v30;
	v33 =	vld [tilespmem:$0x7E0]  }
0x8a: {  	v34 =	vadd.s32 $0x16E360, v25;
	[tilespmem:$0x790] =	vst v32;
	v35 =	vld [tilespmem:$0x7F0]  }
0x8b: {  	v36 =	vadd.s32 $0x16E360, v27;
	[tilespmem:$0x7A0] =	vst v34;
	v37 =	vld [tilespmem:$0x800]  }
0x8c: {  	[tilespmem:$0x7B0] =	vst v36;
	v39 =	vld [tilespmem:$0x810];
	v38 =	vadd.s32 $0x16E360, v29  }
0x8d: {  	v41 =	vld [tilespmem:$0x820];
	v40 =	vadd.s32 $0x16E360, v31;
	[tilespmem:$0x7C0] =	vst v38  }
0x8e: {  	v43 =	vld [tilespmem:$0x830];
	v42 =	vadd.s32 $0x16E360, v33;
	[tilespmem:$0x7D0] =	vst v40  }
0x8f: {  	v45 =	vld [tilespmem:$0x840];
	v44 =	vadd.s32 $0x16E360, v35;
	[tilespmem:$0x7E0] =	vst v42  }
0x90: {  	v47 =	vld [tilespmem:$0x850];
	v46 =	vadd.s32 $0x186A00, v37;
	[tilespmem:$0x7F0] =	vst v44  }
0x91: {  	v49 =	vld [tilespmem:$0x860];
	v48 =	vadd.s32 $0x186A00, v39;
	[tilespmem:$0x800] =	vst v46  }
0x92: {  	v51 =	vld [tilespmem:$0x870];
	v50 =	vadd.s32 $0x186A00, v41;
	[tilespmem:$0x810] =	vst v48  }
0x93: {  	v53 =	vld [tilespmem:$0x880];
	v52 =	vadd.s32 $0x186A00, v43;
	[tilespmem:$0x820] =	vst v50  }
0x94: {  	v55 =	vld [tilespmem:$0x890];
	v54 =	vadd.s32 $0x186A00, v45;
	[tilespmem:$0x830] =	vst v52  }
0x95: {  	v57 =	vld [tilespmem:$0x8A0];
	v56 =	vadd.s32 $0x186A00, v47;
	[tilespmem:$0x840] =	vst v54  }
0x96: {  	v59 =	vld [tilespmem:$0x8B0];
	v58 =	vadd.s32 $0x186A00, v49;
	[tilespmem:$0x850] =	vst v56  }
0x97: {  	v61 =	vld [tilespmem:$0x8C0];
	v60 =	vadd.s32 $0x186A00, v51;
	[tilespmem:$0x860] =	vst v58  }
0x98: {  	v63 =	vld [tilespmem:$0x8D0];
	v62 =	vadd.s32 $0x19F0A0, v53;
	[tilespmem:$0x870] =	vst v60  }
0x99: {  	v9 =	vld [tilespmem:$0x8E0];
	v8 =	vadd.s32 $0x19F0A0, v55;
	[tilespmem:$0x880] =	vst v62  }
0x9a: {  	v11 =	vld [tilespmem:$0x8F0];
	v10 =	vadd.s32 $0x19F0A0, v57;
	[tilespmem:$0x890] =	vst v8  }
0x9b: {  	v13 =	vld [tilespmem:$0x900];
	v12 =	vadd.s32 $0x19F0A0, v59;
	[tilespmem:$0x8A0] =	vst v10  }
0x9c: {  	v15 =	vld [tilespmem:$0x910];
	v14 =	vadd.s32 $0x19F0A0, v61;
	[tilespmem:$0x8B0] =	vst v12  }
0x9d: {  	v17 =	vld [tilespmem:$0x920];
	v16 =	vadd.s32 $0x19F0A0, v63;
	[tilespmem:$0x8C0] =	vst v14  }
0x9e: {  	v19 =	vld [tilespmem:$0x930];
	v18 =	vadd.s32 $0x19F0A0, v9;
	[tilespmem:$0x8D0] =	vst v16  }
0x9f: {  	v21 =	vld [tilespmem:$0x940];
	v20 =	vadd.s32 $0x19F0A0, v11;
	[tilespmem:$0x8E0] =	vst v18  }
0xa0: {  	v23 =	vld [tilespmem:$0x950];
	v22 =	vadd.s32 $0x1B7740, v13;
	[tilespmem:$0x8F0] =	vst v20  }
0xa1: {  	v25 =	vld [tilespmem:$0x960];
	v24 =	vadd.s32 $0x1B7740, v15;
	[tilespmem:$0x900] =	vst v22  }
0xa2: {  	v27 =	vld [tilespmem:$0x970];
	v26 =	vadd.s32 $0x1B7740, v17;
	[tilespmem:$0x910] =	vst v24  }
0xa3: {  	v28 =	vadd.s32 $0x1B7740, v19;
	v29 =	vld [tilespmem:$0x980];
	[tilespmem:$0x920] =	vst v26  }
0xa4: {  	v30 =	vadd.s32 $0x1B7740, v21;
	v31 =	vld [tilespmem:$0x990];
	[tilespmem:$0x930] =	vst v28  }
0xa5: {  	v32 =	vadd.s32 $0x1B7740, v23;
	v33 =	vld [tilespmem:$0x9A0];
	[tilespmem:$0x940] =	vst v30  }
0xa6: {  	v34 =	vadd.s32 $0x1B7740, v25;
	v35 =	vld [tilespmem:$0x9B0];
	[tilespmem:$0x950] =	vst v32  }
0xa7: {  	v36 =	vadd.s32 $0x1B7740, v27;
	v37 =	vld [tilespmem:$0x9C0];
	[tilespmem:$0x960] =	vst v34  }
0xa8: {  	v39 =	vld [tilespmem:$0x9D0];
	[tilespmem:$0x970] =	vst v36;
	v38 =	vadd.s32 $0x1CFDE0, v29  }
0xa9: {  	v41 =	vld [tilespmem:$0x9E0];
	v40 =	vadd.s32 $0x1CFDE0, v31;
	[tilespmem:$0x980] =	vst v38  }
0xaa: {  	v43 =	vld [tilespmem:$0x9F0];
	v42 =	vadd.s32 $0x1CFDE0, v33;
	[tilespmem:$0x990] =	vst v40  }
0xab: {  	v45 =	vld [tilespmem:$0xA00];
	v44 =	vadd.s32 $0x1CFDE0, v35;
	[tilespmem:$0x9A0] =	vst v42  }
0xac: {  	v47 =	vld [tilespmem:$0xA10];
	v46 =	vadd.s32 $0x1CFDE0, v37;
	[tilespmem:$0x9B0] =	vst v44  }
0xad: {  	v49 =	vld [tilespmem:$0xA20];
	v48 =	vadd.s32 $0x1CFDE0, v39;
	[tilespmem:$0x9C0] =	vst v46  }
0xae: {  	v51 =	vld [tilespmem:$0xA30];
	v50 =	vadd.s32 $0x1CFDE0, v41;
	[tilespmem:$0x9D0] =	vst v48  }
0xaf: {  	v53 =	vld [tilespmem:$0xA40];
	v52 =	vadd.s32 $0x1CFDE0, v43;
	[tilespmem:$0x9E0] =	vst v50  }
0xb0: {  	v55 =	vld [tilespmem:$0xA50];
	v54 =	vadd.s32 $0x1E8480, v45;
	[tilespmem:$0x9F0] =	vst v52  }
0xb1: {  	v57 =	vld [tilespmem:$0xA60];
	v56 =	vadd.s32 $0x1E8480, v47;
	[tilespmem:$0xA00] =	vst v54  }
0xb2: {  	v59 =	vld [tilespmem:$0xA70];
	v58 =	vadd.s32 $0x1E8480, v49;
	[tilespmem:$0xA10] =	vst v56  }
0xb3: {  	v61 =	vld [tilespmem:$0xA80];
	v60 =	vadd.s32 $0x1E8480, v51;
	[tilespmem:$0xA20] =	vst v58  }
0xb4: {  	v63 =	vld [tilespmem:$0xA90];
	v62 =	vadd.s32 $0x1E8480, v53;
	[tilespmem:$0xA30] =	vst v60  }
0xb5: {  	v9 =	vld [tilespmem:$0xAA0];
	v8 =	vadd.s32 $0x1E8480, v55;
	[tilespmem:$0xA40] =	vst v62  }
0xb6: {  	v11 =	vld [tilespmem:$0xAB0];
	v10 =	vadd.s32 $0x1E8480, v57;
	[tilespmem:$0xA50] =	vst v8  }
0xb7: {  	v13 =	vld [tilespmem:$0xAC0];
	v12 =	vadd.s32 $0x1E8480, v59;
	[tilespmem:$0xA60] =	vst v10  }
0xb8: {  	v15 =	vld [tilespmem:$0xAD0];
	v14 =	vadd.s32 $0x200B20, v61;
	[tilespmem:$0xA70] =	vst v12  }
0xb9: {  	v17 =	vld [tilespmem:$0xAE0];
	v16 =	vadd.s32 $0x200B20, v63;
	[tilespmem:$0xA80] =	vst v14  }
0xba: {  	v19 =	vld [tilespmem:$0xAF0];
	v18 =	vadd.s32 $0x200B20, v9;
	[tilespmem:$0xA90] =	vst v16  }
0xbb: {  	v21 =	vld [tilespmem:$0xB00];
	v20 =	vadd.s32 $0x200B20, v11;
	[tilespmem:$0xAA0] =	vst v18  }
0xbc: {  	v23 =	vld [tilespmem:$0xB10];
	v22 =	vadd.s32 $0x200B20, v13;
	[tilespmem:$0xAB0] =	vst v20  }
0xbd: {  	v25 =	vld [tilespmem:$0xB20];
	v24 =	vadd.s32 $0x200B20, v15;
	[tilespmem:$0xAC0] =	vst v22  }
0xbe: {  	v27 =	vld [tilespmem:$0xB30];
	v26 =	vadd.s32 $0x200B20, v17;
	[tilespmem:$0xAD0] =	vst v24  }
0xbf: {  	v28 =	vadd.s32 $0x200B20, v19;
	v29 =	vld [tilespmem:$0xB40];
	[tilespmem:$0xAE0] =	vst v26  }
0xc0: {  	v30 =	vadd.s32 $0x2191C0, v21;
	v31 =	vld [tilespmem:$0xB50];
	[tilespmem:$0xAF0] =	vst v28  }
0xc1: {  	v32 =	vadd.s32 $0x2191C0, v23;
	v33 =	vld [tilespmem:$0xB60];
	[tilespmem:$0xB00] =	vst v30  }
0xc2: {  	v34 =	vadd.s32 $0x2191C0, v25;
	v35 =	vld [tilespmem:$0xB70];
	[tilespmem:$0xB10] =	vst v32  }
0xc3: {  	v36 =	vadd.s32 $0x2191C0, v27;
	v37 =	vld [tilespmem:$0xB80];
	[tilespmem:$0xB20] =	vst v34  }
0xc4: {  	v39 =	vld [tilespmem:$0xB90];
	[tilespmem:$0xB30] =	vst v36;
	v38 =	vadd.s32 $0x2191C0, v29  }
0xc5: {  	v41 =	vld [tilespmem:$0xBA0];
	v40 =	vadd.s32 $0x2191C0, v31;
	[tilespmem:$0xB40] =	vst v38  }
0xc6: {  	v43 =	vld [tilespmem:$0xBB0];
	v42 =	vadd.s32 $0x2191C0, v33;
	[tilespmem:$0xB50] =	vst v40  }
0xc7: {  	v45 =	vld [tilespmem:$0xBC0];
	v44 =	vadd.s32 $0x2191C0, v35;
	[tilespmem:$0xB60] =	vst v42  }
0xc8: {  	v47 =	vld [tilespmem:$0xBD0];
	v46 =	vadd.s32 $0x231860, v37;
	[tilespmem:$0xB70] =	vst v44  }
0xc9: {  	v49 =	vld [tilespmem:$0xBE0];
	v48 =	vadd.s32 $0x231860, v39;
	[tilespmem:$0xB80] =	vst v46  }
0xca: {  	v51 =	vld [tilespmem:$0xBF0];
	v50 =	vadd.s32 $0x231860, v41;
	[tilespmem:$0xB90] =	vst v48  }
0xcb: {  	v53 =	vld [tilespmem:$0xC00];
	v52 =	vadd.s32 $0x231860, v43;
	[tilespmem:$0xBA0] =	vst v50  }
0xcc: {  	v55 =	vld [tilespmem:$0xC10];
	v54 =	vadd.s32 $0x231860, v45;
	[tilespmem:$0xBB0] =	vst v52  }
0xcd: {  	v57 =	vld [tilespmem:$0xC20];
	v56 =	vadd.s32 $0x231860, v47;
	[tilespmem:$0xBC0] =	vst v54  }
0xce: {  	v59 =	vld [tilespmem:$0xC30];
	v58 =	vadd.s32 $0x231860, v49;
	[tilespmem:$0xBD0] =	vst v56  }
0xcf: {  	v61 =	vld [tilespmem:$0xC40];
	v60 =	vadd.s32 $0x231860, v51;
	[tilespmem:$0xBE0] =	vst v58  }
0xd0: {  	v63 =	vld [tilespmem:$0xC50];
	v62 =	vadd.s32 $0x249F00, v53;
	[tilespmem:$0xBF0] =	vst v60  }
0xd1: {  	v9 =	vld [tilespmem:$0xC60];
	v8 =	vadd.s32 $0x249F00, v55;
	[tilespmem:$0xC00] =	vst v62  }
0xd2: {  	v11 =	vld [tilespmem:$0xC70];
	v10 =	vadd.s32 $0x249F00, v57;
	[tilespmem:$0xC10] =	vst v8  }
0xd3: {  	v13 =	vld [tilespmem:$0xC80];
	v12 =	vadd.s32 $0x249F00, v59;
	[tilespmem:$0xC20] =	vst v10  }
0xd4: {  	v15 =	vld [tilespmem:$0xC90];
	v14 =	vadd.s32 $0x249F00, v61;
	[tilespmem:$0xC30] =	vst v12  }
0xd5: {  	v17 =	vld [tilespmem:$0xCA0];
	v16 =	vadd.s32 $0x249F00, v63;
	[tilespmem:$0xC40] =	vst v14  }
0xd6: {  	v19 =	vld [tilespmem:$0xCB0];
	v18 =	vadd.s32 $0x249F00, v9;
	[tilespmem:$0xC50] =	vst v16  }
0xd7: {  	v21 =	vld [tilespmem:$0xCC0];
	v20 =	vadd.s32 $0x249F00, v11;
	[tilespmem:$0xC60] =	vst v18  }
0xd8: {  	v23 =	vld [tilespmem:$0xCD0];
	v22 =	vadd.s32 $0x2625A0, v13;
	[tilespmem:$0xC70] =	vst v20  }
0xd9: {  	v25 =	vld [tilespmem:$0xCE0];
	v24 =	vadd.s32 $0x2625A0, v15;
	[tilespmem:$0xC80] =	vst v22  }
0xda: {  	v27 =	vld [tilespmem:$0xCF0];
	v26 =	vadd.s32 $0x2625A0, v17;
	[tilespmem:$0xC90] =	vst v24  }
0xdb: {  	v28 =	vadd.s32 $0x2625A0, v19;
	[tilespmem:$0xCA0] =	vst v26  }
0xdc: {  	v29 =	vadd.s32 $0x2625A0, v21;
	[tilespmem:$0xCB0] =	vst v28  }
0xdd: {  	v30 =	vadd.s32 $0x2625A0, v23;
	[tilespmem:$0xCC0] =	vst v29  }
0xde: {  	v31 =	vadd.s32 $0x2625A0, v25;
	[tilespmem:$0xCD0] =	vst v30  }
0xdf: {  	v32 =	vadd.s32 $0x2625A0, v27;
	[tilespmem:$0xCE0] =	vst v31  }
0xe0: {  	[tilespmem:$0xCF0] =	vst v32  }
0xe1: {  	[tilespmem:s10], [sflag:$0x1] =	stream.indirect.gather [hbm4b:s3+s10], $0x1, s2, s10, $0xb8;
	[tilespmem:$0x1B00] =	vst v63  }
0xe2: {  	_ =	swait.ge [sflag:s11], $0xD00  }
0xe3: {  	[sflag:s11] =	ssyncset.done $0x0  }
0xe4: {  	[sflag:s11] =	ssyncadd.s32 $0xFFFFF300  }
0xe5: {  	_ =	swait.ge [sflag:s12], $0x80  }
0xe6: {  	[sflag:s12] =	ssyncset.done $0x0  }
0xe7: {  	[sflag:s12] =	ssyncadd.s32 $0xFFFFFF80  }
0xe8: {  	v0 =	vld [tilespmem:$0x10E0];
	_ =	sdelay $0x4  }
0xe9: {  	[tilespmem:$0x1FCD0] =	vst v0;
	v0 =	vld [tilespmem:$0x10F0];
	_ =	sdelay $0x4  }
0xea: {  	[tilespmem:$0x1FCE0] =	vst v0;
	v0 =	vld [tilespmem:$0x1100];
	_ =	sdelay $0x4  }
0xeb: {  	[tilespmem:$0x1FCF0] =	vst v0;
	v0 =	vld [tilespmem:$0x1110];
	_ =	sdelay $0x4  }
0xec: {  	[tilespmem:$0x1FD00] =	vst v0;
	v0 =	vld [tilespmem:$0x1120];
	_ =	sdelay $0x4  }
0xed: {  	[tilespmem:$0x1FD10] =	vst v0;
	v0 =	vld [tilespmem:$0x1130];
	_ =	sdelay $0x4  }
0xee: {  	[tilespmem:$0x1FD20] =	vst v0;
	v0 =	vld [tilespmem:$0x1140];
	_ =	sdelay $0x4  }
0xef: {  	[tilespmem:$0x1FD30] =	vst v0;
	v0 =	vld [tilespmem:$0x1150];
	_ =	sdelay $0x4  }
0xf0: {  	[tilespmem:$0x1FD40] =	vst v0;
	v0 =	vld [tilespmem:$0x1160];
	_ =	sdelay $0x4  }
0xf1: {  	[tilespmem:$0x1FD50] =	vst v0;
	v0 =	vld [tilespmem:$0x1170];
	_ =	sdelay $0x4  }
0xf2: {  	[tilespmem:$0x1FD60] =	vst v0;
	v0 =	vld [tilespmem:$0x1180];
	_ =	sdelay $0x4  }
0xf3: {  	[tilespmem:$0x1FD70] =	vst v0;
	v0 =	vld [tilespmem:$0x1190];
	_ =	sdelay $0x4  }
0xf4: {  	[tilespmem:$0x1FD80] =	vst v0;
	v0 =	vld [tilespmem:$0x11A0];
	_ =	sdelay $0x4  }
0xf5: {  	[tilespmem:$0x1FD90] =	vst v0;
	v0 =	vld [tilespmem:$0x11B0];
	_ =	sdelay $0x4  }
0xf6: {  	[tilespmem:$0x1FDA0] =	vst v0;
	v0 =	vld [tilespmem:$0x11C0];
	_ =	sdelay $0x4  }
0xf7: {  	[tilespmem:$0x1FDB0] =	vst v0;
	v0 =	vld [tilespmem:$0x11D0];
	_ =	sdelay $0x4  }
0xf8: {  	[tilespmem:$0x1FDC0] =	vst v0;
	v0 =	vld [tilespmem:$0x11E0];
	_ =	sdelay $0x4  }
0xf9: {  	[tilespmem:$0x1FDD0] =	vst v0;
	v0 =	vld [tilespmem:$0x11F0];
	_ =	sdelay $0x4  }
0xfa: {  	[tilespmem:$0x1FDE0] =	vst v0;
	v0 =	vld [tilespmem:$0x1200];
	_ =	sdelay $0x4  }
0xfb: {  	[tilespmem:$0x1FDF0] =	vst v0;
	v0 =	vld [tilespmem:$0x1210];
	_ =	sdelay $0x4  }
0xfc: {  	[tilespmem:$0x1FE00] =	vst v0;
	v0 =	vld [tilespmem:$0x1220];
	_ =	sdelay $0x4  }
0xfd: {  	[tilespmem:$0x1FE10] =	vst v0;
	v0 =	vld [tilespmem:$0x1230];
	_ =	sdelay $0x4  }
0xfe: {  	[tilespmem:$0x1FE20] =	vst v0;
	v0 =	vld [tilespmem:$0x1240];
	_ =	sdelay $0x4  }
0xff: {  	[tilespmem:$0x1FE30] =	vst v0;
	v0 =	vld [tilespmem:$0x1250];
	_ =	sdelay $0x4  }
0x100: {  	[tilespmem:$0x1FE40] =	vst v0;
	v0 =	vld [tilespmem:$0x1260];
	_ =	sdelay $0x4  }
0x101: {  	[tilespmem:$0x1FE50] =	vst v0;
	v0 =	vld [tilespmem:$0x1270];
	_ =	sdelay $0x4  }
0x102: {  	[tilespmem:$0x1FE60] =	vst v0;
	v0 =	vld [tilespmem:$0x1280];
	_ =	sdelay $0x4  }
0x103: {  	[tilespmem:$0x1FE70] =	vst v0;
	v0 =	vld [tilespmem:$0x1290];
	_ =	sdelay $0x3  }
0x104: {  	v2 =	vld [tilespmem:$0x1A00]  }
0x105: {  	[tilespmem:$0x1FE80] =	vst v0;
	v0 =	vld [tilespmem:$0x12A0]  }
0x106: {  	v5 =	vld [tilespmem:$0xD00]  }
0x107: {  	v11 =	vld [tilespmem:$0xD10]  }
0x108: {  	v14 =	vld [tilespmem:$0xD20]  }
0x109: {  	v20 =	vld [tilespmem:$0xD30]  }
0x10a: {  	[tilespmem:$0x1FE90] =	vst v0;
	v0 =	vld [tilespmem:$0x12B0]  }
0x10b: {  	v21 =	vld [tilespmem:$0xD40]  }
0x10c: {  	v25 =	vld [tilespmem:$0xD50]  }
0x10d: {  	v28 =	vld [tilespmem:$0xD60]  }
0x10e: {  	v33 =	vld [tilespmem:$0xD70]  }
0x10f: {  	[tilespmem:$0x1FEA0] =	vst v0;
	v0 =	vld [tilespmem:$0x12C0]  }
0x110: {  	v36 =	vld [tilespmem:$0xD80]  }
0x111: {  	v41 =	vld [tilespmem:$0xD90]  }
0x112: {  	v44 =	vld [tilespmem:$0xDA0]  }
0x113: {  	v49 =	vld [tilespmem:$0xDB0]  }
0x114: {  	[tilespmem:$0x1FEB0] =	vst v0;
	v0 =	vld [tilespmem:$0x12D0]  }
0x115: {  	v52 =	vld [tilespmem:$0xDC0]  }
0x116: {  	v57 =	vld [tilespmem:$0xDD0]  }
0x117: {  	v60 =	vld [tilespmem:$0xDE0]  }
0x118: {  	v1 =	vld [tilespmem:$0xDF0]  }
0x119: {  	[tilespmem:$0x1FEC0] =	vst v0;
	v0 =	vld [tilespmem:$0x12E0]  }
0x11a: {  	v4 =	vld [tilespmem:$0xE00]  }
0x11b: {  	v3 =	vld [tilespmem:$0xE10]  }
0x11c: {  	v7 =	vld [tilespmem:$0xE20]  }
0x11d: {  	v6 =	vld [tilespmem:$0xE30]  }
0x11e: {  	[tilespmem:$0x1FED0] =	vst v0;
	v0 =	vld [tilespmem:$0x12F0]  }
0x11f: {  	v9 =	vld [tilespmem:$0xE40]  }
0x120: {  	v8 =	vld [tilespmem:$0xE50]  }
0x121: {  	v12 =	vld [tilespmem:$0xE60]  }
0x122: {  	v10 =	vld [tilespmem:$0xE70]  }
0x123: {  	[tilespmem:$0x1FEE0] =	vst v0;
	v0 =	vld [tilespmem:$0x1300]  }
0x124: {  	v15 =	vld [tilespmem:$0xE80]  }
0x125: {  	v13 =	vld [tilespmem:$0xE90]  }
0x126: {  	v17 =	vld [tilespmem:$0xEA0]  }
0x127: {  	v16 =	vld [tilespmem:$0xEB0]  }
0x128: {  	[tilespmem:$0x1FEF0] =	vst v0;
	v0 =	vld [tilespmem:$0x1310]  }
0x129: {  	v19 =	vld [tilespmem:$0xEC0]  }
0x12a: {  	v18 =	vld [tilespmem:$0xED0]  }
0x12b: {  	v23 =	vld [tilespmem:$0xEE0]  }
0x12c: {  	v22 =	vld [tilespmem:$0xEF0]  }
0x12d: {  	[tilespmem:$0x1FF00] =	vst v0;
	v0 =	vld [tilespmem:$0x1320]  }
0x12e: {  	v26 =	vld [tilespmem:$0xF00]  }
0x12f: {  	v24 =	vld [tilespmem:$0xF10]  }
0x130: {  	v29 =	vld [tilespmem:$0xF20]  }
0x131: {  	v27 =	vld [tilespmem:$0xF30]  }
0x132: {  	[tilespmem:$0x1FF10] =	vst v0;
	v0 =	vld [tilespmem:$0x1330]  }
0x133: {  	v31 =	vld [tilespmem:$0xF40]  }
0x134: {  	v30 =	vld [tilespmem:$0xF50]  }
0x135: {  	v34 =	vld [tilespmem:$0xF60]  }
0x136: {  	v32 =	vld [tilespmem:$0xF70]  }
0x137: {  	[tilespmem:$0x1FF20] =	vst v0;
	v0 =	vld [tilespmem:$0x1340]  }
0x138: {  	v37 =	vld [tilespmem:$0xF80]  }
0x139: {  	v35 =	vld [tilespmem:$0xF90]  }
0x13a: {  	v38 =	vld [tilespmem:$0xFA0]  }
0x13b: {  	v39 =	vld [tilespmem:$0xFB0]  }
0x13c: {  	[tilespmem:$0x1FF30] =	vst v0;
	v0 =	vld [tilespmem:$0x1350]  }
0x13d: {  	v40 =	vld [tilespmem:$0xFC0]  }
0x13e: {  	v42 =	vld [tilespmem:$0xFD0]  }
0x13f: {  	v43 =	vld [tilespmem:$0xFE0]  }
0x140: {  	v45 =	vld [tilespmem:$0xFF0]  }
0x141: {  	[tilespmem:$0x1FF40] =	vst v0;
	v0 =	vld [tilespmem:$0x1360]  }
0x142: {  	v46 =	vld [tilespmem:$0x1000]  }
0x143: {  	v47 =	vld [tilespmem:$0x1010]  }
0x144: {  	v50 =	vld [tilespmem:$0x1020]  }
0x145: {  	v48 =	vld [tilespmem:$0x1030]  }
0x146: {  	[tilespmem:$0x1FF50] =	vst v0;
	v0 =	vld [tilespmem:$0x1370]  }
0x147: {  	v53 =	vld [tilespmem:$0x1040]  }
0x148: {  	v51 =	vld [tilespmem:$0x1050]  }
0x149: {  	v54 =	vld [tilespmem:$0x1060]  }
0x14a: {  	v55 =	vld [tilespmem:$0x1070]  }
0x14b: {  	[tilespmem:$0x1FF60] =	vst v0;
	v0 =	vld [tilespmem:$0x1380]  }
0x14c: {  	v56 =	vld [tilespmem:$0x1080]  }
0x14d: {  	v58 =	vld [tilespmem:$0x1090]  }
0x14e: {  	v63 =	vld [tilespmem:$0x10A0]  }
0x14f: {  	v59 =	vld [tilespmem:$0x10B0]  }
0x150: {  	[tilespmem:$0x1FF70] =	vst v0;
	v0 =	vld [tilespmem:$0x1390]  }
0x151: {  	v61 =	vld [tilespmem:$0x10C0];
	v11 =	vadd.f32 v11, v2  }
0x152: {  	v62 =	vld [tilespmem:$0x10D0];
	v5 =	vadd.f32 v5, v2;
	v14 =	vadd.f32 v14, v2  }
0x153: {  	v20 =	vadd.f32 v20, v2;
	v11 =	vadd.f32 v41, v11;
	v41 =	vld [tilespmem:$0x1400]  }
0x154: {  	v21 =	vadd.f32 v21, v2;
	v5 =	vadd.f32 v36, v5;
	v36 =	vld [tilespmem:$0x1440]  }
0x155: {  	v28 =	vadd.f32 v28, v2;
	v14 =	vadd.f32 v44, v14;
	[tilespmem:$0x1FF80] =	vst v0;
	v0 =	vld [tilespmem:$0x13A0]  }
0x156: {  	v20 =	vadd.f32 v49, v20;
	v21 =	vadd.f32 v52, v21;
	v44 =	vld [tilespmem:$0x1460]  }
0x157: {  	v28 =	vadd.f32 v60, v28;
	v49 =	vld [tilespmem:$0x1470];
	v3 =	vadd.f32 v3, v11  }
0x158: {  	v60 =	vadd.f32 v7, v14;
	v14 =	vadd.f32 v6, v20;
	v11 =	vld [tilespmem:$0x14E0]  }
0x159: {  	v20 =	vadd.f32 v9, v21;
	v28 =	vadd.f32 v12, v28;
	v12 =	vld [tilespmem:$0x1510]  }
0x15a: {  	v3 =	vadd.f32 v13, v3;
	[tilespmem:$0x1FF90] =	vst v0;
	v0 =	vld [tilespmem:$0x13B0]  }
0x15b: {  	v6 =	vadd.f32 v19, v20;
	v20 =	vld [tilespmem:$0x14C0]  }
0x15c: {  	v13 =	vld [tilespmem:$0x1520];
	v3 =	vadd.f32 v24, v3  }
0x15d: {  	v19 =	vld [tilespmem:$0x1570];
	v6 =	vadd.f32 v31, v6  }
0x15e: {  	[tilespmem:$0x1FFF0] =	vst v41;
	v41 =	vld [tilespmem:$0x1450];
	v3 =	vadd.f32 v35, v3  }
0x15f: {  	v6 =	vadd.f32 v40, v6;
	[tilespmem:$0x1FFA0] =	vst v0;
	v0 =	vld [tilespmem:$0x13C0]  }
0x160: {  	v24 =	vld [tilespmem:$0x15A0];
	v3 =	vadd.f32 v47, v3  }
0x161: {  	v31 =	vld [tilespmem:$0x1600];
	v6 =	vadd.f32 v53, v6  }
0x162: {  	v3 =	vadd.f32 v58, v3;
	v58 =	vld [tilespmem:$0x1FCF0]  }
0x163: {  	v6 =	vadd.f32 v61, v6;
	v61 =	vld [tilespmem:$0x1FD10]  }
0x164: {  	[tilespmem:$0x1FFB0] =	vst v0;
	v0 =	vld [tilespmem:$0x13D0]  }
0x165: {  	v35 =	vld [tilespmem:$0x1FD60]  }
0x166: {  	v40 =	vld [tilespmem:$0x1FDA0]  }
0x167: {  	v47 =	vld [tilespmem:$0x1FDF0]  }
0x168: {  	v53 =	vld [tilespmem:$0x1FE30]  }
0x169: {  	[tilespmem:$0x1FFC0] =	vst v0;
	v0 =	vadd.f32 v25, v2;
	v25 =	vld [tilespmem:$0x13E0]  }
0x16a: {  	v2 =	vadd.f32 v33, v2;
	v33 =	vld [tilespmem:$0x13F0]  }
0x16b: {  	v52 =	vadd.f32 v57, v0;
	v0 =	vld [tilespmem:$0x1420]  }
0x16c: {  	v57 =	vadd.f32 v4, v5;
	v4 =	vadd.f32 v17, v60;
	v60 =	vld [tilespmem:$0x14A0]  }
0x16d: {  	v5 =	vadd.f32 v16, v14;
	v14 =	vld [tilespmem:$0x14D0]  }
0x16e: {  	v16 =	vld [tilespmem:$0x1540]  }
0x16f: {  	v17 =	vld [tilespmem:$0x1550]  }
0x170: {  	v21 =	vadd.f32 v8, v52;
	v52 =	vld [tilespmem:$0x1480]  }
0x171: {  	v1 =	vadd.f32 v1, v2;
	v2 =	vadd.f32 v15, v57;
	v57 =	vld [tilespmem:$0x1490]  }
0x172: {  	v4 =	vadd.f32 v29, v4;
	v29 =	vadd.f32 v27, v5;
	v5 =	vld [tilespmem:$0x14F0]  }
0x173: {  	v15 =	vld [tilespmem:$0x1530]  }
0x174: {  	v8 =	vadd.f32 v23, v28;
	v23 =	vld [tilespmem:$0x1590]  }
0x175: {  	v27 =	vld [tilespmem:$0x15C0]  }
0x176: {  	v28 =	vld [tilespmem:$0x15D0]  }
0x177: {  	[tilespmem:$0x1FFD0] =	vst v25;
	v25 =	vld [tilespmem:$0x1410]  }
0x178: {  	[tilespmem:$0x1FFE0] =	vst v33;
	v33 =	vld [tilespmem:$0x1430]  }
0x179: {  	v1 =	vadd.f32 v10, v1;
	v7 =	vadd.f32 v18, v21;
	v21 =	vld [tilespmem:$0x14B0]  }
0x17a: {  	v18 =	vld [tilespmem:$0x1560]  }
0x17b: {  	v1 =	vadd.f32 v22, v1;
	v22 =	vld [tilespmem:$0x1580]  }
0x17c: {  	v2 =	vadd.f32 v26, v2;
	v26 =	vld [tilespmem:$0x15B0]  }
0x17d: {  	v9 =	vadd.f32 v39, v29;
	v29 =	vld [tilespmem:$0x15E0]  }
0x17e: {  	v8 =	vadd.f32 v34, v8;
	v34 =	vld [tilespmem:$0x1FD50]  }
0x17f: {  	v4 =	vadd.f32 v38, v4;
	v38 =	vld [tilespmem:$0x1FD80]  }
0x180: {  	v39 =	vld [tilespmem:$0x1FD90]  }
0x181: {  	v37 =	vadd.f32 v37, v2;
	v2 =	vld [tilespmem:$0x1500]  }
0x182: {  	v1 =	vadd.f32 v32, v1;
	v32 =	vld [tilespmem:$0x1FD40]  }
0x183: {  	v7 =	vadd.f32 v30, v7;
	v30 =	vld [tilespmem:$0x15F0]  }
0x184: {  	v8 =	vadd.f32 v43, v8;
	v43 =	vld [tilespmem:$0x1FDC0]  }
0x185: {  	v9 =	vadd.f32 v48, v9;
	v48 =	vld [tilespmem:$0x1FE00]  }
0x186: {  	v4 =	vadd.f32 v50, v4;
	v50 =	vld [tilespmem:$0x1FE10]  }
0x187: {  	v9 =	vadd.f32 v59, v9;
	v59 =	vld [tilespmem:$0x1FD00]  }
0x188: {  	v4 =	vadd.f32 v63, v4;
	v63 =	vld [tilespmem:$0x1FD30]  }
0x189: {  	v10 =	vadd.f32 v46, v37;
	v37 =	vld [tilespmem:$0x1FD70]  }
0x18a: {  	v7 =	vadd.f32 v42, v7;
	v42 =	vld [tilespmem:$0x1FDB0]  }
0x18b: {  	v1 =	vadd.f32 v45, v1;
	v45 =	vld [tilespmem:$0x1FDD0]  }
0x18c: {  	v46 =	vld [tilespmem:$0x1FDE0]  }
0x18d: {  	v8 =	vadd.f32 v54, v8;
	v54 =	vld [tilespmem:$0x1FE40]  }
0x18e: {  	v1 =	vadd.f32 v55, v1;
	v55 =	vld [tilespmem:$0x1FCD0]  }
0x18f: {  	v10 =	vadd.f32 v56, v10;
	v56 =	vld [tilespmem:$0x1FCE0]  }
0x190: {  	v7 =	vadd.f32 v51, v7;
	v51 =	vld [tilespmem:$0x1FE20]  }
0x191: {  	v4 =	vadd.f32 v61, v4;
	v61 =	vld [tilespmem:$0x1FE90]  }
0x192: {  	v7 =	vadd.f32 v62, v7;
	v62 =	vld [tilespmem:$0x1FD20]  }
0x193: {  	v4 =	vadd.f32 v39, v4;
	v39 =	vld [tilespmem:$0x1660]  }
0x194: {  	v10 =	vadd.f32 v58, v10;
	v58 =	vld [tilespmem:$0x1FE70]  }
0x195: {  	v3 =	vadd.f32 v59, v3;
	v59 =	vld [tilespmem:$0x1FE80]  }
0x196: {  	v6 =	vadd.f32 v63, v6;
	v63 =	vld [tilespmem:$0x1FEB0]  }
0x197: {  	v7 =	vadd.f32 v32, v7;
	v32 =	vld [tilespmem:$0x1610]  }
0x198: {  	v10 =	vadd.f32 v37, v10;
	v37 =	vld [tilespmem:$0x1640]  }
0x199: {  	v4 =	vadd.f32 v50, v4;
	v50 =	vld [tilespmem:$0x1FED0]  }
0x19a: {  	v3 =	vadd.f32 v38, v3;
	v38 =	vld [tilespmem:$0x1650]  }
0x19b: {  	v8 =	vadd.f32 v55, v8;
	v55 =	vld [tilespmem:$0x1FE50]  }
0x19c: {  	v1 =	vadd.f32 v56, v1;
	v56 =	vld [tilespmem:$0x1FE60]  }
0x19d: {  	v6 =	vadd.f32 v42, v6;
	v42 =	vld [tilespmem:$0x1680]  }
0x19e: {  	v7 =	vadd.f32 v43, v7;
	v43 =	vld [tilespmem:$0x1690]  }
0x19f: {  	v10 =	vadd.f32 v47, v10;
	v47 =	vld [tilespmem:$0x16C0]  }
0x1a0: {  	v4 =	vadd.f32 v61, v4;
	v61 =	vld [tilespmem:$0x1FF50]  }
0x1a1: {  	v8 =	vadd.f32 v34, v8;
	v34 =	vld [tilespmem:$0x1620]  }
0x1a2: {  	v1 =	vadd.f32 v35, v1;
	v35 =	vld [tilespmem:$0x1630]  }
0x1a3: {  	v9 =	vadd.f32 v62, v9;
	v62 =	vld [tilespmem:$0x1FEA0]  }
0x1a4: {  	v3 =	vadd.f32 v48, v3;
	v48 =	vld [tilespmem:$0x1FEC0]  }
0x1a5: {  	v6 =	vadd.f32 v53, v6;
	v53 =	vld [tilespmem:$0x1FEF0]  }
0x1a6: {  	v7 =	vadd.f32 v54, v7;
	v54 =	vld [tilespmem:$0x1FF00]  }
0x1a7: {  	v10 =	vadd.f32 v58, v10;
	v58 =	vld [tilespmem:$0x1FF30]  }
0x1a8: {  	v9 =	vadd.f32 v40, v9;
	v40 =	vld [tilespmem:$0x1670]  }
0x1a9: {  	v8 =	vadd.f32 v45, v8;
	v45 =	vld [tilespmem:$0x16A0]  }
0x1aa: {  	v1 =	vadd.f32 v46, v1;
	v46 =	vld [tilespmem:$0x16B0]  }
0x1ab: {  	v3 =	vadd.f32 v59, v3;
	v59 =	vld [tilespmem:$0x1FF40]  }
0x1ac: {  	v6 =	vadd.f32 v63, v6;
	v63 =	vld [tilespmem:$0x1FF70]  }
0x1ad: {  	v9 =	vadd.f32 v51, v9;
	v51 =	vld [tilespmem:$0x1FEE0]  }
0x1ae: {  	v8 =	vadd.f32 v55, v8;
	v55 =	vld [tilespmem:$0x1FF10]  }
0x1af: {  	v1 =	vadd.f32 v56, v1;
	v56 =	vld [tilespmem:$0x1FF20]  }
0x1b0: {  	v7 =	vadd.f32 v48, v7;
	v48 =	vld [tilespmem:$0x16D0]  }
0x1b1: {  	v10 =	vadd.f32 v53, v10;
	v53 =	vld [tilespmem:$0x1700]  }
0x1b2: {  	v8 =	vadd.f32 v50, v8;
	v50 =	vld [tilespmem:$0x16E0]  }
0x1b3: {  	v9 =	vadd.f32 v62, v9;
	v62 =	vld [tilespmem:$0x1FF60]  }
0x1b4: {  	v6 =	vadd.f32 v58, v6;
	v58 =	vld [tilespmem:$0x1FF90]  }
0x1b5: {  	v3 =	vadd.f32 v54, v3;
	v54 =	vld [tilespmem:$0x1710]  }
0x1b6: {  	v7 =	vadd.f32 v59, v7;
	v59 =	vld [tilespmem:$0x1FFA0]  }
0x1b7: {  	v10 =	vadd.f32 v63, v10;
	v63 =	vld [tilespmem:$0x1FFD0]  }
0x1b8: {  	v8 =	vadd.f32 v61, v8;
	v61 =	vld [tilespmem:$0x1FFB0]  }
0x1b9: {  	v1 =	vadd.f32 v51, v1;
	v51 =	vld [tilespmem:$0x16F0]  }
0x1ba: {  	v4 =	vadd.f32 v55, v4;
	v9 =	vadd.f32 v56, v9;
	v56 =	vld [tilespmem:$0x1FF80]  }
0x1bb: {  	v55 =	vld [tilespmem:$0x1720]  }
0x1bc: {  	v1 =	vadd.f32 v62, v1;
	v4 =	vadd.f32 v58, v4;
	v62 =	vld [tilespmem:$0x1FFC0]  }
0x1bd: {  	v58 =	vld [tilespmem:$0x1810];
	v9 =	vadd.f32 v59, v9;
	v8 =	vadd.f32 v63, v8  }
0x1be: {  	v59 =	vld [tilespmem:$0x1820];
	v6 =	vadd.f32 v61, v6;
	v0 =	vadd.f32 v0, v4  }
0x1bf: {  	v61 =	vld [tilespmem:$0x1FFE0];
	v3 =	vadd.f32 v56, v3;
	v63 =	vadd.f32 v33, v9  }
0x1c0: {  	v56 =	vld [tilespmem:$0x1730];
	v8 =	vadd.f32 v44, v8;
	v6 =	vadd.f32 v36, v6  }
0x1c1: {  	v9 =	vld [tilespmem:$0x1750];
	v0 =	vadd.f32 v60, v0;
	v7 =	vadd.f32 v62, v7  }
0x1c2: {  	v33 =	vld [tilespmem:$0x1760];
	v3 =	vadd.f32 v25, v3;
	v4 =	vadd.f32 v21, v63  }
0x1c3: {  	v44 =	vld [tilespmem:$0x1770];
	v8 =	vadd.f32 v11, v8;
	v6 =	vadd.f32 v20, v6  }
0x1c4: {  	v60 =	vld [tilespmem:$0x1830];
	v0 =	vadd.f32 v13, v0;
	v1 =	vadd.f32 v61, v1  }
0x1c5: {  	v62 =	vld [tilespmem:$0x1FFF0];
	v7 =	vadd.f32 v41, v7;
	v3 =	vadd.f32 v57, v3  }
0x1c6: {  	v25 =	vld [tilespmem:$0x1740];
	v4 =	vadd.f32 v15, v4;
	v8 =	vadd.f32 v18, v8  }
0x1c7: {  	v21 =	vld [tilespmem:$0x1790];
	v6 =	vadd.f32 v16, v6;
	v0 =	vadd.f32 v24, v0  }
0x1c8: {  	v11 =	vld [tilespmem:$0x17D0];
	v1 =	vadd.f32 v49, v1;
	v7 =	vadd.f32 v14, v7  }
0x1c9: {  	v63 =	vld [tilespmem:$0x1860];
	v3 =	vadd.f32 v12, v3;
	v4 =	vadd.f32 v26, v4  }
0x1ca: {  	v41 =	vld [tilespmem:$0x1780];
	v8 =	vadd.f32 v29, v8;
	v10 =	vadd.f32 v62, v10  }
0x1cb: {  	v57 =	vld [tilespmem:$0x1800];
	v6 =	vadd.f32 v27, v6;
	v0 =	vadd.f32 v34, v0  }
0x1cc: {  	v61 =	vld [tilespmem:$0x1840];
	v1 =	vadd.f32 v5, v1;
	v7 =	vadd.f32 v17, v7  }
0x1cd: {  	v14 =	vld [tilespmem:$0x17A0];
	v3 =	vadd.f32 v23, v3;
	v4 =	vadd.f32 v35, v4  }
0x1ce: {  	v49 =	vld [tilespmem:$0x17E0];
	v8 =	vadd.f32 v39, v8;
	v10 =	vadd.f32 v52, v10  }
0x1cf: {  	v62 =	vld [tilespmem:$0x1850];
	v6 =	vadd.f32 v37, v6;
	v0 =	vadd.f32 v45, v0  }
0x1d0: {  	v34 =	vld [tilespmem:$0x1870];
	v1 =	vadd.f32 v19, v1;
	v7 =	vadd.f32 v28, v7  }
0x1d1: {  	v5 =	vld [tilespmem:$0x17B0];
	v3 =	vadd.f32 v32, v3;
	v4 =	vadd.f32 v46, v4  }
0x1d2: {  	v35 =	vld [tilespmem:$0x1880];
	v8 =	vadd.f32 v50, v8;
	v2 =	vadd.f32 v2, v10  }
0x1d3: {  	v39 =	vld [tilespmem:$0x18B0];
	v6 =	vadd.f32 v47, v6;
	v0 =	vadd.f32 v55, v0  }
0x1d4: {  	v52 =	vld [tilespmem:$0x17F0];
	v1 =	vadd.f32 v30, v1;
	v7 =	vadd.f32 v38, v7  }
0x1d5: {  	v37 =	vld [tilespmem:$0x1890];
	v3 =	vadd.f32 v43, v3;
	v4 =	vadd.f32 v56, v4  }
0x1d6: {  	v45 =	vld [tilespmem:$0x1900];
	v8 =	vadd.f32 v33, v8;
	v2 =	vadd.f32 v22, v2  }
0x1d7: {  	v46 =	vld [tilespmem:$0x1910];
	v6 =	vadd.f32 v25, v6;
	v0 =	vadd.f32 v14, v0  }
0x1d8: {  	v10 =	vld [tilespmem:$0x17C0];
	v1 =	vadd.f32 v40, v1;
	v7 =	vadd.f32 v48, v7  }
0x1d9: {  	v50 =	vld [tilespmem:$0x1950];
	v3 =	vadd.f32 v54, v3;
	v4 =	vadd.f32 v5, v4  }
0x1da: {  	v38 =	vld [tilespmem:$0x18A0];
	v8 =	vadd.f32 v49, v8;
	v2 =	vadd.f32 v31, v2  }
0x1db: {  	v47 =	vld [tilespmem:$0x1920];
	v0 =	vadd.f32 v59, v0;
	v1 =	vadd.f32 v51, v1  }
0x1dc: {  	v55 =	vld [tilespmem:$0x19A0];
	v7 =	vadd.f32 v9, v7;
	v3 =	vadd.f32 v21, v3  }
0x1dd: {  	v43 =	vld [tilespmem:$0x18E0];
	v6 =	vadd.f32 v10, v6;
	v4 =	vadd.f32 v60, v4  }
0x1de: {  	v56 =	vld [tilespmem:$0x19B0];
	v8 =	vadd.f32 v63, v8;
	v2 =	vadd.f32 v42, v2  }
0x1df: {  	v40 =	vld [tilespmem:$0x18C0];
	v0 =	vadd.f32 v38, v0;
	v1 =	vadd.f32 v44, v1  }
0x1e0: {  	v48 =	vld [tilespmem:$0x1930];
	v7 =	vadd.f32 v11, v7;
	v3 =	vadd.f32 v58, v3  }
0x1e1: {  	v49 =	vld [tilespmem:$0x1940];
	v6 =	vadd.f32 v61, v6;
	v4 =	vadd.f32 v39, v4  }
0x1e2: {  	v51 =	vld [tilespmem:$0x1960];
	v8 =	vadd.f32 v43, v8;
	v2 =	vadd.f32 v53, v2  }
0x1e3: {  	v42 =	vld [tilespmem:$0x18D0];
	v0 =	vadd.f32 v47, v0;
	v1 =	vadd.f32 v52, v1  }
0x1e4: {  	v54 =	vld [tilespmem:$0x1990];
	v7 =	vadd.f32 v62, v7;
	v3 =	vadd.f32 v37, v3  }
0x1e5: {  	v59 =	vld [tilespmem:$0x19E0];
	v6 =	vadd.f32 v40, v6;
	v4 =	vadd.f32 v48, v4  }
0x1e6: {  	v44 =	vld [tilespmem:$0x18F0];
	v2 =	vadd.f32 v41, v2;
	v0 =	vadd.f32 v55, v0  }
0x1e7: {  	v58 =	vld [tilespmem:$0x19D0];
	v61 =	vadd.f32 v51, v8;
	v1 =	vadd.f32 v34, v1  }
0x1e8: {  	v52 =	vld [tilespmem:$0x1970];
	v7 =	vadd.f32 v42, v7;
	v3 =	vadd.f32 v46, v3  }
0x1e9: {  	v6 =	vadd.f32 v49, v6;
	v2 =	vadd.f32 v57, v2;
	v57 =	vld [tilespmem:$0x19C0]  }
0x1ea: {  	v60 =	vld [tilespmem:$0x19F0];
	v4 =	vadd.f32 v56, v4;
	v7 =	vadd.f32 v50, v7  }
0x1eb: {  	v53 =	vld [tilespmem:$0x1980];
	[tilespmem:$0x1AA0] =	vst v0;
	v1 =	vadd.f32 v44, v1;
	v3 =	vadd.f32 v54, v3  }
0x1ec: {  	[tilespmem:$0x1AB0] =	vst v4;
	v2 =	vadd.f32 v35, v2;
	v63 =	vadd.f32 v58, v7  }
0x1ed: {  	[tilespmem:$0x1A90] =	vst v3;
	v62 =	vadd.f32 v52, v1;
	v3 =	vadd.f32 v59, v61  }
0x1ee: {  	v2 =	vadd.f32 v45, v2;
	v5 =	vadd.f32 v57, v6;
	[tilespmem:$0x1AD0] =	vst v63  }
0x1ef: {  	v0 =	vadd.f32 v60, v62;
	[tilespmem:$0x1AE0] =	vst v3  }
0x1f0: {  	v2 =	vadd.f32 v53, v2;
	[tilespmem:$0x1AC0] =	vst v5  }
0x1f1: {  	p0 =	sne.s32 s7, $0x1;
	[tilespmem:$0x1AF0] =	vst v0  }
.Ltmp0:
0x1f2: {  	[tilespmem:$0x1A80] =	vst v2;
	(pc) =	sbr.rel @p0 .LBB2_1-.Ltmp0, $4  }
0x1f3: {  	[hbm4b:s6+s2] =	stream.linear.scatter [tilespmem:s13], [sflag:$0x3], $0x80, $0x38;
	[tilespmem:$0x1B00] =	vst v63  }
0x1f4: {  	_ =	swait.ge [sflag:s9], $0x80  }
0x1f5: {  	[sflag:s9] =	ssyncset.done $0x0  }
0x1f6: {  	s7 =	sadd.s32 $0xFFFFFFFF, s7;
	[sflag:s9] =	ssyncadd.s32 $0xFFFFFF80  }
0x1f7: {  	_ =	sfence.sel $0x180000  }
0x1f8: {  	[bflag:$0x0] =	sbarrier.arrive $0xFFFF  }
0x1f9: {  	p0 =	sne.s32 s1, $0x0;
	_ =	strace $0x90000047  }
0x1fa: {  	s0 =	sadd.s32 @!p0 $0x100000, s0;
	[bflag:$0x2] =	sbarrier.arrive $0xFFFF  }
0x1fb: {  	[sflag:s0] =	ssyncadd.tile.s32 @!p0 $0x1;
	_ =	shalt  }
.Lfunc_end2:
_tile_overlayer_lowered:
.L_overlay_start_2:
0x1fc: {  	(tag) =	ssettag $0x2  }
0x1fd: {  	s0 =	rddreg [dreg:$0x0];
	s2 =	stileid.u32  }
0x1fe: {  	s1 =	rddreg [dreg:$0x1];
	p0 =	sne.s32 s2, $0x0  }
0x1ff: {  	s3 =	rddreg [dreg:$0x2];
	[bflag:$0x3] =	sbarrier.arrive $0xFFFF;
	s2 =	simm.s32 @!p0 $0x1C03  }
0x200: {  	[timem:s3], [sflag:s2] =	dma.local @!p0 [hbm:s0], s1  }
0x201: {  	s0 =	simm.s32 @!p0 $0x3  }
0x202: {  	_ =	swait.ge @!p0 [sflag:s0], s1  }
0x203: {  	s1 =	ssub.s32 @!p0 $0x0, s1;
	[sflag:s0] =	ssyncset.done @!p0 $0x0  }
0x204: {  	[sflag:s0] =	ssyncadd.s32 @!p0 s1  }
0x205: {  	[bflag:$0x3] =	sbarrier.arrive $0xFFFF  }
0x206: {  	_ =	shalt  }

</sc_bundles>
